<compile_context>
chip_gen: v7x
topology: tpu7x:2x2x1
jax: 0.10.2.dev20260603
libtpu: 0.0.44.dev20260713+nightly
codegen_flags: <defaults>
</compile_context>

<pallas_src>
import functools

import jax
import jax.numpy as jnp
import numpy as np
from jax.experimental import pallas as pl
from jax.experimental.pallas import tpu as pltpu
from jax.experimental.pallas import tpu_sc as plsc

V = 40000
F = 80000
B = 1
S = 5000
SP = 5120
BI = 1024


def _i32(v):
    return np.array([v], np.uint32).view(np.int32)[0]


_K1 = np.uint32(1832780943)
_K2 = np.uint32(270669613)
_K3 = _K1 ^ _K2 ^ np.uint32(0x1BD11BDA)
_KS = (_K1, _K2, _K3)
_ROT1 = (13, 15, 26, 6)
_ROT2 = (17, 29, 16, 24)
_TINY = np.float32(np.finfo(np.float32).tiny)
_CHUNK = 640
_NCHUNK = F // _CHUNK
_BS = 8
_UNROLL = 12


def _tf_rounds(x0, x1, rots):
    for r in rots:
        x0 = x0 + x1
        x1 = jax.lax.shift_left(x1, np.int32(r)) | jax.lax.shift_right_logical(
            x1, np.int32(32 - r))
        x1 = x0 ^ x1
    return x0, x1


def _tf_bits_from_x1(x1):
    inject = ((_KS[1], _KS[2] + np.uint32(1)),
              (_KS[2], _KS[0] + np.uint32(2)),
              (_KS[0], _KS[1] + np.uint32(3)),
              (_KS[1], _KS[2] + np.uint32(4)),
              (_KS[2], _KS[0] + np.uint32(5)))
    rots = (_ROT1, _ROT2, _ROT1, _ROT2, _ROT1)
    r = _ROT1[0]
    x0 = x1 + _i32(_KS[0])
    x1r = jax.lax.shift_left(x1, np.int32(r)) | jax.lax.shift_right_logical(
        x1, np.int32(32 - r))
    x1 = x0 ^ x1r
    x0, x1 = _tf_rounds(x0, x1, _ROT1[1:])
    x0 = x0 + _i32(inject[0][0])
    x1 = x1 + _i32(inject[0][1])
    for (a, b), rr in zip(inject[1:], rots[1:]):
        x0, x1 = _tf_rounds(x0, x1, rr)
        x0 = x0 + _i32(a)
        x1 = x1 + _i32(b)
    return x0 ^ x1


def _score_chunk(ninvp_ref, base_x1, cc):
    x1 = base_x1 + cc * _CHUNK
    bits = _tf_bits_from_x1(x1)
    fb = jax.lax.shift_right_logical(bits, np.int32(9)) | _i32(0x3F800000)
    u = jax.lax.bitcast_convert_type(fb, jnp.float32) - np.float32(1.0)
    ninvp = ninvp_ref[cc]
    return jnp.log2(u) * ninvp


def _sample_body(ninvp_ref, out_ref):
    pid = pl.program_id(0)
    base_x1 = ((pid * _BS
                + jax.lax.broadcasted_iota(jnp.int32, (_BS, _CHUNK), 0)) * F
               + jax.lax.broadcasted_iota(jnp.int32, (_BS, _CHUNK), 1)
               + _i32(_KS[1]))

    def step(c, carry):
        minval, minc = carry
        for k in range(_UNROLL):
            cc = _UNROLL * c + k
            score = _score_chunk(ninvp_ref, base_x1, cc)
            upd = score < minval
            minval = jnp.where(upd, score, minval)
            minc = jnp.where(upd, cc, minc)
        return minval, minc

    init = (jnp.full((_BS, _CHUNK), np.float32(np.inf), jnp.float32),
            jnp.zeros((_BS, _CHUNK), jnp.int32))
    nloop = _NCHUNK // _UNROLL
    minval, minc = jax.lax.fori_loop(0, nloop, step, init)
    for cc in range(nloop * _UNROLL, _NCHUNK):
        score = _score_chunk(ninvp_ref, base_x1, cc)
        upd = score < minval
        minval = jnp.where(upd, score, minval)
        minc = jnp.where(upd, cc, minc)

    minidx = minc * _CHUNK + jax.lax.broadcasted_iota(
        jnp.int32, (_BS, _CHUNK), 1)
    rowmin = jnp.min(minval, axis=1, keepdims=True)
    cand = jnp.where(minval == rowmin, minidx, np.int32(2**31 - 1))
    out_ref[...] = jnp.min(cand, axis=1, keepdims=True)


def _sample_face_idx(ninvp):
    out = pl.pallas_call(
        _sample_body,
        grid=(S // _BS,),
        in_specs=[pl.BlockSpec((_NCHUNK, _BS, _CHUNK), lambda i: (0, 0, 0))],
        out_specs=pl.BlockSpec((_BS, 1), lambda i: (i, 0)),
        out_shape=jax.ShapeDtypeStruct((S, 1), jnp.int32),
        compiler_params=pltpu.CompilerParams(
            dimension_semantics=("arbitrary",)),
    )(ninvp)
    return out.reshape(S)


def _chamfer_body(s_ref, tT_ref, rm_ref, cm_ref):
    i = pl.program_id(0)
    s = s_ref[...]
    tT = tT_ref[...]
    d = jnp.zeros((BI, SP), jnp.float32)
    for c in range(3):
        diff = s[:, c:c + 1] - tT[c:c + 1, :]
        d = d + diff * diff
    rm = jnp.min(d, axis=1)
    rm_ref[...] = rm.reshape(BI // 128, 128)
    cm = jnp.min(d, axis=0)
    cm = cm.reshape(SP // 128, 128)

    @pl.when(i == 0)
    def _():
        cm_ref[...] = cm

    @pl.when(i != 0)
    def _():
        cm_ref[...] = jnp.minimum(cm_ref[...], cm)


def _chamfer(sample_pts, trg_pts):
    big_s = 1e9
    big_t = -1e9
    s = jnp.full((SP, 8), big_s, jnp.float32).at[:S, :3].set(sample_pts)
    t = jnp.full((SP, 8), big_t, jnp.float32).at[:S, :3].set(trg_pts)
    tT = t.T.reshape(8, SP)

    rm, cm = pl.pallas_call(
        _chamfer_body,
        grid=(SP // BI,),
        in_specs=[
            pl.BlockSpec((BI, 8), lambda i: (i, 0)),
            pl.BlockSpec((8, SP), lambda i: (0, 0)),
        ],
        out_specs=[
            pl.BlockSpec((BI // 128, 128), lambda i: (i, 0)),
            pl.BlockSpec((SP // 128, 128), lambda i: (0, 0)),
        ],
        out_shape=[
            jax.ShapeDtypeStruct((SP // 128, 128), jnp.float32),
            jax.ShapeDtypeStruct((SP // 128, 128), jnp.float32),
        ],
        compiler_params=pltpu.CompilerParams(
            dimension_semantics=("arbitrary",)),
    )(s, tT)
    return rm.reshape(SP), cm.reshape(SP)




def _prep_body(vc_ref, el_ref, ninvp_ref, pay_ref, esum_ref):
    vs = [vc_ref[k] for k in range(9)]
    v0 = vs[0:3]
    v1 = vs[3:6]
    v2 = vs[6:9]
    e1 = [v1[k] - v0[k] for k in range(3)]
    e2 = [v2[k] - v0[k] for k in range(3)]
    cx = e1[1] * e2[2] - e1[2] * e2[1]
    cy = e1[2] * e2[0] - e1[0] * e2[2]
    cz = e1[0] * e2[1] - e1[1] * e2[0]
    c2sum = cx * cx + cy * cy + cz * cz
    areas = 0.5 * jnp.sqrt(c2sum)
    asum = jnp.sum(areas)
    p = areas / asum + np.float32(1e-12)
    nv = np.float32(-1.0) / p
    ninvp_ref[...] = jnp.broadcast_to(nv[:, None, :],
                                      (_NCHUNK, _BS, _CHUNK))

    def cot(a, b, c):
        d1 = [b[k] - a[k] for k in range(3)]
        d2 = [c[k] - a[k] for k in range(3)]
        cosang = d1[0] * d2[0] + d1[1] * d2[1] + d1[2] * d2[2]
        sx = d1[1] * d2[2] - d1[2] * d2[1]
        sy = d1[2] * d2[0] - d1[0] * d2[2]
        sz = d1[0] * d2[1] - d1[1] * d2[0]
        sinang = jnp.sqrt(sx * sx + sy * sy + sz * sz)
        return cosang / (sinang + np.float32(1e-12))

    c0 = cot(v0, v1, v2)
    c1 = cot(v1, v2, v0)
    c2 = cot(v2, v0, v1)
    for k in range(3):
        pay_ref[k, 0] = c1 * v2[k] + c2 * v1[k]
        pay_ref[k, 1] = c0 * v2[k] + c2 * v0[k]
        pay_ref[k, 2] = c0 * v1[k] + c1 * v0[k]
    wsplat = jnp.zeros_like(c0)
    pay_ref[3, 0] = c1 + c2 + wsplat
    pay_ref[3, 1] = c0 + c2 + wsplat
    pay_ref[3, 2] = c0 + c1 + wsplat
    L = el_ref[...]

    def sq(d):
        n = jnp.sqrt(d[0] * d[0] + d[1] * d[1] + d[2] * d[2]) - L
        return n * n

    d01 = [v0[k] - v1[k] for k in range(3)]
    d12 = [v1[k] - v2[k] for k in range(3)]
    d02 = [v0[k] - v2[k] for k in range(3)]
    esum_ref[...] = jnp.sum(sq(d01) + sq(d12) + sq(d02)).reshape(1, 1)


def _prep(vcomp, edge_len):
    return pl.pallas_call(
        _prep_body,
        in_specs=[
            pl.BlockSpec(memory_space=pltpu.VMEM),
            pl.BlockSpec(memory_space=pltpu.VMEM),
        ],
        out_specs=[
            pl.BlockSpec(memory_space=pltpu.VMEM),
            pl.BlockSpec(memory_space=pltpu.VMEM),
            pl.BlockSpec(memory_space=pltpu.VMEM),
        ],
        out_shape=[
            jax.ShapeDtypeStruct((_NCHUNK, _BS, _CHUNK), jnp.float32),
            jax.ShapeDtypeStruct((4, 3, _NCHUNK, _CHUNK), jnp.float32),
            jax.ShapeDtypeStruct((1, 1), jnp.float32),
        ],
    )(vcomp, edge_len.reshape(1, 1))



_VP = 40960
_NW = 32
_P3F = 245760
_EPW = 4 * _P3F // _NW
_NCK = _EPW // 128
_ACC = 4 * _VP


def _lap_scatter_body(vals_hbm, idx_hbm, zeros_hbm, out_hbm,
                      vals_v, idx_v, acc_sh):
    c = jax.lax.axis_index("c")
    s = jax.lax.axis_index("s")
    wid = s * 2 + c
    aslc = _ACC // 16
    pltpu.sync_copy(zeros_hbm.at[pl.ds(s * aslc, aslc)],
                    acc_sh.at[pl.ds(s * aslc, aslc)])
    plsc.subcore_barrier()
    pltpu.sync_copy(vals_hbm.at[pl.ds(wid * _EPW, _EPW)], vals_v)
    pltpu.sync_copy(idx_hbm.at[pl.ds(wid * _NCK, _NCK)], idx_v)

    def chunk(j, carry):
        pltpu.sync_copy(vals_v.at[pl.ds(j * 128, 128)],
                        acc_sh.at[idx_v.at[j]], add=True)
        return carry

    jax.lax.fori_loop(0, _NCK, chunk, 0)
    plsc.subcore_barrier()
    pltpu.sync_copy(acc_sh.at[pl.ds(s * aslc, aslc)],
                    out_hbm.at[c].at[pl.ds(s * aslc, aslc)])


def _lap_scatter(vals_flat, idx2, zeros):
    kfn = pl.kernel(
        _lap_scatter_body,
        out_type=jax.ShapeDtypeStruct((2, _ACC), jnp.float32),
        mesh=plsc.VectorSubcoreMesh(core_axis_name="c", subcore_axis_name="s",
                                    num_cores=2, num_subcores=16),
        scratch_types=[
            pltpu.VMEM((_EPW,), jnp.float32),
            pltpu.VMEM((_NCK, 128), jnp.int32),
            pltpu.VMEM_SHARED((_ACC,), jnp.float32),
        ],
    )
    return kfn(vals_flat, idx2, zeros)


def _cot(a, b, c):
    e1 = b - a
    e2 = c - a
    cosang = jnp.sum(e1 * e2, axis=-1)
    sinang = jnp.linalg.norm(jnp.cross(e1, e2), axis=-1)
    return cosang / (sinang + 1e-12)


def kernel(verts_src, trg, edge_len, faces):
    f0, f1, f2 = faces[:, 0], faces[:, 1], faces[:, 2]
    v0 = verts_src[f0]
    v1 = verts_src[f1]
    v2 = verts_src[f2]
    vcomp = jnp.concatenate([v0, v1, v2], axis=1).T.reshape(9, _NCHUNK, _CHUNK)
    ninvp, pay, esum = _prep(vcomp, edge_len)
    skey = jax.random.key(42)
    _, ks2, ks3 = jax.random.split(skey, 3)
    face_idx = _sample_face_idx(ninvp)[None, :]
    u = jax.random.uniform(ks2, (B, S, 1), dtype=jnp.float32)
    vv = jax.random.uniform(ks3, (B, S, 1), dtype=jnp.float32)
    su = jnp.sqrt(u)
    w0 = 1.0 - su
    w1 = su * (1.0 - vv)
    w2 = su * vv
    sample_scr = w0 * v0[face_idx] + w1 * v1[face_idx] + w2 * v2[face_idx]
    rm, cm = _chamfer(sample_scr[0], trg[0])
    loss_p0 = jnp.mean(rm[:S]) + jnp.mean(cm[:S])
    loss_n1 = jnp.asarray(1e-5, dtype=jnp.float32)
    idx3 = jnp.concatenate(
        [f0, f1, f2,
         jnp.full((_P3F - 3 * F,), _VP - 1, jnp.int32)]).astype(jnp.int32)
    idx_el = (jnp.arange(4, dtype=jnp.int32)[:, None] * _VP
              + idx3[None, :]).reshape(-1)
    vals4 = jnp.concatenate(
        [pay.reshape(4, 3 * F),
         jnp.zeros((4, _P3F - 3 * F), jnp.float32)], axis=1)
    acc2 = _lap_scatter(vals4.reshape(-1),
                        idx_el.reshape(_NW * _NCK, 128),
                        jnp.zeros((_ACC,), jnp.float32))
    A = (acc2[0] + acc2[1]).reshape(4, _VP)
    Lv = A[:3, :V].T
    wsum = A[3, :V]
    safe = jnp.where(wsum > 0, wsum, 1.0)
    norm_w = jnp.where(wsum > 0, 1.0 / safe, 0.0)
    lap = Lv * norm_w[:, None] - verts_src
    loss_laplacian = jnp.mean(jnp.linalg.norm(lap, axis=1))
    loss_edge = esum[0, 0] / np.float32(3 * F)
    return jnp.stack([loss_p0, loss_n1, loss_laplacian, loss_edge])

# --- scband reference (transcript-rebuilt; emitter-appended) ---
"""Pipeline reference for scband-mesh-loss-56796647522838 (READ-ONLY COPY).

The authoritative reference and input builder live on the scoring server;
editing this copy changes nothing except your own understanding.
"""

import jax, jax.numpy as jnp
import numpy as np

V = 40000
F = 80000
B = 1
S = 5000


def _edges_from_faces(faces):
    return jnp.concatenate([faces[:, [0, 1]], faces[:, [1, 2]], faces[:, [0, 2]]], axis=0)


def setup_inputs(seed: int = 0) -> dict:
    key = jax.random.key(seed)
    k1, k2, k3, k4 = jax.random.split(key, 4)
    verts_src = jax.random.normal(k1, (V, 3), dtype=jnp.float32)
    trg = jax.random.normal(k2, (B, S, 3), dtype=jnp.float32)
    faces = jax.random.randint(k3, (F, 3), 0, V, dtype=jnp.int32)
    # std mesh (the precomputed buffers of Mesh_loss.__init__): mean std edge length
    verts_std = jax.random.normal(k4, (V, 3), dtype=jnp.float32)
    e = _edges_from_faces(faces)
    edge_len = jnp.mean(jnp.linalg.norm(verts_std[e[:, 0]] - verts_std[e[:, 1]], axis=-1)).astype(jnp.float32)
    return {"verts_src": verts_src, "trg": trg, "edge_len": edge_len, "faces": faces}


def _cot(a, b, c):
    e1 = b - a
    e2 = c - a
    cosang = jnp.sum(e1 * e2, axis=-1)
    sinang = jnp.linalg.norm(jnp.cross(e1, e2), axis=-1)
    return cosang / (sinang + 1e-12)


def reference(verts_src, trg, edge_len, faces):
    f0, f1, f2 = faces[:, 0], faces[:, 1], faces[:, 2]
    v0 = verts_src[f0]
    v1 = verts_src[f1]
    v2 = verts_src[f2]
    # ---- sample_points_from_meshes (area-weighted, fixed internal key) ----
    cross = jnp.cross(v1 - v0, v2 - v0)
    areas = 0.5 * jnp.linalg.norm(cross, axis=-1)
    logits = jnp.log(areas / jnp.sum(areas) + 1e-12)
    skey = jax.random.key(42)
    ks1, ks2, ks3 = jax.random.split(skey, 3)
    face_idx = jax.random.categorical(ks1, logits, shape=(B, S))
    u = jax.random.uniform(ks2, (B, S, 1), dtype=jnp.float32)
    vv = jax.random.uniform(ks3, (B, S, 1), dtype=jnp.float32)
    su = jnp.sqrt(u)
    w0 = 1.0 - su
    w1 = su * (1.0 - vv)
    w2 = su * vv
    sample_scr = w0 * v0[face_idx] + w1 * v1[face_idx] + w2 * v2[face_idx]
    # ---- chamfer_distance (trg is a point-cloud tensor -> no normal loss) ----
    d = jnp.sum((sample_scr[:, :, None, :] - trg[:, None, :, :]) ** 2, axis=-1)
    loss_p0 = jnp.mean(jnp.min(d, axis=2)) + jnp.mean(jnp.min(d, axis=1))
    loss_n1 = jnp.asarray(1e-5, dtype=jnp.float32)
    # ---- mesh_laplacian_smoothing, method='cot' ----
    c0 = _cot(v0, v1, v2)  # weight for edge (f1, f2)
    c1 = _cot(v1, v2, v0)  # weight for edge (f2, f0)
    c2 = _cot(v2, v0, v1)  # weight for edge (f0, f1)
    src = jnp.concatenate([f1, f2, f2, f0, f0, f1])
    dst = jnp.concatenate([f2, f1, f0, f2, f1, f0])
    w = jnp.concatenate([c0, c0, c1, c1, c2, c2])
    Lv = jax.ops.segment_sum(w[:, None] * verts_src[dst], src, num_segments=V)
    wsum = jax.ops.segment_sum(w, src, num_segments=V)
    safe = jnp.where(wsum > 0, wsum, 1.0)
    norm_w = jnp.where(wsum > 0, 1.0 / safe, 0.0)
    lap = Lv * norm_w[:, None] - verts_src
    loss_laplacian = jnp.mean(jnp.linalg.norm(lap, axis=1))
    # ---- mesh_edge_loss against std mean edge length ----
    e = _edges_from_faces(faces)
    elen = jnp.linalg.norm(verts_src[e[:, 0]] - verts_src[e[:, 1]], axis=-1)
    loss_edge = jnp.mean((elen - edge_len) ** 2)
    return jnp.stack([loss_p0, loss_n1, loss_laplacian, loss_edge])

if __name__ == "__main__":
    import jax
    _d = setup_inputs()
    print(jax.jit(kernel)(*tuple(_d.values())))

</pallas_src>

<mosaic_0001>
#map = affine_map<(d0, d1) -> (0)>
#map1 = affine_map<(d0, d1) -> (0, 0)>
module attributes {stable_mosaic.version = 14 : i64} {
  func.func @_lap_scatter_body(%arg0: i32, %arg1: i32, %arg2: memref<983040xf32, #tpu.memory_space<hbm>>, %arg3: memref<7680x128xi32, #tpu.memory_space<hbm>>, %arg4: memref<163840xf32, #tpu.memory_space<hbm>>, %arg5: memref<2x163840xf32, #tpu.memory_space<hbm>>, %arg6: memref<30720xf32, #tpu.memory_space<vmem>>, %arg7: memref<240x128xi32, #tpu.memory_space<vmem>>, %arg8: memref<163840xf32, #tpu.memory_space<vmem_shared>>) attributes {dimension_semantics = [#tpu.dimension_semantics<core_parallel>, #tpu.dimension_semantics<subcore_parallel>], iteration_bounds = array<i64: 2, 16>, scalar_prefetch = 0 : i64, scratch_operands = 3 : i64, tpu.core_type = #tpu.core_type<sc_vector_subcore>, window_params = [{transform_indices = #map}, {transform_indices = #map1}, {transform_indices = #map}, {transform_indices = #map1}]} {
    %mul3A = arith.constant 2 : i32
    %mul3A_0 = arith.muli %arg1, %mul3A : i32
    %add3A = arith.addi %mul3A_0, %arg0 : i32
    %mul3A_1 = arith.constant 10240 : i32
    %mul3A_2 = arith.muli %arg1, %mul3A_1 : i32
    %mul3A_3 = arith.constant 10240 : i32
    %mul3A_4 = arith.muli %arg1, %mul3A_3 : i32
    "tpu.region"() ({
      %run_scoped3A = tpu.sem_alloc : memref<!tpu.dma_semaphore, #tpu.memory_space<semaphore_mem>>
      %dma_start3A = tpu.memref_slice %arg8[%mul3A_4] : memref<163840xf32, #tpu.memory_space<vmem_shared>> -> memref<10240xf32, #tpu.memory_space<vmem_shared>>
      %dma_start3A_19 = tpu.memref_slice %arg4[%mul3A_2] : memref<163840xf32, #tpu.memory_space<hbm>> -> memref<10240xf32, #tpu.memory_space<hbm>>
      tpu.enqueue_dma source(%dma_start3A_19 : memref<10240xf32, #tpu.memory_space<hbm>>) target(%dma_start3A : memref<10240xf32, #tpu.memory_space<vmem_shared>>) target_semaphore(%run_scoped3A : memref<!tpu.dma_semaphore, #tpu.memory_space<semaphore_mem>>)
      %dma_wait3A = tpu.memref_slice %arg8[%mul3A_4] : memref<163840xf32, #tpu.memory_space<vmem_shared>> -> memref<10240xf32, #tpu.memory_space<vmem_shared>>
      %dma_wait3A_20 = tpu.memref_slice %arg4[%mul3A_2] : memref<163840xf32, #tpu.memory_space<hbm>> -> memref<10240xf32, #tpu.memory_space<hbm>>
      tpu.wait_dma2 semaphore(%run_scoped3A : memref<!tpu.dma_semaphore, #tpu.memory_space<semaphore_mem>>) src(%dma_wait3A_20 : memref<10240xf32, #tpu.memory_space<hbm>>) dst(%dma_wait3A : memref<10240xf32, #tpu.memory_space<vmem_shared>>)
      tpu.yield
    }) : () -> ()
    %barrier3A = arith.constant 0 : index
    tpu.barrier barrier_id(%barrier3A)
    %mul3A_5 = arith.constant 30720 : i32
    %mul3A_6 = arith.muli %add3A, %mul3A_5 : i32
    "tpu.region"() ({
      %run_scoped3A = tpu.sem_alloc : memref<!tpu.dma_semaphore, #tpu.memory_space<semaphore_mem>>
      %dma_start3A = tpu.memref_slice %arg2[%mul3A_6] : memref<983040xf32, #tpu.memory_space<hbm>> -> memref<30720xf32, #tpu.memory_space<hbm>>
      %dma_start3A_19 = tpu.memref_slice %arg2[%mul3A_6] : memref<983040xf32, #tpu.memory_space<hbm>> -> memref<30720xf32, #tpu.memory_space<hbm>>
      tpu.enqueue_dma source(%dma_start3A_19 : memref<30720xf32, #tpu.memory_space<hbm>>) target(%arg6 : memref<30720xf32, #tpu.memory_space<vmem>>) target_semaphore(%run_scoped3A : memref<!tpu.dma_semaphore, #tpu.memory_space<semaphore_mem>>)
      %dma_wait3A = tpu.memref_slice %arg2[%mul3A_6] : memref<983040xf32, #tpu.memory_space<hbm>> -> memref<30720xf32, #tpu.memory_space<hbm>>
      %dma_wait3A_20 = tpu.memref_slice %arg2[%mul3A_6] : memref<983040xf32, #tpu.memory_space<hbm>> -> memref<30720xf32, #tpu.memory_space<hbm>>
      tpu.wait_dma2 semaphore(%run_scoped3A : memref<!tpu.dma_semaphore, #tpu.memory_space<semaphore_mem>>) src(%dma_wait3A_20 : memref<30720xf32, #tpu.memory_space<hbm>>) dst(%arg6 : memref<30720xf32, #tpu.memory_space<vmem>>)
      tpu.yield
    }) : () -> ()
    %mul3A_7 = arith.constant 240 : i32
    %mul3A_8 = arith.muli %add3A, %mul3A_7 : i32
    "tpu.region"() ({
      %run_scoped3A = tpu.sem_alloc : memref<!tpu.dma_semaphore, #tpu.memory_space<semaphore_mem>>
      %dma_start3A = arith.constant 0 : i32
      %dma_start3A_19 = tpu.memref_slice %arg3[%mul3A_8, %dma_start3A] : memref<7680x128xi32, #tpu.memory_space<hbm>> -> memref<240x128xi32, #tpu.memory_space<hbm>>
      %dma_start3A_20 = arith.constant 0 : i32
      %dma_start3A_21 = tpu.memref_slice %arg3[%mul3A_8, %dma_start3A_20] : memref<7680x128xi32, #tpu.memory_space<hbm>> -> memref<240x128xi32, #tpu.memory_space<hbm>>
      tpu.enqueue_dma source(%dma_start3A_21 : memref<240x128xi32, #tpu.memory_space<hbm>>) target(%arg7 : memref<240x128xi32, #tpu.memory_space<vmem>>) target_semaphore(%run_scoped3A : memref<!tpu.dma_semaphore, #tpu.memory_space<semaphore_mem>>)
      %dma_wait3A = arith.constant 0 : i32
      %dma_wait3A_22 = tpu.memref_slice %arg3[%mul3A_8, %dma_wait3A] : memref<7680x128xi32, #tpu.memory_space<hbm>> -> memref<240x128xi32, #tpu.memory_space<hbm>>
      %dma_wait3A_23 = arith.constant 0 : i32
      %dma_wait3A_24 = tpu.memref_slice %arg3[%mul3A_8, %dma_wait3A_23] : memref<7680x128xi32, #tpu.memory_space<hbm>> -> memref<240x128xi32, #tpu.memory_space<hbm>>
      tpu.wait_dma2 semaphore(%run_scoped3A : memref<!tpu.dma_semaphore, #tpu.memory_space<semaphore_mem>>) src(%dma_wait3A_24 : memref<240x128xi32, #tpu.memory_space<hbm>>) dst(%arg7 : memref<240x128xi32, #tpu.memory_space<vmem>>)
      tpu.yield
    }) : () -> ()
    %scan3A = arith.constant 0 : i32
    %scan3A_9 = arith.constant 0 : i32
    %scan3A_10 = arith.constant 240 : i32
    %scan3A_11 = arith.addi %scan3A_9, %scan3A_10 : i32
    %scan3A_12 = arith.constant 1 : i32
    scf.for %scan3A_19 = %scan3A_9 to %scan3A_11 step %scan3A_12  : i32 {
      %mul3A_20 = arith.constant 128 : i32
      %mul3A_21 = arith.muli %scan3A_19, %mul3A_20 : i32
      "tpu.region"() ({
        %run_scoped3A = tpu.sem_alloc : memref<!tpu.dma_semaphore, #tpu.memory_space<semaphore_mem>>
        %dma_start3A = tpu.memref_slice %arg6[%mul3A_21] : memref<30720xf32, #tpu.memory_space<vmem>> -> memref<128xf32, #tpu.memory_space<vmem>>
        %dma_start3A_22 = arith.constant 0 : i32
        %dma_start3A_23 = tpu.memref_slice %arg7[%scan3A_19, %dma_start3A_22] : memref<240x128xi32, #tpu.memory_space<vmem>> -> memref<1x128xi32, #tpu.memory_space<vmem>>
        %dma_start3A_24 = tpu.memref_squeeze %dma_start3A_23 : memref<1x128xi32, #tpu.memory_space<vmem>> -> memref<128xi32, #tpu.memory_space<vmem>>
        %dma_start3A_25 = arith.constant 0 : i32
        %dma_start3A_26 = tpu.memref_slice %arg8[%dma_start3A_25] : memref<163840xf32, #tpu.memory_space<vmem_shared>> -> memref<163840xf32, #tpu.memory_space<vmem_shared>>
        tpu.enqueue_indirect_dma source(%dma_start3A : memref<128xf32, #tpu.memory_space<vmem>>) target(%dma_start3A_26 : memref<163840xf32, #tpu.memory_space<vmem_shared>>) offsets(%dma_start3A_24 : memref<128xi32, #tpu.memory_space<vmem>>) semaphore(%run_scoped3A : memref<!tpu.dma_semaphore, #tpu.memory_space<semaphore_mem>>) {add = true}
        %dma_wait3A = tpu.memref_slice %arg6[%mul3A_21] : memref<30720xf32, #tpu.memory_space<vmem>> -> memref<128xf32, #tpu.memory_space<vmem>>
        %dma_wait3A_27 = arith.constant 0 : i32
        %dma_wait3A_28 = tpu.memref_slice %arg7[%scan3A_19, %dma_wait3A_27] : memref<240x128xi32, #tpu.memory_space<vmem>> -> memref<1x128xi32, #tpu.memory_space<vmem>>
        %dma_wait3A_29 = tpu.memref_squeeze %dma_wait3A_28 : memref<1x128xi32, #tpu.memory_space<vmem>> -> memref<128xi32, #tpu.memory_space<vmem>>
        %dma_wait3A_30 = arith.constant 0 : i32
        %dma_wait3A_31 = tpu.memref_slice %arg8[%dma_wait3A_30] : memref<163840xf32, #tpu.memory_space<vmem_shared>> -> memref<163840xf32, #tpu.memory_space<vmem_shared>>
        tpu.wait_indirect_dma semaphore(%run_scoped3A : memref<!tpu.dma_semaphore, #tpu.memory_space<semaphore_mem>>) src(%dma_wait3A : memref<128xf32, #tpu.memory_space<vmem>>) dst(%dma_wait3A_31 : memref<163840xf32, #tpu.memory_space<vmem_shared>>)
        tpu.yield
      }) : () -> ()
    }
    %scan3A_13 = arith.constant 240 : i32
    %barrier3A_14 = arith.constant 0 : index
    tpu.barrier barrier_id(%barrier3A_14)
    %mul3A_15 = arith.constant 10240 : i32
    %mul3A_16 = arith.muli %arg1, %mul3A_15 : i32
    %mul3A_17 = arith.constant 10240 : i32
    %mul3A_18 = arith.muli %arg1, %mul3A_17 : i32
    "tpu.region"() ({
      %run_scoped3A = tpu.sem_alloc : memref<!tpu.dma_semaphore, #tpu.memory_space<semaphore_mem>>
      %dma_start3A = arith.constant 0 : i32
      %dma_start3A_19 = tpu.memref_slice %arg5[%arg0, %dma_start3A] : memref<2x163840xf32, #tpu.memory_space<hbm>> -> memref<1x163840xf32, #tpu.memory_space<hbm>>
      %dma_start3A_20 = tpu.memref_squeeze %dma_start3A_19 : memref<1x163840xf32, #tpu.memory_space<hbm>> -> memref<163840xf32, #tpu.memory_space<hbm>>
      %dma_start3A_21 = tpu.memref_slice %dma_start3A_20[%mul3A_18] : memref<163840xf32, #tpu.memory_space<hbm>> -> memref<10240xf32, #tpu.memory_space<hbm>>
      %dma_start3A_22 = tpu.memref_slice %arg8[%mul3A_16] : memref<163840xf32, #tpu.memory_space<vmem_shared>> -> memref<10240xf32, #tpu.memory_space<vmem_shared>>
      tpu.enqueue_dma source(%dma_start3A_22 : memref<10240xf32, #tpu.memory_space<vmem_shared>>) target(%dma_start3A_21 : memref<10240xf32, #tpu.memory_space<hbm>>) target_semaphore(%run_scoped3A : memref<!tpu.dma_semaphore, #tpu.memory_space<semaphore_mem>>)
      %dma_wait3A = arith.constant 0 : i32
      %dma_wait3A_23 = tpu.memref_slice %arg5[%arg0, %dma_wait3A] : memref<2x163840xf32, #tpu.memory_space<hbm>> -> memref<1x163840xf32, #tpu.memory_space<hbm>>
      %dma_wait3A_24 = tpu.memref_squeeze %dma_wait3A_23 : memref<1x163840xf32, #tpu.memory_space<hbm>> -> memref<163840xf32, #tpu.memory_space<hbm>>
      %dma_wait3A_25 = tpu.memref_slice %dma_wait3A_24[%mul3A_18] : memref<163840xf32, #tpu.memory_space<hbm>> -> memref<10240xf32, #tpu.memory_space<hbm>>
      %dma_wait3A_26 = tpu.memref_slice %arg8[%mul3A_16] : memref<163840xf32, #tpu.memory_space<vmem_shared>> -> memref<10240xf32, #tpu.memory_space<vmem_shared>>
      tpu.wait_dma2 semaphore(%run_scoped3A : memref<!tpu.dma_semaphore, #tpu.memory_space<semaphore_mem>>) src(%dma_wait3A_26 : memref<10240xf32, #tpu.memory_space<vmem_shared>>) dst(%dma_wait3A_25 : memref<10240xf32, #tpu.memory_space<hbm>>)
      tpu.yield
    }) : () -> ()
    return
  }
}

module attributes {stable_mosaic.version = 14 : i64} {
  func.func @_prep_body(%arg0: memref<9x125x640xf32, #tpu.memory_space<vmem>>, %arg1: memref<1x1xf32, #tpu.memory_space<vmem>>, %arg2: memref<125x8x640xf32, #tpu.memory_space<vmem>>, %arg3: memref<4x3x125x640xf32, #tpu.memory_space<vmem>>, %arg4: memref<1x1xf32, #tpu.memory_space<vmem>>) attributes {dimension_semantics = [], scalar_prefetch = 0 : i64, scratch_operands = 0 : i64, tpu.core_type = #tpu.core_type<tc>} {
    %get3A = arith.constant 0 : index
    %get3A_0 = arith.constant 0 : index
    %get3A_1 = arith.constant 0 : index
    %get3A_2 = vector.load %arg0[%get3A, %get3A_0, %get3A_1] : memref<9x125x640xf32, #tpu.memory_space<vmem>>, vector<1x125x640xf32>
    %get3A_3 = vector.shape_cast %get3A_2 : vector<1x125x640xf32> to vector<125x640xf32>
    %get3A_4 = arith.constant 1 : index
    %get3A_5 = arith.constant 0 : index
    %get3A_6 = arith.constant 0 : index
    %get3A_7 = vector.load %arg0[%get3A_4, %get3A_5, %get3A_6] : memref<9x125x640xf32, #tpu.memory_space<vmem>>, vector<1x125x640xf32>
    %get3A_8 = vector.shape_cast %get3A_7 : vector<1x125x640xf32> to vector<125x640xf32>
    %get3A_9 = arith.constant 2 : index
    %get3A_10 = arith.constant 0 : index
    %get3A_11 = arith.constant 0 : index
    %get3A_12 = vector.load %arg0[%get3A_9, %get3A_10, %get3A_11] : memref<9x125x640xf32, #tpu.memory_space<vmem>>, vector<1x125x640xf32>
    %get3A_13 = vector.shape_cast %get3A_12 : vector<1x125x640xf32> to vector<125x640xf32>
    %get3A_14 = arith.constant 3 : index
    %get3A_15 = arith.constant 0 : index
    %get3A_16 = arith.constant 0 : index
    %get3A_17 = vector.load %arg0[%get3A_14, %get3A_15, %get3A_16] : memref<9x125x640xf32, #tpu.memory_space<vmem>>, vector<1x125x640xf32>
    %get3A_18 = vector.shape_cast %get3A_17 : vector<1x125x640xf32> to vector<125x640xf32>
    %get3A_19 = arith.constant 4 : index
    %get3A_20 = arith.constant 0 : index
    %get3A_21 = arith.constant 0 : index
    %get3A_22 = vector.load %arg0[%get3A_19, %get3A_20, %get3A_21] : memref<9x125x640xf32, #tpu.memory_space<vmem>>, vector<1x125x640xf32>
    %get3A_23 = vector.shape_cast %get3A_22 : vector<1x125x640xf32> to vector<125x640xf32>
    %get3A_24 = arith.constant 5 : index
    %get3A_25 = arith.constant 0 : index
    %get3A_26 = arith.constant 0 : index
    %get3A_27 = vector.load %arg0[%get3A_24, %get3A_25, %get3A_26] : memref<9x125x640xf32, #tpu.memory_space<vmem>>, vector<1x125x640xf32>
    %get3A_28 = vector.shape_cast %get3A_27 : vector<1x125x640xf32> to vector<125x640xf32>
    %get3A_29 = arith.constant 6 : index
    %get3A_30 = arith.constant 0 : index
    %get3A_31 = arith.constant 0 : index
    %get3A_32 = vector.load %arg0[%get3A_29, %get3A_30, %get3A_31] : memref<9x125x640xf32, #tpu.memory_space<vmem>>, vector<1x125x640xf32>
    %get3A_33 = vector.shape_cast %get3A_32 : vector<1x125x640xf32> to vector<125x640xf32>
    %get3A_34 = arith.constant 7 : index
    %get3A_35 = arith.constant 0 : index
    %get3A_36 = arith.constant 0 : index
    %get3A_37 = vector.load %arg0[%get3A_34, %get3A_35, %get3A_36] : memref<9x125x640xf32, #tpu.memory_space<vmem>>, vector<1x125x640xf32>
    %get3A_38 = vector.shape_cast %get3A_37 : vector<1x125x640xf32> to vector<125x640xf32>
    %get3A_39 = arith.constant 8 : index
    %get3A_40 = arith.constant 0 : index
    %get3A_41 = arith.constant 0 : index
    %get3A_42 = vector.load %arg0[%get3A_39, %get3A_40, %get3A_41] : memref<9x125x640xf32, #tpu.memory_space<vmem>>, vector<1x125x640xf32>
    %get3A_43 = vector.shape_cast %get3A_42 : vector<1x125x640xf32> to vector<125x640xf32>
    %sub3A = arith.subf %get3A_18, %get3A_3 : vector<125x640xf32>
    %sub3A_44 = arith.subf %get3A_23, %get3A_8 : vector<125x640xf32>
    %sub3A_45 = arith.subf %get3A_28, %get3A_13 : vector<125x640xf32>
    %sub3A_46 = arith.subf %get3A_33, %get3A_3 : vector<125x640xf32>
    %sub3A_47 = arith.subf %get3A_38, %get3A_8 : vector<125x640xf32>
    %sub3A_48 = arith.subf %get3A_43, %get3A_13 : vector<125x640xf32>
    %mul3A = arith.mulf %sub3A_44, %sub3A_48 : vector<125x640xf32>
    %mul3A_49 = arith.mulf %sub3A_45, %sub3A_47 : vector<125x640xf32>
    %sub3A_50 = arith.subf %mul3A, %mul3A_49 : vector<125x640xf32>
    %mul3A_51 = arith.mulf %sub3A_45, %sub3A_46 : vector<125x640xf32>
    %mul3A_52 = arith.mulf %sub3A, %sub3A_48 : vector<125x640xf32>
    %sub3A_53 = arith.subf %mul3A_51, %mul3A_52 : vector<125x640xf32>
    %mul3A_54 = arith.mulf %sub3A, %sub3A_47 : vector<125x640xf32>
    %mul3A_55 = arith.mulf %sub3A_44, %sub3A_46 : vector<125x640xf32>
    %sub3A_56 = arith.subf %mul3A_54, %mul3A_55 : vector<125x640xf32>
    %mul3A_57 = arith.mulf %sub3A_50, %sub3A_50 : vector<125x640xf32>
    %mul3A_58 = arith.mulf %sub3A_53, %sub3A_53 : vector<125x640xf32>
    %add3A = arith.addf %mul3A_57, %mul3A_58 : vector<125x640xf32>
    %mul3A_59 = arith.mulf %sub3A_56, %sub3A_56 : vector<125x640xf32>
    %add3A_60 = arith.addf %add3A, %mul3A_59 : vector<125x640xf32>
    %sqrt3A = math.sqrt %add3A_60 : vector<125x640xf32>
    %mul3A_61 = arith.constant 5.000000e-01 : f32
    %mul3A_62 = vector.broadcast %mul3A_61 : f32 to vector<125x640xf32>
    %mul3A_63 = arith.mulf %mul3A_62, %sqrt3A : vector<125x640xf32>
    %reduce_sum3A = vector.shape_cast %mul3A_63 : vector<125x640xf32> to vector<1x125x640xf32>
    %reduce_sum3A_64 = arith.constant dense<0.000000e+00> : vector<1xf32>
    %reduce_sum3A_65 = vector.multi_reduction <add>, %reduce_sum3A, %reduce_sum3A_64 [1, 2] : vector<1x125x640xf32> to vector<1xf32>
    %reduce_sum3A_66 = vector.shape_cast %reduce_sum3A_65 : vector<1xf32> to vector<1x1x1xf32>
    %reduce_sum3A_67 = vector.extract %reduce_sum3A_66[0, 0, 0] : f32 from vector<1x1x1xf32>
    %div3A = vector.broadcast %reduce_sum3A_67 : f32 to vector<125x640xf32>
    %div3A_68 = arith.divf %mul3A_63, %div3A : vector<125x640xf32>
    %add3A_69 = arith.constant 9.99999996E-13 : f32
    %add3A_70 = vector.broadcast %add3A_69 : f32 to vector<125x640xf32>
    %add3A_71 = arith.addf %div3A_68, %add3A_70 : vector<125x640xf32>
    %div3A_72 = arith.constant -1.000000e+00 : f32
    %div3A_73 = vector.broadcast %div3A_72 : f32 to vector<125x640xf32>
    %div3A_74 = arith.divf %div3A_73, %add3A_71 : vector<125x640xf32>
    %broadcast_in_dim3A = vector.shape_cast %div3A_74 : vector<125x640xf32> to vector<125x1x640xf32>
    %broadcast_in_dim3A_75 = vector.shape_cast %broadcast_in_dim3A : vector<125x1x640xf32> to vector<125x1x640xf32>
    %broadcast_in_dim3A_76 = vector.broadcast %broadcast_in_dim3A_75 : vector<125x1x640xf32> to vector<125x8x640xf32>
    %swap3A = arith.constant 0 : index
    %swap3A_77 = arith.constant 0 : index
    %swap3A_78 = arith.constant 0 : index
    %swap3A_79 = vector.load %arg2[%swap3A, %swap3A_77, %swap3A_78] : memref<125x8x640xf32, #tpu.memory_space<vmem>>, vector<125x8x640xf32>
    tpu.vector_store %arg2[%swap3A, %swap3A_77, %swap3A_78], %broadcast_in_dim3A_76 {strides = array<i32>} : memref<125x8x640xf32, #tpu.memory_space<vmem>>, vector<125x8x640xf32>,
    %sub3A_80 = arith.subf %get3A_18, %get3A_3 : vector<125x640xf32>
    %sub3A_81 = arith.subf %get3A_23, %get3A_8 : vector<125x640xf32>
    %sub3A_82 = arith.subf %get3A_28, %get3A_13 : vector<125x640xf32>
    %sub3A_83 = arith.subf %get3A_33, %get3A_3 : vector<125x640xf32>
    %sub3A_84 = arith.subf %get3A_38, %get3A_8 : vector<125x640xf32>
    %sub3A_85 = arith.subf %get3A_43, %get3A_13 : vector<125x640xf32>
    %mul3A_86 = arith.mulf %sub3A_80, %sub3A_83 : vector<125x640xf32>
    %mul3A_87 = arith.mulf %sub3A_81, %sub3A_84 : vector<125x640xf32>
    %add3A_88 = arith.addf %mul3A_86, %mul3A_87 : vector<125x640xf32>
    %mul3A_89 = arith.mulf %sub3A_82, %sub3A_85 : vector<125x640xf32>
    %add3A_90 = arith.addf %add3A_88, %mul3A_89 : vector<125x640xf32>
    %mul3A_91 = arith.mulf %sub3A_81, %sub3A_85 : vector<125x640xf32>
    %mul3A_92 = arith.mulf %sub3A_82, %sub3A_84 : vector<125x640xf32>
    %sub3A_93 = arith.subf %mul3A_91, %mul3A_92 : vector<125x640xf32>
    %mul3A_94 = arith.mulf %sub3A_82, %sub3A_83 : vector<125x640xf32>
    %mul3A_95 = arith.mulf %sub3A_80, %sub3A_85 : vector<125x640xf32>
    %sub3A_96 = arith.subf %mul3A_94, %mul3A_95 : vector<125x640xf32>
    %mul3A_97 = arith.mulf %sub3A_80, %sub3A_84 : vector<125x640xf32>
    %mul3A_98 = arith.mulf %sub3A_81, %sub3A_83 : vector<125x640xf32>
    %sub3A_99 = arith.subf %mul3A_97, %mul3A_98 : vector<125x640xf32>
    %mul3A_100 = arith.mulf %sub3A_93, %sub3A_93 : vector<125x640xf32>
    %mul3A_101 = arith.mulf %sub3A_96, %sub3A_96 : vector<125x640xf32>
    %add3A_102 = arith.addf %mul3A_100, %mul3A_101 : vector<125x640xf32>
    %mul3A_103 = arith.mulf %sub3A_99, %sub3A_99 : vector<125x640xf32>
    %add3A_104 = arith.addf %add3A_102, %mul3A_103 : vector<125x640xf32>
    %sqrt3A_105 = math.sqrt %add3A_104 : vector<125x640xf32>
    %add3A_106 = arith.constant 9.99999996E-13 : f32
    %add3A_107 = vector.broadcast %add3A_106 : f32 to vector<125x640xf32>
    %add3A_108 = arith.addf %sqrt3A_105, %add3A_107 : vector<125x640xf32>
    %div3A_109 = arith.divf %add3A_90, %add3A_108 : vector<125x640xf32>
    %sub3A_110 = arith.subf %get3A_33, %get3A_18 : vector<125x640xf32>
    %sub3A_111 = arith.subf %get3A_38, %get3A_23 : vector<125x640xf32>
    %sub3A_112 = arith.subf %get3A_43, %get3A_28 : vector<125x640xf32>
    %sub3A_113 = arith.subf %get3A_3, %get3A_18 : vector<125x640xf32>
    %sub3A_114 = arith.subf %get3A_8, %get3A_23 : vector<125x640xf32>
    %sub3A_115 = arith.subf %get3A_13, %get3A_28 : vector<125x640xf32>
    %mul3A_116 = arith.mulf %sub3A_110, %sub3A_113 : vector<125x640xf32>
    %mul3A_117 = arith.mulf %sub3A_111, %sub3A_114 : vector<125x640xf32>
    %add3A_118 = arith.addf %mul3A_116, %mul3A_117 : vector<125x640xf32>
    %mul3A_119 = arith.mulf %sub3A_112, %sub3A_115 : vector<125x640xf32>
    %add3A_120 = arith.addf %add3A_118, %mul3A_119 : vector<125x640xf32>
    %mul3A_121 = arith.mulf %sub3A_111, %sub3A_115 : vector<125x640xf32>
    %mul3A_122 = arith.mulf %sub3A_112, %sub3A_114 : vector<125x640xf32>
    %sub3A_123 = arith.subf %mul3A_121, %mul3A_122 : vector<125x640xf32>
    %mul3A_124 = arith.mulf %sub3A_112, %sub3A_113 : vector<125x640xf32>
    %mul3A_125 = arith.mulf %sub3A_110, %sub3A_115 : vector<125x640xf32>
    %sub3A_126 = arith.subf %mul3A_124, %mul3A_125 : vector<125x640xf32>
    %mul3A_127 = arith.mulf %sub3A_110, %sub3A_114 : vector<125x640xf32>
    %mul3A_128 = arith.mulf %sub3A_111, %sub3A_113 : vector<125x640xf32>
    %sub3A_129 = arith.subf %mul3A_127, %mul3A_128 : vector<125x640xf32>
    %mul3A_130 = arith.mulf %sub3A_123, %sub3A_123 : vector<125x640xf32>
    %mul3A_131 = arith.mulf %sub3A_126, %sub3A_126 : vector<125x640xf32>
    %add3A_132 = arith.addf %mul3A_130, %mul3A_131 : vector<125x640xf32>
    %mul3A_133 = arith.mulf %sub3A_129, %sub3A_129 : vector<125x640xf32>
    %add3A_134 = arith.addf %add3A_132, %mul3A_133 : vector<125x640xf32>
    %sqrt3A_135 = math.sqrt %add3A_134 : vector<125x640xf32>
    %add3A_136 = arith.constant 9.99999996E-13 : f32
    %add3A_137 = vector.broadcast %add3A_136 : f32 to vector<125x640xf32>
    %add3A_138 = arith.addf %sqrt3A_135, %add3A_137 : vector<125x640xf32>
    %div3A_139 = arith.divf %add3A_120, %add3A_138 : vector<125x640xf32>
    %sub3A_140 = arith.subf %get3A_3, %get3A_33 : vector<125x640xf32>
    %sub3A_141 = arith.subf %get3A_8, %get3A_38 : vector<125x640xf32>
    %sub3A_142 = arith.subf %get3A_13, %get3A_43 : vector<125x640xf32>
    %sub3A_143 = arith.subf %get3A_18, %get3A_33 : vector<125x640xf32>
    %sub3A_144 = arith.subf %get3A_23, %get3A_38 : vector<125x640xf32>
    %sub3A_145 = arith.subf %get3A_28, %get3A_43 : vector<125x640xf32>
    %mul3A_146 = arith.mulf %sub3A_140, %sub3A_143 : vector<125x640xf32>
    %mul3A_147 = arith.mulf %sub3A_141, %sub3A_144 : vector<125x640xf32>
    %add3A_148 = arith.addf %mul3A_146, %mul3A_147 : vector<125x640xf32>
    %mul3A_149 = arith.mulf %sub3A_142, %sub3A_145 : vector<125x640xf32>
    %add3A_150 = arith.addf %add3A_148, %mul3A_149 : vector<125x640xf32>
    %mul3A_151 = arith.mulf %sub3A_141, %sub3A_145 : vector<125x640xf32>
    %mul3A_152 = arith.mulf %sub3A_142, %sub3A_144 : vector<125x640xf32>
    %sub3A_153 = arith.subf %mul3A_151, %mul3A_152 : vector<125x640xf32>
    %mul3A_154 = arith.mulf %sub3A_142, %sub3A_143 : vector<125x640xf32>
    %mul3A_155 = arith.mulf %sub3A_140, %sub3A_145 : vector<125x640xf32>
    %sub3A_156 = arith.subf %mul3A_154, %mul3A_155 : vector<125x640xf32>
    %mul3A_157 = arith.mulf %sub3A_140, %sub3A_144 : vector<125x640xf32>
    %mul3A_158 = arith.mulf %sub3A_141, %sub3A_143 : vector<125x640xf32>
    %sub3A_159 = arith.subf %mul3A_157, %mul3A_158 : vector<125x640xf32>
    %mul3A_160 = arith.mulf %sub3A_153, %sub3A_153 : vector<125x640xf32>
    %mul3A_161 = arith.mulf %sub3A_156, %sub3A_156 : vector<125x640xf32>
    %add3A_162 = arith.addf %mul3A_160, %mul3A_161 : vector<125x640xf32>
    %mul3A_163 = arith.mulf %sub3A_159, %sub3A_159 : vector<125x640xf32>
    %add3A_164 = arith.addf %add3A_162, %mul3A_163 : vector<125x640xf32>
    %sqrt3A_165 = math.sqrt %add3A_164 : vector<125x640xf32>
    %add3A_166 = arith.constant 9.99999996E-13 : f32
    %add3A_167 = vector.broadcast %add3A_166 : f32 to vector<125x640xf32>
    %add3A_168 = arith.addf %sqrt3A_165, %add3A_167 : vector<125x640xf32>
    %div3A_169 = arith.divf %add3A_150, %add3A_168 : vector<125x640xf32>
    %mul3A_170 = arith.mulf %div3A_139, %get3A_33 : vector<125x640xf32>
    %mul3A_171 = arith.mulf %div3A_169, %get3A_18 : vector<125x640xf32>
    %add3A_172 = arith.addf %mul3A_170, %mul3A_171 : vector<125x640xf32>
    %swap3A_173 = arith.constant 0 : index
    %swap3A_174 = arith.constant 0 : index
    %swap3A_175 = arith.constant 0 : index
    %swap3A_176 = arith.constant 0 : index
    %swap3A_177 = vector.load %arg3[%swap3A_173, %swap3A_174, %swap3A_175, %swap3A_176] : memref<4x3x125x640xf32, #tpu.memory_space<vmem>>, vector<1x1x125x640xf32>
    %swap3A_178 = vector.shape_cast %swap3A_177 : vector<1x1x125x640xf32> to vector<125x640xf32>
    %swap3A_179 = vector.shape_cast %add3A_172 : vector<125x640xf32> to vector<1x1x125x640xf32>
    tpu.vector_store %arg3[%swap3A_173, %swap3A_174, %swap3A_175, %swap3A_176], %swap3A_179 {strides = array<i32>} : memref<4x3x125x640xf32, #tpu.memory_space<vmem>>, vector<1x1x125x640xf32>,
    %mul3A_180 = arith.mulf %div3A_109, %get3A_33 : vector<125x640xf32>
    %mul3A_181 = arith.mulf %div3A_169, %get3A_3 : vector<125x640xf32>
    %add3A_182 = arith.addf %mul3A_180, %mul3A_181 : vector<125x640xf32>
    %swap3A_183 = arith.constant 0 : index
    %swap3A_184 = arith.constant 1 : index
    %swap3A_185 = arith.constant 0 : index
    %swap3A_186 = arith.constant 0 : index
    %swap3A_187 = vector.load %arg3[%swap3A_183, %swap3A_184, %swap3A_185, %swap3A_186] : memref<4x3x125x640xf32, #tpu.memory_space<vmem>>, vector<1x1x125x640xf32>
    %swap3A_188 = vector.shape_cast %swap3A_187 : vector<1x1x125x640xf32> to vector<125x640xf32>
    %swap3A_189 = vector.shape_cast %add3A_182 : vector<125x640xf32> to vector<1x1x125x640xf32>
    tpu.vector_store %arg3[%swap3A_183, %swap3A_184, %swap3A_185, %swap3A_186], %swap3A_189 {strides = array<i32>} : memref<4x3x125x640xf32, #tpu.memory_space<vmem>>, vector<1x1x125x640xf32>,
    %mul3A_190 = arith.mulf %div3A_109, %get3A_18 : vector<125x640xf32>
    %mul3A_191 = arith.mulf %div3A_139, %get3A_3 : vector<125x640xf32>
    %add3A_192 = arith.addf %mul3A_190, %mul3A_191 : vector<125x640xf32>
    %swap3A_193 = arith.constant 0 : index
    %swap3A_194 = arith.constant 2 : index
    %swap3A_195 = arith.constant 0 : index
    %swap3A_196 = arith.constant 0 : index
    %swap3A_197 = vector.load %arg3[%swap3A_193, %swap3A_194, %swap3A_195, %swap3A_196] : memref<4x3x125x640xf32, #tpu.memory_space<vmem>>, vector<1x1x125x640xf32>
    %swap3A_198 = vector.shape_cast %swap3A_197 : vector<1x1x125x640xf32> to vector<125x640xf32>
    %swap3A_199 = vector.shape_cast %add3A_192 : vector<125x640xf32> to vector<1x1x125x640xf32>
    tpu.vector_store %arg3[%swap3A_193, %swap3A_194, %swap3A_195, %swap3A_196], %swap3A_199 {strides = array<i32>} : memref<4x3x125x640xf32, #tpu.memory_space<vmem>>, vector<1x1x125x640xf32>,
    %mul3A_200 = arith.mulf %div3A_139, %get3A_38 : vector<125x640xf32>
    %mul3A_201 = arith.mulf %div3A_169, %get3A_23 : vector<125x640xf32>
    %add3A_202 = arith.addf %mul3A_200, %mul3A_201 : vector<125x640xf32>
    %swap3A_203 = arith.constant 1 : index
    %swap3A_204 = arith.constant 0 : index
    %swap3A_205 = arith.constant 0 : index
    %swap3A_206 = arith.constant 0 : index
    %swap3A_207 = vector.load %arg3[%swap3A_203, %swap3A_204, %swap3A_205, %swap3A_206] : memref<4x3x125x640xf32, #tpu.memory_space<vmem>>, vector<1x1x125x640xf32>
    %swap3A_208 = vector.shape_cast %swap3A_207 : vector<1x1x125x640xf32> to vector<125x640xf32>
    %swap3A_209 = vector.shape_cast %add3A_202 : vector<125x640xf32> to vector<1x1x125x640xf32>
    tpu.vector_store %arg3[%swap3A_203, %swap3A_204, %swap3A_205, %swap3A_206], %swap3A_209 {strides = array<i32>} : memref<4x3x125x640xf32, #tpu.memory_space<vmem>>, vector<1x1x125x640xf32>,
    %mul3A_210 = arith.mulf %div3A_109, %get3A_38 : vector<125x640xf32>
    %mul3A_211 = arith.mulf %div3A_169, %get3A_8 : vector<125x640xf32>
    %add3A_212 = arith.addf %mul3A_210, %mul3A_211 : vector<125x640xf32>
    %swap3A_213 = arith.constant 1 : index
    %swap3A_214 = arith.constant 1 : index
    %swap3A_215 = arith.constant 0 : index
    %swap3A_216 = arith.constant 0 : index
    %swap3A_217 = vector.load %arg3[%swap3A_213, %swap3A_214, %swap3A_215, %swap3A_216] : memref<4x3x125x640xf32, #tpu.memory_space<vmem>>, vector<1x1x125x640xf32>
    %swap3A_218 = vector.shape_cast %swap3A_217 : vector<1x1x125x640xf32> to vector<125x640xf32>
    %swap3A_219 = vector.shape_cast %add3A_212 : vector<125x640xf32> to vector<1x1x125x640xf32>
    tpu.vector_store %arg3[%swap3A_213, %swap3A_214, %swap3A_215, %swap3A_216], %swap3A_219 {strides = array<i32>} : memref<4x3x125x640xf32, #tpu.memory_space<vmem>>, vector<1x1x125x640xf32>,
    %mul3A_220 = arith.mulf %div3A_109, %get3A_23 : vector<125x640xf32>
    %mul3A_221 = arith.mulf %div3A_139, %get3A_8 : vector<125x640xf32>
    %add3A_222 = arith.addf %mul3A_220, %mul3A_221 : vector<125x640xf32>
    %swap3A_223 = arith.constant 1 : index
    %swap3A_224 = arith.constant 2 : index
    %swap3A_225 = arith.constant 0 : index
    %swap3A_226 = arith.constant 0 : index
    %swap3A_227 = vector.load %arg3[%swap3A_223, %swap3A_224, %swap3A_225, %swap3A_226] : memref<4x3x125x640xf32, #tpu.memory_space<vmem>>, vector<1x1x125x640xf32>
    %swap3A_228 = vector.shape_cast %swap3A_227 : vector<1x1x125x640xf32> to vector<125x640xf32>
    %swap3A_229 = vector.shape_cast %add3A_222 : vector<125x640xf32> to vector<1x1x125x640xf32>
    tpu.vector_store %arg3[%swap3A_223, %swap3A_224, %swap3A_225, %swap3A_226], %swap3A_229 {strides = array<i32>} : memref<4x3x125x640xf32, #tpu.memory_space<vmem>>, vector<1x1x125x640xf32>,
    %mul3A_230 = arith.mulf %div3A_139, %get3A_43 : vector<125x640xf32>
    %mul3A_231 = arith.mulf %div3A_169, %get3A_28 : vector<125x640xf32>
    %add3A_232 = arith.addf %mul3A_230, %mul3A_231 : vector<125x640xf32>
    %swap3A_233 = arith.constant 2 : index
    %swap3A_234 = arith.constant 0 : index
    %swap3A_235 = arith.constant 0 : index
    %swap3A_236 = arith.constant 0 : index
    %swap3A_237 = vector.load %arg3[%swap3A_233, %swap3A_234, %swap3A_235, %swap3A_236] : memref<4x3x125x640xf32, #tpu.memory_space<vmem>>, vector<1x1x125x640xf32>
    %swap3A_238 = vector.shape_cast %swap3A_237 : vector<1x1x125x640xf32> to vector<125x640xf32>
    %swap3A_239 = vector.shape_cast %add3A_232 : vector<125x640xf32> to vector<1x1x125x640xf32>
    tpu.vector_store %arg3[%swap3A_233, %swap3A_234, %swap3A_235, %swap3A_236], %swap3A_239 {strides = array<i32>} : memref<4x3x125x640xf32, #tpu.memory_space<vmem>>, vector<1x1x125x640xf32>,
    %mul3A_240 = arith.mulf %div3A_109, %get3A_43 : vector<125x640xf32>
    %mul3A_241 = arith.mulf %div3A_169, %get3A_13 : vector<125x640xf32>
    %add3A_242 = arith.addf %mul3A_240, %mul3A_241 : vector<125x640xf32>
    %swap3A_243 = arith.constant 2 : index
    %swap3A_244 = arith.constant 1 : index
    %swap3A_245 = arith.constant 0 : index
    %swap3A_246 = arith.constant 0 : index
    %swap3A_247 = vector.load %arg3[%swap3A_243, %swap3A_244, %swap3A_245, %swap3A_246] : memref<4x3x125x640xf32, #tpu.memory_space<vmem>>, vector<1x1x125x640xf32>
    %swap3A_248 = vector.shape_cast %swap3A_247 : vector<1x1x125x640xf32> to vector<125x640xf32>
    %swap3A_249 = vector.shape_cast %add3A_242 : vector<125x640xf32> to vector<1x1x125x640xf32>
    tpu.vector_store %arg3[%swap3A_243, %swap3A_244, %swap3A_245, %swap3A_246], %swap3A_249 {strides = array<i32>} : memref<4x3x125x640xf32, #tpu.memory_space<vmem>>, vector<1x1x125x640xf32>,
    %mul3A_250 = arith.mulf %div3A_109, %get3A_28 : vector<125x640xf32>
    %mul3A_251 = arith.mulf %div3A_139, %get3A_13 : vector<125x640xf32>
    %add3A_252 = arith.addf %mul3A_250, %mul3A_251 : vector<125x640xf32>
    %swap3A_253 = arith.constant 2 : index
    %swap3A_254 = arith.constant 2 : index
    %swap3A_255 = arith.constant 0 : index
    %swap3A_256 = arith.constant 0 : index
    %swap3A_257 = vector.load %arg3[%swap3A_253, %swap3A_254, %swap3A_255, %swap3A_256] : memref<4x3x125x640xf32, #tpu.memory_space<vmem>>, vector<1x1x125x640xf32>
    %swap3A_258 = vector.shape_cast %swap3A_257 : vector<1x1x125x640xf32> to vector<125x640xf32>
    %swap3A_259 = vector.shape_cast %add3A_252 : vector<125x640xf32> to vector<1x1x125x640xf32>
    tpu.vector_store %arg3[%swap3A_253, %swap3A_254, %swap3A_255, %swap3A_256], %swap3A_259 {strides = array<i32>} : memref<4x3x125x640xf32, #tpu.memory_space<vmem>>, vector<1x1x125x640xf32>,
    %broadcast_in_dim3A_260 = arith.constant 0.000000e+00 : f32
    %broadcast_in_dim3A_261 = vector.broadcast %broadcast_in_dim3A_260 : f32 to vector<125x640xf32>
    %add3A_262 = arith.addf %div3A_139, %div3A_169 : vector<125x640xf32>
    %add3A_263 = arith.addf %add3A_262, %broadcast_in_dim3A_261 : vector<125x640xf32>
    %swap3A_264 = arith.constant 3 : index
    %swap3A_265 = arith.constant 0 : index
    %swap3A_266 = arith.constant 0 : index
    %swap3A_267 = arith.constant 0 : index
    %swap3A_268 = vector.load %arg3[%swap3A_264, %swap3A_265, %swap3A_266, %swap3A_267] : memref<4x3x125x640xf32, #tpu.memory_space<vmem>>, vector<1x1x125x640xf32>
    %swap3A_269 = vector.shape_cast %swap3A_268 : vector<1x1x125x640xf32> to vector<125x640xf32>
    %swap3A_270 = vector.shape_cast %add3A_263 : vector<125x640xf32> to vector<1x1x125x640xf32>
    tpu.vector_store %arg3[%swap3A_264, %swap3A_265, %swap3A_266, %swap3A_267], %swap3A_270 {strides = array<i32>} : memref<4x3x125x640xf32, #tpu.memory_space<vmem>>, vector<1x1x125x640xf32>,
    %add3A_271 = arith.addf %div3A_109, %div3A_169 : vector<125x640xf32>
    %add3A_272 = arith.addf %add3A_271, %broadcast_in_dim3A_261 : vector<125x640xf32>
    %swap3A_273 = arith.constant 3 : index
    %swap3A_274 = arith.constant 1 : index
    %swap3A_275 = arith.constant 0 : index
    %swap3A_276 = arith.constant 0 : index
    %swap3A_277 = vector.load %arg3[%swap3A_273, %swap3A_274, %swap3A_275, %swap3A_276] : memref<4x3x125x640xf32, #tpu.memory_space<vmem>>, vector<1x1x125x640xf32>
    %swap3A_278 = vector.shape_cast %swap3A_277 : vector<1x1x125x640xf32> to vector<125x640xf32>
    %swap3A_279 = vector.shape_cast %add3A_272 : vector<125x640xf32> to vector<1x1x125x640xf32>
    tpu.vector_store %arg3[%swap3A_273, %swap3A_274, %swap3A_275, %swap3A_276], %swap3A_279 {strides = array<i32>} : memref<4x3x125x640xf32, #tpu.memory_space<vmem>>, vector<1x1x125x640xf32>,
    %add3A_280 = arith.addf %div3A_109, %div3A_139 : vector<125x640xf32>
    %add3A_281 = arith.addf %add3A_280, %broadcast_in_dim3A_261 : vector<125x640xf32>
    %swap3A_282 = arith.constant 3 : index
    %swap3A_283 = arith.constant 2 : index
    %swap3A_284 = arith.constant 0 : index
    %swap3A_285 = arith.constant 0 : index
    %swap3A_286 = vector.load %arg3[%swap3A_282, %swap3A_283, %swap3A_284, %swap3A_285] : memref<4x3x125x640xf32, #tpu.memory_space<vmem>>, vector<1x1x125x640xf32>
    %swap3A_287 = vector.shape_cast %swap3A_286 : vector<1x1x125x640xf32> to vector<125x640xf32>
    %swap3A_288 = vector.shape_cast %add3A_281 : vector<125x640xf32> to vector<1x1x125x640xf32>
    tpu.vector_store %arg3[%swap3A_282, %swap3A_283, %swap3A_284, %swap3A_285], %swap3A_288 {strides = array<i32>} : memref<4x3x125x640xf32, #tpu.memory_space<vmem>>, vector<1x1x125x640xf32>,
    %get3A_289 = arith.constant 0 : index
    %get3A_290 = arith.constant 0 : index
    %get3A_291 = vector.load %arg1[%get3A_289, %get3A_290] : memref<1x1xf32, #tpu.memory_space<vmem>>, vector<1x1xf32>
    %sub3A_292 = arith.subf %get3A_3, %get3A_18 : vector<125x640xf32>
    %sub3A_293 = arith.subf %get3A_8, %get3A_23 : vector<125x640xf32>
    %sub3A_294 = arith.subf %get3A_13, %get3A_28 : vector<125x640xf32>
    %sub3A_295 = arith.subf %get3A_18, %get3A_33 : vector<125x640xf32>
    %sub3A_296 = arith.subf %get3A_23, %get3A_38 : vector<125x640xf32>
    %sub3A_297 = arith.subf %get3A_28, %get3A_43 : vector<125x640xf32>
    %sub3A_298 = arith.subf %get3A_3, %get3A_33 : vector<125x640xf32>
    %sub3A_299 = arith.subf %get3A_8, %get3A_38 : vector<125x640xf32>
    %sub3A_300 = arith.subf %get3A_13, %get3A_43 : vector<125x640xf32>
    %mul3A_301 = arith.mulf %sub3A_292, %sub3A_292 : vector<125x640xf32>
    %mul3A_302 = arith.mulf %sub3A_293, %sub3A_293 : vector<125x640xf32>
    %add3A_303 = arith.addf %mul3A_301, %mul3A_302 : vector<125x640xf32>
    %mul3A_304 = arith.mulf %sub3A_294, %sub3A_294 : vector<125x640xf32>
    %add3A_305 = arith.addf %add3A_303, %mul3A_304 : vector<125x640xf32>
    %sqrt3A_306 = math.sqrt %add3A_305 : vector<125x640xf32>
    %sub3A_307 = vector.broadcast %get3A_291 : vector<1x1xf32> to vector<125x640xf32>
    %sub3A_308 = arith.subf %sqrt3A_306, %sub3A_307 : vector<125x640xf32>
    %mul3A_309 = arith.mulf %sub3A_308, %sub3A_308 : vector<125x640xf32>
    %mul3A_310 = arith.mulf %sub3A_295, %sub3A_295 : vector<125x640xf32>
    %mul3A_311 = arith.mulf %sub3A_296, %sub3A_296 : vector<125x640xf32>
    %add3A_312 = arith.addf %mul3A_310, %mul3A_311 : vector<125x640xf32>
    %mul3A_313 = arith.mulf %sub3A_297, %sub3A_297 : vector<125x640xf32>
    %add3A_314 = arith.addf %add3A_312, %mul3A_313 : vector<125x640xf32>
    %sqrt3A_315 = math.sqrt %add3A_314 : vector<125x640xf32>
    %sub3A_316 = vector.broadcast %get3A_291 : vector<1x1xf32> to vector<125x640xf32>
    %sub3A_317 = arith.subf %sqrt3A_315, %sub3A_316 : vector<125x640xf32>
    %mul3A_318 = arith.mulf %sub3A_317, %sub3A_317 : vector<125x640xf32>
    %add3A_319 = arith.addf %mul3A_309, %mul3A_318 : vector<125x640xf32>
    %mul3A_320 = arith.mulf %sub3A_298, %sub3A_298 : vector<125x640xf32>
    %mul3A_321 = arith.mulf %sub3A_299, %sub3A_299 : vector<125x640xf32>
    %add3A_322 = arith.addf %mul3A_320, %mul3A_321 : vector<125x640xf32>
    %mul3A_323 = arith.mulf %sub3A_300, %sub3A_300 : vector<125x640xf32>
    %add3A_324 = arith.addf %add3A_322, %mul3A_323 : vector<125x640xf32>
    %sqrt3A_325 = math.sqrt %add3A_324 : vector<125x640xf32>
    %sub3A_326 = vector.broadcast %get3A_291 : vector<1x1xf32> to vector<125x640xf32>
    %sub3A_327 = arith.subf %sqrt3A_325, %sub3A_326 : vector<125x640xf32>
    %mul3A_328 = arith.mulf %sub3A_327, %sub3A_327 : vector<125x640xf32>
    %add3A_329 = arith.addf %add3A_319, %mul3A_328 : vector<125x640xf32>
    %reduce_sum3A_330 = vector.shape_cast %add3A_329 : vector<125x640xf32> to vector<1x125x640xf32>
    %reduce_sum3A_331 = arith.constant dense<0.000000e+00> : vector<1xf32>
    %reduce_sum3A_332 = vector.multi_reduction <add>, %reduce_sum3A_330, %reduce_sum3A_331 [1, 2] : vector<1x125x640xf32> to vector<1xf32>
    %reduce_sum3A_333 = vector.shape_cast %reduce_sum3A_332 : vector<1xf32> to vector<1x1x1xf32>
    %reduce_sum3A_334 = vector.extract %reduce_sum3A_333[0, 0, 0] : f32 from vector<1x1x1xf32>
    %reshape3A = vector.broadcast %reduce_sum3A_334 : f32 to vector<1x1xf32>
    %swap3A_335 = arith.constant 0 : index
    %swap3A_336 = arith.constant 0 : index
    %swap3A_337 = vector.load %arg4[%swap3A_335, %swap3A_336] : memref<1x1xf32, #tpu.memory_space<vmem>>, vector<1x1xf32>
    tpu.vector_store %arg4[%swap3A_335, %swap3A_336], %reshape3A {strides = array<i32>} : memref<1x1xf32, #tpu.memory_space<vmem>>, vector<1x1xf32>,
    return
  }
}

module attributes {stable_mosaic.version = 14 : i64} {
  func.func @_sample_body(%arg0: i32, %arg1: memref<125x8x640xf32, #tpu.memory_space<vmem>>, %arg2: memref<8x1xi32, #tpu.memory_space<vmem>>) attributes {dimension_semantics = [#tpu.dimension_semantics<arbitrary>], iteration_bounds = array<i64: 625>, scalar_prefetch = 0 : i64, scratch_operands = 0 : i64, tpu.core_type = #tpu.core_type<tc>, window_params = [{pipeline_mode = #tpu.pipeline_mode<synchronous>, transform_indices = @transform_0, window_bounds = array<i64: 125, 8, 640>}, {transform_indices = @transform_1, window_bounds = array<i64: 8, 1>}]} {
    %mul3A = arith.constant 8 : i32
    %mul3A_0 = arith.muli %arg0, %mul3A : i32
    %iota3A = tpu.iota {dimensions = array<i32: 0>} : vector<8x640xi32>
    %add3A = vector.broadcast %mul3A_0 : i32 to vector<8x640xi32>
    %add3A_1 = arith.addi %add3A, %iota3A : vector<8x640xi32>
    %mul3A_2 = arith.constant 80000 : i32
    %mul3A_3 = vector.broadcast %mul3A_2 : i32 to vector<8x640xi32>
    %mul3A_4 = arith.muli %add3A_1, %mul3A_3 : vector<8x640xi32>
    %iota3A_5 = tpu.iota {dimensions = array<i32: 1>} : vector<8x640xi32>
    %add3A_6 = arith.addi %mul3A_4, %iota3A_5 : vector<8x640xi32>
    %add3A_7 = arith.constant 270669613 : i32
    %add3A_8 = vector.broadcast %add3A_7 : i32 to vector<8x640xi32>
    %add3A_9 = arith.addi %add3A_6, %add3A_8 : vector<8x640xi32>
    %broadcast_in_dim3A = arith.constant 0x7F800000 : f32
    %broadcast_in_dim3A_10 = vector.broadcast %broadcast_in_dim3A : f32 to vector<8x640xf32>
    %broadcast_in_dim3A_11 = arith.constant 0 : i32
    %broadcast_in_dim3A_12 = vector.broadcast %broadcast_in_dim3A_11 : i32 to vector<8x640xi32>
    %scan3A = arith.constant 0 : i32
    %scan3A_13 = arith.constant 10 : i32
    %scan3A_14 = arith.addi %scan3A, %scan3A_13 : i32
    %scan3A_15 = arith.constant 1 : i32
    %scan3A_16:2 = scf.for %scan3A_1232 = %scan3A to %scan3A_14 step %scan3A_15 iter_args(%scan3A_1233 = %broadcast_in_dim3A_10, %scan3A_1234 = %broadcast_in_dim3A_12) -> (vector<8x640xf32>, vector<8x640xi32>)  : i32 {
      %mul3A_1235 = arith.constant 12 : i32
      %mul3A_1236 = arith.muli %mul3A_1235, %scan3A_1232 : i32
      %add3A_1237 = arith.constant 0 : i32
      %add3A_1238 = arith.addi %mul3A_1236, %add3A_1237 : i32
      %mul3A_1239 = arith.constant 640 : i32
      %mul3A_1240 = arith.muli %add3A_1238, %mul3A_1239 : i32
      %add3A_1241 = vector.broadcast %mul3A_1240 : i32 to vector<8x640xi32>
      %add3A_1242 = arith.addi %add3A_9, %add3A_1241 : vector<8x640xi32>
      %add3A_1243 = arith.constant 1832780943 : i32
      %add3A_1244 = vector.broadcast %add3A_1243 : i32 to vector<8x640xi32>
      %add3A_1245 = arith.addi %add3A_1242, %add3A_1244 : vector<8x640xi32>
      %shift_left3A_1246 = arith.constant 13 : i32
      %shift_left3A_1247 = vector.broadcast %shift_left3A_1246 : i32 to vector<8x640xi32>
      %shift_left3A_1248 = arith.shli %add3A_1242, %shift_left3A_1247 : vector<8x640xi32>
      %shift_right_logical3A_1249 = arith.constant 19 : i32
      %shift_right_logical3A_1250 = vector.broadcast %shift_right_logical3A_1249 : i32 to vector<8x640xi32>
      %shift_right_logical3A_1251 = arith.shrui %add3A_1242, %shift_right_logical3A_1250 : vector<8x640xi32>
      %or3A_1252 = arith.ori %shift_left3A_1248, %shift_right_logical3A_1251 : vector<8x640xi32>
      %xor3A_1253 = arith.xori %add3A_1245, %or3A_1252 : vector<8x640xi32>
      %add3A_1254 = arith.addi %add3A_1245, %xor3A_1253 : vector<8x640xi32>
      %shift_left3A_1255 = arith.constant 15 : i32
      %shift_left3A_1256 = vector.broadcast %shift_left3A_1255 : i32 to vector<8x640xi32>
      %shift_left3A_1257 = arith.shli %xor3A_1253, %shift_left3A_1256 : vector<8x640xi32>
      %shift_right_logical3A_1258 = arith.constant 17 : i32
      %shift_right_logical3A_1259 = vector.broadcast %shift_right_logical3A_1258 : i32 to vector<8x640xi32>
      %shift_right_logical3A_1260 = arith.shrui %xor3A_1253, %shift_right_logical3A_1259 : vector<8x640xi32>
      %or3A_1261 = arith.ori %shift_left3A_1257, %shift_right_logical3A_1260 : vector<8x640xi32>
      %xor3A_1262 = arith.xori %add3A_1254, %or3A_1261 : vector<8x640xi32>
      %add3A_1263 = arith.addi %add3A_1254, %xor3A_1262 : vector<8x640xi32>
      %shift_left3A_1264 = arith.constant 26 : i32
      %shift_left3A_1265 = vector.broadcast %shift_left3A_1264 : i32 to vector<8x640xi32>
      %shift_left3A_1266 = arith.shli %xor3A_1262, %shift_left3A_1265 : vector<8x640xi32>
      %shift_right_logical3A_1267 = arith.constant 6 : i32
      %shift_right_logical3A_1268 = vector.broadcast %shift_right_logical3A_1267 : i32 to vector<8x640xi32>
      %shift_right_logical3A_1269 = arith.shrui %xor3A_1262, %shift_right_logical3A_1268 : vector<8x640xi32>
      %or3A_1270 = arith.ori %shift_left3A_1266, %shift_right_logical3A_1269 : vector<8x640xi32>
      %xor3A_1271 = arith.xori %add3A_1263, %or3A_1270 : vector<8x640xi32>
      %add3A_1272 = arith.addi %add3A_1263, %xor3A_1271 : vector<8x640xi32>
      %shift_left3A_1273 = arith.constant 6 : i32
      %shift_left3A_1274 = vector.broadcast %shift_left3A_1273 : i32 to vector<8x640xi32>
      %shift_left3A_1275 = arith.shli %xor3A_1271, %shift_left3A_1274 : vector<8x640xi32>
      %shift_right_logical3A_1276 = arith.constant 26 : i32
      %shift_right_logical3A_1277 = vector.broadcast %shift_right_logical3A_1276 : i32 to vector<8x640xi32>
      %shift_right_logical3A_1278 = arith.shrui %xor3A_1271, %shift_right_logical3A_1277 : vector<8x640xi32>
      %or3A_1279 = arith.ori %shift_left3A_1275, %shift_right_logical3A_1278 : vector<8x640xi32>
      %xor3A_1280 = arith.xori %add3A_1272, %or3A_1279 : vector<8x640xi32>
      %add3A_1281 = arith.constant 270669613 : i32
      %add3A_1282 = vector.broadcast %add3A_1281 : i32 to vector<8x640xi32>
      %add3A_1283 = arith.addi %add3A_1272, %add3A_1282 : vector<8x640xi32>
      %add3A_1284 = arith.constant 1724713081 : i32
      %add3A_1285 = vector.broadcast %add3A_1284 : i32 to vector<8x640xi32>
      %add3A_1286 = arith.addi %xor3A_1280, %add3A_1285 : vector<8x640xi32>
      %add3A_1287 = arith.addi %add3A_1283, %add3A_1286 : vector<8x640xi32>
      %shift_left3A_1288 = arith.constant 17 : i32
      %shift_left3A_1289 = vector.broadcast %shift_left3A_1288 : i32 to vector<8x640xi32>
      %shift_left3A_1290 = arith.shli %add3A_1286, %shift_left3A_1289 : vector<8x640xi32>
      %shift_right_logical3A_1291 = arith.constant 15 : i32
      %shift_right_logical3A_1292 = vector.broadcast %shift_right_logical3A_1291 : i32 to vector<8x640xi32>
      %shift_right_logical3A_1293 = arith.shrui %add3A_1286, %shift_right_logical3A_1292 : vector<8x640xi32>
      %or3A_1294 = arith.ori %shift_left3A_1290, %shift_right_logical3A_1293 : vector<8x640xi32>
      %xor3A_1295 = arith.xori %add3A_1287, %or3A_1294 : vector<8x640xi32>
      %add3A_1296 = arith.addi %add3A_1287, %xor3A_1295 : vector<8x640xi32>
      %shift_left3A_1297 = arith.constant 29 : i32
      %shift_left3A_1298 = vector.broadcast %shift_left3A_1297 : i32 to vector<8x640xi32>
      %shift_left3A_1299 = arith.shli %xor3A_1295, %shift_left3A_1298 : vector<8x640xi32>
      %shift_right_logical3A_1300 = arith.constant 3 : i32
      %shift_right_logical3A_1301 = vector.broadcast %shift_right_logical3A_1300 : i32 to vector<8x640xi32>
      %shift_right_logical3A_1302 = arith.shrui %xor3A_1295, %shift_right_logical3A_1301 : vector<8x640xi32>
      %or3A_1303 = arith.ori %shift_left3A_1299, %shift_right_logical3A_1302 : vector<8x640xi32>
      %xor3A_1304 = arith.xori %add3A_1296, %or3A_1303 : vector<8x640xi32>
      %add3A_1305 = arith.addi %add3A_1296, %xor3A_1304 : vector<8x640xi32>
      %shift_left3A_1306 = arith.constant 16 : i32
      %shift_left3A_1307 = vector.broadcast %shift_left3A_1306 : i32 to vector<8x640xi32>
      %shift_left3A_1308 = arith.shli %xor3A_1304, %shift_left3A_1307 : vector<8x640xi32>
      %shift_right_logical3A_1309 = arith.constant 16 : i32
      %shift_right_logical3A_1310 = vector.broadcast %shift_right_logical3A_1309 : i32 to vector<8x640xi32>
      %shift_right_logical3A_1311 = arith.shrui %xor3A_1304, %shift_right_logical3A_1310 : vector<8x640xi32>
      %or3A_1312 = arith.ori %shift_left3A_1308, %shift_right_logical3A_1311 : vector<8x640xi32>
      %xor3A_1313 = arith.xori %add3A_1305, %or3A_1312 : vector<8x640xi32>
      %add3A_1314 = arith.addi %add3A_1305, %xor3A_1313 : vector<8x640xi32>
      %shift_left3A_1315 = arith.constant 24 : i32
      %shift_left3A_1316 = vector.broadcast %shift_left3A_1315 : i32 to vector<8x640xi32>
      %shift_left3A_1317 = arith.shli %xor3A_1313, %shift_left3A_1316 : vector<8x640xi32>
      %shift_right_logical3A_1318 = arith.constant 8 : i32
      %shift_right_logical3A_1319 = vector.broadcast %shift_right_logical3A_1318 : i32 to vector<8x640xi32>
      %shift_right_logical3A_1320 = arith.shrui %xor3A_1313, %shift_right_logical3A_1319 : vector<8x640xi32>
      %or3A_1321 = arith.ori %shift_left3A_1317, %shift_right_logical3A_1320 : vector<8x640xi32>
      %xor3A_1322 = arith.xori %add3A_1314, %or3A_1321 : vector<8x640xi32>
      %add3A_1323 = arith.constant 1724713080 : i32
      %add3A_1324 = vector.broadcast %add3A_1323 : i32 to vector<8x640xi32>
      %add3A_1325 = arith.addi %add3A_1314, %add3A_1324 : vector<8x640xi32>
      %add3A_1326 = arith.constant 1832780945 : i32
      %add3A_1327 = vector.broadcast %add3A_1326 : i32 to vector<8x640xi32>
      %add3A_1328 = arith.addi %xor3A_1322, %add3A_1327 : vector<8x640xi32>
      %add3A_1329 = arith.addi %add3A_1325, %add3A_1328 : vector<8x640xi32>
      %shift_left3A_1330 = arith.constant 13 : i32
      %shift_left3A_1331 = vector.broadcast %shift_left3A_1330 : i32 to vector<8x640xi32>
      %shift_left3A_1332 = arith.shli %add3A_1328, %shift_left3A_1331 : vector<8x640xi32>
      %shift_right_logical3A_1333 = arith.constant 19 : i32
      %shift_right_logical3A_1334 = vector.broadcast %shift_right_logical3A_1333 : i32 to vector<8x640xi32>
      %shift_right_logical3A_1335 = arith.shrui %add3A_1328, %shift_right_logical3A_1334 : vector<8x640xi32>
      %or3A_1336 = arith.ori %shift_left3A_1332, %shift_right_logical3A_1335 : vector<8x640xi32>
      %xor3A_1337 = arith.xori %add3A_1329, %or3A_1336 : vector<8x640xi32>
      %add3A_1338 = arith.addi %add3A_1329, %xor3A_1337 : vector<8x640xi32>
      %shift_left3A_1339 = arith.constant 15 : i32
      %shift_left3A_1340 = vector.broadcast %shift_left3A_1339 : i32 to vector<8x640xi32>
      %shift_left3A_1341 = arith.shli %xor3A_1337, %shift_left3A_1340 : vector<8x640xi32>
      %shift_right_logical3A_1342 = arith.constant 17 : i32
      %shift_right_logical3A_1343 = vector.broadcast %shift_right_logical3A_1342 : i32 to vector<8x640xi32>
      %shift_right_logical3A_1344 = arith.shrui %xor3A_1337, %shift_right_logical3A_1343 : vector<8x640xi32>
      %or3A_1345 = arith.ori %shift_left3A_1341, %shift_right_logical3A_1344 : vector<8x640xi32>
      %xor3A_1346 = arith.xori %add3A_1338, %or3A_1345 : vector<8x640xi32>
      %add3A_1347 = arith.addi %add3A_1338, %xor3A_1346 : vector<8x640xi32>
      %shift_left3A_1348 = arith.constant 26 : i32
      %shift_left3A_1349 = vector.broadcast %shift_left3A_1348 : i32 to vector<8x640xi32>
      %shift_left3A_1350 = arith.shli %xor3A_1346, %shift_left3A_1349 : vector<8x640xi32>
      %shift_right_logical3A_1351 = arith.constant 6 : i32
      %shift_right_logical3A_1352 = vector.broadcast %shift_right_logical3A_1351 : i32 to vector<8x640xi32>
      %shift_right_logical3A_1353 = arith.shrui %xor3A_1346, %shift_right_logical3A_1352 : vector<8x640xi32>
      %or3A_1354 = arith.ori %shift_left3A_1350, %shift_right_logical3A_1353 : vector<8x640xi32>
      %xor3A_1355 = arith.xori %add3A_1347, %or3A_1354 : vector<8x640xi32>
      %add3A_1356 = arith.addi %add3A_1347, %xor3A_1355 : vector<8x640xi32>
      %shift_left3A_1357 = arith.constant 6 : i32
      %shift_left3A_1358 = vector.broadcast %shift_left3A_1357 : i32 to vector<8x640xi32>
      %shift_left3A_1359 = arith.shli %xor3A_1355, %shift_left3A_1358 : vector<8x640xi32>
      %shift_right_logical3A_1360 = arith.constant 26 : i32
      %shift_right_logical3A_1361 = vector.broadcast %shift_right_logical3A_1360 : i32 to vector<8x640xi32>
      %shift_right_logical3A_1362 = arith.shrui %xor3A_1355, %shift_right_logical3A_1361 : vector<8x640xi32>
      %or3A_1363 = arith.ori %shift_left3A_1359, %shift_right_logical3A_1362 : vector<8x640xi32>
      %xor3A_1364 = arith.xori %add3A_1356, %or3A_1363 : vector<8x640xi32>
      %add3A_1365 = arith.constant 1832780943 : i32
      %add3A_1366 = vector.broadcast %add3A_1365 : i32 to vector<8x640xi32>
      %add3A_1367 = arith.addi %add3A_1356, %add3A_1366 : vector<8x640xi32>
      %add3A_1368 = arith.constant 270669616 : i32
      %add3A_1369 = vector.broadcast %add3A_1368 : i32 to vector<8x640xi32>
      %add3A_1370 = arith.addi %xor3A_1364, %add3A_1369 : vector<8x640xi32>
      %add3A_1371 = arith.addi %add3A_1367, %add3A_1370 : vector<8x640xi32>
      %shift_left3A_1372 = arith.constant 17 : i32
      %shift_left3A_1373 = vector.broadcast %shift_left3A_1372 : i32 to vector<8x640xi32>
      %shift_left3A_1374 = arith.shli %add3A_1370, %shift_left3A_1373 : vector<8x640xi32>
      %shift_right_logical3A_1375 = arith.constant 15 : i32
      %shift_right_logical3A_1376 = vector.broadcast %shift_right_logical3A_1375 : i32 to vector<8x640xi32>
      %shift_right_logical3A_1377 = arith.shrui %add3A_1370, %shift_right_logical3A_1376 : vector<8x640xi32>
      %or3A_1378 = arith.ori %shift_left3A_1374, %shift_right_logical3A_1377 : vector<8x640xi32>
      %xor3A_1379 = arith.xori %add3A_1371, %or3A_1378 : vector<8x640xi32>
      %add3A_1380 = arith.addi %add3A_1371, %xor3A_1379 : vector<8x640xi32>
      %shift_left3A_1381 = arith.constant 29 : i32
      %shift_left3A_1382 = vector.broadcast %shift_left3A_1381 : i32 to vector<8x640xi32>
      %shift_left3A_1383 = arith.shli %xor3A_1379, %shift_left3A_1382 : vector<8x640xi32>
      %shift_right_logical3A_1384 = arith.constant 3 : i32
      %shift_right_logical3A_1385 = vector.broadcast %shift_right_logical3A_1384 : i32 to vector<8x640xi32>
      %shift_right_logical3A_1386 = arith.shrui %xor3A_1379, %shift_right_logical3A_1385 : vector<8x640xi32>
      %or3A_1387 = arith.ori %shift_left3A_1383, %shift_right_logical3A_1386 : vector<8x640xi32>
      %xor3A_1388 = arith.xori %add3A_1380, %or3A_1387 : vector<8x640xi32>
      %add3A_1389 = arith.addi %add3A_1380, %xor3A_1388 : vector<8x640xi32>
      %shift_left3A_1390 = arith.constant 16 : i32
      %shift_left3A_1391 = vector.broadcast %shift_left3A_1390 : i32 to vector<8x640xi32>
      %shift_left3A_1392 = arith.shli %xor3A_1388, %shift_left3A_1391 : vector<8x640xi32>
      %shift_right_logical3A_1393 = arith.constant 16 : i32
      %shift_right_logical3A_1394 = vector.broadcast %shift_right_logical3A_1393 : i32 to vector<8x640xi32>
      %shift_right_logical3A_1395 = arith.shrui %xor3A_1388, %shift_right_logical3A_1394 : vector<8x640xi32>
      %or3A_1396 = arith.ori %shift_left3A_1392, %shift_right_logical3A_1395 : vector<8x640xi32>
      %xor3A_1397 = arith.xori %add3A_1389, %or3A_1396 : vector<8x640xi32>
      %add3A_1398 = arith.addi %add3A_1389, %xor3A_1397 : vector<8x640xi32>
      %shift_left3A_1399 = arith.constant 24 : i32
      %shift_left3A_1400 = vector.broadcast %shift_left3A_1399 : i32 to vector<8x640xi32>
      %shift_left3A_1401 = arith.shli %xor3A_1397, %shift_left3A_1400 : vector<8x640xi32>
      %shift_right_logical3A_1402 = arith.constant 8 : i32
      %shift_right_logical3A_1403 = vector.broadcast %shift_right_logical3A_1402 : i32 to vector<8x640xi32>
      %shift_right_logical3A_1404 = arith.shrui %xor3A_1397, %shift_right_logical3A_1403 : vector<8x640xi32>
      %or3A_1405 = arith.ori %shift_left3A_1401, %shift_right_logical3A_1404 : vector<8x640xi32>
      %xor3A_1406 = arith.xori %add3A_1398, %or3A_1405 : vector<8x640xi32>
      %add3A_1407 = arith.constant 270669613 : i32
      %add3A_1408 = vector.broadcast %add3A_1407 : i32 to vector<8x640xi32>
      %add3A_1409 = arith.addi %add3A_1398, %add3A_1408 : vector<8x640xi32>
      %add3A_1410 = arith.constant 1724713084 : i32
      %add3A_1411 = vector.broadcast %add3A_1410 : i32 to vector<8x640xi32>
      %add3A_1412 = arith.addi %xor3A_1406, %add3A_1411 : vector<8x640xi32>
      %add3A_1413 = arith.addi %add3A_1409, %add3A_1412 : vector<8x640xi32>
      %shift_left3A_1414 = arith.constant 13 : i32
      %shift_left3A_1415 = vector.broadcast %shift_left3A_1414 : i32 to vector<8x640xi32>
      %shift_left3A_1416 = arith.shli %add3A_1412, %shift_left3A_1415 : vector<8x640xi32>
      %shift_right_logical3A_1417 = arith.constant 19 : i32
      %shift_right_logical3A_1418 = vector.broadcast %shift_right_logical3A_1417 : i32 to vector<8x640xi32>
      %shift_right_logical3A_1419 = arith.shrui %add3A_1412, %shift_right_logical3A_1418 : vector<8x640xi32>
      %or3A_1420 = arith.ori %shift_left3A_1416, %shift_right_logical3A_1419 : vector<8x640xi32>
      %xor3A_1421 = arith.xori %add3A_1413, %or3A_1420 : vector<8x640xi32>
      %add3A_1422 = arith.addi %add3A_1413, %xor3A_1421 : vector<8x640xi32>
      %shift_left3A_1423 = arith.constant 15 : i32
      %shift_left3A_1424 = vector.broadcast %shift_left3A_1423 : i32 to vector<8x640xi32>
      %shift_left3A_1425 = arith.shli %xor3A_1421, %shift_left3A_1424 : vector<8x640xi32>
      %shift_right_logical3A_1426 = arith.constant 17 : i32
      %shift_right_logical3A_1427 = vector.broadcast %shift_right_logical3A_1426 : i32 to vector<8x640xi32>
      %shift_right_logical3A_1428 = arith.shrui %xor3A_1421, %shift_right_logical3A_1427 : vector<8x640xi32>
      %or3A_1429 = arith.ori %shift_left3A_1425, %shift_right_logical3A_1428 : vector<8x640xi32>
      %xor3A_1430 = arith.xori %add3A_1422, %or3A_1429 : vector<8x640xi32>
      %add3A_1431 = arith.addi %add3A_1422, %xor3A_1430 : vector<8x640xi32>
      %shift_left3A_1432 = arith.constant 26 : i32
      %shift_left3A_1433 = vector.broadcast %shift_left3A_1432 : i32 to vector<8x640xi32>
      %shift_left3A_1434 = arith.shli %xor3A_1430, %shift_left3A_1433 : vector<8x640xi32>
      %shift_right_logical3A_1435 = arith.constant 6 : i32
      %shift_right_logical3A_1436 = vector.broadcast %shift_right_logical3A_1435 : i32 to vector<8x640xi32>
      %shift_right_logical3A_1437 = arith.shrui %xor3A_1430, %shift_right_logical3A_1436 : vector<8x640xi32>
      %or3A_1438 = arith.ori %shift_left3A_1434, %shift_right_logical3A_1437 : vector<8x640xi32>
      %xor3A_1439 = arith.xori %add3A_1431, %or3A_1438 : vector<8x640xi32>
      %add3A_1440 = arith.addi %add3A_1431, %xor3A_1439 : vector<8x640xi32>
      %shift_left3A_1441 = arith.constant 6 : i32
      %shift_left3A_1442 = vector.broadcast %shift_left3A_1441 : i32 to vector<8x640xi32>
      %shift_left3A_1443 = arith.shli %xor3A_1439, %shift_left3A_1442 : vector<8x640xi32>
      %shift_right_logical3A_1444 = arith.constant 26 : i32
      %shift_right_logical3A_1445 = vector.broadcast %shift_right_logical3A_1444 : i32 to vector<8x640xi32>
      %shift_right_logical3A_1446 = arith.shrui %xor3A_1439, %shift_right_logical3A_1445 : vector<8x640xi32>
      %or3A_1447 = arith.ori %shift_left3A_1443, %shift_right_logical3A_1446 : vector<8x640xi32>
      %xor3A_1448 = arith.xori %add3A_1440, %or3A_1447 : vector<8x640xi32>
      %add3A_1449 = arith.constant 1724713080 : i32
      %add3A_1450 = vector.broadcast %add3A_1449 : i32 to vector<8x640xi32>
      %add3A_1451 = arith.addi %add3A_1440, %add3A_1450 : vector<8x640xi32>
      %add3A_1452 = arith.constant 1832780948 : i32
      %add3A_1453 = vector.broadcast %add3A_1452 : i32 to vector<8x640xi32>
      %add3A_1454 = arith.addi %xor3A_1448, %add3A_1453 : vector<8x640xi32>
      %xor3A_1455 = arith.xori %add3A_1451, %add3A_1454 : vector<8x640xi32>
      %shift_right_logical3A_1456 = arith.constant 9 : i32
      %shift_right_logical3A_1457 = vector.broadcast %shift_right_logical3A_1456 : i32 to vector<8x640xi32>
      %shift_right_logical3A_1458 = arith.shrui %xor3A_1455, %shift_right_logical3A_1457 : vector<8x640xi32>
      %or3A_1459 = arith.constant 1065353216 : i32
      %or3A_1460 = vector.broadcast %or3A_1459 : i32 to vector<8x640xi32>
      %or3A_1461 = arith.ori %shift_right_logical3A_1458, %or3A_1460 : vector<8x640xi32>
      %bitcast_convert_type3A_1462 = tpu.bitcast %or3A_1461 : vector<8x640xi32> -> vector<8x640xf32>
      %sub3A_1463 = arith.constant 1.000000e+00 : f32
      %sub3A_1464 = vector.broadcast %sub3A_1463 : f32 to vector<8x640xf32>
      %sub3A_1465 = arith.subf %bitcast_convert_type3A_1462, %sub3A_1464 : vector<8x640xf32>
      %get3A_1466 = arith.index_cast %add3A_1238 : i32 to index
      %get3A_1467 = arith.constant 0 : index
      %get3A_1468 = arith.constant 0 : index
      %get3A_1469 = vector.load %arg1[%get3A_1466, %get3A_1467, %get3A_1468] : memref<125x8x640xf32, #tpu.memory_space<vmem>>, vector<1x8x640xf32>
      %get3A_1470 = vector.shape_cast %get3A_1469 : vector<1x8x640xf32> to vector<8x640xf32>
      %log3A_1471 = math.log %sub3A_1465 : vector<8x640xf32>
      %log3A_1472 = arith.constant 2.000000e+00 : f32
      %log3A_1473 = math.log %log3A_1472 : f32
      %div3A_1474 = vector.broadcast %log3A_1473 : f32 to vector<8x640xf32>
      %div3A_1475 = arith.divf %log3A_1471, %div3A_1474 : vector<8x640xf32>
      %mul3A_1476 = arith.mulf %div3A_1475, %get3A_1470 : vector<8x640xf32>
      %lt3A_1477 = arith.cmpf olt, %mul3A_1476, %scan3A_1233 : vector<8x640xf32>
      %select_n3A_1478 = arith.select %lt3A_1477, %mul3A_1476, %scan3A_1233 : vector<8x640xi1>, vector<8x640xf32>
      %broadcast_in_dim3A_1479 = vector.broadcast %add3A_1238 : i32 to vector<8x640xi32>
      %select_n3A_1480 = arith.select %lt3A_1477, %broadcast_in_dim3A_1479, %scan3A_1234 : vector<8x640xi1>, vector<8x640xi32>
      %mul3A_1481 = arith.constant 12 : i32
      %mul3A_1482 = arith.muli %mul3A_1481, %scan3A_1232 : i32
      %add3A_1483 = arith.constant 1 : i32
      %add3A_1484 = arith.addi %mul3A_1482, %add3A_1483 : i32
      %mul3A_1485 = arith.constant 640 : i32
      %mul3A_1486 = arith.muli %add3A_1484, %mul3A_1485 : i32
      %add3A_1487 = vector.broadcast %mul3A_1486 : i32 to vector<8x640xi32>
      %add3A_1488 = arith.addi %add3A_9, %add3A_1487 : vector<8x640xi32>
      %add3A_1489 = arith.constant 1832780943 : i32
      %add3A_1490 = vector.broadcast %add3A_1489 : i32 to vector<8x640xi32>
      %add3A_1491 = arith.addi %add3A_1488, %add3A_1490 : vector<8x640xi32>
      %shift_left3A_1492 = arith.constant 13 : i32
      %shift_left3A_1493 = vector.broadcast %shift_left3A_1492 : i32 to vector<8x640xi32>
      %shift_left3A_1494 = arith.shli %add3A_1488, %shift_left3A_1493 : vector<8x640xi32>
      %shift_right_logical3A_1495 = arith.constant 19 : i32
      %shift_right_logical3A_1496 = vector.broadcast %shift_right_logical3A_1495 : i32 to vector<8x640xi32>
      %shift_right_logical3A_1497 = arith.shrui %add3A_1488, %shift_right_logical3A_1496 : vector<8x640xi32>
      %or3A_1498 = arith.ori %shift_left3A_1494, %shift_right_logical3A_1497 : vector<8x640xi32>
      %xor3A_1499 = arith.xori %add3A_1491, %or3A_1498 : vector<8x640xi32>
      %add3A_1500 = arith.addi %add3A_1491, %xor3A_1499 : vector<8x640xi32>
      %shift_left3A_1501 = arith.constant 15 : i32
      %shift_left3A_1502 = vector.broadcast %shift_left3A_1501 : i32 to vector<8x640xi32>
      %shift_left3A_1503 = arith.shli %xor3A_1499, %shift_left3A_1502 : vector<8x640xi32>
      %shift_right_logical3A_1504 = arith.constant 17 : i32
      %shift_right_logical3A_1505 = vector.broadcast %shift_right_logical3A_1504 : i32 to vector<8x640xi32>
      %shift_right_logical3A_1506 = arith.shrui %xor3A_1499, %shift_right_logical3A_1505 : vector<8x640xi32>
      %or3A_1507 = arith.ori %shift_left3A_1503, %shift_right_logical3A_1506 : vector<8x640xi32>
      %xor3A_1508 = arith.xori %add3A_1500, %or3A_1507 : vector<8x640xi32>
      %add3A_1509 = arith.addi %add3A_1500, %xor3A_1508 : vector<8x640xi32>
      %shift_left3A_1510 = arith.constant 26 : i32
      %shift_left3A_1511 = vector.broadcast %shift_left3A_1510 : i32 to vector<8x640xi32>
      %shift_left3A_1512 = arith.shli %xor3A_1508, %shift_left3A_1511 : vector<8x640xi32>
      %shift_right_logical3A_1513 = arith.constant 6 : i32
      %shift_right_logical3A_1514 = vector.broadcast %shift_right_logical3A_1513 : i32 to vector<8x640xi32>
      %shift_right_logical3A_1515 = arith.shrui %xor3A_1508, %shift_right_logical3A_1514 : vector<8x640xi32>
      %or3A_1516 = arith.ori %shift_left3A_1512, %shift_right_logical3A_1515 : vector<8x640xi32>
      %xor3A_1517 = arith.xori %add3A_1509, %or3A_1516 : vector<8x640xi32>
      %add3A_1518 = arith.addi %add3A_1509, %xor3A_1517 : vector<8x640xi32>
      %shift_left3A_1519 = arith.constant 6 : i32
      %shift_left3A_1520 = vector.broadcast %shift_left3A_1519 : i32 to vector<8x640xi32>
      %shift_left3A_1521 = arith.shli %xor3A_1517, %shift_left3A_1520 : vector<8x640xi32>
      %shift_right_logical3A_1522 = arith.constant 26 : i32
      %shift_right_logical3A_1523 = vector.broadcast %shift_right_logical3A_1522 : i32 to vector<8x640xi32>
      %shift_right_logical3A_1524 = arith.shrui %xor3A_1517, %shift_right_logical3A_1523 : vector<8x640xi32>
      %or3A_1525 = arith.ori %shift_left3A_1521, %shift_right_logical3A_1524 : vector<8x640xi32>
      %xor3A_1526 = arith.xori %add3A_1518, %or3A_1525 : vector<8x640xi32>
      %add3A_1527 = arith.constant 270669613 : i32
      %add3A_1528 = vector.broadcast %add3A_1527 : i32 to vector<8x640xi32>
      %add3A_1529 = arith.addi %add3A_1518, %add3A_1528 : vector<8x640xi32>
      %add3A_1530 = arith.constant 1724713081 : i32
      %add3A_1531 = vector.broadcast %add3A_1530 : i32 to vector<8x640xi32>
      %add3A_1532 = arith.addi %xor3A_1526, %add3A_1531 : vector<8x640xi32>
      %add3A_1533 = arith.addi %add3A_1529, %add3A_1532 : vector<8x640xi32>
      %shift_left3A_1534 = arith.constant 17 : i32
      %shift_left3A_1535 = vector.broadcast %shift_left3A_1534 : i32 to vector<8x640xi32>
      %shift_left3A_1536 = arith.shli %add3A_1532, %shift_left3A_1535 : vector<8x640xi32>
      %shift_right_logical3A_1537 = arith.constant 15 : i32
      %shift_right_logical3A_1538 = vector.broadcast %shift_right_logical3A_1537 : i32 to vector<8x640xi32>
      %shift_right_logical3A_1539 = arith.shrui %add3A_1532, %shift_right_logical3A_1538 : vector<8x640xi32>
      %or3A_1540 = arith.ori %shift_left3A_1536, %shift_right_logical3A_1539 : vector<8x640xi32>
      %xor3A_1541 = arith.xori %add3A_1533, %or3A_1540 : vector<8x640xi32>
      %add3A_1542 = arith.addi %add3A_1533, %xor3A_1541 : vector<8x640xi32>
      %shift_left3A_1543 = arith.constant 29 : i32
      %shift_left3A_1544 = vector.broadcast %shift_left3A_1543 : i32 to vector<8x640xi32>
      %shift_left3A_1545 = arith.shli %xor3A_1541, %shift_left3A_1544 : vector<8x640xi32>
      %shift_right_logical3A_1546 = arith.constant 3 : i32
      %shift_right_logical3A_1547 = vector.broadcast %shift_right_logical3A_1546 : i32 to vector<8x640xi32>
      %shift_right_logical3A_1548 = arith.shrui %xor3A_1541, %shift_right_logical3A_1547 : vector<8x640xi32>
      %or3A_1549 = arith.ori %shift_left3A_1545, %shift_right_logical3A_1548 : vector<8x640xi32>
      %xor3A_1550 = arith.xori %add3A_1542, %or3A_1549 : vector<8x640xi32>
      %add3A_1551 = arith.addi %add3A_1542, %xor3A_1550 : vector<8x640xi32>
      %shift_left3A_1552 = arith.constant 16 : i32
      %shift_left3A_1553 = vector.broadcast %shift_left3A_1552 : i32 to vector<8x640xi32>
      %shift_left3A_1554 = arith.shli %xor3A_1550, %shift_left3A_1553 : vector<8x640xi32>
      %shift_right_logical3A_1555 = arith.constant 16 : i32
      %shift_right_logical3A_1556 = vector.broadcast %shift_right_logical3A_1555 : i32 to vector<8x640xi32>
      %shift_right_logical3A_1557 = arith.shrui %xor3A_1550, %shift_right_logical3A_1556 : vector<8x640xi32>
      %or3A_1558 = arith.ori %shift_left3A_1554, %shift_right_logical3A_1557 : vector<8x640xi32>
      %xor3A_1559 = arith.xori %add3A_1551, %or3A_1558 : vector<8x640xi32>
      %add3A_1560 = arith.addi %add3A_1551, %xor3A_1559 : vector<8x640xi32>
      %shift_left3A_1561 = arith.constant 24 : i32
      %shift_left3A_1562 = vector.broadcast %shift_left3A_1561 : i32 to vector<8x640xi32>
      %shift_left3A_1563 = arith.shli %xor3A_1559, %shift_left3A_1562 : vector<8x640xi32>
      %shift_right_logical3A_1564 = arith.constant 8 : i32
      %shift_right_logical3A_1565 = vector.broadcast %shift_right_logical3A_1564 : i32 to vector<8x640xi32>
      %shift_right_logical3A_1566 = arith.shrui %xor3A_1559, %shift_right_logical3A_1565 : vector<8x640xi32>
      %or3A_1567 = arith.ori %shift_left3A_1563, %shift_right_logical3A_1566 : vector<8x640xi32>
      %xor3A_1568 = arith.xori %add3A_1560, %or3A_1567 : vector<8x640xi32>
      %add3A_1569 = arith.constant 1724713080 : i32
      %add3A_1570 = vector.broadcast %add3A_1569 : i32 to vector<8x640xi32>
      %add3A_1571 = arith.addi %add3A_1560, %add3A_1570 : vector<8x640xi32>
      %add3A_1572 = arith.constant 1832780945 : i32
      %add3A_1573 = vector.broadcast %add3A_1572 : i32 to vector<8x640xi32>
      %add3A_1574 = arith.addi %xor3A_1568, %add3A_1573 : vector<8x640xi32>
      %add3A_1575 = arith.addi %add3A_1571, %add3A_1574 : vector<8x640xi32>
      %shift_left3A_1576 = arith.constant 13 : i32
      %shift_left3A_1577 = vector.broadcast %shift_left3A_1576 : i32 to vector<8x640xi32>
      %shift_left3A_1578 = arith.shli %add3A_1574, %shift_left3A_1577 : vector<8x640xi32>
      %shift_right_logical3A_1579 = arith.constant 19 : i32
      %shift_right_logical3A_1580 = vector.broadcast %shift_right_logical3A_1579 : i32 to vector<8x640xi32>
      %shift_right_logical3A_1581 = arith.shrui %add3A_1574, %shift_right_logical3A_1580 : vector<8x640xi32>
      %or3A_1582 = arith.ori %shift_left3A_1578, %shift_right_logical3A_1581 : vector<8x640xi32>
      %xor3A_1583 = arith.xori %add3A_1575, %or3A_1582 : vector<8x640xi32>
      %add3A_1584 = arith.addi %add3A_1575, %xor3A_1583 : vector<8x640xi32>
      %shift_left3A_1585 = arith.constant 15 : i32
      %shift_left3A_1586 = vector.broadcast %shift_left3A_1585 : i32 to vector<8x640xi32>
      %shift_left3A_1587 = arith.shli %xor3A_1583, %shift_left3A_1586 : vector<8x640xi32>
      %shift_right_logical3A_1588 = arith.constant 17 : i32
      %shift_right_logical3A_1589 = vector.broadcast %shift_right_logical3A_1588 : i32 to vector<8x640xi32>
      %shift_right_logical3A_1590 = arith.shrui %xor3A_1583, %shift_right_logical3A_1589 : vector<8x640xi32>
      %or3A_1591 = arith.ori %shift_left3A_1587, %shift_right_logical3A_1590 : vector<8x640xi32>
      %xor3A_1592 = arith.xori %add3A_1584, %or3A_1591 : vector<8x640xi32>
      %add3A_1593 = arith.addi %add3A_1584, %xor3A_1592 : vector<8x640xi32>
      %shift_left3A_1594 = arith.constant 26 : i32
      %shift_left3A_1595 = vector.broadcast %shift_left3A_1594 : i32 to vector<8x640xi32>
      %shift_left3A_1596 = arith.shli %xor3A_1592, %shift_left3A_1595 : vector<8x640xi32>
      %shift_right_logical3A_1597 = arith.constant 6 : i32
      %shift_right_logical3A_1598 = vector.broadcast %shift_right_logical3A_1597 : i32 to vector<8x640xi32>
      %shift_right_logical3A_1599 = arith.shrui %xor3A_1592, %shift_right_logical3A_1598 : vector<8x640xi32>
      %or3A_1600 = arith.ori %shift_left3A_1596, %shift_right_logical3A_1599 : vector<8x640xi32>
      %xor3A_1601 = arith.xori %add3A_1593, %or3A_1600 : vector<8x640xi32>
      %add3A_1602 = arith.addi %add3A_1593, %xor3A_1601 : vector<8x640xi32>
      %shift_left3A_1603 = arith.constant 6 : i32
      %shift_left3A_1604 = vector.broadcast %shift_left3A_1603 : i32 to vector<8x640xi32>
      %shift_left3A_1605 = arith.shli %xor3A_1601, %shift_left3A_1604 : vector<8x640xi32>
      %shift_right_logical3A_1606 = arith.constant 26 : i32
      %shift_right_logical3A_1607 = vector.broadcast %shift_right_logical3A_1606 : i32 to vector<8x640xi32>
      %shift_right_logical3A_1608 = arith.shrui %xor3A_1601, %shift_right_logical3A_1607 : vector<8x640xi32>
      %or3A_1609 = arith.ori %shift_left3A_1605, %shift_right_logical3A_1608 : vector<8x640xi32>
      %xor3A_1610 = arith.xori %add3A_1602, %or3A_1609 : vector<8x640xi32>
      %add3A_1611 = arith.constant 1832780943 : i32
      %add3A_1612 = vector.broadcast %add3A_1611 : i32 to vector<8x640xi32>
      %add3A_1613 = arith.addi %add3A_1602, %add3A_1612 : vector<8x640xi32>
      %add3A_1614 = arith.constant 270669616 : i32
      %add3A_1615 = vector.broadcast %add3A_1614 : i32 to vector<8x640xi32>
      %add3A_1616 = arith.addi %xor3A_1610, %add3A_1615 : vector<8x640xi32>
      %add3A_1617 = arith.addi %add3A_1613, %add3A_1616 : vector<8x640xi32>
      %shift_left3A_1618 = arith.constant 17 : i32
      %shift_left3A_1619 = vector.broadcast %shift_left3A_1618 : i32 to vector<8x640xi32>
      %shift_left3A_1620 = arith.shli %add3A_1616, %shift_left3A_1619 : vector<8x640xi32>
      %shift_right_logical3A_1621 = arith.constant 15 : i32
      %shift_right_logical3A_1622 = vector.broadcast %shift_right_logical3A_1621 : i32 to vector<8x640xi32>
      %shift_right_logical3A_1623 = arith.shrui %add3A_1616, %shift_right_logical3A_1622 : vector<8x640xi32>
      %or3A_1624 = arith.ori %shift_left3A_1620, %shift_right_logical3A_1623 : vector<8x640xi32>
      %xor3A_1625 = arith.xori %add3A_1617, %or3A_1624 : vector<8x640xi32>
      %add3A_1626 = arith.addi %add3A_1617, %xor3A_1625 : vector<8x640xi32>
      %shift_left3A_1627 = arith.constant 29 : i32
      %shift_left3A_1628 = vector.broadcast %shift_left3A_1627 : i32 to vector<8x640xi32>
      %shift_left3A_1629 = arith.shli %xor3A_1625, %shift_left3A_1628 : vector<8x640xi32>
      %shift_right_logical3A_1630 = arith.constant 3 : i32
      %shift_right_logical3A_1631 = vector.broadcast %shift_right_logical3A_1630 : i32 to vector<8x640xi32>
      %shift_right_logical3A_1632 = arith.shrui %xor3A_1625, %shift_right_logical3A_1631 : vector<8x640xi32>
      %or3A_1633 = arith.ori %shift_left3A_1629, %shift_right_logical3A_1632 : vector<8x640xi32>
      %xor3A_1634 = arith.xori %add3A_1626, %or3A_1633 : vector<8x640xi32>
      %add3A_1635 = arith.addi %add3A_1626, %xor3A_1634 : vector<8x640xi32>
      %shift_left3A_1636 = arith.constant 16 : i32
      %shift_left3A_1637 = vector.broadcast %shift_left3A_1636 : i32 to vector<8x640xi32>
      %shift_left3A_1638 = arith.shli %xor3A_1634, %shift_left3A_1637 : vector<8x640xi32>
      %shift_right_logical3A_1639 = arith.constant 16 : i32
      %shift_right_logical3A_1640 = vector.broadcast %shift_right_logical3A_1639 : i32 to vector<8x640xi32>
      %shift_right_logical3A_1641 = arith.shrui %xor3A_1634, %shift_right_logical3A_1640 : vector<8x640xi32>
      %or3A_1642 = arith.ori %shift_left3A_1638, %shift_right_logical3A_1641 : vector<8x640xi32>
      %xor3A_1643 = arith.xori %add3A_1635, %or3A_1642 : vector<8x640xi32>
      %add3A_1644 = arith.addi %add3A_1635, %xor3A_1643 : vector<8x640xi32>
      %shift_left3A_1645 = arith.constant 24 : i32
      %shift_left3A_1646 = vector.broadcast %shift_left3A_1645 : i32 to vector<8x640xi32>
      %shift_left3A_1647 = arith.shli %xor3A_1643, %shift_left3A_1646 : vector<8x640xi32>
      %shift_right_logical3A_1648 = arith.constant 8 : i32
      %shift_right_logical3A_1649 = vector.broadcast %shift_right_logical3A_1648 : i32 to vector<8x640xi32>
      %shift_right_logical3A_1650 = arith.shrui %xor3A_1643, %shift_right_logical3A_1649 : vector<8x640xi32>
      %or3A_1651 = arith.ori %shift_left3A_1647, %shift_right_logical3A_1650 : vector<8x640xi32>
      %xor3A_1652 = arith.xori %add3A_1644, %or3A_1651 : vector<8x640xi32>
      %add3A_1653 = arith.constant 270669613 : i32
      %add3A_1654 = vector.broadcast %add3A_1653 : i32 to vector<8x640xi32>
      %add3A_1655 = arith.addi %add3A_1644, %add3A_1654 : vector<8x640xi32>
      %add3A_1656 = arith.constant 1724713084 : i32
      %add3A_1657 = vector.broadcast %add3A_1656 : i32 to vector<8x640xi32>
      %add3A_1658 = arith.addi %xor3A_1652, %add3A_1657 : vector<8x640xi32>
      %add3A_1659 = arith.addi %add3A_1655, %add3A_1658 : vector<8x640xi32>
      %shift_left3A_1660 = arith.constant 13 : i32
      %shift_left3A_1661 = vector.broadcast %shift_left3A_1660 : i32 to vector<8x640xi32>
      %shift_left3A_1662 = arith.shli %add3A_1658, %shift_left3A_1661 : vector<8x640xi32>
      %shift_right_logical3A_1663 = arith.constant 19 : i32
      %shift_right_logical3A_1664 = vector.broadcast %shift_right_logical3A_1663 : i32 to vector<8x640xi32>
      %shift_right_logical3A_1665 = arith.shrui %add3A_1658, %shift_right_logical3A_1664 : vector<8x640xi32>
      %or3A_1666 = arith.ori %shift_left3A_1662, %shift_right_logical3A_1665 : vector<8x640xi32>
      %xor3A_1667 = arith.xori %add3A_1659, %or3A_1666 : vector<8x640xi32>
      %add3A_1668 = arith.addi %add3A_1659, %xor3A_1667 : vector<8x640xi32>
      %shift_left3A_1669 = arith.constant 15 : i32
      %shift_left3A_1670 = vector.broadcast %shift_left3A_1669 : i32 to vector<8x640xi32>
      %shift_left3A_1671 = arith.shli %xor3A_1667, %shift_left3A_1670 : vector<8x640xi32>
      %shift_right_logical3A_1672 = arith.constant 17 : i32
      %shift_right_logical3A_1673 = vector.broadcast %shift_right_logical3A_1672 : i32 to vector<8x640xi32>
      %shift_right_logical3A_1674 = arith.shrui %xor3A_1667, %shift_right_logical3A_1673 : vector<8x640xi32>
      %or3A_1675 = arith.ori %shift_left3A_1671, %shift_right_logical3A_1674 : vector<8x640xi32>
      %xor3A_1676 = arith.xori %add3A_1668, %or3A_1675 : vector<8x640xi32>
      %add3A_1677 = arith.addi %add3A_1668, %xor3A_1676 : vector<8x640xi32>
      %shift_left3A_1678 = arith.constant 26 : i32
      %shift_left3A_1679 = vector.broadcast %shift_left3A_1678 : i32 to vector<8x640xi32>
      %shift_left3A_1680 = arith.shli %xor3A_1676, %shift_left3A_1679 : vector<8x640xi32>
      %shift_right_logical3A_1681 = arith.constant 6 : i32
      %shift_right_logical3A_1682 = vector.broadcast %shift_right_logical3A_1681 : i32 to vector<8x640xi32>
      %shift_right_logical3A_1683 = arith.shrui %xor3A_1676, %shift_right_logical3A_1682 : vector<8x640xi32>
      %or3A_1684 = arith.ori %shift_left3A_1680, %shift_right_logical3A_1683 : vector<8x640xi32>
      %xor3A_1685 = arith.xori %add3A_1677, %or3A_1684 : vector<8x640xi32>
      %add3A_1686 = arith.addi %add3A_1677, %xor3A_1685 : vector<8x640xi32>
      %shift_left3A_1687 = arith.constant 6 : i32
      %shift_left3A_1688 = vector.broadcast %shift_left3A_1687 : i32 to vector<8x640xi32>
      %shift_left3A_1689 = arith.shli %xor3A_1685, %shift_left3A_1688 : vector<8x640xi32>
      %shift_right_logical3A_1690 = arith.constant 26 : i32
      %shift_right_logical3A_1691 = vector.broadcast %shift_right_logical3A_1690 : i32 to vector<8x640xi32>
      %shift_right_logical3A_1692 = arith.shrui %xor3A_1685, %shift_right_logical3A_1691 : vector<8x640xi32>
      %or3A_1693 = arith.ori %shift_left3A_1689, %shift_right_logical3A_1692 : vector<8x640xi32>
      %xor3A_1694 = arith.xori %add3A_1686, %or3A_1693 : vector<8x640xi32>
      %add3A_1695 = arith.constant 1724713080 : i32
      %add3A_1696 = vector.broadcast %add3A_1695 : i32 to vector<8x640xi32>
      %add3A_1697 = arith.addi %add3A_1686, %add3A_1696 : vector<8x640xi32>
      %add3A_1698 = arith.constant 1832780948 : i32
      %add3A_1699 = vector.broadcast %add3A_1698 : i32 to vector<8x640xi32>
      %add3A_1700 = arith.addi %xor3A_1694, %add3A_1699 : vector<8x640xi32>
      %xor3A_1701 = arith.xori %add3A_1697, %add3A_1700 : vector<8x640xi32>
      %shift_right_logical3A_1702 = arith.constant 9 : i32
      %shift_right_logical3A_1703 = vector.broadcast %shift_right_logical3A_1702 : i32 to vector<8x640xi32>
      %shift_right_logical3A_1704 = arith.shrui %xor3A_1701, %shift_right_logical3A_1703 : vector<8x640xi32>
      %or3A_1705 = arith.constant 1065353216 : i32
      %or3A_1706 = vector.broadcast %or3A_1705 : i32 to vector<8x640xi32>
      %or3A_1707 = arith.ori %shift_right_logical3A_1704, %or3A_1706 : vector<8x640xi32>
      %bitcast_convert_type3A_1708 = tpu.bitcast %or3A_1707 : vector<8x640xi32> -> vector<8x640xf32>
      %sub3A_1709 = arith.constant 1.000000e+00 : f32
      %sub3A_1710 = vector.broadcast %sub3A_1709 : f32 to vector<8x640xf32>
      %sub3A_1711 = arith.subf %bitcast_convert_type3A_1708, %sub3A_1710 : vector<8x640xf32>
      %get3A_1712 = arith.index_cast %add3A_1484 : i32 to index
      %get3A_1713 = arith.constant 0 : index
      %get3A_1714 = arith.constant 0 : index
      %get3A_1715 = vector.load %arg1[%get3A_1712, %get3A_1713, %get3A_1714] : memref<125x8x640xf32, #tpu.memory_space<vmem>>, vector<1x8x640xf32>
      %get3A_1716 = vector.shape_cast %get3A_1715 : vector<1x8x640xf32> to vector<8x640xf32>
      %log3A_1717 = math.log %sub3A_1711 : vector<8x640xf32>
      %log3A_1718 = arith.constant 2.000000e+00 : f32
      %log3A_1719 = math.log %log3A_1718 : f32
      %div3A_1720 = vector.broadcast %log3A_1719 : f32 to vector<8x640xf32>
      %div3A_1721 = arith.divf %log3A_1717, %div3A_1720 : vector<8x640xf32>
      %mul3A_1722 = arith.mulf %div3A_1721, %get3A_1716 : vector<8x640xf32>
      %lt3A_1723 = arith.cmpf olt, %mul3A_1722, %select_n3A_1478 : vector<8x640xf32>
      %select_n3A_1724 = arith.select %lt3A_1723, %mul3A_1722, %select_n3A_1478 : vector<8x640xi1>, vector<8x640xf32>
      %broadcast_in_dim3A_1725 = vector.broadcast %add3A_1484 : i32 to vector<8x640xi32>
      %select_n3A_1726 = arith.select %lt3A_1723, %broadcast_in_dim3A_1725, %select_n3A_1480 : vector<8x640xi1>, vector<8x640xi32>
      %mul3A_1727 = arith.constant 12 : i32
      %mul3A_1728 = arith.muli %mul3A_1727, %scan3A_1232 : i32
      %add3A_1729 = arith.constant 2 : i32
      %add3A_1730 = arith.addi %mul3A_1728, %add3A_1729 : i32
      %mul3A_1731 = arith.constant 640 : i32
      %mul3A_1732 = arith.muli %add3A_1730, %mul3A_1731 : i32
      %add3A_1733 = vector.broadcast %mul3A_1732 : i32 to vector<8x640xi32>
      %add3A_1734 = arith.addi %add3A_9, %add3A_1733 : vector<8x640xi32>
      %add3A_1735 = arith.constant 1832780943 : i32
      %add3A_1736 = vector.broadcast %add3A_1735 : i32 to vector<8x640xi32>
      %add3A_1737 = arith.addi %add3A_1734, %add3A_1736 : vector<8x640xi32>
      %shift_left3A_1738 = arith.constant 13 : i32
      %shift_left3A_1739 = vector.broadcast %shift_left3A_1738 : i32 to vector<8x640xi32>
      %shift_left3A_1740 = arith.shli %add3A_1734, %shift_left3A_1739 : vector<8x640xi32>
      %shift_right_logical3A_1741 = arith.constant 19 : i32
      %shift_right_logical3A_1742 = vector.broadcast %shift_right_logical3A_1741 : i32 to vector<8x640xi32>
      %shift_right_logical3A_1743 = arith.shrui %add3A_1734, %shift_right_logical3A_1742 : vector<8x640xi32>
      %or3A_1744 = arith.ori %shift_left3A_1740, %shift_right_logical3A_1743 : vector<8x640xi32>
      %xor3A_1745 = arith.xori %add3A_1737, %or3A_1744 : vector<8x640xi32>
      %add3A_1746 = arith.addi %add3A_1737, %xor3A_1745 : vector<8x640xi32>
      %shift_left3A_1747 = arith.constant 15 : i32
      %shift_left3A_1748 = vector.broadcast %shift_left3A_1747 : i32 to vector<8x640xi32>
      %shift_left3A_1749 = arith.shli %xor3A_1745, %shift_left3A_1748 : vector<8x640xi32>
      %shift_right_logical3A_1750 = arith.constant 17 : i32
      %shift_right_logical3A_1751 = vector.broadcast %shift_right_logical3A_1750 : i32 to vector<8x640xi32>
      %shift_right_logical3A_1752 = arith.shrui %xor3A_1745, %shift_right_logical3A_1751 : vector<8x640xi32>
      %or3A_1753 = arith.ori %shift_left3A_1749, %shift_right_logical3A_1752 : vector<8x640xi32>
      %xor3A_1754 = arith.xori %add3A_1746, %or3A_1753 : vector<8x640xi32>
      %add3A_1755 = arith.addi %add3A_1746, %xor3A_1754 : vector<8x640xi32>
      %shift_left3A_1756 = arith.constant 26 : i32
      %shift_left3A_1757 = vector.broadcast %shift_left3A_1756 : i32 to vector<8x640xi32>
      %shift_left3A_1758 = arith.shli %xor3A_1754, %shift_left3A_1757 : vector<8x640xi32>
      %shift_right_logical3A_1759 = arith.constant 6 : i32
      %shift_right_logical3A_1760 = vector.broadcast %shift_right_logical3A_1759 : i32 to vector<8x640xi32>
      %shift_right_logical3A_1761 = arith.shrui %xor3A_1754, %shift_right_logical3A_1760 : vector<8x640xi32>
      %or3A_1762 = arith.ori %shift_left3A_1758, %shift_right_logical3A_1761 : vector<8x640xi32>
      %xor3A_1763 = arith.xori %add3A_1755, %or3A_1762 : vector<8x640xi32>
      %add3A_1764 = arith.addi %add3A_1755, %xor3A_1763 : vector<8x640xi32>
      %shift_left3A_1765 = arith.constant 6 : i32
      %shift_left3A_1766 = vector.broadcast %shift_left3A_1765 : i32 to vector<8x640xi32>
      %shift_left3A_1767 = arith.shli %xor3A_1763, %shift_left3A_1766 : vector<8x640xi32>
      %shift_right_logical3A_1768 = arith.constant 26 : i32
      %shift_right_logical3A_1769 = vector.broadcast %shift_right_logical3A_1768 : i32 to vector<8x640xi32>
      %shift_right_logical3A_1770 = arith.shrui %xor3A_1763, %shift_right_logical3A_1769 : vector<8x640xi32>
      %or3A_1771 = arith.ori %shift_left3A_1767, %shift_right_logical3A_1770 : vector<8x640xi32>
      %xor3A_1772 = arith.xori %add3A_1764, %or3A_1771 : vector<8x640xi32>
      %add3A_1773 = arith.constant 270669613 : i32
      %add3A_1774 = vector.broadcast %add3A_1773 : i32 to vector<8x640xi32>
      %add3A_1775 = arith.addi %add3A_1764, %add3A_1774 : vector<8x640xi32>
      %add3A_1776 = arith.constant 1724713081 : i32
      %add3A_1777 = vector.broadcast %add3A_1776 : i32 to vector<8x640xi32>
      %add3A_1778 = arith.addi %xor3A_1772, %add3A_1777 : vector<8x640xi32>
      %add3A_1779 = arith.addi %add3A_1775, %add3A_1778 : vector<8x640xi32>
      %shift_left3A_1780 = arith.constant 17 : i32
      %shift_left3A_1781 = vector.broadcast %shift_left3A_1780 : i32 to vector<8x640xi32>
      %shift_left3A_1782 = arith.shli %add3A_1778, %shift_left3A_1781 : vector<8x640xi32>
      %shift_right_logical3A_1783 = arith.constant 15 : i32
      %shift_right_logical3A_1784 = vector.broadcast %shift_right_logical3A_1783 : i32 to vector<8x640xi32>
      %shift_right_logical3A_1785 = arith.shrui %add3A_1778, %shift_right_logical3A_1784 : vector<8x640xi32>
      %or3A_1786 = arith.ori %shift_left3A_1782, %shift_right_logical3A_1785 : vector<8x640xi32>
      %xor3A_1787 = arith.xori %add3A_1779, %or3A_1786 : vector<8x640xi32>
      %add3A_1788 = arith.addi %add3A_1779, %xor3A_1787 : vector<8x640xi32>
      %shift_left3A_1789 = arith.constant 29 : i32
      %shift_left3A_1790 = vector.broadcast %shift_left3A_1789 : i32 to vector<8x640xi32>
      %shift_left3A_1791 = arith.shli %xor3A_1787, %shift_left3A_1790 : vector<8x640xi32>
      %shift_right_logical3A_1792 = arith.constant 3 : i32
      %shift_right_logical3A_1793 = vector.broadcast %shift_right_logical3A_1792 : i32 to vector<8x640xi32>
      %shift_right_logical3A_1794 = arith.shrui %xor3A_1787, %shift_right_logical3A_1793 : vector<8x640xi32>
      %or3A_1795 = arith.ori %shift_left3A_1791, %shift_right_logical3A_1794 : vector<8x640xi32>
      %xor3A_1796 = arith.xori %add3A_1788, %or3A_1795 : vector<8x640xi32>
      %add3A_1797 = arith.addi %add3A_1788, %xor3A_1796 : vector<8x640xi32>
      %shift_left3A_1798 = arith.constant 16 : i32
      %shift_left3A_1799 = vector.broadcast %shift_left3A_1798 : i32 to vector<8x640xi32>
      %shift_left3A_1800 = arith.shli %xor3A_1796, %shift_left3A_1799 : vector<8x640xi32>
      %shift_right_logical3A_1801 = arith.constant 16 : i32
      %shift_right_logical3A_1802 = vector.broadcast %shift_right_logical3A_1801 : i32 to vector<8x640xi32>
      %shift_right_logical3A_1803 = arith.shrui %xor3A_1796, %shift_right_logical3A_1802 : vector<8x640xi32>
      %or3A_1804 = arith.ori %shift_left3A_1800, %shift_right_logical3A_1803 : vector<8x640xi32>
      %xor3A_1805 = arith.xori %add3A_1797, %or3A_1804 : vector<8x640xi32>
      %add3A_1806 = arith.addi %add3A_1797, %xor3A_1805 : vector<8x640xi32>
      %shift_left3A_1807 = arith.constant 24 : i32
      %shift_left3A_1808 = vector.broadcast %shift_left3A_1807 : i32 to vector<8x640xi32>
      %shift_left3A_1809 = arith.shli %xor3A_1805, %shift_left3A_1808 : vector<8x640xi32>
      %shift_right_logical3A_1810 = arith.constant 8 : i32
      %shift_right_logical3A_1811 = vector.broadcast %shift_right_logical3A_1810 : i32 to vector<8x640xi32>
      %shift_right_logical3A_1812 = arith.shrui %xor3A_1805, %shift_right_logical3A_1811 : vector<8x640xi32>
      %or3A_1813 = arith.ori %shift_left3A_1809, %shift_right_logical3A_1812 : vector<8x640xi32>
      %xor3A_1814 = arith.xori %add3A_1806, %or3A_1813 : vector<8x640xi32>
      %add3A_1815 = arith.constant 1724713080 : i32
      %add3A_1816 = vector.broadcast %add3A_1815 : i32 to vector<8x640xi32>
      %add3A_1817 = arith.addi %add3A_1806, %add3A_1816 : vector<8x640xi32>
      %add3A_1818 = arith.constant 1832780945 : i32
      %add3A_1819 = vector.broadcast %add3A_1818 : i32 to vector<8x640xi32>
      %add3A_1820 = arith.addi %xor3A_1814, %add3A_1819 : vector<8x640xi32>
      %add3A_1821 = arith.addi %add3A_1817, %add3A_1820 : vector<8x640xi32>
      %shift_left3A_1822 = arith.constant 13 : i32
      %shift_left3A_1823 = vector.broadcast %shift_left3A_1822 : i32 to vector<8x640xi32>
      %shift_left3A_1824 = arith.shli %add3A_1820, %shift_left3A_1823 : vector<8x640xi32>
      %shift_right_logical3A_1825 = arith.constant 19 : i32
      %shift_right_logical3A_1826 = vector.broadcast %shift_right_logical3A_1825 : i32 to vector<8x640xi32>
      %shift_right_logical3A_1827 = arith.shrui %add3A_1820, %shift_right_logical3A_1826 : vector<8x640xi32>
      %or3A_1828 = arith.ori %shift_left3A_1824, %shift_right_logical3A_1827 : vector<8x640xi32>
      %xor3A_1829 = arith.xori %add3A_1821, %or3A_1828 : vector<8x640xi32>
      %add3A_1830 = arith.addi %add3A_1821, %xor3A_1829 : vector<8x640xi32>
      %shift_left3A_1831 = arith.constant 15 : i32
      %shift_left3A_1832 = vector.broadcast %shift_left3A_1831 : i32 to vector<8x640xi32>
      %shift_left3A_1833 = arith.shli %xor3A_1829, %shift_left3A_1832 : vector<8x640xi32>
      %shift_right_logical3A_1834 = arith.constant 17 : i32
      %shift_right_logical3A_1835 = vector.broadcast %shift_right_logical3A_1834 : i32 to vector<8x640xi32>
      %shift_right_logical3A_1836 = arith.shrui %xor3A_1829, %shift_right_logical3A_1835 : vector<8x640xi32>
      %or3A_1837 = arith.ori %shift_left3A_1833, %shift_right_logical3A_1836 : vector<8x640xi32>
      %xor3A_1838 = arith.xori %add3A_1830, %or3A_1837 : vector<8x640xi32>
      %add3A_1839 = arith.addi %add3A_1830, %xor3A_1838 : vector<8x640xi32>
      %shift_left3A_1840 = arith.constant 26 : i32
      %shift_left3A_1841 = vector.broadcast %shift_left3A_1840 : i32 to vector<8x640xi32>
      %shift_left3A_1842 = arith.shli %xor3A_1838, %shift_left3A_1841 : vector<8x640xi32>
      %shift_right_logical3A_1843 = arith.constant 6 : i32
      %shift_right_logical3A_1844 = vector.broadcast %shift_right_logical3A_1843 : i32 to vector<8x640xi32>
      %shift_right_logical3A_1845 = arith.shrui %xor3A_1838, %shift_right_logical3A_1844 : vector<8x640xi32>
      %or3A_1846 = arith.ori %shift_left3A_1842, %shift_right_logical3A_1845 : vector<8x640xi32>
      %xor3A_1847 = arith.xori %add3A_1839, %or3A_1846 : vector<8x640xi32>
      %add3A_1848 = arith.addi %add3A_1839, %xor3A_1847 : vector<8x640xi32>
      %shift_left3A_1849 = arith.constant 6 : i32
      %shift_left3A_1850 = vector.broadcast %shift_left3A_1849 : i32 to vector<8x640xi32>
      %shift_left3A_1851 = arith.shli %xor3A_1847, %shift_left3A_1850 : vector<8x640xi32>
      %shift_right_logical3A_1852 = arith.constant 26 : i32
      %shift_right_logical3A_1853 = vector.broadcast %shift_right_logical3A_1852 : i32 to vector<8x640xi32>
      %shift_right_logical3A_1854 = arith.shrui %xor3A_1847, %shift_right_logical3A_1853 : vector<8x640xi32>
      %or3A_1855 = arith.ori %shift_left3A_1851, %shift_right_logical3A_1854 : vector<8x640xi32>
      %xor3A_1856 = arith.xori %add3A_1848, %or3A_1855 : vector<8x640xi32>
      %add3A_1857 = arith.constant 1832780943 : i32
      %add3A_1858 = vector.broadcast %add3A_1857 : i32 to vector<8x640xi32>
      %add3A_1859 = arith.addi %add3A_1848, %add3A_1858 : vector<8x640xi32>
      %add3A_1860 = arith.constant 270669616 : i32
      %add3A_1861 = vector.broadcast %add3A_1860 : i32 to vector<8x640xi32>
      %add3A_1862 = arith.addi %xor3A_1856, %add3A_1861 : vector<8x640xi32>
      %add3A_1863 = arith.addi %add3A_1859, %add3A_1862 : vector<8x640xi32>
      %shift_left3A_1864 = arith.constant 17 : i32
      %shift_left3A_1865 = vector.broadcast %shift_left3A_1864 : i32 to vector<8x640xi32>
      %shift_left3A_1866 = arith.shli %add3A_1862, %shift_left3A_1865 : vector<8x640xi32>
      %shift_right_logical3A_1867 = arith.constant 15 : i32
      %shift_right_logical3A_1868 = vector.broadcast %shift_right_logical3A_1867 : i32 to vector<8x640xi32>
      %shift_right_logical3A_1869 = arith.shrui %add3A_1862, %shift_right_logical3A_1868 : vector<8x640xi32>
      %or3A_1870 = arith.ori %shift_left3A_1866, %shift_right_logical3A_1869 : vector<8x640xi32>
      %xor3A_1871 = arith.xori %add3A_1863, %or3A_1870 : vector<8x640xi32>
      %add3A_1872 = arith.addi %add3A_1863, %xor3A_1871 : vector<8x640xi32>
      %shift_left3A_1873 = arith.constant 29 : i32
      %shift_left3A_1874 = vector.broadcast %shift_left3A_1873 : i32 to vector<8x640xi32>
      %shift_left3A_1875 = arith.shli %xor3A_1871, %shift_left3A_1874 : vector<8x640xi32>
      %shift_right_logical3A_1876 = arith.constant 3 : i32
      %shift_right_logical3A_1877 = vector.broadcast %shift_right_logical3A_1876 : i32 to vector<8x640xi32>
      %shift_right_logical3A_1878 = arith.shrui %xor3A_1871, %shift_right_logical3A_1877 : vector<8x640xi32>
      %or3A_1879 = arith.ori %shift_left3A_1875, %shift_right_logical3A_1878 : vector<8x640xi32>
      %xor3A_1880 = arith.xori %add3A_1872, %or3A_1879 : vector<8x640xi32>
      %add3A_1881 = arith.addi %add3A_1872, %xor3A_1880 : vector<8x640xi32>
      %shift_left3A_1882 = arith.constant 16 : i32
      %shift_left3A_1883 = vector.broadcast %shift_left3A_1882 : i32 to vector<8x640xi32>
      %shift_left3A_1884 = arith.shli %xor3A_1880, %shift_left3A_1883 : vector<8x640xi32>
      %shift_right_logical3A_1885 = arith.constant 16 : i32
      %shift_right_logical3A_1886 = vector.broadcast %shift_right_logical3A_1885 : i32 to vector<8x640xi32>
      %shift_right_logical3A_1887 = arith.shrui %xor3A_1880, %shift_right_logical3A_1886 : vector<8x640xi32>
      %or3A_1888 = arith.ori %shift_left3A_1884, %shift_right_logical3A_1887 : vector<8x640xi32>
      %xor3A_1889 = arith.xori %add3A_1881, %or3A_1888 : vector<8x640xi32>
      %add3A_1890 = arith.addi %add3A_1881, %xor3A_1889 : vector<8x640xi32>
      %shift_left3A_1891 = arith.constant 24 : i32
      %shift_left3A_1892 = vector.broadcast %shift_left3A_1891 : i32 to vector<8x640xi32>
      %shift_left3A_1893 = arith.shli %xor3A_1889, %shift_left3A_1892 : vector<8x640xi32>
      %shift_right_logical3A_1894 = arith.constant 8 : i32
      %shift_right_logical3A_1895 = vector.broadcast %shift_right_logical3A_1894 : i32 to vector<8x640xi32>
      %shift_right_logical3A_1896 = arith.shrui %xor3A_1889, %shift_right_logical3A_1895 : vector<8x640xi32>
      %or3A_1897 = arith.ori %shift_left3A_1893, %shift_right_logical3A_1896 : vector<8x640xi32>
      %xor3A_1898 = arith.xori %add3A_1890, %or3A_1897 : vector<8x640xi32>
      %add3A_1899 = arith.constant 270669613 : i32
      %add3A_1900 = vector.broadcast %add3A_1899 : i32 to vector<8x640xi32>
      %add3A_1901 = arith.addi %add3A_1890, %add3A_1900 : vector<8x640xi32>
      %add3A_1902 = arith.constant 1724713084 : i32
      %add3A_1903 = vector.broadcast %add3A_1902 : i32 to vector<8x640xi32>
      %add3A_1904 = arith.addi %xor3A_1898, %add3A_1903 : vector<8x640xi32>
      %add3A_1905 = arith.addi %add3A_1901, %add3A_1904 : vector<8x640xi32>
      %shift_left3A_1906 = arith.constant 13 : i32
      %shift_left3A_1907 = vector.broadcast %shift_left3A_1906 : i32 to vector<8x640xi32>
      %shift_left3A_1908 = arith.shli %add3A_1904, %shift_left3A_1907 : vector<8x640xi32>
      %shift_right_logical3A_1909 = arith.constant 19 : i32
      %shift_right_logical3A_1910 = vector.broadcast %shift_right_logical3A_1909 : i32 to vector<8x640xi32>
      %shift_right_logical3A_1911 = arith.shrui %add3A_1904, %shift_right_logical3A_1910 : vector<8x640xi32>
      %or3A_1912 = arith.ori %shift_left3A_1908, %shift_right_logical3A_1911 : vector<8x640xi32>
      %xor3A_1913 = arith.xori %add3A_1905, %or3A_1912 : vector<8x640xi32>
      %add3A_1914 = arith.addi %add3A_1905, %xor3A_1913 : vector<8x640xi32>
      %shift_left3A_1915 = arith.constant 15 : i32
      %shift_left3A_1916 = vector.broadcast %shift_left3A_1915 : i32 to vector<8x640xi32>
      %shift_left3A_1917 = arith.shli %xor3A_1913, %shift_left3A_1916 : vector<8x640xi32>
      %shift_right_logical3A_1918 = arith.constant 17 : i32
      %shift_right_logical3A_1919 = vector.broadcast %shift_right_logical3A_1918 : i32 to vector<8x640xi32>
      %shift_right_logical3A_1920 = arith.shrui %xor3A_1913, %shift_right_logical3A_1919 : vector<8x640xi32>
      %or3A_1921 = arith.ori %shift_left3A_1917, %shift_right_logical3A_1920 : vector<8x640xi32>
      %xor3A_1922 = arith.xori %add3A_1914, %or3A_1921 : vector<8x640xi32>
      %add3A_1923 = arith.addi %add3A_1914, %xor3A_1922 : vector<8x640xi32>
      %shift_left3A_1924 = arith.constant 26 : i32
      %shift_left3A_1925 = vector.broadcast %shift_left3A_1924 : i32 to vector<8x640xi32>
      %shift_left3A_1926 = arith.shli %xor3A_1922, %shift_left3A_1925 : vector<8x640xi32>
      %shift_right_logical3A_1927 = arith.constant 6 : i32
      %shift_right_logical3A_1928 = vector.broadcast %shift_right_logical3A_1927 : i32 to vector<8x640xi32>
      %shift_right_logical3A_1929 = arith.shrui %xor3A_1922, %shift_right_logical3A_1928 : vector<8x640xi32>
      %or3A_1930 = arith.ori %shift_left3A_1926, %shift_right_logical3A_1929 : vector<8x640xi32>
      %xor3A_1931 = arith.xori %add3A_1923, %or3A_1930 : vector<8x640xi32>
      %add3A_1932 = arith.addi %add3A_1923, %xor3A_1931 : vector<8x640xi32>
      %shift_left3A_1933 = arith.constant 6 : i32
      %shift_left3A_1934 = vector.broadcast %shift_left3A_1933 : i32 to vector<8x640xi32>
      %shift_left3A_1935 = arith.shli %xor3A_1931, %shift_left3A_1934 : vector<8x640xi32>
      %shift_right_logical3A_1936 = arith.constant 26 : i32
      %shift_right_logical3A_1937 = vector.broadcast %shift_right_logical3A_1936 : i32 to vector<8x640xi32>
      %shift_right_logical3A_1938 = arith.shrui %xor3A_1931, %shift_right_logical3A_1937 : vector<8x640xi32>
      %or3A_1939 = arith.ori %shift_left3A_1935, %shift_right_logical3A_1938 : vector<8x640xi32>
      %xor3A_1940 = arith.xori %add3A_1932, %or3A_1939 : vector<8x640xi32>
      %add3A_1941 = arith.constant 1724713080 : i32
      %add3A_1942 = vector.broadcast %add3A_1941 : i32 to vector<8x640xi32>
      %add3A_1943 = arith.addi %add3A_1932, %add3A_1942 : vector<8x640xi32>
      %add3A_1944 = arith.constant 1832780948 : i32
      %add3A_1945 = vector.broadcast %add3A_1944 : i32 to vector<8x640xi32>
      %add3A_1946 = arith.addi %xor3A_1940, %add3A_1945 : vector<8x640xi32>
      %xor3A_1947 = arith.xori %add3A_1943, %add3A_1946 : vector<8x640xi32>
      %shift_right_logical3A_1948 = arith.constant 9 : i32
      %shift_right_logical3A_1949 = vector.broadcast %shift_right_logical3A_1948 : i32 to vector<8x640xi32>
      %shift_right_logical3A_1950 = arith.shrui %xor3A_1947, %shift_right_logical3A_1949 : vector<8x640xi32>
      %or3A_1951 = arith.constant 1065353216 : i32
      %or3A_1952 = vector.broadcast %or3A_1951 : i32 to vector<8x640xi32>
      %or3A_1953 = arith.ori %shift_right_logical3A_1950, %or3A_1952 : vector<8x640xi32>
      %bitcast_convert_type3A_1954 = tpu.bitcast %or3A_1953 : vector<8x640xi32> -> vector<8x640xf32>
      %sub3A_1955 = arith.constant 1.000000e+00 : f32
      %sub3A_1956 = vector.broadcast %sub3A_1955 : f32 to vector<8x640xf32>
      %sub3A_1957 = arith.subf %bitcast_convert_type3A_1954, %sub3A_1956 : vector<8x640xf32>
      %get3A_1958 = arith.index_cast %add3A_1730 : i32 to index
      %get3A_1959 = arith.constant 0 : index
      %get3A_1960 = arith.constant 0 : index
      %get3A_1961 = vector.load %arg1[%get3A_1958, %get3A_1959, %get3A_1960] : memref<125x8x640xf32, #tpu.memory_space<vmem>>, vector<1x8x640xf32>
      %get3A_1962 = vector.shape_cast %get3A_1961 : vector<1x8x640xf32> to vector<8x640xf32>
      %log3A_1963 = math.log %sub3A_1957 : vector<8x640xf32>
      %log3A_1964 = arith.constant 2.000000e+00 : f32
      %log3A_1965 = math.log %log3A_1964 : f32
      %div3A_1966 = vector.broadcast %log3A_1965 : f32 to vector<8x640xf32>
      %div3A_1967 = arith.divf %log3A_1963, %div3A_1966 : vector<8x640xf32>
      %mul3A_1968 = arith.mulf %div3A_1967, %get3A_1962 : vector<8x640xf32>
      %lt3A_1969 = arith.cmpf olt, %mul3A_1968, %select_n3A_1724 : vector<8x640xf32>
      %select_n3A_1970 = arith.select %lt3A_1969, %mul3A_1968, %select_n3A_1724 : vector<8x640xi1>, vector<8x640xf32>
      %broadcast_in_dim3A_1971 = vector.broadcast %add3A_1730 : i32 to vector<8x640xi32>
      %select_n3A_1972 = arith.select %lt3A_1969, %broadcast_in_dim3A_1971, %select_n3A_1726 : vector<8x640xi1>, vector<8x640xi32>
      %mul3A_1973 = arith.constant 12 : i32
      %mul3A_1974 = arith.muli %mul3A_1973, %scan3A_1232 : i32
      %add3A_1975 = arith.constant 3 : i32
      %add3A_1976 = arith.addi %mul3A_1974, %add3A_1975 : i32
      %mul3A_1977 = arith.constant 640 : i32
      %mul3A_1978 = arith.muli %add3A_1976, %mul3A_1977 : i32
      %add3A_1979 = vector.broadcast %mul3A_1978 : i32 to vector<8x640xi32>
      %add3A_1980 = arith.addi %add3A_9, %add3A_1979 : vector<8x640xi32>
      %add3A_1981 = arith.constant 1832780943 : i32
      %add3A_1982 = vector.broadcast %add3A_1981 : i32 to vector<8x640xi32>
      %add3A_1983 = arith.addi %add3A_1980, %add3A_1982 : vector<8x640xi32>
      %shift_left3A_1984 = arith.constant 13 : i32
      %shift_left3A_1985 = vector.broadcast %shift_left3A_1984 : i32 to vector<8x640xi32>
      %shift_left3A_1986 = arith.shli %add3A_1980, %shift_left3A_1985 : vector<8x640xi32>
      %shift_right_logical3A_1987 = arith.constant 19 : i32
      %shift_right_logical3A_1988 = vector.broadcast %shift_right_logical3A_1987 : i32 to vector<8x640xi32>
      %shift_right_logical3A_1989 = arith.shrui %add3A_1980, %shift_right_logical3A_1988 : vector<8x640xi32>
      %or3A_1990 = arith.ori %shift_left3A_1986, %shift_right_logical3A_1989 : vector<8x640xi32>
      %xor3A_1991 = arith.xori %add3A_1983, %or3A_1990 : vector<8x640xi32>
      %add3A_1992 = arith.addi %add3A_1983, %xor3A_1991 : vector<8x640xi32>
      %shift_left3A_1993 = arith.constant 15 : i32
      %shift_left3A_1994 = vector.broadcast %shift_left3A_1993 : i32 to vector<8x640xi32>
      %shift_left3A_1995 = arith.shli %xor3A_1991, %shift_left3A_1994 : vector<8x640xi32>
      %shift_right_logical3A_1996 = arith.constant 17 : i32
      %shift_right_logical3A_1997 = vector.broadcast %shift_right_logical3A_1996 : i32 to vector<8x640xi32>
      %shift_right_logical3A_1998 = arith.shrui %xor3A_1991, %shift_right_logical3A_1997 : vector<8x640xi32>
      %or3A_1999 = arith.ori %shift_left3A_1995, %shift_right_logical3A_1998 : vector<8x640xi32>
      %xor3A_2000 = arith.xori %add3A_1992, %or3A_1999 : vector<8x640xi32>
      %add3A_2001 = arith.addi %add3A_1992, %xor3A_2000 : vector<8x640xi32>
      %shift_left3A_2002 = arith.constant 26 : i32
      %shift_left3A_2003 = vector.broadcast %shift_left3A_2002 : i32 to vector<8x640xi32>
      %shift_left3A_2004 = arith.shli %xor3A_2000, %shift_left3A_2003 : vector<8x640xi32>
      %shift_right_logical3A_2005 = arith.constant 6 : i32
      %shift_right_logical3A_2006 = vector.broadcast %shift_right_logical3A_2005 : i32 to vector<8x640xi32>
      %shift_right_logical3A_2007 = arith.shrui %xor3A_2000, %shift_right_logical3A_2006 : vector<8x640xi32>
      %or3A_2008 = arith.ori %shift_left3A_2004, %shift_right_logical3A_2007 : vector<8x640xi32>
      %xor3A_2009 = arith.xori %add3A_2001, %or3A_2008 : vector<8x640xi32>
      %add3A_2010 = arith.addi %add3A_2001, %xor3A_2009 : vector<8x640xi32>
      %shift_left3A_2011 = arith.constant 6 : i32
      %shift_left3A_2012 = vector.broadcast %shift_left3A_2011 : i32 to vector<8x640xi32>
      %shift_left3A_2013 = arith.shli %xor3A_2009, %shift_left3A_2012 : vector<8x640xi32>
      %shift_right_logical3A_2014 = arith.constant 26 : i32
      %shift_right_logical3A_2015 = vector.broadcast %shift_right_logical3A_2014 : i32 to vector<8x640xi32>
      %shift_right_logical3A_2016 = arith.shrui %xor3A_2009, %shift_right_logical3A_2015 : vector<8x640xi32>
      %or3A_2017 = arith.ori %shift_left3A_2013, %shift_right_logical3A_2016 : vector<8x640xi32>
      %xor3A_2018 = arith.xori %add3A_2010, %or3A_2017 : vector<8x640xi32>
      %add3A_2019 = arith.constant 270669613 : i32
      %add3A_2020 = vector.broadcast %add3A_2019 : i32 to vector<8x640xi32>
      %add3A_2021 = arith.addi %add3A_2010, %add3A_2020 : vector<8x640xi32>
      %add3A_2022 = arith.constant 1724713081 : i32
      %add3A_2023 = vector.broadcast %add3A_2022 : i32 to vector<8x640xi32>
      %add3A_2024 = arith.addi %xor3A_2018, %add3A_2023 : vector<8x640xi32>
      %add3A_2025 = arith.addi %add3A_2021, %add3A_2024 : vector<8x640xi32>
      %shift_left3A_2026 = arith.constant 17 : i32
      %shift_left3A_2027 = vector.broadcast %shift_left3A_2026 : i32 to vector<8x640xi32>
      %shift_left3A_2028 = arith.shli %add3A_2024, %shift_left3A_2027 : vector<8x640xi32>
      %shift_right_logical3A_2029 = arith.constant 15 : i32
      %shift_right_logical3A_2030 = vector.broadcast %shift_right_logical3A_2029 : i32 to vector<8x640xi32>
      %shift_right_logical3A_2031 = arith.shrui %add3A_2024, %shift_right_logical3A_2030 : vector<8x640xi32>
      %or3A_2032 = arith.ori %shift_left3A_2028, %shift_right_logical3A_2031 : vector<8x640xi32>
      %xor3A_2033 = arith.xori %add3A_2025, %or3A_2032 : vector<8x640xi32>
      %add3A_2034 = arith.addi %add3A_2025, %xor3A_2033 : vector<8x640xi32>
      %shift_left3A_2035 = arith.constant 29 : i32
      %shift_left3A_2036 = vector.broadcast %shift_left3A_2035 : i32 to vector<8x640xi32>
      %shift_left3A_2037 = arith.shli %xor3A_2033, %shift_left3A_2036 : vector<8x640xi32>
      %shift_right_logical3A_2038 = arith.constant 3 : i32
      %shift_right_logical3A_2039 = vector.broadcast %shift_right_logical3A_2038 : i32 to vector<8x640xi32>
      %shift_right_logical3A_2040 = arith.shrui %xor3A_2033, %shift_right_logical3A_2039 : vector<8x640xi32>
      %or3A_2041 = arith.ori %shift_left3A_2037, %shift_right_logical3A_2040 : vector<8x640xi32>
      %xor3A_2042 = arith.xori %add3A_2034, %or3A_2041 : vector<8x640xi32>
      %add3A_2043 = arith.addi %add3A_2034, %xor3A_2042 : vector<8x640xi32>
      %shift_left3A_2044 = arith.constant 16 : i32
      %shift_left3A_2045 = vector.broadcast %shift_left3A_2044 : i32 to vector<8x640xi32>
      %shift_left3A_2046 = arith.shli %xor3A_2042, %shift_left3A_2045 : vector<8x640xi32>
      %shift_right_logical3A_2047 = arith.constant 16 : i32
      %shift_right_logical3A_2048 = vector.broadcast %shift_right_logical3A_2047 : i32 to vector<8x640xi32>
      %shift_right_logical3A_2049 = arith.shrui %xor3A_2042, %shift_right_logical3A_2048 : vector<8x640xi32>
      %or3A_2050 = arith.ori %shift_left3A_2046, %shift_right_logical3A_2049 : vector<8x640xi32>
      %xor3A_2051 = arith.xori %add3A_2043, %or3A_2050 : vector<8x640xi32>
      %add3A_2052 = arith.addi %add3A_2043, %xor3A_2051 : vector<8x640xi32>
      %shift_left3A_2053 = arith.constant 24 : i32
      %shift_left3A_2054 = vector.broadcast %shift_left3A_2053 : i32 to vector<8x640xi32>
      %shift_left3A_2055 = arith.shli %xor3A_2051, %shift_left3A_2054 : vector<8x640xi32>
      %shift_right_logical3A_2056 = arith.constant 8 : i32
      %shift_right_logical3A_2057 = vector.broadcast %shift_right_logical3A_2056 : i32 to vector<8x640xi32>
      %shift_right_logical3A_2058 = arith.shrui %xor3A_2051, %shift_right_logical3A_2057 : vector<8x640xi32>
      %or3A_2059 = arith.ori %shift_left3A_2055, %shift_right_logical3A_2058 : vector<8x640xi32>
      %xor3A_2060 = arith.xori %add3A_2052, %or3A_2059 : vector<8x640xi32>
      %add3A_2061 = arith.constant 1724713080 : i32
      %add3A_2062 = vector.broadcast %add3A_2061 : i32 to vector<8x640xi32>
      %add3A_2063 = arith.addi %add3A_2052, %add3A_2062 : vector<8x640xi32>
      %add3A_2064 = arith.constant 1832780945 : i32
      %add3A_2065 = vector.broadcast %add3A_2064 : i32 to vector<8x640xi32>
      %add3A_2066 = arith.addi %xor3A_2060, %add3A_2065 : vector<8x640xi32>
      %add3A_2067 = arith.addi %add3A_2063, %add3A_2066 : vector<8x640xi32>
      %shift_left3A_2068 = arith.constant 13 : i32
      %shift_left3A_2069 = vector.broadcast %shift_left3A_2068 : i32 to vector<8x640xi32>
      %shift_left3A_2070 = arith.shli %add3A_2066, %shift_left3A_2069 : vector<8x640xi32>
      %shift_right_logical3A_2071 = arith.constant 19 : i32
      %shift_right_logical3A_2072 = vector.broadcast %shift_right_logical3A_2071 : i32 to vector<8x640xi32>
      %shift_right_logical3A_2073 = arith.shrui %add3A_2066, %shift_right_logical3A_2072 : vector<8x640xi32>
      %or3A_2074 = arith.ori %shift_left3A_2070, %shift_right_logical3A_2073 : vector<8x640xi32>
      %xor3A_2075 = arith.xori %add3A_2067, %or3A_2074 : vector<8x640xi32>
      %add3A_2076 = arith.addi %add3A_2067, %xor3A_2075 : vector<8x640xi32>
      %shift_left3A_2077 = arith.constant 15 : i32
      %shift_left3A_2078 = vector.broadcast %shift_left3A_2077 : i32 to vector<8x640xi32>
      %shift_left3A_2079 = arith.shli %xor3A_2075, %shift_left3A_2078 : vector<8x640xi32>
      %shift_right_logical3A_2080 = arith.constant 17 : i32
      %shift_right_logical3A_2081 = vector.broadcast %shift_right_logical3A_2080 : i32 to vector<8x640xi32>
      %shift_right_logical3A_2082 = arith.shrui %xor3A_2075, %shift_right_logical3A_2081 : vector<8x640xi32>
      %or3A_2083 = arith.ori %shift_left3A_2079, %shift_right_logical3A_2082 : vector<8x640xi32>
      %xor3A_2084 = arith.xori %add3A_2076, %or3A_2083 : vector<8x640xi32>
      %add3A_2085 = arith.addi %add3A_2076, %xor3A_2084 : vector<8x640xi32>
      %shift_left3A_2086 = arith.constant 26 : i32
      %shift_left3A_2087 = vector.broadcast %shift_left3A_2086 : i32 to vector<8x640xi32>
      %shift_left3A_2088 = arith.shli %xor3A_2084, %shift_left3A_2087 : vector<8x640xi32>
      %shift_right_logical3A_2089 = arith.constant 6 : i32
      %shift_right_logical3A_2090 = vector.broadcast %shift_right_logical3A_2089 : i32 to vector<8x640xi32>
      %shift_right_logical3A_2091 = arith.shrui %xor3A_2084, %shift_right_logical3A_2090 : vector<8x640xi32>
      %or3A_2092 = arith.ori %shift_left3A_2088, %shift_right_logical3A_2091 : vector<8x640xi32>
      %xor3A_2093 = arith.xori %add3A_2085, %or3A_2092 : vector<8x640xi32>
      %add3A_2094 = arith.addi %add3A_2085, %xor3A_2093 : vector<8x640xi32>
      %shift_left3A_2095 = arith.constant 6 : i32
      %shift_left3A_2096 = vector.broadcast %shift_left3A_2095 : i32 to vector<8x640xi32>
      %shift_left3A_2097 = arith.shli %xor3A_2093, %shift_left3A_2096 : vector<8x640xi32>
      %shift_right_logical3A_2098 = arith.constant 26 : i32
      %shift_right_logical3A_2099 = vector.broadcast %shift_right_logical3A_2098 : i32 to vector<8x640xi32>
      %shift_right_logical3A_2100 = arith.shrui %xor3A_2093, %shift_right_logical3A_2099 : vector<8x640xi32>
      %or3A_2101 = arith.ori %shift_left3A_2097, %shift_right_logical3A_2100 : vector<8x640xi32>
      %xor3A_2102 = arith.xori %add3A_2094, %or3A_2101 : vector<8x640xi32>
      %add3A_2103 = arith.constant 1832780943 : i32
      %add3A_2104 = vector.broadcast %add3A_2103 : i32 to vector<8x640xi32>
      %add3A_2105 = arith.addi %add3A_2094, %add3A_2104 : vector<8x640xi32>
      %add3A_2106 = arith.constant 270669616 : i32
      %add3A_2107 = vector.broadcast %add3A_2106 : i32 to vector<8x640xi32>
      %add3A_2108 = arith.addi %xor3A_2102, %add3A_2107 : vector<8x640xi32>
      %add3A_2109 = arith.addi %add3A_2105, %add3A_2108 : vector<8x640xi32>
      %shift_left3A_2110 = arith.constant 17 : i32
      %shift_left3A_2111 = vector.broadcast %shift_left3A_2110 : i32 to vector<8x640xi32>
      %shift_left3A_2112 = arith.shli %add3A_2108, %shift_left3A_2111 : vector<8x640xi32>
      %shift_right_logical3A_2113 = arith.constant 15 : i32
      %shift_right_logical3A_2114 = vector.broadcast %shift_right_logical3A_2113 : i32 to vector<8x640xi32>
      %shift_right_logical3A_2115 = arith.shrui %add3A_2108, %shift_right_logical3A_2114 : vector<8x640xi32>
      %or3A_2116 = arith.ori %shift_left3A_2112, %shift_right_logical3A_2115 : vector<8x640xi32>
      %xor3A_2117 = arith.xori %add3A_2109, %or3A_2116 : vector<8x640xi32>
      %add3A_2118 = arith.addi %add3A_2109, %xor3A_2117 : vector<8x640xi32>
      %shift_left3A_2119 = arith.constant 29 : i32
      %shift_left3A_2120 = vector.broadcast %shift_left3A_2119 : i32 to vector<8x640xi32>
      %shift_left3A_2121 = arith.shli %xor3A_2117, %shift_left3A_2120 : vector<8x640xi32>
      %shift_right_logical3A_2122 = arith.constant 3 : i32
      %shift_right_logical3A_2123 = vector.broadcast %shift_right_logical3A_2122 : i32 to vector<8x640xi32>
      %shift_right_logical3A_2124 = arith.shrui %xor3A_2117, %shift_right_logical3A_2123 : vector<8x640xi32>
      %or3A_2125 = arith.ori %shift_left3A_2121, %shift_right_logical3A_2124 : vector<8x640xi32>
      %xor3A_2126 = arith.xori %add3A_2118, %or3A_2125 : vector<8x640xi32>
      %add3A_2127 = arith.addi %add3A_2118, %xor3A_2126 : vector<8x640xi32>
      %shift_left3A_2128 = arith.constant 16 : i32
      %shift_left3A_2129 = vector.broadcast %shift_left3A_2128 : i32 to vector<8x640xi32>
      %shift_left3A_2130 = arith.shli %xor3A_2126, %shift_left3A_2129 : vector<8x640xi32>
      %shift_right_logical3A_2131 = arith.constant 16 : i32
      %shift_right_logical3A_2132 = vector.broadcast %shift_right_logical3A_2131 : i32 to vector<8x640xi32>
      %shift_right_logical3A_2133 = arith.shrui %xor3A_2126, %shift_right_logical3A_2132 : vector<8x640xi32>
      %or3A_2134 = arith.ori %shift_left3A_2130, %shift_right_logical3A_2133 : vector<8x640xi32>
      %xor3A_2135 = arith.xori %add3A_2127, %or3A_2134 : vector<8x640xi32>
      %add3A_2136 = arith.addi %add3A_2127, %xor3A_2135 : vector<8x640xi32>
      %shift_left3A_2137 = arith.constant 24 : i32
      %shift_left3A_2138 = vector.broadcast %shift_left3A_2137 : i32 to vector<8x640xi32>
      %shift_left3A_2139 = arith.shli %xor3A_2135, %shift_left3A_2138 : vector<8x640xi32>
      %shift_right_logical3A_2140 = arith.constant 8 : i32
      %shift_right_logical3A_2141 = vector.broadcast %shift_right_logical3A_2140 : i32 to vector<8x640xi32>
      %shift_right_logical3A_2142 = arith.shrui %xor3A_2135, %shift_right_logical3A_2141 : vector<8x640xi32>
      %or3A_2143 = arith.ori %shift_left3A_2139, %shift_right_logical3A_2142 : vector<8x640xi32>
      %xor3A_2144 = arith.xori %add3A_2136, %or3A_2143 : vector<8x640xi32>
      %add3A_2145 = arith.constant 270669613 : i32
      %add3A_2146 = vector.broadcast %add3A_2145 : i32 to vector<8x640xi32>
      %add3A_2147 = arith.addi %add3A_2136, %add3A_2146 : vector<8x640xi32>
      %add3A_2148 = arith.constant 1724713084 : i32
      %add3A_2149 = vector.broadcast %add3A_2148 : i32 to vector<8x640xi32>
      %add3A_2150 = arith.addi %xor3A_2144, %add3A_2149 : vector<8x640xi32>
      %add3A_2151 = arith.addi %add3A_2147, %add3A_2150 : vector<8x640xi32>
      %shift_left3A_2152 = arith.constant 13 : i32
      %shift_left3A_2153 = vector.broadcast %shift_left3A_2152 : i32 to vector<8x640xi32>
      %shift_left3A_2154 = arith.shli %add3A_2150, %shift_left3A_2153 : vector<8x640xi32>
      %shift_right_logical3A_2155 = arith.constant 19 : i32
      %shift_right_logical3A_2156 = vector.broadcast %shift_right_logical3A_2155 : i32 to vector<8x640xi32>
      %shift_right_logical3A_2157 = arith.shrui %add3A_2150, %shift_right_logical3A_2156 : vector<8x640xi32>
      %or3A_2158 = arith.ori %shift_left3A_2154, %shift_right_logical3A_2157 : vector<8x640xi32>
      %xor3A_2159 = arith.xori %add3A_2151, %or3A_2158 : vector<8x640xi32>
      %add3A_2160 = arith.addi %add3A_2151, %xor3A_2159 : vector<8x640xi32>
      %shift_left3A_2161 = arith.constant 15 : i32
      %shift_left3A_2162 = vector.broadcast %shift_left3A_2161 : i32 to vector<8x640xi32>
      %shift_left3A_2163 = arith.shli %xor3A_2159, %shift_left3A_2162 : vector<8x640xi32>
      %shift_right_logical3A_2164 = arith.constant 17 : i32
      %shift_right_logical3A_2165 = vector.broadcast %shift_right_logical3A_2164 : i32 to vector<8x640xi32>
      %shift_right_logical3A_2166 = arith.shrui %xor3A_2159, %shift_right_logical3A_2165 : vector<8x640xi32>
      %or3A_2167 = arith.ori %shift_left3A_2163, %shift_right_logical3A_2166 : vector<8x640xi32>
      %xor3A_2168 = arith.xori %add3A_2160, %or3A_2167 : vector<8x640xi32>
      %add3A_2169 = arith.addi %add3A_2160, %xor3A_2168 : vector<8x640xi32>
      %shift_left3A_2170 = arith.constant 26 : i32
      %shift_left3A_2171 = vector.broadcast %shift_left3A_2170 : i32 to vector<8x640xi32>
      %shift_left3A_2172 = arith.shli %xor3A_2168, %shift_left3A_2171 : vector<8x640xi32>
      %shift_right_logical3A_2173 = arith.constant 6 : i32
      %shift_right_logical3A_2174 = vector.broadcast %shift_right_logical3A_2173 : i32 to vector<8x640xi32>
      %shift_right_logical3A_2175 = arith.shrui %xor3A_2168, %shift_right_logical3A_2174 : vector<8x640xi32>
      %or3A_2176 = arith.ori %shift_left3A_2172, %shift_right_logical3A_2175 : vector<8x640xi32>
      %xor3A_2177 = arith.xori %add3A_2169, %or3A_2176 : vector<8x640xi32>
      %add3A_2178 = arith.addi %add3A_2169, %xor3A_2177 : vector<8x640xi32>
      %shift_left3A_2179 = arith.constant 6 : i32
      %shift_left3A_2180 = vector.broadcast %shift_left3A_2179 : i32 to vector<8x640xi32>
      %shift_left3A_2181 = arith.shli %xor3A_2177, %shift_left3A_2180 : vector<8x640xi32>
      %shift_right_logical3A_2182 = arith.constant 26 : i32
      %shift_right_logical3A_2183 = vector.broadcast %shift_right_logical3A_2182 : i32 to vector<8x640xi32>
      %shift_right_logical3A_2184 = arith.shrui %xor3A_2177, %shift_right_logical3A_2183 : vector<8x640xi32>
      %or3A_2185 = arith.ori %shift_left3A_2181, %shift_right_logical3A_2184 : vector<8x640xi32>
      %xor3A_2186 = arith.xori %add3A_2178, %or3A_2185 : vector<8x640xi32>
      %add3A_2187 = arith.constant 1724713080 : i32
      %add3A_2188 = vector.broadcast %add3A_2187 : i32 to vector<8x640xi32>
      %add3A_2189 = arith.addi %add3A_2178, %add3A_2188 : vector<8x640xi32>
      %add3A_2190 = arith.constant 1832780948 : i32
      %add3A_2191 = vector.broadcast %add3A_2190 : i32 to vector<8x640xi32>
      %add3A_2192 = arith.addi %xor3A_2186, %add3A_2191 : vector<8x640xi32>
      %xor3A_2193 = arith.xori %add3A_2189, %add3A_2192 : vector<8x640xi32>
      %shift_right_logical3A_2194 = arith.constant 9 : i32
      %shift_right_logical3A_2195 = vector.broadcast %shift_right_logical3A_2194 : i32 to vector<8x640xi32>
      %shift_right_logical3A_2196 = arith.shrui %xor3A_2193, %shift_right_logical3A_2195 : vector<8x640xi32>
      %or3A_2197 = arith.constant 1065353216 : i32
      %or3A_2198 = vector.broadcast %or3A_2197 : i32 to vector<8x640xi32>
      %or3A_2199 = arith.ori %shift_right_logical3A_2196, %or3A_2198 : vector<8x640xi32>
      %bitcast_convert_type3A_2200 = tpu.bitcast %or3A_2199 : vector<8x640xi32> -> vector<8x640xf32>
      %sub3A_2201 = arith.constant 1.000000e+00 : f32
      %sub3A_2202 = vector.broadcast %sub3A_2201 : f32 to vector<8x640xf32>
      %sub3A_2203 = arith.subf %bitcast_convert_type3A_2200, %sub3A_2202 : vector<8x640xf32>
      %get3A_2204 = arith.index_cast %add3A_1976 : i32 to index
      %get3A_2205 = arith.constant 0 : index
      %get3A_2206 = arith.constant 0 : index
      %get3A_2207 = vector.load %arg1[%get3A_2204, %get3A_2205, %get3A_2206] : memref<125x8x640xf32, #tpu.memory_space<vmem>>, vector<1x8x640xf32>
      %get3A_2208 = vector.shape_cast %get3A_2207 : vector<1x8x640xf32> to vector<8x640xf32>
      %log3A_2209 = math.log %sub3A_2203 : vector<8x640xf32>
      %log3A_2210 = arith.constant 2.000000e+00 : f32
      %log3A_2211 = math.log %log3A_2210 : f32
      %div3A_2212 = vector.broadcast %log3A_2211 : f32 to vector<8x640xf32>
      %div3A_2213 = arith.divf %log3A_2209, %div3A_2212 : vector<8x640xf32>
      %mul3A_2214 = arith.mulf %div3A_2213, %get3A_2208 : vector<8x640xf32>
      %lt3A_2215 = arith.cmpf olt, %mul3A_2214, %select_n3A_1970 : vector<8x640xf32>
      %select_n3A_2216 = arith.select %lt3A_2215, %mul3A_2214, %select_n3A_1970 : vector<8x640xi1>, vector<8x640xf32>
      %broadcast_in_dim3A_2217 = vector.broadcast %add3A_1976 : i32 to vector<8x640xi32>
      %select_n3A_2218 = arith.select %lt3A_2215, %broadcast_in_dim3A_2217, %select_n3A_1972 : vector<8x640xi1>, vector<8x640xi32>
      %mul3A_2219 = arith.constant 12 : i32
      %mul3A_2220 = arith.muli %mul3A_2219, %scan3A_1232 : i32
      %add3A_2221 = arith.constant 4 : i32
      %add3A_2222 = arith.addi %mul3A_2220, %add3A_2221 : i32
      %mul3A_2223 = arith.constant 640 : i32
      %mul3A_2224 = arith.muli %add3A_2222, %mul3A_2223 : i32
      %add3A_2225 = vector.broadcast %mul3A_2224 : i32 to vector<8x640xi32>
      %add3A_2226 = arith.addi %add3A_9, %add3A_2225 : vector<8x640xi32>
      %add3A_2227 = arith.constant 1832780943 : i32
      %add3A_2228 = vector.broadcast %add3A_2227 : i32 to vector<8x640xi32>
      %add3A_2229 = arith.addi %add3A_2226, %add3A_2228 : vector<8x640xi32>
      %shift_left3A_2230 = arith.constant 13 : i32
      %shift_left3A_2231 = vector.broadcast %shift_left3A_2230 : i32 to vector<8x640xi32>
      %shift_left3A_2232 = arith.shli %add3A_2226, %shift_left3A_2231 : vector<8x640xi32>
      %shift_right_logical3A_2233 = arith.constant 19 : i32
      %shift_right_logical3A_2234 = vector.broadcast %shift_right_logical3A_2233 : i32 to vector<8x640xi32>
      %shift_right_logical3A_2235 = arith.shrui %add3A_2226, %shift_right_logical3A_2234 : vector<8x640xi32>
      %or3A_2236 = arith.ori %shift_left3A_2232, %shift_right_logical3A_2235 : vector<8x640xi32>
      %xor3A_2237 = arith.xori %add3A_2229, %or3A_2236 : vector<8x640xi32>
      %add3A_2238 = arith.addi %add3A_2229, %xor3A_2237 : vector<8x640xi32>
      %shift_left3A_2239 = arith.constant 15 : i32
      %shift_left3A_2240 = vector.broadcast %shift_left3A_2239 : i32 to vector<8x640xi32>
      %shift_left3A_2241 = arith.shli %xor3A_2237, %shift_left3A_2240 : vector<8x640xi32>
      %shift_right_logical3A_2242 = arith.constant 17 : i32
      %shift_right_logical3A_2243 = vector.broadcast %shift_right_logical3A_2242 : i32 to vector<8x640xi32>
      %shift_right_logical3A_2244 = arith.shrui %xor3A_2237, %shift_right_logical3A_2243 : vector<8x640xi32>
      %or3A_2245 = arith.ori %shift_left3A_2241, %shift_right_logical3A_2244 : vector<8x640xi32>
      %xor3A_2246 = arith.xori %add3A_2238, %or3A_2245 : vector<8x640xi32>
      %add3A_2247 = arith.addi %add3A_2238, %xor3A_2246 : vector<8x640xi32>
      %shift_left3A_2248 = arith.constant 26 : i32
      %shift_left3A_2249 = vector.broadcast %shift_left3A_2248 : i32 to vector<8x640xi32>
      %shift_left3A_2250 = arith.shli %xor3A_2246, %shift_left3A_2249 : vector<8x640xi32>
      %shift_right_logical3A_2251 = arith.constant 6 : i32
      %shift_right_logical3A_2252 = vector.broadcast %shift_right_logical3A_2251 : i32 to vector<8x640xi32>
      %shift_right_logical3A_2253 = arith.shrui %xor3A_2246, %shift_right_logical3A_2252 : vector<8x640xi32>
      %or3A_2254 = arith.ori %shift_left3A_2250, %shift_right_logical3A_2253 : vector<8x640xi32>
      %xor3A_2255 = arith.xori %add3A_2247, %or3A_2254 : vector<8x640xi32>
      %add3A_2256 = arith.addi %add3A_2247, %xor3A_2255 : vector<8x640xi32>
      %shift_left3A_2257 = arith.constant 6 : i32
      %shift_left3A_2258 = vector.broadcast %shift_left3A_2257 : i32 to vector<8x640xi32>
      %shift_left3A_2259 = arith.shli %xor3A_2255, %shift_left3A_2258 : vector<8x640xi32>
      %shift_right_logical3A_2260 = arith.constant 26 : i32
      %shift_right_logical3A_2261 = vector.broadcast %shift_right_logical3A_2260 : i32 to vector<8x640xi32>
      %shift_right_logical3A_2262 = arith.shrui %xor3A_2255, %shift_right_logical3A_2261 : vector<8x640xi32>
      %or3A_2263 = arith.ori %shift_left3A_2259, %shift_right_logical3A_2262 : vector<8x640xi32>
      %xor3A_2264 = arith.xori %add3A_2256, %or3A_2263 : vector<8x640xi32>
      %add3A_2265 = arith.constant 270669613 : i32
      %add3A_2266 = vector.broadcast %add3A_2265 : i32 to vector<8x640xi32>
      %add3A_2267 = arith.addi %add3A_2256, %add3A_2266 : vector<8x640xi32>
      %add3A_2268 = arith.constant 1724713081 : i32
      %add3A_2269 = vector.broadcast %add3A_2268 : i32 to vector<8x640xi32>
      %add3A_2270 = arith.addi %xor3A_2264, %add3A_2269 : vector<8x640xi32>
      %add3A_2271 = arith.addi %add3A_2267, %add3A_2270 : vector<8x640xi32>
      %shift_left3A_2272 = arith.constant 17 : i32
      %shift_left3A_2273 = vector.broadcast %shift_left3A_2272 : i32 to vector<8x640xi32>
      %shift_left3A_2274 = arith.shli %add3A_2270, %shift_left3A_2273 : vector<8x640xi32>
      %shift_right_logical3A_2275 = arith.constant 15 : i32
      %shift_right_logical3A_2276 = vector.broadcast %shift_right_logical3A_2275 : i32 to vector<8x640xi32>
      %shift_right_logical3A_2277 = arith.shrui %add3A_2270, %shift_right_logical3A_2276 : vector<8x640xi32>
      %or3A_2278 = arith.ori %shift_left3A_2274, %shift_right_logical3A_2277 : vector<8x640xi32>
      %xor3A_2279 = arith.xori %add3A_2271, %or3A_2278 : vector<8x640xi32>
      %add3A_2280 = arith.addi %add3A_2271, %xor3A_2279 : vector<8x640xi32>
      %shift_left3A_2281 = arith.constant 29 : i32
      %shift_left3A_2282 = vector.broadcast %shift_left3A_2281 : i32 to vector<8x640xi32>
      %shift_left3A_2283 = arith.shli %xor3A_2279, %shift_left3A_2282 : vector<8x640xi32>
      %shift_right_logical3A_2284 = arith.constant 3 : i32
      %shift_right_logical3A_2285 = vector.broadcast %shift_right_logical3A_2284 : i32 to vector<8x640xi32>
      %shift_right_logical3A_2286 = arith.shrui %xor3A_2279, %shift_right_logical3A_2285 : vector<8x640xi32>
      %or3A_2287 = arith.ori %shift_left3A_2283, %shift_right_logical3A_2286 : vector<8x640xi32>
      %xor3A_2288 = arith.xori %add3A_2280, %or3A_2287 : vector<8x640xi32>
      %add3A_2289 = arith.addi %add3A_2280, %xor3A_2288 : vector<8x640xi32>
      %shift_left3A_2290 = arith.constant 16 : i32
      %shift_left3A_2291 = vector.broadcast %shift_left3A_2290 : i32 to vector<8x640xi32>
      %shift_left3A_2292 = arith.shli %xor3A_2288, %shift_left3A_2291 : vector<8x640xi32>
      %shift_right_logical3A_2293 = arith.constant 16 : i32
      %shift_right_logical3A_2294 = vector.broadcast %shift_right_logical3A_2293 : i32 to vector<8x640xi32>
      %shift_right_logical3A_2295 = arith.shrui %xor3A_2288, %shift_right_logical3A_2294 : vector<8x640xi32>
      %or3A_2296 = arith.ori %shift_left3A_2292, %shift_right_logical3A_2295 : vector<8x640xi32>
      %xor3A_2297 = arith.xori %add3A_2289, %or3A_2296 : vector<8x640xi32>
      %add3A_2298 = arith.addi %add3A_2289, %xor3A_2297 : vector<8x640xi32>
      %shift_left3A_2299 = arith.constant 24 : i32
      %shift_left3A_2300 = vector.broadcast %shift_left3A_2299 : i32 to vector<8x640xi32>
      %shift_left3A_2301 = arith.shli %xor3A_2297, %shift_left3A_2300 : vector<8x640xi32>
      %shift_right_logical3A_2302 = arith.constant 8 : i32
      %shift_right_logical3A_2303 = vector.broadcast %shift_right_logical3A_2302 : i32 to vector<8x640xi32>
      %shift_right_logical3A_2304 = arith.shrui %xor3A_2297, %shift_right_logical3A_2303 : vector<8x640xi32>
      %or3A_2305 = arith.ori %shift_left3A_2301, %shift_right_logical3A_2304 : vector<8x640xi32>
      %xor3A_2306 = arith.xori %add3A_2298, %or3A_2305 : vector<8x640xi32>
      %add3A_2307 = arith.constant 1724713080 : i32
      %add3A_2308 = vector.broadcast %add3A_2307 : i32 to vector<8x640xi32>
      %add3A_2309 = arith.addi %add3A_2298, %add3A_2308 : vector<8x640xi32>
      %add3A_2310 = arith.constant 1832780945 : i32
      %add3A_2311 = vector.broadcast %add3A_2310 : i32 to vector<8x640xi32>
      %add3A_2312 = arith.addi %xor3A_2306, %add3A_2311 : vector<8x640xi32>
      %add3A_2313 = arith.addi %add3A_2309, %add3A_2312 : vector<8x640xi32>
      %shift_left3A_2314 = arith.constant 13 : i32
      %shift_left3A_2315 = vector.broadcast %shift_left3A_2314 : i32 to vector<8x640xi32>
      %shift_left3A_2316 = arith.shli %add3A_2312, %shift_left3A_2315 : vector<8x640xi32>
      %shift_right_logical3A_2317 = arith.constant 19 : i32
      %shift_right_logical3A_2318 = vector.broadcast %shift_right_logical3A_2317 : i32 to vector<8x640xi32>
      %shift_right_logical3A_2319 = arith.shrui %add3A_2312, %shift_right_logical3A_2318 : vector<8x640xi32>
      %or3A_2320 = arith.ori %shift_left3A_2316, %shift_right_logical3A_2319 : vector<8x640xi32>
      %xor3A_2321 = arith.xori %add3A_2313, %or3A_2320 : vector<8x640xi32>
      %add3A_2322 = arith.addi %add3A_2313, %xor3A_2321 : vector<8x640xi32>
      %shift_left3A_2323 = arith.constant 15 : i32
      %shift_left3A_2324 = vector.broadcast %shift_left3A_2323 : i32 to vector<8x640xi32>
      %shift_left3A_2325 = arith.shli %xor3A_2321, %shift_left3A_2324 : vector<8x640xi32>
      %shift_right_logical3A_2326 = arith.constant 17 : i32
      %shift_right_logical3A_2327 = vector.broadcast %shift_right_logical3A_2326 : i32 to vector<8x640xi32>
      %shift_right_logical3A_2328 = arith.shrui %xor3A_2321, %shift_right_logical3A_2327 : vector<8x640xi32>
      %or3A_2329 = arith.ori %shift_left3A_2325, %shift_right_logical3A_2328 : vector<8x640xi32>
      %xor3A_2330 = arith.xori %add3A_2322, %or3A_2329 : vector<8x640xi32>
      %add3A_2331 = arith.addi %add3A_2322, %xor3A_2330 : vector<8x640xi32>
      %shift_left3A_2332 = arith.constant 26 : i32
      %shift_left3A_2333 = vector.broadcast %shift_left3A_2332 : i32 to vector<8x640xi32>
      %shift_left3A_2334 = arith.shli %xor3A_2330, %shift_left3A_2333 : vector<8x640xi32>
      %shift_right_logical3A_2335 = arith.constant 6 : i32
      %shift_right_logical3A_2336 = vector.broadcast %shift_right_logical3A_2335 : i32 to vector<8x640xi32>
      %shift_right_logical3A_2337 = arith.shrui %xor3A_2330, %shift_right_logical3A_2336 : vector<8x640xi32>
      %or3A_2338 = arith.ori %shift_left3A_2334, %shift_right_logical3A_2337 : vector<8x640xi32>
      %xor3A_2339 = arith.xori %add3A_2331, %or3A_2338 : vector<8x640xi32>
      %add3A_2340 = arith.addi %add3A_2331, %xor3A_2339 : vector<8x640xi32>
      %shift_left3A_2341 = arith.constant 6 : i32
      %shift_left3A_2342 = vector.broadcast %shift_left3A_2341 : i32 to vector<8x640xi32>
      %shift_left3A_2343 = arith.shli %xor3A_2339, %shift_left3A_2342 : vector<8x640xi32>
      %shift_right_logical3A_2344 = arith.constant 26 : i32
      %shift_right_logical3A_2345 = vector.broadcast %shift_right_logical3A_2344 : i32 to vector<8x640xi32>
      %shift_right_logical3A_2346 = arith.shrui %xor3A_2339, %shift_right_logical3A_2345 : vector<8x640xi32>
      %or3A_2347 = arith.ori %shift_left3A_2343, %shift_right_logical3A_2346 : vector<8x640xi32>
      %xor3A_2348 = arith.xori %add3A_2340, %or3A_2347 : vector<8x640xi32>
      %add3A_2349 = arith.constant 1832780943 : i32
      %add3A_2350 = vector.broadcast %add3A_2349 : i32 to vector<8x640xi32>
      %add3A_2351 = arith.addi %add3A_2340, %add3A_2350 : vector<8x640xi32>
      %add3A_2352 = arith.constant 270669616 : i32
      %add3A_2353 = vector.broadcast %add3A_2352 : i32 to vector<8x640xi32>
      %add3A_2354 = arith.addi %xor3A_2348, %add3A_2353 : vector<8x640xi32>
      %add3A_2355 = arith.addi %add3A_2351, %add3A_2354 : vector<8x640xi32>
      %shift_left3A_2356 = arith.constant 17 : i32
      %shift_left3A_2357 = vector.broadcast %shift_left3A_2356 : i32 to vector<8x640xi32>
      %shift_left3A_2358 = arith.shli %add3A_2354, %shift_left3A_2357 : vector<8x640xi32>
      %shift_right_logical3A_2359 = arith.constant 15 : i32
      %shift_right_logical3A_2360 = vector.broadcast %shift_right_logical3A_2359 : i32 to vector<8x640xi32>
      %shift_right_logical3A_2361 = arith.shrui %add3A_2354, %shift_right_logical3A_2360 : vector<8x640xi32>
      %or3A_2362 = arith.ori %shift_left3A_2358, %shift_right_logical3A_2361 : vector<8x640xi32>
      %xor3A_2363 = arith.xori %add3A_2355, %or3A_2362 : vector<8x640xi32>
      %add3A_2364 = arith.addi %add3A_2355, %xor3A_2363 : vector<8x640xi32>
      %shift_left3A_2365 = arith.constant 29 : i32
      %shift_left3A_2366 = vector.broadcast %shift_left3A_2365 : i32 to vector<8x640xi32>
      %shift_left3A_2367 = arith.shli %xor3A_2363, %shift_left3A_2366 : vector<8x640xi32>
      %shift_right_logical3A_2368 = arith.constant 3 : i32
      %shift_right_logical3A_2369 = vector.broadcast %shift_right_logical3A_2368 : i32 to vector<8x640xi32>
      %shift_right_logical3A_2370 = arith.shrui %xor3A_2363, %shift_right_logical3A_2369 : vector<8x640xi32>
      %or3A_2371 = arith.ori %shift_left3A_2367, %shift_right_logical3A_2370 : vector<8x640xi32>
      %xor3A_2372 = arith.xori %add3A_2364, %or3A_2371 : vector<8x640xi32>
      %add3A_2373 = arith.addi %add3A_2364, %xor3A_2372 : vector<8x640xi32>
      %shift_left3A_2374 = arith.constant 16 : i32
      %shift_left3A_2375 = vector.broadcast %shift_left3A_2374 : i32 to vector<8x640xi32>
      %shift_left3A_2376 = arith.shli %xor3A_2372, %shift_left3A_2375 : vector<8x640xi32>
      %shift_right_logical3A_2377 = arith.constant 16 : i32
      %shift_right_logical3A_2378 = vector.broadcast %shift_right_logical3A_2377 : i32 to vector<8x640xi32>
      %shift_right_logical3A_2379 = arith.shrui %xor3A_2372, %shift_right_logical3A_2378 : vector<8x640xi32>
      %or3A_2380 = arith.ori %shift_left3A_2376, %shift_right_logical3A_2379 : vector<8x640xi32>
      %xor3A_2381 = arith.xori %add3A_2373, %or3A_2380 : vector<8x640xi32>
      %add3A_2382 = arith.addi %add3A_2373, %xor3A_2381 : vector<8x640xi32>
      %shift_left3A_2383 = arith.constant 24 : i32
      %shift_left3A_2384 = vector.broadcast %shift_left3A_2383 : i32 to vector<8x640xi32>
      %shift_left3A_2385 = arith.shli %xor3A_2381, %shift_left3A_2384 : vector<8x640xi32>
      %shift_right_logical3A_2386 = arith.constant 8 : i32
      %shift_right_logical3A_2387 = vector.broadcast %shift_right_logical3A_2386 : i32 to vector<8x640xi32>
      %shift_right_logical3A_2388 = arith.shrui %xor3A_2381, %shift_right_logical3A_2387 : vector<8x640xi32>
      %or3A_2389 = arith.ori %shift_left3A_2385, %shift_right_logical3A_2388 : vector<8x640xi32>
      %xor3A_2390 = arith.xori %add3A_2382, %or3A_2389 : vector<8x640xi32>
      %add3A_2391 = arith.constant 270669613 : i32
      %add3A_2392 = vector.broadcast %add3A_2391 : i32 to vector<8x640xi32>
      %add3A_2393 = arith.addi %add3A_2382, %add3A_2392 : vector<8x640xi32>
      %add3A_2394 = arith.constant 1724713084 : i32
      %add3A_2395 = vector.broadcast %add3A_2394 : i32 to vector<8x640xi32>
      %add3A_2396 = arith.addi %xor3A_2390, %add3A_2395 : vector<8x640xi32>
      %add3A_2397 = arith.addi %add3A_2393, %add3A_2396 : vector<8x640xi32>
      %shift_left3A_2398 = arith.constant 13 : i32
      %shift_left3A_2399 = vector.broadcast %shift_left3A_2398 : i32 to vector<8x640xi32>
      %shift_left3A_2400 = arith.shli %add3A_2396, %shift_left3A_2399 : vector<8x640xi32>
      %shift_right_logical3A_2401 = arith.constant 19 : i32
      %shift_right_logical3A_2402 = vector.broadcast %shift_right_logical3A_2401 : i32 to vector<8x640xi32>
      %shift_right_logical3A_2403 = arith.shrui %add3A_2396, %shift_right_logical3A_2402 : vector<8x640xi32>
      %or3A_2404 = arith.ori %shift_left3A_2400, %shift_right_logical3A_2403 : vector<8x640xi32>
      %xor3A_2405 = arith.xori %add3A_2397, %or3A_2404 : vector<8x640xi32>
      %add3A_2406 = arith.addi %add3A_2397, %xor3A_2405 : vector<8x640xi32>
      %shift_left3A_2407 = arith.constant 15 : i32
      %shift_left3A_2408 = vector.broadcast %shift_left3A_2407 : i32 to vector<8x640xi32>
      %shift_left3A_2409 = arith.shli %xor3A_2405, %shift_left3A_2408 : vector<8x640xi32>
      %shift_right_logical3A_2410 = arith.constant 17 : i32
      %shift_right_logical3A_2411 = vector.broadcast %shift_right_logical3A_2410 : i32 to vector<8x640xi32>
      %shift_right_logical3A_2412 = arith.shrui %xor3A_2405, %shift_right_logical3A_2411 : vector<8x640xi32>
      %or3A_2413 = arith.ori %shift_left3A_2409, %shift_right_logical3A_2412 : vector<8x640xi32>
      %xor3A_2414 = arith.xori %add3A_2406, %or3A_2413 : vector<8x640xi32>
      %add3A_2415 = arith.addi %add3A_2406, %xor3A_2414 : vector<8x640xi32>
      %shift_left3A_2416 = arith.constant 26 : i32
      %shift_left3A_2417 = vector.broadcast %shift_left3A_2416 : i32 to vector<8x640xi32>
      %shift_left3A_2418 = arith.shli %xor3A_2414, %shift_left3A_2417 : vector<8x640xi32>
      %shift_right_logical3A_2419 = arith.constant 6 : i32
      %shift_right_logical3A_2420 = vector.broadcast %shift_right_logical3A_2419 : i32 to vector<8x640xi32>
      %shift_right_logical3A_2421 = arith.shrui %xor3A_2414, %shift_right_logical3A_2420 : vector<8x640xi32>
      %or3A_2422 = arith.ori %shift_left3A_2418, %shift_right_logical3A_2421 : vector<8x640xi32>
      %xor3A_2423 = arith.xori %add3A_2415, %or3A_2422 : vector<8x640xi32>
      %add3A_2424 = arith.addi %add3A_2415, %xor3A_2423 : vector<8x640xi32>
      %shift_left3A_2425 = arith.constant 6 : i32
      %shift_left3A_2426 = vector.broadcast %shift_left3A_2425 : i32 to vector<8x640xi32>
      %shift_left3A_2427 = arith.shli %xor3A_2423, %shift_left3A_2426 : vector<8x640xi32>
      %shift_right_logical3A_2428 = arith.constant 26 : i32
      %shift_right_logical3A_2429 = vector.broadcast %shift_right_logical3A_2428 : i32 to vector<8x640xi32>
      %shift_right_logical3A_2430 = arith.shrui %xor3A_2423, %shift_right_logical3A_2429 : vector<8x640xi32>
      %or3A_2431 = arith.ori %shift_left3A_2427, %shift_right_logical3A_2430 : vector<8x640xi32>
      %xor3A_2432 = arith.xori %add3A_2424, %or3A_2431 : vector<8x640xi32>
      %add3A_2433 = arith.constant 1724713080 : i32
      %add3A_2434 = vector.broadcast %add3A_2433 : i32 to vector<8x640xi32>
      %add3A_2435 = arith.addi %add3A_2424, %add3A_2434 : vector<8x640xi32>
      %add3A_2436 = arith.constant 1832780948 : i32
      %add3A_2437 = vector.broadcast %add3A_2436 : i32 to vector<8x640xi32>
      %add3A_2438 = arith.addi %xor3A_2432, %add3A_2437 : vector<8x640xi32>
      %xor3A_2439 = arith.xori %add3A_2435, %add3A_2438 : vector<8x640xi32>
      %shift_right_logical3A_2440 = arith.constant 9 : i32
      %shift_right_logical3A_2441 = vector.broadcast %shift_right_logical3A_2440 : i32 to vector<8x640xi32>
      %shift_right_logical3A_2442 = arith.shrui %xor3A_2439, %shift_right_logical3A_2441 : vector<8x640xi32>
      %or3A_2443 = arith.constant 1065353216 : i32
      %or3A_2444 = vector.broadcast %or3A_2443 : i32 to vector<8x640xi32>
      %or3A_2445 = arith.ori %shift_right_logical3A_2442, %or3A_2444 : vector<8x640xi32>
      %bitcast_convert_type3A_2446 = tpu.bitcast %or3A_2445 : vector<8x640xi32> -> vector<8x640xf32>
      %sub3A_2447 = arith.constant 1.000000e+00 : f32
      %sub3A_2448 = vector.broadcast %sub3A_2447 : f32 to vector<8x640xf32>
      %sub3A_2449 = arith.subf %bitcast_convert_type3A_2446, %sub3A_2448 : vector<8x640xf32>
      %get3A_2450 = arith.index_cast %add3A_2222 : i32 to index
      %get3A_2451 = arith.constant 0 : index
      %get3A_2452 = arith.constant 0 : index
      %get3A_2453 = vector.load %arg1[%get3A_2450, %get3A_2451, %get3A_2452] : memref<125x8x640xf32, #tpu.memory_space<vmem>>, vector<1x8x640xf32>
      %get3A_2454 = vector.shape_cast %get3A_2453 : vector<1x8x640xf32> to vector<8x640xf32>
      %log3A_2455 = math.log %sub3A_2449 : vector<8x640xf32>
      %log3A_2456 = arith.constant 2.000000e+00 : f32
      %log3A_2457 = math.log %log3A_2456 : f32
      %div3A_2458 = vector.broadcast %log3A_2457 : f32 to vector<8x640xf32>
      %div3A_2459 = arith.divf %log3A_2455, %div3A_2458 : vector<8x640xf32>
      %mul3A_2460 = arith.mulf %div3A_2459, %get3A_2454 : vector<8x640xf32>
      %lt3A_2461 = arith.cmpf olt, %mul3A_2460, %select_n3A_2216 : vector<8x640xf32>
      %select_n3A_2462 = arith.select %lt3A_2461, %mul3A_2460, %select_n3A_2216 : vector<8x640xi1>, vector<8x640xf32>
      %broadcast_in_dim3A_2463 = vector.broadcast %add3A_2222 : i32 to vector<8x640xi32>
      %select_n3A_2464 = arith.select %lt3A_2461, %broadcast_in_dim3A_2463, %select_n3A_2218 : vector<8x640xi1>, vector<8x640xi32>
      %mul3A_2465 = arith.constant 12 : i32
      %mul3A_2466 = arith.muli %mul3A_2465, %scan3A_1232 : i32
      %add3A_2467 = arith.constant 5 : i32
      %add3A_2468 = arith.addi %mul3A_2466, %add3A_2467 : i32
      %mul3A_2469 = arith.constant 640 : i32
      %mul3A_2470 = arith.muli %add3A_2468, %mul3A_2469 : i32
      %add3A_2471 = vector.broadcast %mul3A_2470 : i32 to vector<8x640xi32>
      %add3A_2472 = arith.addi %add3A_9, %add3A_2471 : vector<8x640xi32>
      %add3A_2473 = arith.constant 1832780943 : i32
      %add3A_2474 = vector.broadcast %add3A_2473 : i32 to vector<8x640xi32>
      %add3A_2475 = arith.addi %add3A_2472, %add3A_2474 : vector<8x640xi32>
      %shift_left3A_2476 = arith.constant 13 : i32
      %shift_left3A_2477 = vector.broadcast %shift_left3A_2476 : i32 to vector<8x640xi32>
      %shift_left3A_2478 = arith.shli %add3A_2472, %shift_left3A_2477 : vector<8x640xi32>
      %shift_right_logical3A_2479 = arith.constant 19 : i32
      %shift_right_logical3A_2480 = vector.broadcast %shift_right_logical3A_2479 : i32 to vector<8x640xi32>
      %shift_right_logical3A_2481 = arith.shrui %add3A_2472, %shift_right_logical3A_2480 : vector<8x640xi32>
      %or3A_2482 = arith.ori %shift_left3A_2478, %shift_right_logical3A_2481 : vector<8x640xi32>
      %xor3A_2483 = arith.xori %add3A_2475, %or3A_2482 : vector<8x640xi32>
      %add3A_2484 = arith.addi %add3A_2475, %xor3A_2483 : vector<8x640xi32>
      %shift_left3A_2485 = arith.constant 15 : i32
      %shift_left3A_2486 = vector.broadcast %shift_left3A_2485 : i32 to vector<8x640xi32>
      %shift_left3A_2487 = arith.shli %xor3A_2483, %shift_left3A_2486 : vector<8x640xi32>
      %shift_right_logical3A_2488 = arith.constant 17 : i32
      %shift_right_logical3A_2489 = vector.broadcast %shift_right_logical3A_2488 : i32 to vector<8x640xi32>
      %shift_right_logical3A_2490 = arith.shrui %xor3A_2483, %shift_right_logical3A_2489 : vector<8x640xi32>
      %or3A_2491 = arith.ori %shift_left3A_2487, %shift_right_logical3A_2490 : vector<8x640xi32>
      %xor3A_2492 = arith.xori %add3A_2484, %or3A_2491 : vector<8x640xi32>
      %add3A_2493 = arith.addi %add3A_2484, %xor3A_2492 : vector<8x640xi32>
      %shift_left3A_2494 = arith.constant 26 : i32
      %shift_left3A_2495 = vector.broadcast %shift_left3A_2494 : i32 to vector<8x640xi32>
      %shift_left3A_2496 = arith.shli %xor3A_2492, %shift_left3A_2495 : vector<8x640xi32>
      %shift_right_logical3A_2497 = arith.constant 6 : i32
      %shift_right_logical3A_2498 = vector.broadcast %shift_right_logical3A_2497 : i32 to vector<8x640xi32>
      %shift_right_logical3A_2499 = arith.shrui %xor3A_2492, %shift_right_logical3A_2498 : vector<8x640xi32>
      %or3A_2500 = arith.ori %shift_left3A_2496, %shift_right_logical3A_2499 : vector<8x640xi32>
      %xor3A_2501 = arith.xori %add3A_2493, %or3A_2500 : vector<8x640xi32>
      %add3A_2502 = arith.addi %add3A_2493, %xor3A_2501 : vector<8x640xi32>
      %shift_left3A_2503 = arith.constant 6 : i32
      %shift_left3A_2504 = vector.broadcast %shift_left3A_2503 : i32 to vector<8x640xi32>
      %shift_left3A_2505 = arith.shli %xor3A_2501, %shift_left3A_2504 : vector<8x640xi32>
      %shift_right_logical3A_2506 = arith.constant 26 : i32
      %shift_right_logical3A_2507 = vector.broadcast %shift_right_logical3A_2506 : i32 to vector<8x640xi32>
      %shift_right_logical3A_2508 = arith.shrui %xor3A_2501, %shift_right_logical3A_2507 : vector<8x640xi32>
      %or3A_2509 = arith.ori %shift_left3A_2505, %shift_right_logical3A_2508 : vector<8x640xi32>
      %xor3A_2510 = arith.xori %add3A_2502, %or3A_2509 : vector<8x640xi32>
      %add3A_2511 = arith.constant 270669613 : i32
      %add3A_2512 = vector.broadcast %add3A_2511 : i32 to vector<8x640xi32>
      %add3A_2513 = arith.addi %add3A_2502, %add3A_2512 : vector<8x640xi32>
      %add3A_2514 = arith.constant 1724713081 : i32
      %add3A_2515 = vector.broadcast %add3A_2514 : i32 to vector<8x640xi32>
      %add3A_2516 = arith.addi %xor3A_2510, %add3A_2515 : vector<8x640xi32>
      %add3A_2517 = arith.addi %add3A_2513, %add3A_2516 : vector<8x640xi32>
      %shift_left3A_2518 = arith.constant 17 : i32
      %shift_left3A_2519 = vector.broadcast %shift_left3A_2518 : i32 to vector<8x640xi32>
      %shift_left3A_2520 = arith.shli %add3A_2516, %shift_left3A_2519 : vector<8x640xi32>
      %shift_right_logical3A_2521 = arith.constant 15 : i32
      %shift_right_logical3A_2522 = vector.broadcast %shift_right_logical3A_2521 : i32 to vector<8x640xi32>
      %shift_right_logical3A_2523 = arith.shrui %add3A_2516, %shift_right_logical3A_2522 : vector<8x640xi32>
      %or3A_2524 = arith.ori %shift_left3A_2520, %shift_right_logical3A_2523 : vector<8x640xi32>
      %xor3A_2525 = arith.xori %add3A_2517, %or3A_2524 : vector<8x640xi32>
      %add3A_2526 = arith.addi %add3A_2517, %xor3A_2525 : vector<8x640xi32>
      %shift_left3A_2527 = arith.constant 29 : i32
      %shift_left3A_2528 = vector.broadcast %shift_left3A_2527 : i32 to vector<8x640xi32>
      %shift_left3A_2529 = arith.shli %xor3A_2525, %shift_left3A_2528 : vector<8x640xi32>
      %shift_right_logical3A_2530 = arith.constant 3 : i32
      %shift_right_logical3A_2531 = vector.broadcast %shift_right_logical3A_2530 : i32 to vector<8x640xi32>
      %shift_right_logical3A_2532 = arith.shrui %xor3A_2525, %shift_right_logical3A_2531 : vector<8x640xi32>
      %or3A_2533 = arith.ori %shift_left3A_2529, %shift_right_logical3A_2532 : vector<8x640xi32>
      %xor3A_2534 = arith.xori %add3A_2526, %or3A_2533 : vector<8x640xi32>
      %add3A_2535 = arith.addi %add3A_2526, %xor3A_2534 : vector<8x640xi32>
      %shift_left3A_2536 = arith.constant 16 : i32
      %shift_left3A_2537 = vector.broadcast %shift_left3A_2536 : i32 to vector<8x640xi32>
      %shift_left3A_2538 = arith.shli %xor3A_2534, %shift_left3A_2537 : vector<8x640xi32>
      %shift_right_logical3A_2539 = arith.constant 16 : i32
      %shift_right_logical3A_2540 = vector.broadcast %shift_right_logical3A_2539 : i32 to vector<8x640xi32>
      %shift_right_logical3A_2541 = arith.shrui %xor3A_2534, %shift_right_logical3A_2540 : vector<8x640xi32>
      %or3A_2542 = arith.ori %shift_left3A_2538, %shift_right_logical3A_2541 : vector<8x640xi32>
      %xor3A_2543 = arith.xori %add3A_2535, %or3A_2542 : vector<8x640xi32>
      %add3A_2544 = arith.addi %add3A_2535, %xor3A_2543 : vector<8x640xi32>
      %shift_left3A_2545 = arith.constant 24 : i32
      %shift_left3A_2546 = vector.broadcast %shift_left3A_2545 : i32 to vector<8x640xi32>
      %shift_left3A_2547 = arith.shli %xor3A_2543, %shift_left3A_2546 : vector<8x640xi32>
      %shift_right_logical3A_2548 = arith.constant 8 : i32
      %shift_right_logical3A_2549 = vector.broadcast %shift_right_logical3A_2548 : i32 to vector<8x640xi32>
      %shift_right_logical3A_2550 = arith.shrui %xor3A_2543, %shift_right_logical3A_2549 : vector<8x640xi32>
      %or3A_2551 = arith.ori %shift_left3A_2547, %shift_right_logical3A_2550 : vector<8x640xi32>
      %xor3A_2552 = arith.xori %add3A_2544, %or3A_2551 : vector<8x640xi32>
      %add3A_2553 = arith.constant 1724713080 : i32
      %add3A_2554 = vector.broadcast %add3A_2553 : i32 to vector<8x640xi32>
      %add3A_2555 = arith.addi %add3A_2544, %add3A_2554 : vector<8x640xi32>
      %add3A_2556 = arith.constant 1832780945 : i32
      %add3A_2557 = vector.broadcast %add3A_2556 : i32 to vector<8x640xi32>
      %add3A_2558 = arith.addi %xor3A_2552, %add3A_2557 : vector<8x640xi32>
      %add3A_2559 = arith.addi %add3A_2555, %add3A_2558 : vector<8x640xi32>
      %shift_left3A_2560 = arith.constant 13 : i32
      %shift_left3A_2561 = vector.broadcast %shift_left3A_2560 : i32 to vector<8x640xi32>
      %shift_left3A_2562 = arith.shli %add3A_2558, %shift_left3A_2561 : vector<8x640xi32>
      %shift_right_logical3A_2563 = arith.constant 19 : i32
      %shift_right_logical3A_2564 = vector.broadcast %shift_right_logical3A_2563 : i32 to vector<8x640xi32>
      %shift_right_logical3A_2565 = arith.shrui %add3A_2558, %shift_right_logical3A_2564 : vector<8x640xi32>
      %or3A_2566 = arith.ori %shift_left3A_2562, %shift_right_logical3A_2565 : vector<8x640xi32>
      %xor3A_2567 = arith.xori %add3A_2559, %or3A_2566 : vector<8x640xi32>
      %add3A_2568 = arith.addi %add3A_2559, %xor3A_2567 : vector<8x640xi32>
      %shift_left3A_2569 = arith.constant 15 : i32
      %shift_left3A_2570 = vector.broadcast %shift_left3A_2569 : i32 to vector<8x640xi32>
      %shift_left3A_2571 = arith.shli %xor3A_2567, %shift_left3A_2570 : vector<8x640xi32>
      %shift_right_logical3A_2572 = arith.constant 17 : i32
      %shift_right_logical3A_2573 = vector.broadcast %shift_right_logical3A_2572 : i32 to vector<8x640xi32>
      %shift_right_logical3A_2574 = arith.shrui %xor3A_2567, %shift_right_logical3A_2573 : vector<8x640xi32>
      %or3A_2575 = arith.ori %shift_left3A_2571, %shift_right_logical3A_2574 : vector<8x640xi32>
      %xor3A_2576 = arith.xori %add3A_2568, %or3A_2575 : vector<8x640xi32>
      %add3A_2577 = arith.addi %add3A_2568, %xor3A_2576 : vector<8x640xi32>
      %shift_left3A_2578 = arith.constant 26 : i32
      %shift_left3A_2579 = vector.broadcast %shift_left3A_2578 : i32 to vector<8x640xi32>
      %shift_left3A_2580 = arith.shli %xor3A_2576, %shift_left3A_2579 : vector<8x640xi32>
      %shift_right_logical3A_2581 = arith.constant 6 : i32
      %shift_right_logical3A_2582 = vector.broadcast %shift_right_logical3A_2581 : i32 to vector<8x640xi32>
      %shift_right_logical3A_2583 = arith.shrui %xor3A_2576, %shift_right_logical3A_2582 : vector<8x640xi32>
      %or3A_2584 = arith.ori %shift_left3A_2580, %shift_right_logical3A_2583 : vector<8x640xi32>
      %xor3A_2585 = arith.xori %add3A_2577, %or3A_2584 : vector<8x640xi32>
      %add3A_2586 = arith.addi %add3A_2577, %xor3A_2585 : vector<8x640xi32>
      %shift_left3A_2587 = arith.constant 6 : i32
      %shift_left3A_2588 = vector.broadcast %shift_left3A_2587 : i32 to vector<8x640xi32>
      %shift_left3A_2589 = arith.shli %xor3A_2585, %shift_left3A_2588 : vector<8x640xi32>
      %shift_right_logical3A_2590 = arith.constant 26 : i32
      %shift_right_logical3A_2591 = vector.broadcast %shift_right_logical3A_2590 : i32 to vector<8x640xi32>
      %shift_right_logical3A_2592 = arith.shrui %xor3A_2585, %shift_right_logical3A_2591 : vector<8x640xi32>
      %or3A_2593 = arith.ori %shift_left3A_2589, %shift_right_logical3A_2592 : vector<8x640xi32>
      %xor3A_2594 = arith.xori %add3A_2586, %or3A_2593 : vector<8x640xi32>
      %add3A_2595 = arith.constant 1832780943 : i32
      %add3A_2596 = vector.broadcast %add3A_2595 : i32 to vector<8x640xi32>
      %add3A_2597 = arith.addi %add3A_2586, %add3A_2596 : vector<8x640xi32>
      %add3A_2598 = arith.constant 270669616 : i32
      %add3A_2599 = vector.broadcast %add3A_2598 : i32 to vector<8x640xi32>
      %add3A_2600 = arith.addi %xor3A_2594, %add3A_2599 : vector<8x640xi32>
      %add3A_2601 = arith.addi %add3A_2597, %add3A_2600 : vector<8x640xi32>
      %shift_left3A_2602 = arith.constant 17 : i32
      %shift_left3A_2603 = vector.broadcast %shift_left3A_2602 : i32 to vector<8x640xi32>
      %shift_left3A_2604 = arith.shli %add3A_2600, %shift_left3A_2603 : vector<8x640xi32>
      %shift_right_logical3A_2605 = arith.constant 15 : i32
      %shift_right_logical3A_2606 = vector.broadcast %shift_right_logical3A_2605 : i32 to vector<8x640xi32>
      %shift_right_logical3A_2607 = arith.shrui %add3A_2600, %shift_right_logical3A_2606 : vector<8x640xi32>
      %or3A_2608 = arith.ori %shift_left3A_2604, %shift_right_logical3A_2607 : vector<8x640xi32>
      %xor3A_2609 = arith.xori %add3A_2601, %or3A_2608 : vector<8x640xi32>
      %add3A_2610 = arith.addi %add3A_2601, %xor3A_2609 : vector<8x640xi32>
      %shift_left3A_2611 = arith.constant 29 : i32
      %shift_left3A_2612 = vector.broadcast %shift_left3A_2611 : i32 to vector<8x640xi32>
      %shift_left3A_2613 = arith.shli %xor3A_2609, %shift_left3A_2612 : vector<8x640xi32>
      %shift_right_logical3A_2614 = arith.constant 3 : i32
      %shift_right_logical3A_2615 = vector.broadcast %shift_right_logical3A_2614 : i32 to vector<8x640xi32>
      %shift_right_logical3A_2616 = arith.shrui %xor3A_2609, %shift_right_logical3A_2615 : vector<8x640xi32>
      %or3A_2617 = arith.ori %shift_left3A_2613, %shift_right_logical3A_2616 : vector<8x640xi32>
      %xor3A_2618 = arith.xori %add3A_2610, %or3A_2617 : vector<8x640xi32>
      %add3A_2619 = arith.addi %add3A_2610, %xor3A_2618 : vector<8x640xi32>
      %shift_left3A_2620 = arith.constant 16 : i32
      %shift_left3A_2621 = vector.broadcast %shift_left3A_2620 : i32 to vector<8x640xi32>
      %shift_left3A_2622 = arith.shli %xor3A_2618, %shift_left3A_2621 : vector<8x640xi32>
      %shift_right_logical3A_2623 = arith.constant 16 : i32
      %shift_right_logical3A_2624 = vector.broadcast %shift_right_logical3A_2623 : i32 to vector<8x640xi32>
      %shift_right_logical3A_2625 = arith.shrui %xor3A_2618, %shift_right_logical3A_2624 : vector<8x640xi32>
      %or3A_2626 = arith.ori %shift_left3A_2622, %shift_right_logical3A_2625 : vector<8x640xi32>
      %xor3A_2627 = arith.xori %add3A_2619, %or3A_2626 : vector<8x640xi32>
      %add3A_2628 = arith.addi %add3A_2619, %xor3A_2627 : vector<8x640xi32>
      %shift_left3A_2629 = arith.constant 24 : i32
      %shift_left3A_2630 = vector.broadcast %shift_left3A_2629 : i32 to vector<8x640xi32>
      %shift_left3A_2631 = arith.shli %xor3A_2627, %shift_left3A_2630 : vector<8x640xi32>
      %shift_right_logical3A_2632 = arith.constant 8 : i32
      %shift_right_logical3A_2633 = vector.broadcast %shift_right_logical3A_2632 : i32 to vector<8x640xi32>
      %shift_right_logical3A_2634 = arith.shrui %xor3A_2627, %shift_right_logical3A_2633 : vector<8x640xi32>
      %or3A_2635 = arith.ori %shift_left3A_2631, %shift_right_logical3A_2634 : vector<8x640xi32>
      %xor3A_2636 = arith.xori %add3A_2628, %or3A_2635 : vector<8x640xi32>
      %add3A_2637 = arith.constant 270669613 : i32
      %add3A_2638 = vector.broadcast %add3A_2637 : i32 to vector<8x640xi32>
      %add3A_2639 = arith.addi %add3A_2628, %add3A_2638 : vector<8x640xi32>
      %add3A_2640 = arith.constant 1724713084 : i32
      %add3A_2641 = vector.broadcast %add3A_2640 : i32 to vector<8x640xi32>
      %add3A_2642 = arith.addi %xor3A_2636, %add3A_2641 : vector<8x640xi32>
      %add3A_2643 = arith.addi %add3A_2639, %add3A_2642 : vector<8x640xi32>
      %shift_left3A_2644 = arith.constant 13 : i32
      %shift_left3A_2645 = vector.broadcast %shift_left3A_2644 : i32 to vector<8x640xi32>
      %shift_left3A_2646 = arith.shli %add3A_2642, %shift_left3A_2645 : vector<8x640xi32>
      %shift_right_logical3A_2647 = arith.constant 19 : i32
      %shift_right_logical3A_2648 = vector.broadcast %shift_right_logical3A_2647 : i32 to vector<8x640xi32>
      %shift_right_logical3A_2649 = arith.shrui %add3A_2642, %shift_right_logical3A_2648 : vector<8x640xi32>
      %or3A_2650 = arith.ori %shift_left3A_2646, %shift_right_logical3A_2649 : vector<8x640xi32>
      %xor3A_2651 = arith.xori %add3A_2643, %or3A_2650 : vector<8x640xi32>
      %add3A_2652 = arith.addi %add3A_2643, %xor3A_2651 : vector<8x640xi32>
      %shift_left3A_2653 = arith.constant 15 : i32
      %shift_left3A_2654 = vector.broadcast %shift_left3A_2653 : i32 to vector<8x640xi32>
      %shift_left3A_2655 = arith.shli %xor3A_2651, %shift_left3A_2654 : vector<8x640xi32>
      %shift_right_logical3A_2656 = arith.constant 17 : i32
      %shift_right_logical3A_2657 = vector.broadcast %shift_right_logical3A_2656 : i32 to vector<8x640xi32>
      %shift_right_logical3A_2658 = arith.shrui %xor3A_2651, %shift_right_logical3A_2657 : vector<8x640xi32>
      %or3A_2659 = arith.ori %shift_left3A_2655, %shift_right_logical3A_2658 : vector<8x640xi32>
      %xor3A_2660 = arith.xori %add3A_2652, %or3A_2659 : vector<8x640xi32>
      %add3A_2661 = arith.addi %add3A_2652, %xor3A_2660 : vector<8x640xi32>
      %shift_left3A_2662 = arith.constant 26 : i32
      %shift_left3A_2663 = vector.broadcast %shift_left3A_2662 : i32 to vector<8x640xi32>
      %shift_left3A_2664 = arith.shli %xor3A_2660, %shift_left3A_2663 : vector<8x640xi32>
      %shift_right_logical3A_2665 = arith.constant 6 : i32
      %shift_right_logical3A_2666 = vector.broadcast %shift_right_logical3A_2665 : i32 to vector<8x640xi32>
      %shift_right_logical3A_2667 = arith.shrui %xor3A_2660, %shift_right_logical3A_2666 : vector<8x640xi32>
      %or3A_2668 = arith.ori %shift_left3A_2664, %shift_right_logical3A_2667 : vector<8x640xi32>
      %xor3A_2669 = arith.xori %add3A_2661, %or3A_2668 : vector<8x640xi32>
      %add3A_2670 = arith.addi %add3A_2661, %xor3A_2669 : vector<8x640xi32>
      %shift_left3A_2671 = arith.constant 6 : i32
      %shift_left3A_2672 = vector.broadcast %shift_left3A_2671 : i32 to vector<8x640xi32>
      %shift_left3A_2673 = arith.shli %xor3A_2669, %shift_left3A_2672 : vector<8x640xi32>
      %shift_right_logical3A_2674 = arith.constant 26 : i32
      %shift_right_logical3A_2675 = vector.broadcast %shift_right_logical3A_2674 : i32 to vector<8x640xi32>
      %shift_right_logical3A_2676 = arith.shrui %xor3A_2669, %shift_right_logical3A_2675 : vector<8x640xi32>
      %or3A_2677 = arith.ori %shift_left3A_2673, %shift_right_logical3A_2676 : vector<8x640xi32>
      %xor3A_2678 = arith.xori %add3A_2670, %or3A_2677 : vector<8x640xi32>
      %add3A_2679 = arith.constant 1724713080 : i32
      %add3A_2680 = vector.broadcast %add3A_2679 : i32 to vector<8x640xi32>
      %add3A_2681 = arith.addi %add3A_2670, %add3A_2680 : vector<8x640xi32>
      %add3A_2682 = arith.constant 1832780948 : i32
      %add3A_2683 = vector.broadcast %add3A_2682 : i32 to vector<8x640xi32>
      %add3A_2684 = arith.addi %xor3A_2678, %add3A_2683 : vector<8x640xi32>
      %xor3A_2685 = arith.xori %add3A_2681, %add3A_2684 : vector<8x640xi32>
      %shift_right_logical3A_2686 = arith.constant 9 : i32
      %shift_right_logical3A_2687 = vector.broadcast %shift_right_logical3A_2686 : i32 to vector<8x640xi32>
      %shift_right_logical3A_2688 = arith.shrui %xor3A_2685, %shift_right_logical3A_2687 : vector<8x640xi32>
      %or3A_2689 = arith.constant 1065353216 : i32
      %or3A_2690 = vector.broadcast %or3A_2689 : i32 to vector<8x640xi32>
      %or3A_2691 = arith.ori %shift_right_logical3A_2688, %or3A_2690 : vector<8x640xi32>
      %bitcast_convert_type3A_2692 = tpu.bitcast %or3A_2691 : vector<8x640xi32> -> vector<8x640xf32>
      %sub3A_2693 = arith.constant 1.000000e+00 : f32
      %sub3A_2694 = vector.broadcast %sub3A_2693 : f32 to vector<8x640xf32>
      %sub3A_2695 = arith.subf %bitcast_convert_type3A_2692, %sub3A_2694 : vector<8x640xf32>
      %get3A_2696 = arith.index_cast %add3A_2468 : i32 to index
      %get3A_2697 = arith.constant 0 : index
      %get3A_2698 = arith.constant 0 : index
      %get3A_2699 = vector.load %arg1[%get3A_2696, %get3A_2697, %get3A_2698] : memref<125x8x640xf32, #tpu.memory_space<vmem>>, vector<1x8x640xf32>
      %get3A_2700 = vector.shape_cast %get3A_2699 : vector<1x8x640xf32> to vector<8x640xf32>
      %log3A_2701 = math.log %sub3A_2695 : vector<8x640xf32>
      %log3A_2702 = arith.constant 2.000000e+00 : f32
      %log3A_2703 = math.log %log3A_2702 : f32
      %div3A_2704 = vector.broadcast %log3A_2703 : f32 to vector<8x640xf32>
      %div3A_2705 = arith.divf %log3A_2701, %div3A_2704 : vector<8x640xf32>
      %mul3A_2706 = arith.mulf %div3A_2705, %get3A_2700 : vector<8x640xf32>
      %lt3A_2707 = arith.cmpf olt, %mul3A_2706, %select_n3A_2462 : vector<8x640xf32>
      %select_n3A_2708 = arith.select %lt3A_2707, %mul3A_2706, %select_n3A_2462 : vector<8x640xi1>, vector<8x640xf32>
      %broadcast_in_dim3A_2709 = vector.broadcast %add3A_2468 : i32 to vector<8x640xi32>
      %select_n3A_2710 = arith.select %lt3A_2707, %broadcast_in_dim3A_2709, %select_n3A_2464 : vector<8x640xi1>, vector<8x640xi32>
      %mul3A_2711 = arith.constant 12 : i32
      %mul3A_2712 = arith.muli %mul3A_2711, %scan3A_1232 : i32
      %add3A_2713 = arith.constant 6 : i32
      %add3A_2714 = arith.addi %mul3A_2712, %add3A_2713 : i32
      %mul3A_2715 = arith.constant 640 : i32
      %mul3A_2716 = arith.muli %add3A_2714, %mul3A_2715 : i32
      %add3A_2717 = vector.broadcast %mul3A_2716 : i32 to vector<8x640xi32>
      %add3A_2718 = arith.addi %add3A_9, %add3A_2717 : vector<8x640xi32>
      %add3A_2719 = arith.constant 1832780943 : i32
      %add3A_2720 = vector.broadcast %add3A_2719 : i32 to vector<8x640xi32>
      %add3A_2721 = arith.addi %add3A_2718, %add3A_2720 : vector<8x640xi32>
      %shift_left3A_2722 = arith.constant 13 : i32
      %shift_left3A_2723 = vector.broadcast %shift_left3A_2722 : i32 to vector<8x640xi32>
      %shift_left3A_2724 = arith.shli %add3A_2718, %shift_left3A_2723 : vector<8x640xi32>
      %shift_right_logical3A_2725 = arith.constant 19 : i32
      %shift_right_logical3A_2726 = vector.broadcast %shift_right_logical3A_2725 : i32 to vector<8x640xi32>
      %shift_right_logical3A_2727 = arith.shrui %add3A_2718, %shift_right_logical3A_2726 : vector<8x640xi32>
      %or3A_2728 = arith.ori %shift_left3A_2724, %shift_right_logical3A_2727 : vector<8x640xi32>
      %xor3A_2729 = arith.xori %add3A_2721, %or3A_2728 : vector<8x640xi32>
      %add3A_2730 = arith.addi %add3A_2721, %xor3A_2729 : vector<8x640xi32>
      %shift_left3A_2731 = arith.constant 15 : i32
      %shift_left3A_2732 = vector.broadcast %shift_left3A_2731 : i32 to vector<8x640xi32>
      %shift_left3A_2733 = arith.shli %xor3A_2729, %shift_left3A_2732 : vector<8x640xi32>
      %shift_right_logical3A_2734 = arith.constant 17 : i32
      %shift_right_logical3A_2735 = vector.broadcast %shift_right_logical3A_2734 : i32 to vector<8x640xi32>
      %shift_right_logical3A_2736 = arith.shrui %xor3A_2729, %shift_right_logical3A_2735 : vector<8x640xi32>
      %or3A_2737 = arith.ori %shift_left3A_2733, %shift_right_logical3A_2736 : vector<8x640xi32>
      %xor3A_2738 = arith.xori %add3A_2730, %or3A_2737 : vector<8x640xi32>
      %add3A_2739 = arith.addi %add3A_2730, %xor3A_2738 : vector<8x640xi32>
      %shift_left3A_2740 = arith.constant 26 : i32
      %shift_left3A_2741 = vector.broadcast %shift_left3A_2740 : i32 to vector<8x640xi32>
      %shift_left3A_2742 = arith.shli %xor3A_2738, %shift_left3A_2741 : vector<8x640xi32>
      %shift_right_logical3A_2743 = arith.constant 6 : i32
      %shift_right_logical3A_2744 = vector.broadcast %shift_right_logical3A_2743 : i32 to vector<8x640xi32>
      %shift_right_logical3A_2745 = arith.shrui %xor3A_2738, %shift_right_logical3A_2744 : vector<8x640xi32>
      %or3A_2746 = arith.ori %shift_left3A_2742, %shift_right_logical3A_2745 : vector<8x640xi32>
      %xor3A_2747 = arith.xori %add3A_2739, %or3A_2746 : vector<8x640xi32>
      %add3A_2748 = arith.addi %add3A_2739, %xor3A_2747 : vector<8x640xi32>
      %shift_left3A_2749 = arith.constant 6 : i32
      %shift_left3A_2750 = vector.broadcast %shift_left3A_2749 : i32 to vector<8x640xi32>
      %shift_left3A_2751 = arith.shli %xor3A_2747, %shift_left3A_2750 : vector<8x640xi32>
      %shift_right_logical3A_2752 = arith.constant 26 : i32
      %shift_right_logical3A_2753 = vector.broadcast %shift_right_logical3A_2752 : i32 to vector<8x640xi32>
      %shift_right_logical3A_2754 = arith.shrui %xor3A_2747, %shift_right_logical3A_2753 : vector<8x640xi32>
      %or3A_2755 = arith.ori %shift_left3A_2751, %shift_right_logical3A_2754 : vector<8x640xi32>
      %xor3A_2756 = arith.xori %add3A_2748, %or3A_2755 : vector<8x640xi32>
      %add3A_2757 = arith.constant 270669613 : i32
      %add3A_2758 = vector.broadcast %add3A_2757 : i32 to vector<8x640xi32>
      %add3A_2759 = arith.addi %add3A_2748, %add3A_2758 : vector<8x640xi32>
      %add3A_2760 = arith.constant 1724713081 : i32
      %add3A_2761 = vector.broadcast %add3A_2760 : i32 to vector<8x640xi32>
      %add3A_2762 = arith.addi %xor3A_2756, %add3A_2761 : vector<8x640xi32>
      %add3A_2763 = arith.addi %add3A_2759, %add3A_2762 : vector<8x640xi32>
      %shift_left3A_2764 = arith.constant 17 : i32
      %shift_left3A_2765 = vector.broadcast %shift_left3A_2764 : i32 to vector<8x640xi32>
      %shift_left3A_2766 = arith.shli %add3A_2762, %shift_left3A_2765 : vector<8x640xi32>
      %shift_right_logical3A_2767 = arith.constant 15 : i32
      %shift_right_logical3A_2768 = vector.broadcast %shift_right_logical3A_2767 : i32 to vector<8x640xi32>
      %shift_right_logical3A_2769 = arith.shrui %add3A_2762, %shift_right_logical3A_2768 : vector<8x640xi32>
      %or3A_2770 = arith.ori %shift_left3A_2766, %shift_right_logical3A_2769 : vector<8x640xi32>
      %xor3A_2771 = arith.xori %add3A_2763, %or3A_2770 : vector<8x640xi32>
      %add3A_2772 = arith.addi %add3A_2763, %xor3A_2771 : vector<8x640xi32>
      %shift_left3A_2773 = arith.constant 29 : i32
      %shift_left3A_2774 = vector.broadcast %shift_left3A_2773 : i32 to vector<8x640xi32>
      %shift_left3A_2775 = arith.shli %xor3A_2771, %shift_left3A_2774 : vector<8x640xi32>
      %shift_right_logical3A_2776 = arith.constant 3 : i32
      %shift_right_logical3A_2777 = vector.broadcast %shift_right_logical3A_2776 : i32 to vector<8x640xi32>
      %shift_right_logical3A_2778 = arith.shrui %xor3A_2771, %shift_right_logical3A_2777 : vector<8x640xi32>
      %or3A_2779 = arith.ori %shift_left3A_2775, %shift_right_logical3A_2778 : vector<8x640xi32>
      %xor3A_2780 = arith.xori %add3A_2772, %or3A_2779 : vector<8x640xi32>
      %add3A_2781 = arith.addi %add3A_2772, %xor3A_2780 : vector<8x640xi32>
      %shift_left3A_2782 = arith.constant 16 : i32
      %shift_left3A_2783 = vector.broadcast %shift_left3A_2782 : i32 to vector<8x640xi32>
      %shift_left3A_2784 = arith.shli %xor3A_2780, %shift_left3A_2783 : vector<8x640xi32>
      %shift_right_logical3A_2785 = arith.constant 16 : i32
      %shift_right_logical3A_2786 = vector.broadcast %shift_right_logical3A_2785 : i32 to vector<8x640xi32>
      %shift_right_logical3A_2787 = arith.shrui %xor3A_2780, %shift_right_logical3A_2786 : vector<8x640xi32>
      %or3A_2788 = arith.ori %shift_left3A_2784, %shift_right_logical3A_2787 : vector<8x640xi32>
      %xor3A_2789 = arith.xori %add3A_2781, %or3A_2788 : vector<8x640xi32>
      %add3A_2790 = arith.addi %add3A_2781, %xor3A_2789 : vector<8x640xi32>
      %shift_left3A_2791 = arith.constant 24 : i32
      %shift_left3A_2792 = vector.broadcast %shift_left3A_2791 : i32 to vector<8x640xi32>
      %shift_left3A_2793 = arith.shli %xor3A_2789, %shift_left3A_2792 : vector<8x640xi32>
      %shift_right_logical3A_2794 = arith.constant 8 : i32
      %shift_right_logical3A_2795 = vector.broadcast %shift_right_logical3A_2794 : i32 to vector<8x640xi32>
      %shift_right_logical3A_2796 = arith.shrui %xor3A_2789, %shift_right_logical3A_2795 : vector<8x640xi32>
      %or3A_2797 = arith.ori %shift_left3A_2793, %shift_right_logical3A_2796 : vector<8x640xi32>
      %xor3A_2798 = arith.xori %add3A_2790, %or3A_2797 : vector<8x640xi32>
      %add3A_2799 = arith.constant 1724713080 : i32
      %add3A_2800 = vector.broadcast %add3A_2799 : i32 to vector<8x640xi32>
      %add3A_2801 = arith.addi %add3A_2790, %add3A_2800 : vector<8x640xi32>
      %add3A_2802 = arith.constant 1832780945 : i32
      %add3A_2803 = vector.broadcast %add3A_2802 : i32 to vector<8x640xi32>
      %add3A_2804 = arith.addi %xor3A_2798, %add3A_2803 : vector<8x640xi32>
      %add3A_2805 = arith.addi %add3A_2801, %add3A_2804 : vector<8x640xi32>
      %shift_left3A_2806 = arith.constant 13 : i32
      %shift_left3A_2807 = vector.broadcast %shift_left3A_2806 : i32 to vector<8x640xi32>
      %shift_left3A_2808 = arith.shli %add3A_2804, %shift_left3A_2807 : vector<8x640xi32>
      %shift_right_logical3A_2809 = arith.constant 19 : i32
      %shift_right_logical3A_2810 = vector.broadcast %shift_right_logical3A_2809 : i32 to vector<8x640xi32>
      %shift_right_logical3A_2811 = arith.shrui %add3A_2804, %shift_right_logical3A_2810 : vector<8x640xi32>
      %or3A_2812 = arith.ori %shift_left3A_2808, %shift_right_logical3A_2811 : vector<8x640xi32>
      %xor3A_2813 = arith.xori %add3A_2805, %or3A_2812 : vector<8x640xi32>
      %add3A_2814 = arith.addi %add3A_2805, %xor3A_2813 : vector<8x640xi32>
      %shift_left3A_2815 = arith.constant 15 : i32
      %shift_left3A_2816 = vector.broadcast %shift_left3A_2815 : i32 to vector<8x640xi32>
      %shift_left3A_2817 = arith.shli %xor3A_2813, %shift_left3A_2816 : vector<8x640xi32>
      %shift_right_logical3A_2818 = arith.constant 17 : i32
      %shift_right_logical3A_2819 = vector.broadcast %shift_right_logical3A_2818 : i32 to vector<8x640xi32>
      %shift_right_logical3A_2820 = arith.shrui %xor3A_2813, %shift_right_logical3A_2819 : vector<8x640xi32>
      %or3A_2821 = arith.ori %shift_left3A_2817, %shift_right_logical3A_2820 : vector<8x640xi32>
      %xor3A_2822 = arith.xori %add3A_2814, %or3A_2821 : vector<8x640xi32>
      %add3A_2823 = arith.addi %add3A_2814, %xor3A_2822 : vector<8x640xi32>
      %shift_left3A_2824 = arith.constant 26 : i32
      %shift_left3A_2825 = vector.broadcast %shift_left3A_2824 : i32 to vector<8x640xi32>
      %shift_left3A_2826 = arith.shli %xor3A_2822, %shift_left3A_2825 : vector<8x640xi32>
      %shift_right_logical3A_2827 = arith.constant 6 : i32
      %shift_right_logical3A_2828 = vector.broadcast %shift_right_logical3A_2827 : i32 to vector<8x640xi32>
      %shift_right_logical3A_2829 = arith.shrui %xor3A_2822, %shift_right_logical3A_2828 : vector<8x640xi32>
      %or3A_2830 = arith.ori %shift_left3A_2826, %shift_right_logical3A_2829 : vector<8x640xi32>
      %xor3A_2831 = arith.xori %add3A_2823, %or3A_2830 : vector<8x640xi32>
      %add3A_2832 = arith.addi %add3A_2823, %xor3A_2831 : vector<8x640xi32>
      %shift_left3A_2833 = arith.constant 6 : i32
      %shift_left3A_2834 = vector.broadcast %shift_left3A_2833 : i32 to vector<8x640xi32>
      %shift_left3A_2835 = arith.shli %xor3A_2831, %shift_left3A_2834 : vector<8x640xi32>
      %shift_right_logical3A_2836 = arith.constant 26 : i32
      %shift_right_logical3A_2837 = vector.broadcast %shift_right_logical3A_2836 : i32 to vector<8x640xi32>
      %shift_right_logical3A_2838 = arith.shrui %xor3A_2831, %shift_right_logical3A_2837 : vector<8x640xi32>
      %or3A_2839 = arith.ori %shift_left3A_2835, %shift_right_logical3A_2838 : vector<8x640xi32>
      %xor3A_2840 = arith.xori %add3A_2832, %or3A_2839 : vector<8x640xi32>
      %add3A_2841 = arith.constant 1832780943 : i32
      %add3A_2842 = vector.broadcast %add3A_2841 : i32 to vector<8x640xi32>
      %add3A_2843 = arith.addi %add3A_2832, %add3A_2842 : vector<8x640xi32>
      %add3A_2844 = arith.constant 270669616 : i32
      %add3A_2845 = vector.broadcast %add3A_2844 : i32 to vector<8x640xi32>
      %add3A_2846 = arith.addi %xor3A_2840, %add3A_2845 : vector<8x640xi32>
      %add3A_2847 = arith.addi %add3A_2843, %add3A_2846 : vector<8x640xi32>
      %shift_left3A_2848 = arith.constant 17 : i32
      %shift_left3A_2849 = vector.broadcast %shift_left3A_2848 : i32 to vector<8x640xi32>
      %shift_left3A_2850 = arith.shli %add3A_2846, %shift_left3A_2849 : vector<8x640xi32>
      %shift_right_logical3A_2851 = arith.constant 15 : i32
      %shift_right_logical3A_2852 = vector.broadcast %shift_right_logical3A_2851 : i32 to vector<8x640xi32>
      %shift_right_logical3A_2853 = arith.shrui %add3A_2846, %shift_right_logical3A_2852 : vector<8x640xi32>
      %or3A_2854 = arith.ori %shift_left3A_2850, %shift_right_logical3A_2853 : vector<8x640xi32>
      %xor3A_2855 = arith.xori %add3A_2847, %or3A_2854 : vector<8x640xi32>
      %add3A_2856 = arith.addi %add3A_2847, %xor3A_2855 : vector<8x640xi32>
      %shift_left3A_2857 = arith.constant 29 : i32
      %shift_left3A_2858 = vector.broadcast %shift_left3A_2857 : i32 to vector<8x640xi32>
      %shift_left3A_2859 = arith.shli %xor3A_2855, %shift_left3A_2858 : vector<8x640xi32>
      %shift_right_logical3A_2860 = arith.constant 3 : i32
      %shift_right_logical3A_2861 = vector.broadcast %shift_right_logical3A_2860 : i32 to vector<8x640xi32>
      %shift_right_logical3A_2862 = arith.shrui %xor3A_2855, %shift_right_logical3A_2861 : vector<8x640xi32>
      %or3A_2863 = arith.ori %shift_left3A_2859, %shift_right_logical3A_2862 : vector<8x640xi32>
      %xor3A_2864 = arith.xori %add3A_2856, %or3A_2863 : vector<8x640xi32>
      %add3A_2865 = arith.addi %add3A_2856, %xor3A_2864 : vector<8x640xi32>
      %shift_left3A_2866 = arith.constant 16 : i32
      %shift_left3A_2867 = vector.broadcast %shift_left3A_2866 : i32 to vector<8x640xi32>
      %shift_left3A_2868 = arith.shli %xor3A_2864, %shift_left3A_2867 : vector<8x640xi32>
      %shift_right_logical3A_2869 = arith.constant 16 : i32
      %shift_right_logical3A_2870 = vector.broadcast %shift_right_logical3A_2869 : i32 to vector<8x640xi32>
      %shift_right_logical3A_2871 = arith.shrui %xor3A_2864, %shift_right_logical3A_2870 : vector<8x640xi32>
      %or3A_2872 = arith.ori %shift_left3A_2868, %shift_right_logical3A_2871 : vector<8x640xi32>
      %xor3A_2873 = arith.xori %add3A_2865, %or3A_2872 : vector<8x640xi32>
      %add3A_2874 = arith.addi %add3A_2865, %xor3A_2873 : vector<8x640xi32>
      %shift_left3A_2875 = arith.constant 24 : i32
      %shift_left3A_2876 = vector.broadcast %shift_left3A_2875 : i32 to vector<8x640xi32>
      %shift_left3A_2877 = arith.shli %xor3A_2873, %shift_left3A_2876 : vector<8x640xi32>
      %shift_right_logical3A_2878 = arith.constant 8 : i32
      %shift_right_logical3A_2879 = vector.broadcast %shift_right_logical3A_2878 : i32 to vector<8x640xi32>
      %shift_right_logical3A_2880 = arith.shrui %xor3A_2873, %shift_right_logical3A_2879 : vector<8x640xi32>
      %or3A_2881 = arith.ori %shift_left3A_2877, %shift_right_logical3A_2880 : vector<8x640xi32>
      %xor3A_2882 = arith.xori %add3A_2874, %or3A_2881 : vector<8x640xi32>
      %add3A_2883 = arith.constant 270669613 : i32
      %add3A_2884 = vector.broadcast %add3A_2883 : i32 to vector<8x640xi32>
      %add3A_2885 = arith.addi %add3A_2874, %add3A_2884 : vector<8x640xi32>
      %add3A_2886 = arith.constant 1724713084 : i32
      %add3A_2887 = vector.broadcast %add3A_2886 : i32 to vector<8x640xi32>
      %add3A_2888 = arith.addi %xor3A_2882, %add3A_2887 : vector<8x640xi32>
      %add3A_2889 = arith.addi %add3A_2885, %add3A_2888 : vector<8x640xi32>
      %shift_left3A_2890 = arith.constant 13 : i32
      %shift_left3A_2891 = vector.broadcast %shift_left3A_2890 : i32 to vector<8x640xi32>
      %shift_left3A_2892 = arith.shli %add3A_2888, %shift_left3A_2891 : vector<8x640xi32>
      %shift_right_logical3A_2893 = arith.constant 19 : i32
      %shift_right_logical3A_2894 = vector.broadcast %shift_right_logical3A_2893 : i32 to vector<8x640xi32>
      %shift_right_logical3A_2895 = arith.shrui %add3A_2888, %shift_right_logical3A_2894 : vector<8x640xi32>
      %or3A_2896 = arith.ori %shift_left3A_2892, %shift_right_logical3A_2895 : vector<8x640xi32>
      %xor3A_2897 = arith.xori %add3A_2889, %or3A_2896 : vector<8x640xi32>
      %add3A_2898 = arith.addi %add3A_2889, %xor3A_2897 : vector<8x640xi32>
      %shift_left3A_2899 = arith.constant 15 : i32
      %shift_left3A_2900 = vector.broadcast %shift_left3A_2899 : i32 to vector<8x640xi32>
      %shift_left3A_2901 = arith.shli %xor3A_2897, %shift_left3A_2900 : vector<8x640xi32>
      %shift_right_logical3A_2902 = arith.constant 17 : i32
      %shift_right_logical3A_2903 = vector.broadcast %shift_right_logical3A_2902 : i32 to vector<8x640xi32>
      %shift_right_logical3A_2904 = arith.shrui %xor3A_2897, %shift_right_logical3A_2903 : vector<8x640xi32>
      %or3A_2905 = arith.ori %shift_left3A_2901, %shift_right_logical3A_2904 : vector<8x640xi32>
      %xor3A_2906 = arith.xori %add3A_2898, %or3A_2905 : vector<8x640xi32>
      %add3A_2907 = arith.addi %add3A_2898, %xor3A_2906 : vector<8x640xi32>
      %shift_left3A_2908 = arith.constant 26 : i32
      %shift_left3A_2909 = vector.broadcast %shift_left3A_2908 : i32 to vector<8x640xi32>
      %shift_left3A_2910 = arith.shli %xor3A_2906, %shift_left3A_2909 : vector<8x640xi32>
      %shift_right_logical3A_2911 = arith.constant 6 : i32
      %shift_right_logical3A_2912 = vector.broadcast %shift_right_logical3A_2911 : i32 to vector<8x640xi32>
      %shift_right_logical3A_2913 = arith.shrui %xor3A_2906, %shift_right_logical3A_2912 : vector<8x640xi32>
      %or3A_2914 = arith.ori %shift_left3A_2910, %shift_right_logical3A_2913 : vector<8x640xi32>
      %xor3A_2915 = arith.xori %add3A_2907, %or3A_2914 : vector<8x640xi32>
      %add3A_2916 = arith.addi %add3A_2907, %xor3A_2915 : vector<8x640xi32>
      %shift_left3A_2917 = arith.constant 6 : i32
      %shift_left3A_2918 = vector.broadcast %shift_left3A_2917 : i32 to vector<8x640xi32>
      %shift_left3A_2919 = arith.shli %xor3A_2915, %shift_left3A_2918 : vector<8x640xi32>
      %shift_right_logical3A_2920 = arith.constant 26 : i32
      %shift_right_logical3A_2921 = vector.broadcast %shift_right_logical3A_2920 : i32 to vector<8x640xi32>
      %shift_right_logical3A_2922 = arith.shrui %xor3A_2915, %shift_right_logical3A_2921 : vector<8x640xi32>
      %or3A_2923 = arith.ori %shift_left3A_2919, %shift_right_logical3A_2922 : vector<8x640xi32>
      %xor3A_2924 = arith.xori %add3A_2916, %or3A_2923 : vector<8x640xi32>
      %add3A_2925 = arith.constant 1724713080 : i32
      %add3A_2926 = vector.broadcast %add3A_2925 : i32 to vector<8x640xi32>
      %add3A_2927 = arith.addi %add3A_2916, %add3A_2926 : vector<8x640xi32>
      %add3A_2928 = arith.constant 1832780948 : i32
      %add3A_2929 = vector.broadcast %add3A_2928 : i32 to vector<8x640xi32>
      %add3A_2930 = arith.addi %xor3A_2924, %add3A_2929 : vector<8x640xi32>
      %xor3A_2931 = arith.xori %add3A_2927, %add3A_2930 : vector<8x640xi32>
      %shift_right_logical3A_2932 = arith.constant 9 : i32
      %shift_right_logical3A_2933 = vector.broadcast %shift_right_logical3A_2932 : i32 to vector<8x640xi32>
      %shift_right_logical3A_2934 = arith.shrui %xor3A_2931, %shift_right_logical3A_2933 : vector<8x640xi32>
      %or3A_2935 = arith.constant 1065353216 : i32
      %or3A_2936 = vector.broadcast %or3A_2935 : i32 to vector<8x640xi32>
      %or3A_2937 = arith.ori %shift_right_logical3A_2934, %or3A_2936 : vector<8x640xi32>
      %bitcast_convert_type3A_2938 = tpu.bitcast %or3A_2937 : vector<8x640xi32> -> vector<8x640xf32>
      %sub3A_2939 = arith.constant 1.000000e+00 : f32
      %sub3A_2940 = vector.broadcast %sub3A_2939 : f32 to vector<8x640xf32>
      %sub3A_2941 = arith.subf %bitcast_convert_type3A_2938, %sub3A_2940 : vector<8x640xf32>
      %get3A_2942 = arith.index_cast %add3A_2714 : i32 to index
      %get3A_2943 = arith.constant 0 : index
      %get3A_2944 = arith.constant 0 : index
      %get3A_2945 = vector.load %arg1[%get3A_2942, %get3A_2943, %get3A_2944] : memref<125x8x640xf32, #tpu.memory_space<vmem>>, vector<1x8x640xf32>
      %get3A_2946 = vector.shape_cast %get3A_2945 : vector<1x8x640xf32> to vector<8x640xf32>
      %log3A_2947 = math.log %sub3A_2941 : vector<8x640xf32>
      %log3A_2948 = arith.constant 2.000000e+00 : f32
      %log3A_2949 = math.log %log3A_2948 : f32
      %div3A_2950 = vector.broadcast %log3A_2949 : f32 to vector<8x640xf32>
      %div3A_2951 = arith.divf %log3A_2947, %div3A_2950 : vector<8x640xf32>
      %mul3A_2952 = arith.mulf %div3A_2951, %get3A_2946 : vector<8x640xf32>
      %lt3A_2953 = arith.cmpf olt, %mul3A_2952, %select_n3A_2708 : vector<8x640xf32>
      %select_n3A_2954 = arith.select %lt3A_2953, %mul3A_2952, %select_n3A_2708 : vector<8x640xi1>, vector<8x640xf32>
      %broadcast_in_dim3A_2955 = vector.broadcast %add3A_2714 : i32 to vector<8x640xi32>
      %select_n3A_2956 = arith.select %lt3A_2953, %broadcast_in_dim3A_2955, %select_n3A_2710 : vector<8x640xi1>, vector<8x640xi32>
      %mul3A_2957 = arith.constant 12 : i32
      %mul3A_2958 = arith.muli %mul3A_2957, %scan3A_1232 : i32
      %add3A_2959 = arith.constant 7 : i32
      %add3A_2960 = arith.addi %mul3A_2958, %add3A_2959 : i32
      %mul3A_2961 = arith.constant 640 : i32
      %mul3A_2962 = arith.muli %add3A_2960, %mul3A_2961 : i32
      %add3A_2963 = vector.broadcast %mul3A_2962 : i32 to vector<8x640xi32>
      %add3A_2964 = arith.addi %add3A_9, %add3A_2963 : vector<8x640xi32>
      %add3A_2965 = arith.constant 1832780943 : i32
      %add3A_2966 = vector.broadcast %add3A_2965 : i32 to vector<8x640xi32>
      %add3A_2967 = arith.addi %add3A_2964, %add3A_2966 : vector<8x640xi32>
      %shift_left3A_2968 = arith.constant 13 : i32
      %shift_left3A_2969 = vector.broadcast %shift_left3A_2968 : i32 to vector<8x640xi32>
      %shift_left3A_2970 = arith.shli %add3A_2964, %shift_left3A_2969 : vector<8x640xi32>
      %shift_right_logical3A_2971 = arith.constant 19 : i32
      %shift_right_logical3A_2972 = vector.broadcast %shift_right_logical3A_2971 : i32 to vector<8x640xi32>
      %shift_right_logical3A_2973 = arith.shrui %add3A_2964, %shift_right_logical3A_2972 : vector<8x640xi32>
      %or3A_2974 = arith.ori %shift_left3A_2970, %shift_right_logical3A_2973 : vector<8x640xi32>
      %xor3A_2975 = arith.xori %add3A_2967, %or3A_2974 : vector<8x640xi32>
      %add3A_2976 = arith.addi %add3A_2967, %xor3A_2975 : vector<8x640xi32>
      %shift_left3A_2977 = arith.constant 15 : i32
      %shift_left3A_2978 = vector.broadcast %shift_left3A_2977 : i32 to vector<8x640xi32>
      %shift_left3A_2979 = arith.shli %xor3A_2975, %shift_left3A_2978 : vector<8x640xi32>
      %shift_right_logical3A_2980 = arith.constant 17 : i32
      %shift_right_logical3A_2981 = vector.broadcast %shift_right_logical3A_2980 : i32 to vector<8x640xi32>
      %shift_right_logical3A_2982 = arith.shrui %xor3A_2975, %shift_right_logical3A_2981 : vector<8x640xi32>
      %or3A_2983 = arith.ori %shift_left3A_2979, %shift_right_logical3A_2982 : vector<8x640xi32>
      %xor3A_2984 = arith.xori %add3A_2976, %or3A_2983 : vector<8x640xi32>
      %add3A_2985 = arith.addi %add3A_2976, %xor3A_2984 : vector<8x640xi32>
      %shift_left3A_2986 = arith.constant 26 : i32
      %shift_left3A_2987 = vector.broadcast %shift_left3A_2986 : i32 to vector<8x640xi32>
      %shift_left3A_2988 = arith.shli %xor3A_2984, %shift_left3A_2987 : vector<8x640xi32>
      %shift_right_logical3A_2989 = arith.constant 6 : i32
      %shift_right_logical3A_2990 = vector.broadcast %shift_right_logical3A_2989 : i32 to vector<8x640xi32>
      %shift_right_logical3A_2991 = arith.shrui %xor3A_2984, %shift_right_logical3A_2990 : vector<8x640xi32>
      %or3A_2992 = arith.ori %shift_left3A_2988, %shift_right_logical3A_2991 : vector<8x640xi32>
      %xor3A_2993 = arith.xori %add3A_2985, %or3A_2992 : vector<8x640xi32>
      %add3A_2994 = arith.addi %add3A_2985, %xor3A_2993 : vector<8x640xi32>
      %shift_left3A_2995 = arith.constant 6 : i32
      %shift_left3A_2996 = vector.broadcast %shift_left3A_2995 : i32 to vector<8x640xi32>
      %shift_left3A_2997 = arith.shli %xor3A_2993, %shift_left3A_2996 : vector<8x640xi32>
      %shift_right_logical3A_2998 = arith.constant 26 : i32
      %shift_right_logical3A_2999 = vector.broadcast %shift_right_logical3A_2998 : i32 to vector<8x640xi32>
      %shift_right_logical3A_3000 = arith.shrui %xor3A_2993, %shift_right_logical3A_2999 : vector<8x640xi32>
      %or3A_3001 = arith.ori %shift_left3A_2997, %shift_right_logical3A_3000 : vector<8x640xi32>
      %xor3A_3002 = arith.xori %add3A_2994, %or3A_3001 : vector<8x640xi32>
      %add3A_3003 = arith.constant 270669613 : i32
      %add3A_3004 = vector.broadcast %add3A_3003 : i32 to vector<8x640xi32>
      %add3A_3005 = arith.addi %add3A_2994, %add3A_3004 : vector<8x640xi32>
      %add3A_3006 = arith.constant 1724713081 : i32
      %add3A_3007 = vector.broadcast %add3A_3006 : i32 to vector<8x640xi32>
      %add3A_3008 = arith.addi %xor3A_3002, %add3A_3007 : vector<8x640xi32>
      %add3A_3009 = arith.addi %add3A_3005, %add3A_3008 : vector<8x640xi32>
      %shift_left3A_3010 = arith.constant 17 : i32
      %shift_left3A_3011 = vector.broadcast %shift_left3A_3010 : i32 to vector<8x640xi32>
      %shift_left3A_3012 = arith.shli %add3A_3008, %shift_left3A_3011 : vector<8x640xi32>
      %shift_right_logical3A_3013 = arith.constant 15 : i32
      %shift_right_logical3A_3014 = vector.broadcast %shift_right_logical3A_3013 : i32 to vector<8x640xi32>
      %shift_right_logical3A_3015 = arith.shrui %add3A_3008, %shift_right_logical3A_3014 : vector<8x640xi32>
      %or3A_3016 = arith.ori %shift_left3A_3012, %shift_right_logical3A_3015 : vector<8x640xi32>
      %xor3A_3017 = arith.xori %add3A_3009, %or3A_3016 : vector<8x640xi32>
      %add3A_3018 = arith.addi %add3A_3009, %xor3A_3017 : vector<8x640xi32>
      %shift_left3A_3019 = arith.constant 29 : i32
      %shift_left3A_3020 = vector.broadcast %shift_left3A_3019 : i32 to vector<8x640xi32>
      %shift_left3A_3021 = arith.shli %xor3A_3017, %shift_left3A_3020 : vector<8x640xi32>
      %shift_right_logical3A_3022 = arith.constant 3 : i32
      %shift_right_logical3A_3023 = vector.broadcast %shift_right_logical3A_3022 : i32 to vector<8x640xi32>
      %shift_right_logical3A_3024 = arith.shrui %xor3A_3017, %shift_right_logical3A_3023 : vector<8x640xi32>
      %or3A_3025 = arith.ori %shift_left3A_3021, %shift_right_logical3A_3024 : vector<8x640xi32>
      %xor3A_3026 = arith.xori %add3A_3018, %or3A_3025 : vector<8x640xi32>
      %add3A_3027 = arith.addi %add3A_3018, %xor3A_3026 : vector<8x640xi32>
      %shift_left3A_3028 = arith.constant 16 : i32
      %shift_left3A_3029 = vector.broadcast %shift_left3A_3028 : i32 to vector<8x640xi32>
      %shift_left3A_3030 = arith.shli %xor3A_3026, %shift_left3A_3029 : vector<8x640xi32>
      %shift_right_logical3A_3031 = arith.constant 16 : i32
      %shift_right_logical3A_3032 = vector.broadcast %shift_right_logical3A_3031 : i32 to vector<8x640xi32>
      %shift_right_logical3A_3033 = arith.shrui %xor3A_3026, %shift_right_logical3A_3032 : vector<8x640xi32>
      %or3A_3034 = arith.ori %shift_left3A_3030, %shift_right_logical3A_3033 : vector<8x640xi32>
      %xor3A_3035 = arith.xori %add3A_3027, %or3A_3034 : vector<8x640xi32>
      %add3A_3036 = arith.addi %add3A_3027, %xor3A_3035 : vector<8x640xi32>
      %shift_left3A_3037 = arith.constant 24 : i32
      %shift_left3A_3038 = vector.broadcast %shift_left3A_3037 : i32 to vector<8x640xi32>
      %shift_left3A_3039 = arith.shli %xor3A_3035, %shift_left3A_3038 : vector<8x640xi32>
      %shift_right_logical3A_3040 = arith.constant 8 : i32
      %shift_right_logical3A_3041 = vector.broadcast %shift_right_logical3A_3040 : i32 to vector<8x640xi32>
      %shift_right_logical3A_3042 = arith.shrui %xor3A_3035, %shift_right_logical3A_3041 : vector<8x640xi32>
      %or3A_3043 = arith.ori %shift_left3A_3039, %shift_right_logical3A_3042 : vector<8x640xi32>
      %xor3A_3044 = arith.xori %add3A_3036, %or3A_3043 : vector<8x640xi32>
      %add3A_3045 = arith.constant 1724713080 : i32
      %add3A_3046 = vector.broadcast %add3A_3045 : i32 to vector<8x640xi32>
      %add3A_3047 = arith.addi %add3A_3036, %add3A_3046 : vector<8x640xi32>
      %add3A_3048 = arith.constant 1832780945 : i32
      %add3A_3049 = vector.broadcast %add3A_3048 : i32 to vector<8x640xi32>
      %add3A_3050 = arith.addi %xor3A_3044, %add3A_3049 : vector<8x640xi32>
      %add3A_3051 = arith.addi %add3A_3047, %add3A_3050 : vector<8x640xi32>
      %shift_left3A_3052 = arith.constant 13 : i32
      %shift_left3A_3053 = vector.broadcast %shift_left3A_3052 : i32 to vector<8x640xi32>
      %shift_left3A_3054 = arith.shli %add3A_3050, %shift_left3A_3053 : vector<8x640xi32>
      %shift_right_logical3A_3055 = arith.constant 19 : i32
      %shift_right_logical3A_3056 = vector.broadcast %shift_right_logical3A_3055 : i32 to vector<8x640xi32>
      %shift_right_logical3A_3057 = arith.shrui %add3A_3050, %shift_right_logical3A_3056 : vector<8x640xi32>
      %or3A_3058 = arith.ori %shift_left3A_3054, %shift_right_logical3A_3057 : vector<8x640xi32>
      %xor3A_3059 = arith.xori %add3A_3051, %or3A_3058 : vector<8x640xi32>
      %add3A_3060 = arith.addi %add3A_3051, %xor3A_3059 : vector<8x640xi32>
      %shift_left3A_3061 = arith.constant 15 : i32
      %shift_left3A_3062 = vector.broadcast %shift_left3A_3061 : i32 to vector<8x640xi32>
      %shift_left3A_3063 = arith.shli %xor3A_3059, %shift_left3A_3062 : vector<8x640xi32>
      %shift_right_logical3A_3064 = arith.constant 17 : i32
      %shift_right_logical3A_3065 = vector.broadcast %shift_right_logical3A_3064 : i32 to vector<8x640xi32>
      %shift_right_logical3A_3066 = arith.shrui %xor3A_3059, %shift_right_logical3A_3065 : vector<8x640xi32>
      %or3A_3067 = arith.ori %shift_left3A_3063, %shift_right_logical3A_3066 : vector<8x640xi32>
      %xor3A_3068 = arith.xori %add3A_3060, %or3A_3067 : vector<8x640xi32>
      %add3A_3069 = arith.addi %add3A_3060, %xor3A_3068 : vector<8x640xi32>
      %shift_left3A_3070 = arith.constant 26 : i32
      %shift_left3A_3071 = vector.broadcast %shift_left3A_3070 : i32 to vector<8x640xi32>
      %shift_left3A_3072 = arith.shli %xor3A_3068, %shift_left3A_3071 : vector<8x640xi32>
      %shift_right_logical3A_3073 = arith.constant 6 : i32
      %shift_right_logical3A_3074 = vector.broadcast %shift_right_logical3A_3073 : i32 to vector<8x640xi32>
      %shift_right_logical3A_3075 = arith.shrui %xor3A_3068, %shift_right_logical3A_3074 : vector<8x640xi32>
      %or3A_3076 = arith.ori %shift_left3A_3072, %shift_right_logical3A_3075 : vector<8x640xi32>
      %xor3A_3077 = arith.xori %add3A_3069, %or3A_3076 : vector<8x640xi32>
      %add3A_3078 = arith.addi %add3A_3069, %xor3A_3077 : vector<8x640xi32>
      %shift_left3A_3079 = arith.constant 6 : i32
      %shift_left3A_3080 = vector.broadcast %shift_left3A_3079 : i32 to vector<8x640xi32>
      %shift_left3A_3081 = arith.shli %xor3A_3077, %shift_left3A_3080 : vector<8x640xi32>
      %shift_right_logical3A_3082 = arith.constant 26 : i32
      %shift_right_logical3A_3083 = vector.broadcast %shift_right_logical3A_3082 : i32 to vector<8x640xi32>
      %shift_right_logical3A_3084 = arith.shrui %xor3A_3077, %shift_right_logical3A_3083 : vector<8x640xi32>
      %or3A_3085 = arith.ori %shift_left3A_3081, %shift_right_logical3A_3084 : vector<8x640xi32>
      %xor3A_3086 = arith.xori %add3A_3078, %or3A_3085 : vector<8x640xi32>
      %add3A_3087 = arith.constant 1832780943 : i32
      %add3A_3088 = vector.broadcast %add3A_3087 : i32 to vector<8x640xi32>
      %add3A_3089 = arith.addi %add3A_3078, %add3A_3088 : vector<8x640xi32>
      %add3A_3090 = arith.constant 270669616 : i32
      %add3A_3091 = vector.broadcast %add3A_3090 : i32 to vector<8x640xi32>
      %add3A_3092 = arith.addi %xor3A_3086, %add3A_3091 : vector<8x640xi32>
      %add3A_3093 = arith.addi %add3A_3089, %add3A_3092 : vector<8x640xi32>
      %shift_left3A_3094 = arith.constant 17 : i32
      %shift_left3A_3095 = vector.broadcast %shift_left3A_3094 : i32 to vector<8x640xi32>
      %shift_left3A_3096 = arith.shli %add3A_3092, %shift_left3A_3095 : vector<8x640xi32>
      %shift_right_logical3A_3097 = arith.constant 15 : i32
      %shift_right_logical3A_3098 = vector.broadcast %shift_right_logical3A_3097 : i32 to vector<8x640xi32>
      %shift_right_logical3A_3099 = arith.shrui %add3A_3092, %shift_right_logical3A_3098 : vector<8x640xi32>
      %or3A_3100 = arith.ori %shift_left3A_3096, %shift_right_logical3A_3099 : vector<8x640xi32>
      %xor3A_3101 = arith.xori %add3A_3093, %or3A_3100 : vector<8x640xi32>
      %add3A_3102 = arith.addi %add3A_3093, %xor3A_3101 : vector<8x640xi32>
      %shift_left3A_3103 = arith.constant 29 : i32
      %shift_left3A_3104 = vector.broadcast %shift_left3A_3103 : i32 to vector<8x640xi32>
      %shift_left3A_3105 = arith.shli %xor3A_3101, %shift_left3A_3104 : vector<8x640xi32>
      %shift_right_logical3A_3106 = arith.constant 3 : i32
      %shift_right_logical3A_3107 = vector.broadcast %shift_right_logical3A_3106 : i32 to vector<8x640xi32>
      %shift_right_logical3A_3108 = arith.shrui %xor3A_3101, %shift_right_logical3A_3107 : vector<8x640xi32>
      %or3A_3109 = arith.ori %shift_left3A_3105, %shift_right_logical3A_3108 : vector<8x640xi32>
      %xor3A_3110 = arith.xori %add3A_3102, %or3A_3109 : vector<8x640xi32>
      %add3A_3111 = arith.addi %add3A_3102, %xor3A_3110 : vector<8x640xi32>
      %shift_left3A_3112 = arith.constant 16 : i32
      %shift_left3A_3113 = vector.broadcast %shift_left3A_3112 : i32 to vector<8x640xi32>
      %shift_left3A_3114 = arith.shli %xor3A_3110, %shift_left3A_3113 : vector<8x640xi32>
      %shift_right_logical3A_3115 = arith.constant 16 : i32
      %shift_right_logical3A_3116 = vector.broadcast %shift_right_logical3A_3115 : i32 to vector<8x640xi32>
      %shift_right_logical3A_3117 = arith.shrui %xor3A_3110, %shift_right_logical3A_3116 : vector<8x640xi32>
      %or3A_3118 = arith.ori %shift_left3A_3114, %shift_right_logical3A_3117 : vector<8x640xi32>
      %xor3A_3119 = arith.xori %add3A_3111, %or3A_3118 : vector<8x640xi32>
      %add3A_3120 = arith.addi %add3A_3111, %xor3A_3119 : vector<8x640xi32>
      %shift_left3A_3121 = arith.constant 24 : i32
      %shift_left3A_3122 = vector.broadcast %shift_left3A_3121 : i32 to vector<8x640xi32>
      %shift_left3A_3123 = arith.shli %xor3A_3119, %shift_left3A_3122 : vector<8x640xi32>
      %shift_right_logical3A_3124 = arith.constant 8 : i32
      %shift_right_logical3A_3125 = vector.broadcast %shift_right_logical3A_3124 : i32 to vector<8x640xi32>
      %shift_right_logical3A_3126 = arith.shrui %xor3A_3119, %shift_right_logical3A_3125 : vector<8x640xi32>
      %or3A_3127 = arith.ori %shift_left3A_3123, %shift_right_logical3A_3126 : vector<8x640xi32>
      %xor3A_3128 = arith.xori %add3A_3120, %or3A_3127 : vector<8x640xi32>
      %add3A_3129 = arith.constant 270669613 : i32
      %add3A_3130 = vector.broadcast %add3A_3129 : i32 to vector<8x640xi32>
      %add3A_3131 = arith.addi %add3A_3120, %add3A_3130 : vector<8x640xi32>
      %add3A_3132 = arith.constant 1724713084 : i32
      %add3A_3133 = vector.broadcast %add3A_3132 : i32 to vector<8x640xi32>
      %add3A_3134 = arith.addi %xor3A_3128, %add3A_3133 : vector<8x640xi32>
      %add3A_3135 = arith.addi %add3A_3131, %add3A_3134 : vector<8x640xi32>
      %shift_left3A_3136 = arith.constant 13 : i32
      %shift_left3A_3137 = vector.broadcast %shift_left3A_3136 : i32 to vector<8x640xi32>
      %shift_left3A_3138 = arith.shli %add3A_3134, %shift_left3A_3137 : vector<8x640xi32>
      %shift_right_logical3A_3139 = arith.constant 19 : i32
      %shift_right_logical3A_3140 = vector.broadcast %shift_right_logical3A_3139 : i32 to vector<8x640xi32>
      %shift_right_logical3A_3141 = arith.shrui %add3A_3134, %shift_right_logical3A_3140 : vector<8x640xi32>
      %or3A_3142 = arith.ori %shift_left3A_3138, %shift_right_logical3A_3141 : vector<8x640xi32>
      %xor3A_3143 = arith.xori %add3A_3135, %or3A_3142 : vector<8x640xi32>
      %add3A_3144 = arith.addi %add3A_3135, %xor3A_3143 : vector<8x640xi32>
      %shift_left3A_3145 = arith.constant 15 : i32
      %shift_left3A_3146 = vector.broadcast %shift_left3A_3145 : i32 to vector<8x640xi32>
      %shift_left3A_3147 = arith.shli %xor3A_3143, %shift_left3A_3146 : vector<8x640xi32>
      %shift_right_logical3A_3148 = arith.constant 17 : i32
      %shift_right_logical3A_3149 = vector.broadcast %shift_right_logical3A_3148 : i32 to vector<8x640xi32>
      %shift_right_logical3A_3150 = arith.shrui %xor3A_3143, %shift_right_logical3A_3149 : vector<8x640xi32>
      %or3A_3151 = arith.ori %shift_left3A_3147, %shift_right_logical3A_3150 : vector<8x640xi32>
      %xor3A_3152 = arith.xori %add3A_3144, %or3A_3151 : vector<8x640xi32>
      %add3A_3153 = arith.addi %add3A_3144, %xor3A_3152 : vector<8x640xi32>
      %shift_left3A_3154 = arith.constant 26 : i32
      %shift_left3A_3155 = vector.broadcast %shift_left3A_3154 : i32 to vector<8x640xi32>
      %shift_left3A_3156 = arith.shli %xor3A_3152, %shift_left3A_3155 : vector<8x640xi32>
      %shift_right_logical3A_3157 = arith.constant 6 : i32
      %shift_right_logical3A_3158 = vector.broadcast %shift_right_logical3A_3157 : i32 to vector<8x640xi32>
      %shift_right_logical3A_3159 = arith.shrui %xor3A_3152, %shift_right_logical3A_3158 : vector<8x640xi32>
      %or3A_3160 = arith.ori %shift_left3A_3156, %shift_right_logical3A_3159 : vector<8x640xi32>
      %xor3A_3161 = arith.xori %add3A_3153, %or3A_3160 : vector<8x640xi32>
      %add3A_3162 = arith.addi %add3A_3153, %xor3A_3161 : vector<8x640xi32>
      %shift_left3A_3163 = arith.constant 6 : i32
      %shift_left3A_3164 = vector.broadcast %shift_left3A_3163 : i32 to vector<8x640xi32>
      %shift_left3A_3165 = arith.shli %xor3A_3161, %shift_left3A_3164 : vector<8x640xi32>
      %shift_right_logical3A_3166 = arith.constant 26 : i32
      %shift_right_logical3A_3167 = vector.broadcast %shift_right_logical3A_3166 : i32 to vector<8x640xi32>
      %shift_right_logical3A_3168 = arith.shrui %xor3A_3161, %shift_right_logical3A_3167 : vector<8x640xi32>
      %or3A_3169 = arith.ori %shift_left3A_3165, %shift_right_logical3A_3168 : vector<8x640xi32>
      %xor3A_3170 = arith.xori %add3A_3162, %or3A_3169 : vector<8x640xi32>
      %add3A_3171 = arith.constant 1724713080 : i32
      %add3A_3172 = vector.broadcast %add3A_3171 : i32 to vector<8x640xi32>
      %add3A_3173 = arith.addi %add3A_3162, %add3A_3172 : vector<8x640xi32>
      %add3A_3174 = arith.constant 1832780948 : i32
      %add3A_3175 = vector.broadcast %add3A_3174 : i32 to vector<8x640xi32>
      %add3A_3176 = arith.addi %xor3A_3170, %add3A_3175 : vector<8x640xi32>
      %xor3A_3177 = arith.xori %add3A_3173, %add3A_3176 : vector<8x640xi32>
      %shift_right_logical3A_3178 = arith.constant 9 : i32
      %shift_right_logical3A_3179 = vector.broadcast %shift_right_logical3A_3178 : i32 to vector<8x640xi32>
      %shift_right_logical3A_3180 = arith.shrui %xor3A_3177, %shift_right_logical3A_3179 : vector<8x640xi32>
      %or3A_3181 = arith.constant 1065353216 : i32
      %or3A_3182 = vector.broadcast %or3A_3181 : i32 to vector<8x640xi32>
      %or3A_3183 = arith.ori %shift_right_logical3A_3180, %or3A_3182 : vector<8x640xi32>
      %bitcast_convert_type3A_3184 = tpu.bitcast %or3A_3183 : vector<8x640xi32> -> vector<8x640xf32>
      %sub3A_3185 = arith.constant 1.000000e+00 : f32
      %sub3A_3186 = vector.broadcast %sub3A_3185 : f32 to vector<8x640xf32>
      %sub3A_3187 = arith.subf %bitcast_convert_type3A_3184, %sub3A_3186 : vector<8x640xf32>
      %get3A_3188 = arith.index_cast %add3A_2960 : i32 to index
      %get3A_3189 = arith.constant 0 : index
      %get3A_3190 = arith.constant 0 : index
      %get3A_3191 = vector.load %arg1[%get3A_3188, %get3A_3189, %get3A_3190] : memref<125x8x640xf32, #tpu.memory_space<vmem>>, vector<1x8x640xf32>
      %get3A_3192 = vector.shape_cast %get3A_3191 : vector<1x8x640xf32> to vector<8x640xf32>
      %log3A_3193 = math.log %sub3A_3187 : vector<8x640xf32>
      %log3A_3194 = arith.constant 2.000000e+00 : f32
      %log3A_3195 = math.log %log3A_3194 : f32
      %div3A_3196 = vector.broadcast %log3A_3195 : f32 to vector<8x640xf32>
      %div3A_3197 = arith.divf %log3A_3193, %div3A_3196 : vector<8x640xf32>
      %mul3A_3198 = arith.mulf %div3A_3197, %get3A_3192 : vector<8x640xf32>
      %lt3A_3199 = arith.cmpf olt, %mul3A_3198, %select_n3A_2954 : vector<8x640xf32>
      %select_n3A_3200 = arith.select %lt3A_3199, %mul3A_3198, %select_n3A_2954 : vector<8x640xi1>, vector<8x640xf32>
      %broadcast_in_dim3A_3201 = vector.broadcast %add3A_2960 : i32 to vector<8x640xi32>
      %select_n3A_3202 = arith.select %lt3A_3199, %broadcast_in_dim3A_3201, %select_n3A_2956 : vector<8x640xi1>, vector<8x640xi32>
      %mul3A_3203 = arith.constant 12 : i32
      %mul3A_3204 = arith.muli %mul3A_3203, %scan3A_1232 : i32
      %add3A_3205 = arith.constant 8 : i32
      %add3A_3206 = arith.addi %mul3A_3204, %add3A_3205 : i32
      %mul3A_3207 = arith.constant 640 : i32
      %mul3A_3208 = arith.muli %add3A_3206, %mul3A_3207 : i32
      %add3A_3209 = vector.broadcast %mul3A_3208 : i32 to vector<8x640xi32>
      %add3A_3210 = arith.addi %add3A_9, %add3A_3209 : vector<8x640xi32>
      %add3A_3211 = arith.constant 1832780943 : i32
      %add3A_3212 = vector.broadcast %add3A_3211 : i32 to vector<8x640xi32>
      %add3A_3213 = arith.addi %add3A_3210, %add3A_3212 : vector<8x640xi32>
      %shift_left3A_3214 = arith.constant 13 : i32
      %shift_left3A_3215 = vector.broadcast %shift_left3A_3214 : i32 to vector<8x640xi32>
      %shift_left3A_3216 = arith.shli %add3A_3210, %shift_left3A_3215 : vector<8x640xi32>
      %shift_right_logical3A_3217 = arith.constant 19 : i32
      %shift_right_logical3A_3218 = vector.broadcast %shift_right_logical3A_3217 : i32 to vector<8x640xi32>
      %shift_right_logical3A_3219 = arith.shrui %add3A_3210, %shift_right_logical3A_3218 : vector<8x640xi32>
      %or3A_3220 = arith.ori %shift_left3A_3216, %shift_right_logical3A_3219 : vector<8x640xi32>
      %xor3A_3221 = arith.xori %add3A_3213, %or3A_3220 : vector<8x640xi32>
      %add3A_3222 = arith.addi %add3A_3213, %xor3A_3221 : vector<8x640xi32>
      %shift_left3A_3223 = arith.constant 15 : i32
      %shift_left3A_3224 = vector.broadcast %shift_left3A_3223 : i32 to vector<8x640xi32>
      %shift_left3A_3225 = arith.shli %xor3A_3221, %shift_left3A_3224 : vector<8x640xi32>
      %shift_right_logical3A_3226 = arith.constant 17 : i32
      %shift_right_logical3A_3227 = vector.broadcast %shift_right_logical3A_3226 : i32 to vector<8x640xi32>
      %shift_right_logical3A_3228 = arith.shrui %xor3A_3221, %shift_right_logical3A_3227 : vector<8x640xi32>
      %or3A_3229 = arith.ori %shift_left3A_3225, %shift_right_logical3A_3228 : vector<8x640xi32>
      %xor3A_3230 = arith.xori %add3A_3222, %or3A_3229 : vector<8x640xi32>
      %add3A_3231 = arith.addi %add3A_3222, %xor3A_3230 : vector<8x640xi32>
      %shift_left3A_3232 = arith.constant 26 : i32
      %shift_left3A_3233 = vector.broadcast %shift_left3A_3232 : i32 to vector<8x640xi32>
      %shift_left3A_3234 = arith.shli %xor3A_3230, %shift_left3A_3233 : vector<8x640xi32>
      %shift_right_logical3A_3235 = arith.constant 6 : i32
      %shift_right_logical3A_3236 = vector.broadcast %shift_right_logical3A_3235 : i32 to vector<8x640xi32>
      %shift_right_logical3A_3237 = arith.shrui %xor3A_3230, %shift_right_logical3A_3236 : vector<8x640xi32>
      %or3A_3238 = arith.ori %shift_left3A_3234, %shift_right_logical3A_3237 : vector<8x640xi32>
      %xor3A_3239 = arith.xori %add3A_3231, %or3A_3238 : vector<8x640xi32>
      %add3A_3240 = arith.addi %add3A_3231, %xor3A_3239 : vector<8x640xi32>
      %shift_left3A_3241 = arith.constant 6 : i32
      %shift_left3A_3242 = vector.broadcast %shift_left3A_3241 : i32 to vector<8x640xi32>
      %shift_left3A_3243 = arith.shli %xor3A_3239, %shift_left3A_3242 : vector<8x640xi32>
      %shift_right_logical3A_3244 = arith.constant 26 : i32
      %shift_right_logical3A_3245 = vector.broadcast %shift_right_logical3A_3244 : i32 to vector<8x640xi32>
      %shift_right_logical3A_3246 = arith.shrui %xor3A_3239, %shift_right_logical3A_3245 : vector<8x640xi32>
      %or3A_3247 = arith.ori %shift_left3A_3243, %shift_right_logical3A_3246 : vector<8x640xi32>
      %xor3A_3248 = arith.xori %add3A_3240, %or3A_3247 : vector<8x640xi32>
      %add3A_3249 = arith.constant 270669613 : i32
      %add3A_3250 = vector.broadcast %add3A_3249 : i32 to vector<8x640xi32>
      %add3A_3251 = arith.addi %add3A_3240, %add3A_3250 : vector<8x640xi32>
      %add3A_3252 = arith.constant 1724713081 : i32
      %add3A_3253 = vector.broadcast %add3A_3252 : i32 to vector<8x640xi32>
      %add3A_3254 = arith.addi %xor3A_3248, %add3A_3253 : vector<8x640xi32>
      %add3A_3255 = arith.addi %add3A_3251, %add3A_3254 : vector<8x640xi32>
      %shift_left3A_3256 = arith.constant 17 : i32
      %shift_left3A_3257 = vector.broadcast %shift_left3A_3256 : i32 to vector<8x640xi32>
      %shift_left3A_3258 = arith.shli %add3A_3254, %shift_left3A_3257 : vector<8x640xi32>
      %shift_right_logical3A_3259 = arith.constant 15 : i32
      %shift_right_logical3A_3260 = vector.broadcast %shift_right_logical3A_3259 : i32 to vector<8x640xi32>
      %shift_right_logical3A_3261 = arith.shrui %add3A_3254, %shift_right_logical3A_3260 : vector<8x640xi32>
      %or3A_3262 = arith.ori %shift_left3A_3258, %shift_right_logical3A_3261 : vector<8x640xi32>
      %xor3A_3263 = arith.xori %add3A_3255, %or3A_3262 : vector<8x640xi32>
      %add3A_3264 = arith.addi %add3A_3255, %xor3A_3263 : vector<8x640xi32>
      %shift_left3A_3265 = arith.constant 29 : i32
      %shift_left3A_3266 = vector.broadcast %shift_left3A_3265 : i32 to vector<8x640xi32>
      %shift_left3A_3267 = arith.shli %xor3A_3263, %shift_left3A_3266 : vector<8x640xi32>
      %shift_right_logical3A_3268 = arith.constant 3 : i32
      %shift_right_logical3A_3269 = vector.broadcast %shift_right_logical3A_3268 : i32 to vector<8x640xi32>
      %shift_right_logical3A_3270 = arith.shrui %xor3A_3263, %shift_right_logical3A_3269 : vector<8x640xi32>
      %or3A_3271 = arith.ori %shift_left3A_3267, %shift_right_logical3A_3270 : vector<8x640xi32>
      %xor3A_3272 = arith.xori %add3A_3264, %or3A_3271 : vector<8x640xi32>
      %add3A_3273 = arith.addi %add3A_3264, %xor3A_3272 : vector<8x640xi32>
      %shift_left3A_3274 = arith.constant 16 : i32
      %shift_left3A_3275 = vector.broadcast %shift_left3A_3274 : i32 to vector<8x640xi32>
      %shift_left3A_3276 = arith.shli %xor3A_3272, %shift_left3A_3275 : vector<8x640xi32>
      %shift_right_logical3A_3277 = arith.constant 16 : i32
      %shift_right_logical3A_3278 = vector.broadcast %shift_right_logical3A_3277 : i32 to vector<8x640xi32>
      %shift_right_logical3A_3279 = arith.shrui %xor3A_3272, %shift_right_logical3A_3278 : vector<8x640xi32>
      %or3A_3280 = arith.ori %shift_left3A_3276, %shift_right_logical3A_3279 : vector<8x640xi32>
      %xor3A_3281 = arith.xori %add3A_3273, %or3A_3280 : vector<8x640xi32>
      %add3A_3282 = arith.addi %add3A_3273, %xor3A_3281 : vector<8x640xi32>
      %shift_left3A_3283 = arith.constant 24 : i32
      %shift_left3A_3284 = vector.broadcast %shift_left3A_3283 : i32 to vector<8x640xi32>
      %shift_left3A_3285 = arith.shli %xor3A_3281, %shift_left3A_3284 : vector<8x640xi32>
      %shift_right_logical3A_3286 = arith.constant 8 : i32
      %shift_right_logical3A_3287 = vector.broadcast %shift_right_logical3A_3286 : i32 to vector<8x640xi32>
      %shift_right_logical3A_3288 = arith.shrui %xor3A_3281, %shift_right_logical3A_3287 : vector<8x640xi32>
      %or3A_3289 = arith.ori %shift_left3A_3285, %shift_right_logical3A_3288 : vector<8x640xi32>
      %xor3A_3290 = arith.xori %add3A_3282, %or3A_3289 : vector<8x640xi32>
      %add3A_3291 = arith.constant 1724713080 : i32
      %add3A_3292 = vector.broadcast %add3A_3291 : i32 to vector<8x640xi32>
      %add3A_3293 = arith.addi %add3A_3282, %add3A_3292 : vector<8x640xi32>
      %add3A_3294 = arith.constant 1832780945 : i32
      %add3A_3295 = vector.broadcast %add3A_3294 : i32 to vector<8x640xi32>
      %add3A_3296 = arith.addi %xor3A_3290, %add3A_3295 : vector<8x640xi32>
      %add3A_3297 = arith.addi %add3A_3293, %add3A_3296 : vector<8x640xi32>
      %shift_left3A_3298 = arith.constant 13 : i32
      %shift_left3A_3299 = vector.broadcast %shift_left3A_3298 : i32 to vector<8x640xi32>
      %shift_left3A_3300 = arith.shli %add3A_3296, %shift_left3A_3299 : vector<8x640xi32>
      %shift_right_logical3A_3301 = arith.constant 19 : i32
      %shift_right_logical3A_3302 = vector.broadcast %shift_right_logical3A_3301 : i32 to vector<8x640xi32>
      %shift_right_logical3A_3303 = arith.shrui %add3A_3296, %shift_right_logical3A_3302 : vector<8x640xi32>
      %or3A_3304 = arith.ori %shift_left3A_3300, %shift_right_logical3A_3303 : vector<8x640xi32>
      %xor3A_3305 = arith.xori %add3A_3297, %or3A_3304 : vector<8x640xi32>
      %add3A_3306 = arith.addi %add3A_3297, %xor3A_3305 : vector<8x640xi32>
      %shift_left3A_3307 = arith.constant 15 : i32
      %shift_left3A_3308 = vector.broadcast %shift_left3A_3307 : i32 to vector<8x640xi32>
      %shift_left3A_3309 = arith.shli %xor3A_3305, %shift_left3A_3308 : vector<8x640xi32>
      %shift_right_logical3A_3310 = arith.constant 17 : i32
      %shift_right_logical3A_3311 = vector.broadcast %shift_right_logical3A_3310 : i32 to vector<8x640xi32>
      %shift_right_logical3A_3312 = arith.shrui %xor3A_3305, %shift_right_logical3A_3311 : vector<8x640xi32>
      %or3A_3313 = arith.ori %shift_left3A_3309, %shift_right_logical3A_3312 : vector<8x640xi32>
      %xor3A_3314 = arith.xori %add3A_3306, %or3A_3313 : vector<8x640xi32>
      %add3A_3315 = arith.addi %add3A_3306, %xor3A_3314 : vector<8x640xi32>
      %shift_left3A_3316 = arith.constant 26 : i32
      %shift_left3A_3317 = vector.broadcast %shift_left3A_3316 : i32 to vector<8x640xi32>
      %shift_left3A_3318 = arith.shli %xor3A_3314, %shift_left3A_3317 : vector<8x640xi32>
      %shift_right_logical3A_3319 = arith.constant 6 : i32
      %shift_right_logical3A_3320 = vector.broadcast %shift_right_logical3A_3319 : i32 to vector<8x640xi32>
      %shift_right_logical3A_3321 = arith.shrui %xor3A_3314, %shift_right_logical3A_3320 : vector<8x640xi32>
      %or3A_3322 = arith.ori %shift_left3A_3318, %shift_right_logical3A_3321 : vector<8x640xi32>
      %xor3A_3323 = arith.xori %add3A_3315, %or3A_3322 : vector<8x640xi32>
      %add3A_3324 = arith.addi %add3A_3315, %xor3A_3323 : vector<8x640xi32>
      %shift_left3A_3325 = arith.constant 6 : i32
      %shift_left3A_3326 = vector.broadcast %shift_left3A_3325 : i32 to vector<8x640xi32>
      %shift_left3A_3327 = arith.shli %xor3A_3323, %shift_left3A_3326 : vector<8x640xi32>
      %shift_right_logical3A_3328 = arith.constant 26 : i32
      %shift_right_logical3A_3329 = vector.broadcast %shift_right_logical3A_3328 : i32 to vector<8x640xi32>
      %shift_right_logical3A_3330 = arith.shrui %xor3A_3323, %shift_right_logical3A_3329 : vector<8x640xi32>
      %or3A_3331 = arith.ori %shift_left3A_3327, %shift_right_logical3A_3330 : vector<8x640xi32>
      %xor3A_3332 = arith.xori %add3A_3324, %or3A_3331 : vector<8x640xi32>
      %add3A_3333 = arith.constant 1832780943 : i32
      %add3A_3334 = vector.broadcast %add3A_3333 : i32 to vector<8x640xi32>
      %add3A_3335 = arith.addi %add3A_3324, %add3A_3334 : vector<8x640xi32>
      %add3A_3336 = arith.constant 270669616 : i32
      %add3A_3337 = vector.broadcast %add3A_3336 : i32 to vector<8x640xi32>
      %add3A_3338 = arith.addi %xor3A_3332, %add3A_3337 : vector<8x640xi32>
      %add3A_3339 = arith.addi %add3A_3335, %add3A_3338 : vector<8x640xi32>
      %shift_left3A_3340 = arith.constant 17 : i32
      %shift_left3A_3341 = vector.broadcast %shift_left3A_3340 : i32 to vector<8x640xi32>
      %shift_left3A_3342 = arith.shli %add3A_3338, %shift_left3A_3341 : vector<8x640xi32>
      %shift_right_logical3A_3343 = arith.constant 15 : i32
      %shift_right_logical3A_3344 = vector.broadcast %shift_right_logical3A_3343 : i32 to vector<8x640xi32>
      %shift_right_logical3A_3345 = arith.shrui %add3A_3338, %shift_right_logical3A_3344 : vector<8x640xi32>
      %or3A_3346 = arith.ori %shift_left3A_3342, %shift_right_logical3A_3345 : vector<8x640xi32>
      %xor3A_3347 = arith.xori %add3A_3339, %or3A_3346 : vector<8x640xi32>
      %add3A_3348 = arith.addi %add3A_3339, %xor3A_3347 : vector<8x640xi32>
      %shift_left3A_3349 = arith.constant 29 : i32
      %shift_left3A_3350 = vector.broadcast %shift_left3A_3349 : i32 to vector<8x640xi32>
      %shift_left3A_3351 = arith.shli %xor3A_3347, %shift_left3A_3350 : vector<8x640xi32>
      %shift_right_logical3A_3352 = arith.constant 3 : i32
      %shift_right_logical3A_3353 = vector.broadcast %shift_right_logical3A_3352 : i32 to vector<8x640xi32>
      %shift_right_logical3A_3354 = arith.shrui %xor3A_3347, %shift_right_logical3A_3353 : vector<8x640xi32>
      %or3A_3355 = arith.ori %shift_left3A_3351, %shift_right_logical3A_3354 : vector<8x640xi32>
      %xor3A_3356 = arith.xori %add3A_3348, %or3A_3355 : vector<8x640xi32>
      %add3A_3357 = arith.addi %add3A_3348, %xor3A_3356 : vector<8x640xi32>
      %shift_left3A_3358 = arith.constant 16 : i32
      %shift_left3A_3359 = vector.broadcast %shift_left3A_3358 : i32 to vector<8x640xi32>
      %shift_left3A_3360 = arith.shli %xor3A_3356, %shift_left3A_3359 : vector<8x640xi32>
      %shift_right_logical3A_3361 = arith.constant 16 : i32
      %shift_right_logical3A_3362 = vector.broadcast %shift_right_logical3A_3361 : i32 to vector<8x640xi32>
      %shift_right_logical3A_3363 = arith.shrui %xor3A_3356, %shift_right_logical3A_3362 : vector<8x640xi32>
      %or3A_3364 = arith.ori %shift_left3A_3360, %shift_right_logical3A_3363 : vector<8x640xi32>
      %xor3A_3365 = arith.xori %add3A_3357, %or3A_3364 : vector<8x640xi32>
      %add3A_3366 = arith.addi %add3A_3357, %xor3A_3365 : vector<8x640xi32>
      %shift_left3A_3367 = arith.constant 24 : i32
      %shift_left3A_3368 = vector.broadcast %shift_left3A_3367 : i32 to vector<8x640xi32>
      %shift_left3A_3369 = arith.shli %xor3A_3365, %shift_left3A_3368 : vector<8x640xi32>
      %shift_right_logical3A_3370 = arith.constant 8 : i32
      %shift_right_logical3A_3371 = vector.broadcast %shift_right_logical3A_3370 : i32 to vector<8x640xi32>
      %shift_right_logical3A_3372 = arith.shrui %xor3A_3365, %shift_right_logical3A_3371 : vector<8x640xi32>
      %or3A_3373 = arith.ori %shift_left3A_3369, %shift_right_logical3A_3372 : vector<8x640xi32>
      %xor3A_3374 = arith.xori %add3A_3366, %or3A_3373 : vector<8x640xi32>
      %add3A_3375 = arith.constant 270669613 : i32
      %add3A_3376 = vector.broadcast %add3A_3375 : i32 to vector<8x640xi32>
      %add3A_3377 = arith.addi %add3A_3366, %add3A_3376 : vector<8x640xi32>
      %add3A_3378 = arith.constant 1724713084 : i32
      %add3A_3379 = vector.broadcast %add3A_3378 : i32 to vector<8x640xi32>
      %add3A_3380 = arith.addi %xor3A_3374, %add3A_3379 : vector<8x640xi32>
      %add3A_3381 = arith.addi %add3A_3377, %add3A_3380 : vector<8x640xi32>
      %shift_left3A_3382 = arith.constant 13 : i32
      %shift_left3A_3383 = vector.broadcast %shift_left3A_3382 : i32 to vector<8x640xi32>
      %shift_left3A_3384 = arith.shli %add3A_3380, %shift_left3A_3383 : vector<8x640xi32>
      %shift_right_logical3A_3385 = arith.constant 19 : i32
      %shift_right_logical3A_3386 = vector.broadcast %shift_right_logical3A_3385 : i32 to vector<8x640xi32>
      %shift_right_logical3A_3387 = arith.shrui %add3A_3380, %shift_right_logical3A_3386 : vector<8x640xi32>
      %or3A_3388 = arith.ori %shift_left3A_3384, %shift_right_logical3A_3387 : vector<8x640xi32>
      %xor3A_3389 = arith.xori %add3A_3381, %or3A_3388 : vector<8x640xi32>
      %add3A_3390 = arith.addi %add3A_3381, %xor3A_3389 : vector<8x640xi32>
      %shift_left3A_3391 = arith.constant 15 : i32
      %shift_left3A_3392 = vector.broadcast %shift_left3A_3391 : i32 to vector<8x640xi32>
      %shift_left3A_3393 = arith.shli %xor3A_3389, %shift_left3A_3392 : vector<8x640xi32>
      %shift_right_logical3A_3394 = arith.constant 17 : i32
      %shift_right_logical3A_3395 = vector.broadcast %shift_right_logical3A_3394 : i32 to vector<8x640xi32>
      %shift_right_logical3A_3396 = arith.shrui %xor3A_3389, %shift_right_logical3A_3395 : vector<8x640xi32>
      %or3A_3397 = arith.ori %shift_left3A_3393, %shift_right_logical3A_3396 : vector<8x640xi32>
      %xor3A_3398 = arith.xori %add3A_3390, %or3A_3397 : vector<8x640xi32>
      %add3A_3399 = arith.addi %add3A_3390, %xor3A_3398 : vector<8x640xi32>
      %shift_left3A_3400 = arith.constant 26 : i32
      %shift_left3A_3401 = vector.broadcast %shift_left3A_3400 : i32 to vector<8x640xi32>
      %shift_left3A_3402 = arith.shli %xor3A_3398, %shift_left3A_3401 : vector<8x640xi32>
      %shift_right_logical3A_3403 = arith.constant 6 : i32
      %shift_right_logical3A_3404 = vector.broadcast %shift_right_logical3A_3403 : i32 to vector<8x640xi32>
      %shift_right_logical3A_3405 = arith.shrui %xor3A_3398, %shift_right_logical3A_3404 : vector<8x640xi32>
      %or3A_3406 = arith.ori %shift_left3A_3402, %shift_right_logical3A_3405 : vector<8x640xi32>
      %xor3A_3407 = arith.xori %add3A_3399, %or3A_3406 : vector<8x640xi32>
      %add3A_3408 = arith.addi %add3A_3399, %xor3A_3407 : vector<8x640xi32>
      %shift_left3A_3409 = arith.constant 6 : i32
      %shift_left3A_3410 = vector.broadcast %shift_left3A_3409 : i32 to vector<8x640xi32>
      %shift_left3A_3411 = arith.shli %xor3A_3407, %shift_left3A_3410 : vector<8x640xi32>
      %shift_right_logical3A_3412 = arith.constant 26 : i32
      %shift_right_logical3A_3413 = vector.broadcast %shift_right_logical3A_3412 : i32 to vector<8x640xi32>
      %shift_right_logical3A_3414 = arith.shrui %xor3A_3407, %shift_right_logical3A_3413 : vector<8x640xi32>
      %or3A_3415 = arith.ori %shift_left3A_3411, %shift_right_logical3A_3414 : vector<8x640xi32>
      %xor3A_3416 = arith.xori %add3A_3408, %or3A_3415 : vector<8x640xi32>
      %add3A_3417 = arith.constant 1724713080 : i32
      %add3A_3418 = vector.broadcast %add3A_3417 : i32 to vector<8x640xi32>
      %add3A_3419 = arith.addi %add3A_3408, %add3A_3418 : vector<8x640xi32>
      %add3A_3420 = arith.constant 1832780948 : i32
      %add3A_3421 = vector.broadcast %add3A_3420 : i32 to vector<8x640xi32>
      %add3A_3422 = arith.addi %xor3A_3416, %add3A_3421 : vector<8x640xi32>
      %xor3A_3423 = arith.xori %add3A_3419, %add3A_3422 : vector<8x640xi32>
      %shift_right_logical3A_3424 = arith.constant 9 : i32
      %shift_right_logical3A_3425 = vector.broadcast %shift_right_logical3A_3424 : i32 to vector<8x640xi32>
      %shift_right_logical3A_3426 = arith.shrui %xor3A_3423, %shift_right_logical3A_3425 : vector<8x640xi32>
      %or3A_3427 = arith.constant 1065353216 : i32
      %or3A_3428 = vector.broadcast %or3A_3427 : i32 to vector<8x640xi32>
      %or3A_3429 = arith.ori %shift_right_logical3A_3426, %or3A_3428 : vector<8x640xi32>
      %bitcast_convert_type3A_3430 = tpu.bitcast %or3A_3429 : vector<8x640xi32> -> vector<8x640xf32>
      %sub3A_3431 = arith.constant 1.000000e+00 : f32
      %sub3A_3432 = vector.broadcast %sub3A_3431 : f32 to vector<8x640xf32>
      %sub3A_3433 = arith.subf %bitcast_convert_type3A_3430, %sub3A_3432 : vector<8x640xf32>
      %get3A_3434 = arith.index_cast %add3A_3206 : i32 to index
      %get3A_3435 = arith.constant 0 : index
      %get3A_3436 = arith.constant 0 : index
      %get3A_3437 = vector.load %arg1[%get3A_3434, %get3A_3435, %get3A_3436] : memref<125x8x640xf32, #tpu.memory_space<vmem>>, vector<1x8x640xf32>
      %get3A_3438 = vector.shape_cast %get3A_3437 : vector<1x8x640xf32> to vector<8x640xf32>
      %log3A_3439 = math.log %sub3A_3433 : vector<8x640xf32>
      %log3A_3440 = arith.constant 2.000000e+00 : f32
      %log3A_3441 = math.log %log3A_3440 : f32
      %div3A_3442 = vector.broadcast %log3A_3441 : f32 to vector<8x640xf32>
      %div3A_3443 = arith.divf %log3A_3439, %div3A_3442 : vector<8x640xf32>
      %mul3A_3444 = arith.mulf %div3A_3443, %get3A_3438 : vector<8x640xf32>
      %lt3A_3445 = arith.cmpf olt, %mul3A_3444, %select_n3A_3200 : vector<8x640xf32>
      %select_n3A_3446 = arith.select %lt3A_3445, %mul3A_3444, %select_n3A_3200 : vector<8x640xi1>, vector<8x640xf32>
      %broadcast_in_dim3A_3447 = vector.broadcast %add3A_3206 : i32 to vector<8x640xi32>
      %select_n3A_3448 = arith.select %lt3A_3445, %broadcast_in_dim3A_3447, %select_n3A_3202 : vector<8x640xi1>, vector<8x640xi32>
      %mul3A_3449 = arith.constant 12 : i32
      %mul3A_3450 = arith.muli %mul3A_3449, %scan3A_1232 : i32
      %add3A_3451 = arith.constant 9 : i32
      %add3A_3452 = arith.addi %mul3A_3450, %add3A_3451 : i32
      %mul3A_3453 = arith.constant 640 : i32
      %mul3A_3454 = arith.muli %add3A_3452, %mul3A_3453 : i32
      %add3A_3455 = vector.broadcast %mul3A_3454 : i32 to vector<8x640xi32>
      %add3A_3456 = arith.addi %add3A_9, %add3A_3455 : vector<8x640xi32>
      %add3A_3457 = arith.constant 1832780943 : i32
      %add3A_3458 = vector.broadcast %add3A_3457 : i32 to vector<8x640xi32>
      %add3A_3459 = arith.addi %add3A_3456, %add3A_3458 : vector<8x640xi32>
      %shift_left3A_3460 = arith.constant 13 : i32
      %shift_left3A_3461 = vector.broadcast %shift_left3A_3460 : i32 to vector<8x640xi32>
      %shift_left3A_3462 = arith.shli %add3A_3456, %shift_left3A_3461 : vector<8x640xi32>
      %shift_right_logical3A_3463 = arith.constant 19 : i32
      %shift_right_logical3A_3464 = vector.broadcast %shift_right_logical3A_3463 : i32 to vector<8x640xi32>
      %shift_right_logical3A_3465 = arith.shrui %add3A_3456, %shift_right_logical3A_3464 : vector<8x640xi32>
      %or3A_3466 = arith.ori %shift_left3A_3462, %shift_right_logical3A_3465 : vector<8x640xi32>
      %xor3A_3467 = arith.xori %add3A_3459, %or3A_3466 : vector<8x640xi32>
      %add3A_3468 = arith.addi %add3A_3459, %xor3A_3467 : vector<8x640xi32>
      %shift_left3A_3469 = arith.constant 15 : i32
      %shift_left3A_3470 = vector.broadcast %shift_left3A_3469 : i32 to vector<8x640xi32>
      %shift_left3A_3471 = arith.shli %xor3A_3467, %shift_left3A_3470 : vector<8x640xi32>
      %shift_right_logical3A_3472 = arith.constant 17 : i32
      %shift_right_logical3A_3473 = vector.broadcast %shift_right_logical3A_3472 : i32 to vector<8x640xi32>
      %shift_right_logical3A_3474 = arith.shrui %xor3A_3467, %shift_right_logical3A_3473 : vector<8x640xi32>
      %or3A_3475 = arith.ori %shift_left3A_3471, %shift_right_logical3A_3474 : vector<8x640xi32>
      %xor3A_3476 = arith.xori %add3A_3468, %or3A_3475 : vector<8x640xi32>
      %add3A_3477 = arith.addi %add3A_3468, %xor3A_3476 : vector<8x640xi32>
      %shift_left3A_3478 = arith.constant 26 : i32
      %shift_left3A_3479 = vector.broadcast %shift_left3A_3478 : i32 to vector<8x640xi32>
      %shift_left3A_3480 = arith.shli %xor3A_3476, %shift_left3A_3479 : vector<8x640xi32>
      %shift_right_logical3A_3481 = arith.constant 6 : i32
      %shift_right_logical3A_3482 = vector.broadcast %shift_right_logical3A_3481 : i32 to vector<8x640xi32>
      %shift_right_logical3A_3483 = arith.shrui %xor3A_3476, %shift_right_logical3A_3482 : vector<8x640xi32>
      %or3A_3484 = arith.ori %shift_left3A_3480, %shift_right_logical3A_3483 : vector<8x640xi32>
      %xor3A_3485 = arith.xori %add3A_3477, %or3A_3484 : vector<8x640xi32>
      %add3A_3486 = arith.addi %add3A_3477, %xor3A_3485 : vector<8x640xi32>
      %shift_left3A_3487 = arith.constant 6 : i32
      %shift_left3A_3488 = vector.broadcast %shift_left3A_3487 : i32 to vector<8x640xi32>
      %shift_left3A_3489 = arith.shli %xor3A_3485, %shift_left3A_3488 : vector<8x640xi32>
      %shift_right_logical3A_3490 = arith.constant 26 : i32
      %shift_right_logical3A_3491 = vector.broadcast %shift_right_logical3A_3490 : i32 to vector<8x640xi32>
      %shift_right_logical3A_3492 = arith.shrui %xor3A_3485, %shift_right_logical3A_3491 : vector<8x640xi32>
      %or3A_3493 = arith.ori %shift_left3A_3489, %shift_right_logical3A_3492 : vector<8x640xi32>
      %xor3A_3494 = arith.xori %add3A_3486, %or3A_3493 : vector<8x640xi32>
      %add3A_3495 = arith.constant 270669613 : i32
      %add3A_3496 = vector.broadcast %add3A_3495 : i32 to vector<8x640xi32>
      %add3A_3497 = arith.addi %add3A_3486, %add3A_3496 : vector<8x640xi32>
      %add3A_3498 = arith.constant 1724713081 : i32
      %add3A_3499 = vector.broadcast %add3A_3498 : i32 to vector<8x640xi32>
      %add3A_3500 = arith.addi %xor3A_3494, %add3A_3499 : vector<8x640xi32>
      %add3A_3501 = arith.addi %add3A_3497, %add3A_3500 : vector<8x640xi32>
      %shift_left3A_3502 = arith.constant 17 : i32
      %shift_left3A_3503 = vector.broadcast %shift_left3A_3502 : i32 to vector<8x640xi32>
      %shift_left3A_3504 = arith.shli %add3A_3500, %shift_left3A_3503 : vector<8x640xi32>
      %shift_right_logical3A_3505 = arith.constant 15 : i32
      %shift_right_logical3A_3506 = vector.broadcast %shift_right_logical3A_3505 : i32 to vector<8x640xi32>
      %shift_right_logical3A_3507 = arith.shrui %add3A_3500, %shift_right_logical3A_3506 : vector<8x640xi32>
      %or3A_3508 = arith.ori %shift_left3A_3504, %shift_right_logical3A_3507 : vector<8x640xi32>
      %xor3A_3509 = arith.xori %add3A_3501, %or3A_3508 : vector<8x640xi32>
      %add3A_3510 = arith.addi %add3A_3501, %xor3A_3509 : vector<8x640xi32>
      %shift_left3A_3511 = arith.constant 29 : i32
      %shift_left3A_3512 = vector.broadcast %shift_left3A_3511 : i32 to vector<8x640xi32>
      %shift_left3A_3513 = arith.shli %xor3A_3509, %shift_left3A_3512 : vector<8x640xi32>
      %shift_right_logical3A_3514 = arith.constant 3 : i32
      %shift_right_logical3A_3515 = vector.broadcast %shift_right_logical3A_3514 : i32 to vector<8x640xi32>
      %shift_right_logical3A_3516 = arith.shrui %xor3A_3509, %shift_right_logical3A_3515 : vector<8x640xi32>
      %or3A_3517 = arith.ori %shift_left3A_3513, %shift_right_logical3A_3516 : vector<8x640xi32>
      %xor3A_3518 = arith.xori %add3A_3510, %or3A_3517 : vector<8x640xi32>
      %add3A_3519 = arith.addi %add3A_3510, %xor3A_3518 : vector<8x640xi32>
      %shift_left3A_3520 = arith.constant 16 : i32
      %shift_left3A_3521 = vector.broadcast %shift_left3A_3520 : i32 to vector<8x640xi32>
      %shift_left3A_3522 = arith.shli %xor3A_3518, %shift_left3A_3521 : vector<8x640xi32>
      %shift_right_logical3A_3523 = arith.constant 16 : i32
      %shift_right_logical3A_3524 = vector.broadcast %shift_right_logical3A_3523 : i32 to vector<8x640xi32>
      %shift_right_logical3A_3525 = arith.shrui %xor3A_3518, %shift_right_logical3A_3524 : vector<8x640xi32>
      %or3A_3526 = arith.ori %shift_left3A_3522, %shift_right_logical3A_3525 : vector<8x640xi32>
      %xor3A_3527 = arith.xori %add3A_3519, %or3A_3526 : vector<8x640xi32>
      %add3A_3528 = arith.addi %add3A_3519, %xor3A_3527 : vector<8x640xi32>
      %shift_left3A_3529 = arith.constant 24 : i32
      %shift_left3A_3530 = vector.broadcast %shift_left3A_3529 : i32 to vector<8x640xi32>
      %shift_left3A_3531 = arith.shli %xor3A_3527, %shift_left3A_3530 : vector<8x640xi32>
      %shift_right_logical3A_3532 = arith.constant 8 : i32
      %shift_right_logical3A_3533 = vector.broadcast %shift_right_logical3A_3532 : i32 to vector<8x640xi32>
      %shift_right_logical3A_3534 = arith.shrui %xor3A_3527, %shift_right_logical3A_3533 : vector<8x640xi32>
      %or3A_3535 = arith.ori %shift_left3A_3531, %shift_right_logical3A_3534 : vector<8x640xi32>
      %xor3A_3536 = arith.xori %add3A_3528, %or3A_3535 : vector<8x640xi32>
      %add3A_3537 = arith.constant 1724713080 : i32
      %add3A_3538 = vector.broadcast %add3A_3537 : i32 to vector<8x640xi32>
      %add3A_3539 = arith.addi %add3A_3528, %add3A_3538 : vector<8x640xi32>
      %add3A_3540 = arith.constant 1832780945 : i32
      %add3A_3541 = vector.broadcast %add3A_3540 : i32 to vector<8x640xi32>
      %add3A_3542 = arith.addi %xor3A_3536, %add3A_3541 : vector<8x640xi32>
      %add3A_3543 = arith.addi %add3A_3539, %add3A_3542 : vector<8x640xi32>
      %shift_left3A_3544 = arith.constant 13 : i32
      %shift_left3A_3545 = vector.broadcast %shift_left3A_3544 : i32 to vector<8x640xi32>
      %shift_left3A_3546 = arith.shli %add3A_3542, %shift_left3A_3545 : vector<8x640xi32>
      %shift_right_logical3A_3547 = arith.constant 19 : i32
      %shift_right_logical3A_3548 = vector.broadcast %shift_right_logical3A_3547 : i32 to vector<8x640xi32>
      %shift_right_logical3A_3549 = arith.shrui %add3A_3542, %shift_right_logical3A_3548 : vector<8x640xi32>
      %or3A_3550 = arith.ori %shift_left3A_3546, %shift_right_logical3A_3549 : vector<8x640xi32>
      %xor3A_3551 = arith.xori %add3A_3543, %or3A_3550 : vector<8x640xi32>
      %add3A_3552 = arith.addi %add3A_3543, %xor3A_3551 : vector<8x640xi32>
      %shift_left3A_3553 = arith.constant 15 : i32
      %shift_left3A_3554 = vector.broadcast %shift_left3A_3553 : i32 to vector<8x640xi32>
      %shift_left3A_3555 = arith.shli %xor3A_3551, %shift_left3A_3554 : vector<8x640xi32>
      %shift_right_logical3A_3556 = arith.constant 17 : i32
      %shift_right_logical3A_3557 = vector.broadcast %shift_right_logical3A_3556 : i32 to vector<8x640xi32>
      %shift_right_logical3A_3558 = arith.shrui %xor3A_3551, %shift_right_logical3A_3557 : vector<8x640xi32>
      %or3A_3559 = arith.ori %shift_left3A_3555, %shift_right_logical3A_3558 : vector<8x640xi32>
      %xor3A_3560 = arith.xori %add3A_3552, %or3A_3559 : vector<8x640xi32>
      %add3A_3561 = arith.addi %add3A_3552, %xor3A_3560 : vector<8x640xi32>
      %shift_left3A_3562 = arith.constant 26 : i32
      %shift_left3A_3563 = vector.broadcast %shift_left3A_3562 : i32 to vector<8x640xi32>
      %shift_left3A_3564 = arith.shli %xor3A_3560, %shift_left3A_3563 : vector<8x640xi32>
      %shift_right_logical3A_3565 = arith.constant 6 : i32
      %shift_right_logical3A_3566 = vector.broadcast %shift_right_logical3A_3565 : i32 to vector<8x640xi32>
      %shift_right_logical3A_3567 = arith.shrui %xor3A_3560, %shift_right_logical3A_3566 : vector<8x640xi32>
      %or3A_3568 = arith.ori %shift_left3A_3564, %shift_right_logical3A_3567 : vector<8x640xi32>
      %xor3A_3569 = arith.xori %add3A_3561, %or3A_3568 : vector<8x640xi32>
      %add3A_3570 = arith.addi %add3A_3561, %xor3A_3569 : vector<8x640xi32>
      %shift_left3A_3571 = arith.constant 6 : i32
      %shift_left3A_3572 = vector.broadcast %shift_left3A_3571 : i32 to vector<8x640xi32>
      %shift_left3A_3573 = arith.shli %xor3A_3569, %shift_left3A_3572 : vector<8x640xi32>
      %shift_right_logical3A_3574 = arith.constant 26 : i32
      %shift_right_logical3A_3575 = vector.broadcast %shift_right_logical3A_3574 : i32 to vector<8x640xi32>
      %shift_right_logical3A_3576 = arith.shrui %xor3A_3569, %shift_right_logical3A_3575 : vector<8x640xi32>
      %or3A_3577 = arith.ori %shift_left3A_3573, %shift_right_logical3A_3576 : vector<8x640xi32>
      %xor3A_3578 = arith.xori %add3A_3570, %or3A_3577 : vector<8x640xi32>
      %add3A_3579 = arith.constant 1832780943 : i32
      %add3A_3580 = vector.broadcast %add3A_3579 : i32 to vector<8x640xi32>
      %add3A_3581 = arith.addi %add3A_3570, %add3A_3580 : vector<8x640xi32>
      %add3A_3582 = arith.constant 270669616 : i32
      %add3A_3583 = vector.broadcast %add3A_3582 : i32 to vector<8x640xi32>
      %add3A_3584 = arith.addi %xor3A_3578, %add3A_3583 : vector<8x640xi32>
      %add3A_3585 = arith.addi %add3A_3581, %add3A_3584 : vector<8x640xi32>
      %shift_left3A_3586 = arith.constant 17 : i32
      %shift_left3A_3587 = vector.broadcast %shift_left3A_3586 : i32 to vector<8x640xi32>
      %shift_left3A_3588 = arith.shli %add3A_3584, %shift_left3A_3587 : vector<8x640xi32>
      %shift_right_logical3A_3589 = arith.constant 15 : i32
      %shift_right_logical3A_3590 = vector.broadcast %shift_right_logical3A_3589 : i32 to vector<8x640xi32>
      %shift_right_logical3A_3591 = arith.shrui %add3A_3584, %shift_right_logical3A_3590 : vector<8x640xi32>
      %or3A_3592 = arith.ori %shift_left3A_3588, %shift_right_logical3A_3591 : vector<8x640xi32>
      %xor3A_3593 = arith.xori %add3A_3585, %or3A_3592 : vector<8x640xi32>
      %add3A_3594 = arith.addi %add3A_3585, %xor3A_3593 : vector<8x640xi32>
      %shift_left3A_3595 = arith.constant 29 : i32
      %shift_left3A_3596 = vector.broadcast %shift_left3A_3595 : i32 to vector<8x640xi32>
      %shift_left3A_3597 = arith.shli %xor3A_3593, %shift_left3A_3596 : vector<8x640xi32>
      %shift_right_logical3A_3598 = arith.constant 3 : i32
      %shift_right_logical3A_3599 = vector.broadcast %shift_right_logical3A_3598 : i32 to vector<8x640xi32>
      %shift_right_logical3A_3600 = arith.shrui %xor3A_3593, %shift_right_logical3A_3599 : vector<8x640xi32>
      %or3A_3601 = arith.ori %shift_left3A_3597, %shift_right_logical3A_3600 : vector<8x640xi32>
      %xor3A_3602 = arith.xori %add3A_3594, %or3A_3601 : vector<8x640xi32>
      %add3A_3603 = arith.addi %add3A_3594, %xor3A_3602 : vector<8x640xi32>
      %shift_left3A_3604 = arith.constant 16 : i32
      %shift_left3A_3605 = vector.broadcast %shift_left3A_3604 : i32 to vector<8x640xi32>
      %shift_left3A_3606 = arith.shli %xor3A_3602, %shift_left3A_3605 : vector<8x640xi32>
      %shift_right_logical3A_3607 = arith.constant 16 : i32
      %shift_right_logical3A_3608 = vector.broadcast %shift_right_logical3A_3607 : i32 to vector<8x640xi32>
      %shift_right_logical3A_3609 = arith.shrui %xor3A_3602, %shift_right_logical3A_3608 : vector<8x640xi32>
      %or3A_3610 = arith.ori %shift_left3A_3606, %shift_right_logical3A_3609 : vector<8x640xi32>
      %xor3A_3611 = arith.xori %add3A_3603, %or3A_3610 : vector<8x640xi32>
      %add3A_3612 = arith.addi %add3A_3603, %xor3A_3611 : vector<8x640xi32>
      %shift_left3A_3613 = arith.constant 24 : i32
      %shift_left3A_3614 = vector.broadcast %shift_left3A_3613 : i32 to vector<8x640xi32>
      %shift_left3A_3615 = arith.shli %xor3A_3611, %shift_left3A_3614 : vector<8x640xi32>
      %shift_right_logical3A_3616 = arith.constant 8 : i32
      %shift_right_logical3A_3617 = vector.broadcast %shift_right_logical3A_3616 : i32 to vector<8x640xi32>
      %shift_right_logical3A_3618 = arith.shrui %xor3A_3611, %shift_right_logical3A_3617 : vector<8x640xi32>
      %or3A_3619 = arith.ori %shift_left3A_3615, %shift_right_logical3A_3618 : vector<8x640xi32>
      %xor3A_3620 = arith.xori %add3A_3612, %or3A_3619 : vector<8x640xi32>
      %add3A_3621 = arith.constant 270669613 : i32
      %add3A_3622 = vector.broadcast %add3A_3621 : i32 to vector<8x640xi32>
      %add3A_3623 = arith.addi %add3A_3612, %add3A_3622 : vector<8x640xi32>
      %add3A_3624 = arith.constant 1724713084 : i32
      %add3A_3625 = vector.broadcast %add3A_3624 : i32 to vector<8x640xi32>
      %add3A_3626 = arith.addi %xor3A_3620, %add3A_3625 : vector<8x640xi32>
      %add3A_3627 = arith.addi %add3A_3623, %add3A_3626 : vector<8x640xi32>
      %shift_left3A_3628 = arith.constant 13 : i32
      %shift_left3A_3629 = vector.broadcast %shift_left3A_3628 : i32 to vector<8x640xi32>
      %shift_left3A_3630 = arith.shli %add3A_3626, %shift_left3A_3629 : vector<8x640xi32>
      %shift_right_logical3A_3631 = arith.constant 19 : i32
      %shift_right_logical3A_3632 = vector.broadcast %shift_right_logical3A_3631 : i32 to vector<8x640xi32>
      %shift_right_logical3A_3633 = arith.shrui %add3A_3626, %shift_right_logical3A_3632 : vector<8x640xi32>
      %or3A_3634 = arith.ori %shift_left3A_3630, %shift_right_logical3A_3633 : vector<8x640xi32>
      %xor3A_3635 = arith.xori %add3A_3627, %or3A_3634 : vector<8x640xi32>
      %add3A_3636 = arith.addi %add3A_3627, %xor3A_3635 : vector<8x640xi32>
      %shift_left3A_3637 = arith.constant 15 : i32
      %shift_left3A_3638 = vector.broadcast %shift_left3A_3637 : i32 to vector<8x640xi32>
      %shift_left3A_3639 = arith.shli %xor3A_3635, %shift_left3A_3638 : vector<8x640xi32>
      %shift_right_logical3A_3640 = arith.constant 17 : i32
      %shift_right_logical3A_3641 = vector.broadcast %shift_right_logical3A_3640 : i32 to vector<8x640xi32>
      %shift_right_logical3A_3642 = arith.shrui %xor3A_3635, %shift_right_logical3A_3641 : vector<8x640xi32>
      %or3A_3643 = arith.ori %shift_left3A_3639, %shift_right_logical3A_3642 : vector<8x640xi32>
      %xor3A_3644 = arith.xori %add3A_3636, %or3A_3643 : vector<8x640xi32>
      %add3A_3645 = arith.addi %add3A_3636, %xor3A_3644 : vector<8x640xi32>
      %shift_left3A_3646 = arith.constant 26 : i32
      %shift_left3A_3647 = vector.broadcast %shift_left3A_3646 : i32 to vector<8x640xi32>
      %shift_left3A_3648 = arith.shli %xor3A_3644, %shift_left3A_3647 : vector<8x640xi32>
      %shift_right_logical3A_3649 = arith.constant 6 : i32
      %shift_right_logical3A_3650 = vector.broadcast %shift_right_logical3A_3649 : i32 to vector<8x640xi32>
      %shift_right_logical3A_3651 = arith.shrui %xor3A_3644, %shift_right_logical3A_3650 : vector<8x640xi32>
      %or3A_3652 = arith.ori %shift_left3A_3648, %shift_right_logical3A_3651 : vector<8x640xi32>
      %xor3A_3653 = arith.xori %add3A_3645, %or3A_3652 : vector<8x640xi32>
      %add3A_3654 = arith.addi %add3A_3645, %xor3A_3653 : vector<8x640xi32>
      %shift_left3A_3655 = arith.constant 6 : i32
      %shift_left3A_3656 = vector.broadcast %shift_left3A_3655 : i32 to vector<8x640xi32>
      %shift_left3A_3657 = arith.shli %xor3A_3653, %shift_left3A_3656 : vector<8x640xi32>
      %shift_right_logical3A_3658 = arith.constant 26 : i32
      %shift_right_logical3A_3659 = vector.broadcast %shift_right_logical3A_3658 : i32 to vector<8x640xi32>
      %shift_right_logical3A_3660 = arith.shrui %xor3A_3653, %shift_right_logical3A_3659 : vector<8x640xi32>
      %or3A_3661 = arith.ori %shift_left3A_3657, %shift_right_logical3A_3660 : vector<8x640xi32>
      %xor3A_3662 = arith.xori %add3A_3654, %or3A_3661 : vector<8x640xi32>
      %add3A_3663 = arith.constant 1724713080 : i32
      %add3A_3664 = vector.broadcast %add3A_3663 : i32 to vector<8x640xi32>
      %add3A_3665 = arith.addi %add3A_3654, %add3A_3664 : vector<8x640xi32>
      %add3A_3666 = arith.constant 1832780948 : i32
      %add3A_3667 = vector.broadcast %add3A_3666 : i32 to vector<8x640xi32>
      %add3A_3668 = arith.addi %xor3A_3662, %add3A_3667 : vector<8x640xi32>
      %xor3A_3669 = arith.xori %add3A_3665, %add3A_3668 : vector<8x640xi32>
      %shift_right_logical3A_3670 = arith.constant 9 : i32
      %shift_right_logical3A_3671 = vector.broadcast %shift_right_logical3A_3670 : i32 to vector<8x640xi32>
      %shift_right_logical3A_3672 = arith.shrui %xor3A_3669, %shift_right_logical3A_3671 : vector<8x640xi32>
      %or3A_3673 = arith.constant 1065353216 : i32
      %or3A_3674 = vector.broadcast %or3A_3673 : i32 to vector<8x640xi32>
      %or3A_3675 = arith.ori %shift_right_logical3A_3672, %or3A_3674 : vector<8x640xi32>
      %bitcast_convert_type3A_3676 = tpu.bitcast %or3A_3675 : vector<8x640xi32> -> vector<8x640xf32>
      %sub3A_3677 = arith.constant 1.000000e+00 : f32
      %sub3A_3678 = vector.broadcast %sub3A_3677 : f32 to vector<8x640xf32>
      %sub3A_3679 = arith.subf %bitcast_convert_type3A_3676, %sub3A_3678 : vector<8x640xf32>
      %get3A_3680 = arith.index_cast %add3A_3452 : i32 to index
      %get3A_3681 = arith.constant 0 : index
      %get3A_3682 = arith.constant 0 : index
      %get3A_3683 = vector.load %arg1[%get3A_3680, %get3A_3681, %get3A_3682] : memref<125x8x640xf32, #tpu.memory_space<vmem>>, vector<1x8x640xf32>
      %get3A_3684 = vector.shape_cast %get3A_3683 : vector<1x8x640xf32> to vector<8x640xf32>
      %log3A_3685 = math.log %sub3A_3679 : vector<8x640xf32>
      %log3A_3686 = arith.constant 2.000000e+00 : f32
      %log3A_3687 = math.log %log3A_3686 : f32
      %div3A_3688 = vector.broadcast %log3A_3687 : f32 to vector<8x640xf32>
      %div3A_3689 = arith.divf %log3A_3685, %div3A_3688 : vector<8x640xf32>
      %mul3A_3690 = arith.mulf %div3A_3689, %get3A_3684 : vector<8x640xf32>
      %lt3A_3691 = arith.cmpf olt, %mul3A_3690, %select_n3A_3446 : vector<8x640xf32>
      %select_n3A_3692 = arith.select %lt3A_3691, %mul3A_3690, %select_n3A_3446 : vector<8x640xi1>, vector<8x640xf32>
      %broadcast_in_dim3A_3693 = vector.broadcast %add3A_3452 : i32 to vector<8x640xi32>
      %select_n3A_3694 = arith.select %lt3A_3691, %broadcast_in_dim3A_3693, %select_n3A_3448 : vector<8x640xi1>, vector<8x640xi32>
      %mul3A_3695 = arith.constant 12 : i32
      %mul3A_3696 = arith.muli %mul3A_3695, %scan3A_1232 : i32
      %add3A_3697 = arith.constant 10 : i32
      %add3A_3698 = arith.addi %mul3A_3696, %add3A_3697 : i32
      %mul3A_3699 = arith.constant 640 : i32
      %mul3A_3700 = arith.muli %add3A_3698, %mul3A_3699 : i32
      %add3A_3701 = vector.broadcast %mul3A_3700 : i32 to vector<8x640xi32>
      %add3A_3702 = arith.addi %add3A_9, %add3A_3701 : vector<8x640xi32>
      %add3A_3703 = arith.constant 1832780943 : i32
      %add3A_3704 = vector.broadcast %add3A_3703 : i32 to vector<8x640xi32>
      %add3A_3705 = arith.addi %add3A_3702, %add3A_3704 : vector<8x640xi32>
      %shift_left3A_3706 = arith.constant 13 : i32
      %shift_left3A_3707 = vector.broadcast %shift_left3A_3706 : i32 to vector<8x640xi32>
      %shift_left3A_3708 = arith.shli %add3A_3702, %shift_left3A_3707 : vector<8x640xi32>
      %shift_right_logical3A_3709 = arith.constant 19 : i32
      %shift_right_logical3A_3710 = vector.broadcast %shift_right_logical3A_3709 : i32 to vector<8x640xi32>
      %shift_right_logical3A_3711 = arith.shrui %add3A_3702, %shift_right_logical3A_3710 : vector<8x640xi32>
      %or3A_3712 = arith.ori %shift_left3A_3708, %shift_right_logical3A_3711 : vector<8x640xi32>
      %xor3A_3713 = arith.xori %add3A_3705, %or3A_3712 : vector<8x640xi32>
      %add3A_3714 = arith.addi %add3A_3705, %xor3A_3713 : vector<8x640xi32>
      %shift_left3A_3715 = arith.constant 15 : i32
      %shift_left3A_3716 = vector.broadcast %shift_left3A_3715 : i32 to vector<8x640xi32>
      %shift_left3A_3717 = arith.shli %xor3A_3713, %shift_left3A_3716 : vector<8x640xi32>
      %shift_right_logical3A_3718 = arith.constant 17 : i32
      %shift_right_logical3A_3719 = vector.broadcast %shift_right_logical3A_3718 : i32 to vector<8x640xi32>
      %shift_right_logical3A_3720 = arith.shrui %xor3A_3713, %shift_right_logical3A_3719 : vector<8x640xi32>
      %or3A_3721 = arith.ori %shift_left3A_3717, %shift_right_logical3A_3720 : vector<8x640xi32>
      %xor3A_3722 = arith.xori %add3A_3714, %or3A_3721 : vector<8x640xi32>
      %add3A_3723 = arith.addi %add3A_3714, %xor3A_3722 : vector<8x640xi32>
      %shift_left3A_3724 = arith.constant 26 : i32
      %shift_left3A_3725 = vector.broadcast %shift_left3A_3724 : i32 to vector<8x640xi32>
      %shift_left3A_3726 = arith.shli %xor3A_3722, %shift_left3A_3725 : vector<8x640xi32>
      %shift_right_logical3A_3727 = arith.constant 6 : i32
      %shift_right_logical3A_3728 = vector.broadcast %shift_right_logical3A_3727 : i32 to vector<8x640xi32>
      %shift_right_logical3A_3729 = arith.shrui %xor3A_3722, %shift_right_logical3A_3728 : vector<8x640xi32>
      %or3A_3730 = arith.ori %shift_left3A_3726, %shift_right_logical3A_3729 : vector<8x640xi32>
      %xor3A_3731 = arith.xori %add3A_3723, %or3A_3730 : vector<8x640xi32>
      %add3A_3732 = arith.addi %add3A_3723, %xor3A_3731 : vector<8x640xi32>
      %shift_left3A_3733 = arith.constant 6 : i32
      %shift_left3A_3734 = vector.broadcast %shift_left3A_3733 : i32 to vector<8x640xi32>
      %shift_left3A_3735 = arith.shli %xor3A_3731, %shift_left3A_3734 : vector<8x640xi32>
      %shift_right_logical3A_3736 = arith.constant 26 : i32
      %shift_right_logical3A_3737 = vector.broadcast %shift_right_logical3A_3736 : i32 to vector<8x640xi32>
      %shift_right_logical3A_3738 = arith.shrui %xor3A_3731, %shift_right_logical3A_3737 : vector<8x640xi32>
      %or3A_3739 = arith.ori %shift_left3A_3735, %shift_right_logical3A_3738 : vector<8x640xi32>
      %xor3A_3740 = arith.xori %add3A_3732, %or3A_3739 : vector<8x640xi32>
      %add3A_3741 = arith.constant 270669613 : i32
      %add3A_3742 = vector.broadcast %add3A_3741 : i32 to vector<8x640xi32>
      %add3A_3743 = arith.addi %add3A_3732, %add3A_3742 : vector<8x640xi32>
      %add3A_3744 = arith.constant 1724713081 : i32
      %add3A_3745 = vector.broadcast %add3A_3744 : i32 to vector<8x640xi32>
      %add3A_3746 = arith.addi %xor3A_3740, %add3A_3745 : vector<8x640xi32>
      %add3A_3747 = arith.addi %add3A_3743, %add3A_3746 : vector<8x640xi32>
      %shift_left3A_3748 = arith.constant 17 : i32
      %shift_left3A_3749 = vector.broadcast %shift_left3A_3748 : i32 to vector<8x640xi32>
      %shift_left3A_3750 = arith.shli %add3A_3746, %shift_left3A_3749 : vector<8x640xi32>
      %shift_right_logical3A_3751 = arith.constant 15 : i32
      %shift_right_logical3A_3752 = vector.broadcast %shift_right_logical3A_3751 : i32 to vector<8x640xi32>
      %shift_right_logical3A_3753 = arith.shrui %add3A_3746, %shift_right_logical3A_3752 : vector<8x640xi32>
      %or3A_3754 = arith.ori %shift_left3A_3750, %shift_right_logical3A_3753 : vector<8x640xi32>
      %xor3A_3755 = arith.xori %add3A_3747, %or3A_3754 : vector<8x640xi32>
      %add3A_3756 = arith.addi %add3A_3747, %xor3A_3755 : vector<8x640xi32>
      %shift_left3A_3757 = arith.constant 29 : i32
      %shift_left3A_3758 = vector.broadcast %shift_left3A_3757 : i32 to vector<8x640xi32>
      %shift_left3A_3759 = arith.shli %xor3A_3755, %shift_left3A_3758 : vector<8x640xi32>
      %shift_right_logical3A_3760 = arith.constant 3 : i32
      %shift_right_logical3A_3761 = vector.broadcast %shift_right_logical3A_3760 : i32 to vector<8x640xi32>
      %shift_right_logical3A_3762 = arith.shrui %xor3A_3755, %shift_right_logical3A_3761 : vector<8x640xi32>
      %or3A_3763 = arith.ori %shift_left3A_3759, %shift_right_logical3A_3762 : vector<8x640xi32>
      %xor3A_3764 = arith.xori %add3A_3756, %or3A_3763 : vector<8x640xi32>
      %add3A_3765 = arith.addi %add3A_3756, %xor3A_3764 : vector<8x640xi32>
      %shift_left3A_3766 = arith.constant 16 : i32
      %shift_left3A_3767 = vector.broadcast %shift_left3A_3766 : i32 to vector<8x640xi32>
      %shift_left3A_3768 = arith.shli %xor3A_3764, %shift_left3A_3767 : vector<8x640xi32>
      %shift_right_logical3A_3769 = arith.constant 16 : i32
      %shift_right_logical3A_3770 = vector.broadcast %shift_right_logical3A_3769 : i32 to vector<8x640xi32>
      %shift_right_logical3A_3771 = arith.shrui %xor3A_3764, %shift_right_logical3A_3770 : vector<8x640xi32>
      %or3A_3772 = arith.ori %shift_left3A_3768, %shift_right_logical3A_3771 : vector<8x640xi32>
      %xor3A_3773 = arith.xori %add3A_3765, %or3A_3772 : vector<8x640xi32>
      %add3A_3774 = arith.addi %add3A_3765, %xor3A_3773 : vector<8x640xi32>
      %shift_left3A_3775 = arith.constant 24 : i32
      %shift_left3A_3776 = vector.broadcast %shift_left3A_3775 : i32 to vector<8x640xi32>
      %shift_left3A_3777 = arith.shli %xor3A_3773, %shift_left3A_3776 : vector<8x640xi32>
      %shift_right_logical3A_3778 = arith.constant 8 : i32
      %shift_right_logical3A_3779 = vector.broadcast %shift_right_logical3A_3778 : i32 to vector<8x640xi32>
      %shift_right_logical3A_3780 = arith.shrui %xor3A_3773, %shift_right_logical3A_3779 : vector<8x640xi32>
      %or3A_3781 = arith.ori %shift_left3A_3777, %shift_right_logical3A_3780 : vector<8x640xi32>
      %xor3A_3782 = arith.xori %add3A_3774, %or3A_3781 : vector<8x640xi32>
      %add3A_3783 = arith.constant 1724713080 : i32
      %add3A_3784 = vector.broadcast %add3A_3783 : i32 to vector<8x640xi32>
      %add3A_3785 = arith.addi %add3A_3774, %add3A_3784 : vector<8x640xi32>
      %add3A_3786 = arith.constant 1832780945 : i32
      %add3A_3787 = vector.broadcast %add3A_3786 : i32 to vector<8x640xi32>
      %add3A_3788 = arith.addi %xor3A_3782, %add3A_3787 : vector<8x640xi32>
      %add3A_3789 = arith.addi %add3A_3785, %add3A_3788 : vector<8x640xi32>
      %shift_left3A_3790 = arith.constant 13 : i32
      %shift_left3A_3791 = vector.broadcast %shift_left3A_3790 : i32 to vector<8x640xi32>
      %shift_left3A_3792 = arith.shli %add3A_3788, %shift_left3A_3791 : vector<8x640xi32>
      %shift_right_logical3A_3793 = arith.constant 19 : i32
      %shift_right_logical3A_3794 = vector.broadcast %shift_right_logical3A_3793 : i32 to vector<8x640xi32>
      %shift_right_logical3A_3795 = arith.shrui %add3A_3788, %shift_right_logical3A_3794 : vector<8x640xi32>
      %or3A_3796 = arith.ori %shift_left3A_3792, %shift_right_logical3A_3795 : vector<8x640xi32>
      %xor3A_3797 = arith.xori %add3A_3789, %or3A_3796 : vector<8x640xi32>
      %add3A_3798 = arith.addi %add3A_3789, %xor3A_3797 : vector<8x640xi32>
      %shift_left3A_3799 = arith.constant 15 : i32
      %shift_left3A_3800 = vector.broadcast %shift_left3A_3799 : i32 to vector<8x640xi32>
      %shift_left3A_3801 = arith.shli %xor3A_3797, %shift_left3A_3800 : vector<8x640xi32>
      %shift_right_logical3A_3802 = arith.constant 17 : i32
      %shift_right_logical3A_3803 = vector.broadcast %shift_right_logical3A_3802 : i32 to vector<8x640xi32>
      %shift_right_logical3A_3804 = arith.shrui %xor3A_3797, %shift_right_logical3A_3803 : vector<8x640xi32>
      %or3A_3805 = arith.ori %shift_left3A_3801, %shift_right_logical3A_3804 : vector<8x640xi32>
      %xor3A_3806 = arith.xori %add3A_3798, %or3A_3805 : vector<8x640xi32>
      %add3A_3807 = arith.addi %add3A_3798, %xor3A_3806 : vector<8x640xi32>
      %shift_left3A_3808 = arith.constant 26 : i32
      %shift_left3A_3809 = vector.broadcast %shift_left3A_3808 : i32 to vector<8x640xi32>
      %shift_left3A_3810 = arith.shli %xor3A_3806, %shift_left3A_3809 : vector<8x640xi32>
      %shift_right_logical3A_3811 = arith.constant 6 : i32
      %shift_right_logical3A_3812 = vector.broadcast %shift_right_logical3A_3811 : i32 to vector<8x640xi32>
      %shift_right_logical3A_3813 = arith.shrui %xor3A_3806, %shift_right_logical3A_3812 : vector<8x640xi32>
      %or3A_3814 = arith.ori %shift_left3A_3810, %shift_right_logical3A_3813 : vector<8x640xi32>
      %xor3A_3815 = arith.xori %add3A_3807, %or3A_3814 : vector<8x640xi32>
      %add3A_3816 = arith.addi %add3A_3807, %xor3A_3815 : vector<8x640xi32>
      %shift_left3A_3817 = arith.constant 6 : i32
      %shift_left3A_3818 = vector.broadcast %shift_left3A_3817 : i32 to vector<8x640xi32>
      %shift_left3A_3819 = arith.shli %xor3A_3815, %shift_left3A_3818 : vector<8x640xi32>
      %shift_right_logical3A_3820 = arith.constant 26 : i32
      %shift_right_logical3A_3821 = vector.broadcast %shift_right_logical3A_3820 : i32 to vector<8x640xi32>
      %shift_right_logical3A_3822 = arith.shrui %xor3A_3815, %shift_right_logical3A_3821 : vector<8x640xi32>
      %or3A_3823 = arith.ori %shift_left3A_3819, %shift_right_logical3A_3822 : vector<8x640xi32>
      %xor3A_3824 = arith.xori %add3A_3816, %or3A_3823 : vector<8x640xi32>
      %add3A_3825 = arith.constant 1832780943 : i32
      %add3A_3826 = vector.broadcast %add3A_3825 : i32 to vector<8x640xi32>
      %add3A_3827 = arith.addi %add3A_3816, %add3A_3826 : vector<8x640xi32>
      %add3A_3828 = arith.constant 270669616 : i32
      %add3A_3829 = vector.broadcast %add3A_3828 : i32 to vector<8x640xi32>
      %add3A_3830 = arith.addi %xor3A_3824, %add3A_3829 : vector<8x640xi32>
      %add3A_3831 = arith.addi %add3A_3827, %add3A_3830 : vector<8x640xi32>
      %shift_left3A_3832 = arith.constant 17 : i32
      %shift_left3A_3833 = vector.broadcast %shift_left3A_3832 : i32 to vector<8x640xi32>
      %shift_left3A_3834 = arith.shli %add3A_3830, %shift_left3A_3833 : vector<8x640xi32>
      %shift_right_logical3A_3835 = arith.constant 15 : i32
      %shift_right_logical3A_3836 = vector.broadcast %shift_right_logical3A_3835 : i32 to vector<8x640xi32>
      %shift_right_logical3A_3837 = arith.shrui %add3A_3830, %shift_right_logical3A_3836 : vector<8x640xi32>
      %or3A_3838 = arith.ori %shift_left3A_3834, %shift_right_logical3A_3837 : vector<8x640xi32>
      %xor3A_3839 = arith.xori %add3A_3831, %or3A_3838 : vector<8x640xi32>
      %add3A_3840 = arith.addi %add3A_3831, %xor3A_3839 : vector<8x640xi32>
      %shift_left3A_3841 = arith.constant 29 : i32
      %shift_left3A_3842 = vector.broadcast %shift_left3A_3841 : i32 to vector<8x640xi32>
      %shift_left3A_3843 = arith.shli %xor3A_3839, %shift_left3A_3842 : vector<8x640xi32>
      %shift_right_logical3A_3844 = arith.constant 3 : i32
      %shift_right_logical3A_3845 = vector.broadcast %shift_right_logical3A_3844 : i32 to vector<8x640xi32>
      %shift_right_logical3A_3846 = arith.shrui %xor3A_3839, %shift_right_logical3A_3845 : vector<8x640xi32>
      %or3A_3847 = arith.ori %shift_left3A_3843, %shift_right_logical3A_3846 : vector<8x640xi32>
      %xor3A_3848 = arith.xori %add3A_3840, %or3A_3847 : vector<8x640xi32>
      %add3A_3849 = arith.addi %add3A_3840, %xor3A_3848 : vector<8x640xi32>
      %shift_left3A_3850 = arith.constant 16 : i32
      %shift_left3A_3851 = vector.broadcast %shift_left3A_3850 : i32 to vector<8x640xi32>
      %shift_left3A_3852 = arith.shli %xor3A_3848, %shift_left3A_3851 : vector<8x640xi32>
      %shift_right_logical3A_3853 = arith.constant 16 : i32
      %shift_right_logical3A_3854 = vector.broadcast %shift_right_logical3A_3853 : i32 to vector<8x640xi32>
      %shift_right_logical3A_3855 = arith.shrui %xor3A_3848, %shift_right_logical3A_3854 : vector<8x640xi32>
      %or3A_3856 = arith.ori %shift_left3A_3852, %shift_right_logical3A_3855 : vector<8x640xi32>
      %xor3A_3857 = arith.xori %add3A_3849, %or3A_3856 : vector<8x640xi32>
      %add3A_3858 = arith.addi %add3A_3849, %xor3A_3857 : vector<8x640xi32>
      %shift_left3A_3859 = arith.constant 24 : i32
      %shift_left3A_3860 = vector.broadcast %shift_left3A_3859 : i32 to vector<8x640xi32>
      %shift_left3A_3861 = arith.shli %xor3A_3857, %shift_left3A_3860 : vector<8x640xi32>
      %shift_right_logical3A_3862 = arith.constant 8 : i32
      %shift_right_logical3A_3863 = vector.broadcast %shift_right_logical3A_3862 : i32 to vector<8x640xi32>
      %shift_right_logical3A_3864 = arith.shrui %xor3A_3857, %shift_right_logical3A_3863 : vector<8x640xi32>
      %or3A_3865 = arith.ori %shift_left3A_3861, %shift_right_logical3A_3864 : vector<8x640xi32>
      %xor3A_3866 = arith.xori %add3A_3858, %or3A_3865 : vector<8x640xi32>
      %add3A_3867 = arith.constant 270669613 : i32
      %add3A_3868 = vector.broadcast %add3A_3867 : i32 to vector<8x640xi32>
      %add3A_3869 = arith.addi %add3A_3858, %add3A_3868 : vector<8x640xi32>
      %add3A_3870 = arith.constant 1724713084 : i32
      %add3A_3871 = vector.broadcast %add3A_3870 : i32 to vector<8x640xi32>
      %add3A_3872 = arith.addi %xor3A_3866, %add3A_3871 : vector<8x640xi32>
      %add3A_3873 = arith.addi %add3A_3869, %add3A_3872 : vector<8x640xi32>
      %shift_left3A_3874 = arith.constant 13 : i32
      %shift_left3A_3875 = vector.broadcast %shift_left3A_3874 : i32 to vector<8x640xi32>
      %shift_left3A_3876 = arith.shli %add3A_3872, %shift_left3A_3875 : vector<8x640xi32>
      %shift_right_logical3A_3877 = arith.constant 19 : i32
      %shift_right_logical3A_3878 = vector.broadcast %shift_right_logical3A_3877 : i32 to vector<8x640xi32>
      %shift_right_logical3A_3879 = arith.shrui %add3A_3872, %shift_right_logical3A_3878 : vector<8x640xi32>
      %or3A_3880 = arith.ori %shift_left3A_3876, %shift_right_logical3A_3879 : vector<8x640xi32>
      %xor3A_3881 = arith.xori %add3A_3873, %or3A_3880 : vector<8x640xi32>
      %add3A_3882 = arith.addi %add3A_3873, %xor3A_3881 : vector<8x640xi32>
      %shift_left3A_3883 = arith.constant 15 : i32
      %shift_left3A_3884 = vector.broadcast %shift_left3A_3883 : i32 to vector<8x640xi32>
      %shift_left3A_3885 = arith.shli %xor3A_3881, %shift_left3A_3884 : vector<8x640xi32>
      %shift_right_logical3A_3886 = arith.constant 17 : i32
      %shift_right_logical3A_3887 = vector.broadcast %shift_right_logical3A_3886 : i32 to vector<8x640xi32>
      %shift_right_logical3A_3888 = arith.shrui %xor3A_3881, %shift_right_logical3A_3887 : vector<8x640xi32>
      %or3A_3889 = arith.ori %shift_left3A_3885, %shift_right_logical3A_3888 : vector<8x640xi32>
      %xor3A_3890 = arith.xori %add3A_3882, %or3A_3889 : vector<8x640xi32>
      %add3A_3891 = arith.addi %add3A_3882, %xor3A_3890 : vector<8x640xi32>
      %shift_left3A_3892 = arith.constant 26 : i32
      %shift_left3A_3893 = vector.broadcast %shift_left3A_3892 : i32 to vector<8x640xi32>
      %shift_left3A_3894 = arith.shli %xor3A_3890, %shift_left3A_3893 : vector<8x640xi32>
      %shift_right_logical3A_3895 = arith.constant 6 : i32
      %shift_right_logical3A_3896 = vector.broadcast %shift_right_logical3A_3895 : i32 to vector<8x640xi32>
      %shift_right_logical3A_3897 = arith.shrui %xor3A_3890, %shift_right_logical3A_3896 : vector<8x640xi32>
      %or3A_3898 = arith.ori %shift_left3A_3894, %shift_right_logical3A_3897 : vector<8x640xi32>
      %xor3A_3899 = arith.xori %add3A_3891, %or3A_3898 : vector<8x640xi32>
      %add3A_3900 = arith.addi %add3A_3891, %xor3A_3899 : vector<8x640xi32>
      %shift_left3A_3901 = arith.constant 6 : i32
      %shift_left3A_3902 = vector.broadcast %shift_left3A_3901 : i32 to vector<8x640xi32>
      %shift_left3A_3903 = arith.shli %xor3A_3899, %shift_left3A_3902 : vector<8x640xi32>
      %shift_right_logical3A_3904 = arith.constant 26 : i32
      %shift_right_logical3A_3905 = vector.broadcast %shift_right_logical3A_3904 : i32 to vector<8x640xi32>
      %shift_right_logical3A_3906 = arith.shrui %xor3A_3899, %shift_right_logical3A_3905 : vector<8x640xi32>
      %or3A_3907 = arith.ori %shift_left3A_3903, %shift_right_logical3A_3906 : vector<8x640xi32>
      %xor3A_3908 = arith.xori %add3A_3900, %or3A_3907 : vector<8x640xi32>
      %add3A_3909 = arith.constant 1724713080 : i32
      %add3A_3910 = vector.broadcast %add3A_3909 : i32 to vector<8x640xi32>
      %add3A_3911 = arith.addi %add3A_3900, %add3A_3910 : vector<8x640xi32>
      %add3A_3912 = arith.constant 1832780948 : i32
      %add3A_3913 = vector.broadcast %add3A_3912 : i32 to vector<8x640xi32>
      %add3A_3914 = arith.addi %xor3A_3908, %add3A_3913 : vector<8x640xi32>
      %xor3A_3915 = arith.xori %add3A_3911, %add3A_3914 : vector<8x640xi32>
      %shift_right_logical3A_3916 = arith.constant 9 : i32
      %shift_right_logical3A_3917 = vector.broadcast %shift_right_logical3A_3916 : i32 to vector<8x640xi32>
      %shift_right_logical3A_3918 = arith.shrui %xor3A_3915, %shift_right_logical3A_3917 : vector<8x640xi32>
      %or3A_3919 = arith.constant 1065353216 : i32
      %or3A_3920 = vector.broadcast %or3A_3919 : i32 to vector<8x640xi32>
      %or3A_3921 = arith.ori %shift_right_logical3A_3918, %or3A_3920 : vector<8x640xi32>
      %bitcast_convert_type3A_3922 = tpu.bitcast %or3A_3921 : vector<8x640xi32> -> vector<8x640xf32>
      %sub3A_3923 = arith.constant 1.000000e+00 : f32
      %sub3A_3924 = vector.broadcast %sub3A_3923 : f32 to vector<8x640xf32>
      %sub3A_3925 = arith.subf %bitcast_convert_type3A_3922, %sub3A_3924 : vector<8x640xf32>
      %get3A_3926 = arith.index_cast %add3A_3698 : i32 to index
      %get3A_3927 = arith.constant 0 : index
      %get3A_3928 = arith.constant 0 : index
      %get3A_3929 = vector.load %arg1[%get3A_3926, %get3A_3927, %get3A_3928] : memref<125x8x640xf32, #tpu.memory_space<vmem>>, vector<1x8x640xf32>
      %get3A_3930 = vector.shape_cast %get3A_3929 : vector<1x8x640xf32> to vector<8x640xf32>
      %log3A_3931 = math.log %sub3A_3925 : vector<8x640xf32>
      %log3A_3932 = arith.constant 2.000000e+00 : f32
      %log3A_3933 = math.log %log3A_3932 : f32
      %div3A_3934 = vector.broadcast %log3A_3933 : f32 to vector<8x640xf32>
      %div3A_3935 = arith.divf %log3A_3931, %div3A_3934 : vector<8x640xf32>
      %mul3A_3936 = arith.mulf %div3A_3935, %get3A_3930 : vector<8x640xf32>
      %lt3A_3937 = arith.cmpf olt, %mul3A_3936, %select_n3A_3692 : vector<8x640xf32>
      %select_n3A_3938 = arith.select %lt3A_3937, %mul3A_3936, %select_n3A_3692 : vector<8x640xi1>, vector<8x640xf32>
      %broadcast_in_dim3A_3939 = vector.broadcast %add3A_3698 : i32 to vector<8x640xi32>
      %select_n3A_3940 = arith.select %lt3A_3937, %broadcast_in_dim3A_3939, %select_n3A_3694 : vector<8x640xi1>, vector<8x640xi32>
      %mul3A_3941 = arith.constant 12 : i32
      %mul3A_3942 = arith.muli %mul3A_3941, %scan3A_1232 : i32
      %add3A_3943 = arith.constant 11 : i32
      %add3A_3944 = arith.addi %mul3A_3942, %add3A_3943 : i32
      %mul3A_3945 = arith.constant 640 : i32
      %mul3A_3946 = arith.muli %add3A_3944, %mul3A_3945 : i32
      %add3A_3947 = vector.broadcast %mul3A_3946 : i32 to vector<8x640xi32>
      %add3A_3948 = arith.addi %add3A_9, %add3A_3947 : vector<8x640xi32>
      %add3A_3949 = arith.constant 1832780943 : i32
      %add3A_3950 = vector.broadcast %add3A_3949 : i32 to vector<8x640xi32>
      %add3A_3951 = arith.addi %add3A_3948, %add3A_3950 : vector<8x640xi32>
      %shift_left3A_3952 = arith.constant 13 : i32
      %shift_left3A_3953 = vector.broadcast %shift_left3A_3952 : i32 to vector<8x640xi32>
      %shift_left3A_3954 = arith.shli %add3A_3948, %shift_left3A_3953 : vector<8x640xi32>
      %shift_right_logical3A_3955 = arith.constant 19 : i32
      %shift_right_logical3A_3956 = vector.broadcast %shift_right_logical3A_3955 : i32 to vector<8x640xi32>
      %shift_right_logical3A_3957 = arith.shrui %add3A_3948, %shift_right_logical3A_3956 : vector<8x640xi32>
      %or3A_3958 = arith.ori %shift_left3A_3954, %shift_right_logical3A_3957 : vector<8x640xi32>
      %xor3A_3959 = arith.xori %add3A_3951, %or3A_3958 : vector<8x640xi32>
      %add3A_3960 = arith.addi %add3A_3951, %xor3A_3959 : vector<8x640xi32>
      %shift_left3A_3961 = arith.constant 15 : i32
      %shift_left3A_3962 = vector.broadcast %shift_left3A_3961 : i32 to vector<8x640xi32>
      %shift_left3A_3963 = arith.shli %xor3A_3959, %shift_left3A_3962 : vector<8x640xi32>
      %shift_right_logical3A_3964 = arith.constant 17 : i32
      %shift_right_logical3A_3965 = vector.broadcast %shift_right_logical3A_3964 : i32 to vector<8x640xi32>
      %shift_right_logical3A_3966 = arith.shrui %xor3A_3959, %shift_right_logical3A_3965 : vector<8x640xi32>
      %or3A_3967 = arith.ori %shift_left3A_3963, %shift_right_logical3A_3966 : vector<8x640xi32>
      %xor3A_3968 = arith.xori %add3A_3960, %or3A_3967 : vector<8x640xi32>
      %add3A_3969 = arith.addi %add3A_3960, %xor3A_3968 : vector<8x640xi32>
      %shift_left3A_3970 = arith.constant 26 : i32
      %shift_left3A_3971 = vector.broadcast %shift_left3A_3970 : i32 to vector<8x640xi32>
      %shift_left3A_3972 = arith.shli %xor3A_3968, %shift_left3A_3971 : vector<8x640xi32>
      %shift_right_logical3A_3973 = arith.constant 6 : i32
      %shift_right_logical3A_3974 = vector.broadcast %shift_right_logical3A_3973 : i32 to vector<8x640xi32>
      %shift_right_logical3A_3975 = arith.shrui %xor3A_3968, %shift_right_logical3A_3974 : vector<8x640xi32>
      %or3A_3976 = arith.ori %shift_left3A_3972, %shift_right_logical3A_3975 : vector<8x640xi32>
      %xor3A_3977 = arith.xori %add3A_3969, %or3A_3976 : vector<8x640xi32>
      %add3A_3978 = arith.addi %add3A_3969, %xor3A_3977 : vector<8x640xi32>
      %shift_left3A_3979 = arith.constant 6 : i32
      %shift_left3A_3980 = vector.broadcast %shift_left3A_3979 : i32 to vector<8x640xi32>
      %shift_left3A_3981 = arith.shli %xor3A_3977, %shift_left3A_3980 : vector<8x640xi32>
      %shift_right_logical3A_3982 = arith.constant 26 : i32
      %shift_right_logical3A_3983 = vector.broadcast %shift_right_logical3A_3982 : i32 to vector<8x640xi32>
      %shift_right_logical3A_3984 = arith.shrui %xor3A_3977, %shift_right_logical3A_3983 : vector<8x640xi32>
      %or3A_3985 = arith.ori %shift_left3A_3981, %shift_right_logical3A_3984 : vector<8x640xi32>
      %xor3A_3986 = arith.xori %add3A_3978, %or3A_3985 : vector<8x640xi32>
      %add3A_3987 = arith.constant 270669613 : i32
      %add3A_3988 = vector.broadcast %add3A_3987 : i32 to vector<8x640xi32>
      %add3A_3989 = arith.addi %add3A_3978, %add3A_3988 : vector<8x640xi32>
      %add3A_3990 = arith.constant 1724713081 : i32
      %add3A_3991 = vector.broadcast %add3A_3990 : i32 to vector<8x640xi32>
      %add3A_3992 = arith.addi %xor3A_3986, %add3A_3991 : vector<8x640xi32>
      %add3A_3993 = arith.addi %add3A_3989, %add3A_3992 : vector<8x640xi32>
      %shift_left3A_3994 = arith.constant 17 : i32
      %shift_left3A_3995 = vector.broadcast %shift_left3A_3994 : i32 to vector<8x640xi32>
      %shift_left3A_3996 = arith.shli %add3A_3992, %shift_left3A_3995 : vector<8x640xi32>
      %shift_right_logical3A_3997 = arith.constant 15 : i32
      %shift_right_logical3A_3998 = vector.broadcast %shift_right_logical3A_3997 : i32 to vector<8x640xi32>
      %shift_right_logical3A_3999 = arith.shrui %add3A_3992, %shift_right_logical3A_3998 : vector<8x640xi32>
      %or3A_4000 = arith.ori %shift_left3A_3996, %shift_right_logical3A_3999 : vector<8x640xi32>
      %xor3A_4001 = arith.xori %add3A_3993, %or3A_4000 : vector<8x640xi32>
      %add3A_4002 = arith.addi %add3A_3993, %xor3A_4001 : vector<8x640xi32>
      %shift_left3A_4003 = arith.constant 29 : i32
      %shift_left3A_4004 = vector.broadcast %shift_left3A_4003 : i32 to vector<8x640xi32>
      %shift_left3A_4005 = arith.shli %xor3A_4001, %shift_left3A_4004 : vector<8x640xi32>
      %shift_right_logical3A_4006 = arith.constant 3 : i32
      %shift_right_logical3A_4007 = vector.broadcast %shift_right_logical3A_4006 : i32 to vector<8x640xi32>
      %shift_right_logical3A_4008 = arith.shrui %xor3A_4001, %shift_right_logical3A_4007 : vector<8x640xi32>
      %or3A_4009 = arith.ori %shift_left3A_4005, %shift_right_logical3A_4008 : vector<8x640xi32>
      %xor3A_4010 = arith.xori %add3A_4002, %or3A_4009 : vector<8x640xi32>
      %add3A_4011 = arith.addi %add3A_4002, %xor3A_4010 : vector<8x640xi32>
      %shift_left3A_4012 = arith.constant 16 : i32
      %shift_left3A_4013 = vector.broadcast %shift_left3A_4012 : i32 to vector<8x640xi32>
      %shift_left3A_4014 = arith.shli %xor3A_4010, %shift_left3A_4013 : vector<8x640xi32>
      %shift_right_logical3A_4015 = arith.constant 16 : i32
      %shift_right_logical3A_4016 = vector.broadcast %shift_right_logical3A_4015 : i32 to vector<8x640xi32>
      %shift_right_logical3A_4017 = arith.shrui %xor3A_4010, %shift_right_logical3A_4016 : vector<8x640xi32>
      %or3A_4018 = arith.ori %shift_left3A_4014, %shift_right_logical3A_4017 : vector<8x640xi32>
      %xor3A_4019 = arith.xori %add3A_4011, %or3A_4018 : vector<8x640xi32>
      %add3A_4020 = arith.addi %add3A_4011, %xor3A_4019 : vector<8x640xi32>
      %shift_left3A_4021 = arith.constant 24 : i32
      %shift_left3A_4022 = vector.broadcast %shift_left3A_4021 : i32 to vector<8x640xi32>
      %shift_left3A_4023 = arith.shli %xor3A_4019, %shift_left3A_4022 : vector<8x640xi32>
      %shift_right_logical3A_4024 = arith.constant 8 : i32
      %shift_right_logical3A_4025 = vector.broadcast %shift_right_logical3A_4024 : i32 to vector<8x640xi32>
      %shift_right_logical3A_4026 = arith.shrui %xor3A_4019, %shift_right_logical3A_4025 : vector<8x640xi32>
      %or3A_4027 = arith.ori %shift_left3A_4023, %shift_right_logical3A_4026 : vector<8x640xi32>
      %xor3A_4028 = arith.xori %add3A_4020, %or3A_4027 : vector<8x640xi32>
      %add3A_4029 = arith.constant 1724713080 : i32
      %add3A_4030 = vector.broadcast %add3A_4029 : i32 to vector<8x640xi32>
      %add3A_4031 = arith.addi %add3A_4020, %add3A_4030 : vector<8x640xi32>
      %add3A_4032 = arith.constant 1832780945 : i32
      %add3A_4033 = vector.broadcast %add3A_4032 : i32 to vector<8x640xi32>
      %add3A_4034 = arith.addi %xor3A_4028, %add3A_4033 : vector<8x640xi32>
      %add3A_4035 = arith.addi %add3A_4031, %add3A_4034 : vector<8x640xi32>
      %shift_left3A_4036 = arith.constant 13 : i32
      %shift_left3A_4037 = vector.broadcast %shift_left3A_4036 : i32 to vector<8x640xi32>
      %shift_left3A_4038 = arith.shli %add3A_4034, %shift_left3A_4037 : vector<8x640xi32>
      %shift_right_logical3A_4039 = arith.constant 19 : i32
      %shift_right_logical3A_4040 = vector.broadcast %shift_right_logical3A_4039 : i32 to vector<8x640xi32>
      %shift_right_logical3A_4041 = arith.shrui %add3A_4034, %shift_right_logical3A_4040 : vector<8x640xi32>
      %or3A_4042 = arith.ori %shift_left3A_4038, %shift_right_logical3A_4041 : vector<8x640xi32>
      %xor3A_4043 = arith.xori %add3A_4035, %or3A_4042 : vector<8x640xi32>
      %add3A_4044 = arith.addi %add3A_4035, %xor3A_4043 : vector<8x640xi32>
      %shift_left3A_4045 = arith.constant 15 : i32
      %shift_left3A_4046 = vector.broadcast %shift_left3A_4045 : i32 to vector<8x640xi32>
      %shift_left3A_4047 = arith.shli %xor3A_4043, %shift_left3A_4046 : vector<8x640xi32>
      %shift_right_logical3A_4048 = arith.constant 17 : i32
      %shift_right_logical3A_4049 = vector.broadcast %shift_right_logical3A_4048 : i32 to vector<8x640xi32>
      %shift_right_logical3A_4050 = arith.shrui %xor3A_4043, %shift_right_logical3A_4049 : vector<8x640xi32>
      %or3A_4051 = arith.ori %shift_left3A_4047, %shift_right_logical3A_4050 : vector<8x640xi32>
      %xor3A_4052 = arith.xori %add3A_4044, %or3A_4051 : vector<8x640xi32>
      %add3A_4053 = arith.addi %add3A_4044, %xor3A_4052 : vector<8x640xi32>
      %shift_left3A_4054 = arith.constant 26 : i32
      %shift_left3A_4055 = vector.broadcast %shift_left3A_4054 : i32 to vector<8x640xi32>
      %shift_left3A_4056 = arith.shli %xor3A_4052, %shift_left3A_4055 : vector<8x640xi32>
      %shift_right_logical3A_4057 = arith.constant 6 : i32
      %shift_right_logical3A_4058 = vector.broadcast %shift_right_logical3A_4057 : i32 to vector<8x640xi32>
      %shift_right_logical3A_4059 = arith.shrui %xor3A_4052, %shift_right_logical3A_4058 : vector<8x640xi32>
      %or3A_4060 = arith.ori %shift_left3A_4056, %shift_right_logical3A_4059 : vector<8x640xi32>
      %xor3A_4061 = arith.xori %add3A_4053, %or3A_4060 : vector<8x640xi32>
      %add3A_4062 = arith.addi %add3A_4053, %xor3A_4061 : vector<8x640xi32>
      %shift_left3A_4063 = arith.constant 6 : i32
      %shift_left3A_4064 = vector.broadcast %shift_left3A_4063 : i32 to vector<8x640xi32>
      %shift_left3A_4065 = arith.shli %xor3A_4061, %shift_left3A_4064 : vector<8x640xi32>
      %shift_right_logical3A_4066 = arith.constant 26 : i32
      %shift_right_logical3A_4067 = vector.broadcast %shift_right_logical3A_4066 : i32 to vector<8x640xi32>
      %shift_right_logical3A_4068 = arith.shrui %xor3A_4061, %shift_right_logical3A_4067 : vector<8x640xi32>
      %or3A_4069 = arith.ori %shift_left3A_4065, %shift_right_logical3A_4068 : vector<8x640xi32>
      %xor3A_4070 = arith.xori %add3A_4062, %or3A_4069 : vector<8x640xi32>
      %add3A_4071 = arith.constant 1832780943 : i32
      %add3A_4072 = vector.broadcast %add3A_4071 : i32 to vector<8x640xi32>
      %add3A_4073 = arith.addi %add3A_4062, %add3A_4072 : vector<8x640xi32>
      %add3A_4074 = arith.constant 270669616 : i32
      %add3A_4075 = vector.broadcast %add3A_4074 : i32 to vector<8x640xi32>
      %add3A_4076 = arith.addi %xor3A_4070, %add3A_4075 : vector<8x640xi32>
      %add3A_4077 = arith.addi %add3A_4073, %add3A_4076 : vector<8x640xi32>
      %shift_left3A_4078 = arith.constant 17 : i32
      %shift_left3A_4079 = vector.broadcast %shift_left3A_4078 : i32 to vector<8x640xi32>
      %shift_left3A_4080 = arith.shli %add3A_4076, %shift_left3A_4079 : vector<8x640xi32>
      %shift_right_logical3A_4081 = arith.constant 15 : i32
      %shift_right_logical3A_4082 = vector.broadcast %shift_right_logical3A_4081 : i32 to vector<8x640xi32>
      %shift_right_logical3A_4083 = arith.shrui %add3A_4076, %shift_right_logical3A_4082 : vector<8x640xi32>
      %or3A_4084 = arith.ori %shift_left3A_4080, %shift_right_logical3A_4083 : vector<8x640xi32>
      %xor3A_4085 = arith.xori %add3A_4077, %or3A_4084 : vector<8x640xi32>
      %add3A_4086 = arith.addi %add3A_4077, %xor3A_4085 : vector<8x640xi32>
      %shift_left3A_4087 = arith.constant 29 : i32
      %shift_left3A_4088 = vector.broadcast %shift_left3A_4087 : i32 to vector<8x640xi32>
      %shift_left3A_4089 = arith.shli %xor3A_4085, %shift_left3A_4088 : vector<8x640xi32>
      %shift_right_logical3A_4090 = arith.constant 3 : i32
      %shift_right_logical3A_4091 = vector.broadcast %shift_right_logical3A_4090 : i32 to vector<8x640xi32>
      %shift_right_logical3A_4092 = arith.shrui %xor3A_4085, %shift_right_logical3A_4091 : vector<8x640xi32>
      %or3A_4093 = arith.ori %shift_left3A_4089, %shift_right_logical3A_4092 : vector<8x640xi32>
      %xor3A_4094 = arith.xori %add3A_4086, %or3A_4093 : vector<8x640xi32>
      %add3A_4095 = arith.addi %add3A_4086, %xor3A_4094 : vector<8x640xi32>
      %shift_left3A_4096 = arith.constant 16 : i32
      %shift_left3A_4097 = vector.broadcast %shift_left3A_4096 : i32 to vector<8x640xi32>
      %shift_left3A_4098 = arith.shli %xor3A_4094, %shift_left3A_4097 : vector<8x640xi32>
      %shift_right_logical3A_4099 = arith.constant 16 : i32
      %shift_right_logical3A_4100 = vector.broadcast %shift_right_logical3A_4099 : i32 to vector<8x640xi32>
      %shift_right_logical3A_4101 = arith.shrui %xor3A_4094, %shift_right_logical3A_4100 : vector<8x640xi32>
      %or3A_4102 = arith.ori %shift_left3A_4098, %shift_right_logical3A_4101 : vector<8x640xi32>
      %xor3A_4103 = arith.xori %add3A_4095, %or3A_4102 : vector<8x640xi32>
      %add3A_4104 = arith.addi %add3A_4095, %xor3A_4103 : vector<8x640xi32>
      %shift_left3A_4105 = arith.constant 24 : i32
      %shift_left3A_4106 = vector.broadcast %shift_left3A_4105 : i32 to vector<8x640xi32>
      %shift_left3A_4107 = arith.shli %xor3A_4103, %shift_left3A_4106 : vector<8x640xi32>
      %shift_right_logical3A_4108 = arith.constant 8 : i32
      %shift_right_logical3A_4109 = vector.broadcast %shift_right_logical3A_4108 : i32 to vector<8x640xi32>
      %shift_right_logical3A_4110 = arith.shrui %xor3A_4103, %shift_right_logical3A_4109 : vector<8x640xi32>
      %or3A_4111 = arith.ori %shift_left3A_4107, %shift_right_logical3A_4110 : vector<8x640xi32>
      %xor3A_4112 = arith.xori %add3A_4104, %or3A_4111 : vector<8x640xi32>
      %add3A_4113 = arith.constant 270669613 : i32
      %add3A_4114 = vector.broadcast %add3A_4113 : i32 to vector<8x640xi32>
      %add3A_4115 = arith.addi %add3A_4104, %add3A_4114 : vector<8x640xi32>
      %add3A_4116 = arith.constant 1724713084 : i32
      %add3A_4117 = vector.broadcast %add3A_4116 : i32 to vector<8x640xi32>
      %add3A_4118 = arith.addi %xor3A_4112, %add3A_4117 : vector<8x640xi32>
      %add3A_4119 = arith.addi %add3A_4115, %add3A_4118 : vector<8x640xi32>
      %shift_left3A_4120 = arith.constant 13 : i32
      %shift_left3A_4121 = vector.broadcast %shift_left3A_4120 : i32 to vector<8x640xi32>
      %shift_left3A_4122 = arith.shli %add3A_4118, %shift_left3A_4121 : vector<8x640xi32>
      %shift_right_logical3A_4123 = arith.constant 19 : i32
      %shift_right_logical3A_4124 = vector.broadcast %shift_right_logical3A_4123 : i32 to vector<8x640xi32>
      %shift_right_logical3A_4125 = arith.shrui %add3A_4118, %shift_right_logical3A_4124 : vector<8x640xi32>
      %or3A_4126 = arith.ori %shift_left3A_4122, %shift_right_logical3A_4125 : vector<8x640xi32>
      %xor3A_4127 = arith.xori %add3A_4119, %or3A_4126 : vector<8x640xi32>
      %add3A_4128 = arith.addi %add3A_4119, %xor3A_4127 : vector<8x640xi32>
      %shift_left3A_4129 = arith.constant 15 : i32
      %shift_left3A_4130 = vector.broadcast %shift_left3A_4129 : i32 to vector<8x640xi32>
      %shift_left3A_4131 = arith.shli %xor3A_4127, %shift_left3A_4130 : vector<8x640xi32>
      %shift_right_logical3A_4132 = arith.constant 17 : i32
      %shift_right_logical3A_4133 = vector.broadcast %shift_right_logical3A_4132 : i32 to vector<8x640xi32>
      %shift_right_logical3A_4134 = arith.shrui %xor3A_4127, %shift_right_logical3A_4133 : vector<8x640xi32>
      %or3A_4135 = arith.ori %shift_left3A_4131, %shift_right_logical3A_4134 : vector<8x640xi32>
      %xor3A_4136 = arith.xori %add3A_4128, %or3A_4135 : vector<8x640xi32>
      %add3A_4137 = arith.addi %add3A_4128, %xor3A_4136 : vector<8x640xi32>
      %shift_left3A_4138 = arith.constant 26 : i32
      %shift_left3A_4139 = vector.broadcast %shift_left3A_4138 : i32 to vector<8x640xi32>
      %shift_left3A_4140 = arith.shli %xor3A_4136, %shift_left3A_4139 : vector<8x640xi32>
      %shift_right_logical3A_4141 = arith.constant 6 : i32
      %shift_right_logical3A_4142 = vector.broadcast %shift_right_logical3A_4141 : i32 to vector<8x640xi32>
      %shift_right_logical3A_4143 = arith.shrui %xor3A_4136, %shift_right_logical3A_4142 : vector<8x640xi32>
      %or3A_4144 = arith.ori %shift_left3A_4140, %shift_right_logical3A_4143 : vector<8x640xi32>
      %xor3A_4145 = arith.xori %add3A_4137, %or3A_4144 : vector<8x640xi32>
      %add3A_4146 = arith.addi %add3A_4137, %xor3A_4145 : vector<8x640xi32>
      %shift_left3A_4147 = arith.constant 6 : i32
      %shift_left3A_4148 = vector.broadcast %shift_left3A_4147 : i32 to vector<8x640xi32>
      %shift_left3A_4149 = arith.shli %xor3A_4145, %shift_left3A_4148 : vector<8x640xi32>
      %shift_right_logical3A_4150 = arith.constant 26 : i32
      %shift_right_logical3A_4151 = vector.broadcast %shift_right_logical3A_4150 : i32 to vector<8x640xi32>
      %shift_right_logical3A_4152 = arith.shrui %xor3A_4145, %shift_right_logical3A_4151 : vector<8x640xi32>
      %or3A_4153 = arith.ori %shift_left3A_4149, %shift_right_logical3A_4152 : vector<8x640xi32>
      %xor3A_4154 = arith.xori %add3A_4146, %or3A_4153 : vector<8x640xi32>
      %add3A_4155 = arith.constant 1724713080 : i32
      %add3A_4156 = vector.broadcast %add3A_4155 : i32 to vector<8x640xi32>
      %add3A_4157 = arith.addi %add3A_4146, %add3A_4156 : vector<8x640xi32>
      %add3A_4158 = arith.constant 1832780948 : i32
      %add3A_4159 = vector.broadcast %add3A_4158 : i32 to vector<8x640xi32>
      %add3A_4160 = arith.addi %xor3A_4154, %add3A_4159 : vector<8x640xi32>
      %xor3A_4161 = arith.xori %add3A_4157, %add3A_4160 : vector<8x640xi32>
      %shift_right_logical3A_4162 = arith.constant 9 : i32
      %shift_right_logical3A_4163 = vector.broadcast %shift_right_logical3A_4162 : i32 to vector<8x640xi32>
      %shift_right_logical3A_4164 = arith.shrui %xor3A_4161, %shift_right_logical3A_4163 : vector<8x640xi32>
      %or3A_4165 = arith.constant 1065353216 : i32
      %or3A_4166 = vector.broadcast %or3A_4165 : i32 to vector<8x640xi32>
      %or3A_4167 = arith.ori %shift_right_logical3A_4164, %or3A_4166 : vector<8x640xi32>
      %bitcast_convert_type3A_4168 = tpu.bitcast %or3A_4167 : vector<8x640xi32> -> vector<8x640xf32>
      %sub3A_4169 = arith.constant 1.000000e+00 : f32
      %sub3A_4170 = vector.broadcast %sub3A_4169 : f32 to vector<8x640xf32>
      %sub3A_4171 = arith.subf %bitcast_convert_type3A_4168, %sub3A_4170 : vector<8x640xf32>
      %get3A_4172 = arith.index_cast %add3A_3944 : i32 to index
      %get3A_4173 = arith.constant 0 : index
      %get3A_4174 = arith.constant 0 : index
      %get3A_4175 = vector.load %arg1[%get3A_4172, %get3A_4173, %get3A_4174] : memref<125x8x640xf32, #tpu.memory_space<vmem>>, vector<1x8x640xf32>
      %get3A_4176 = vector.shape_cast %get3A_4175 : vector<1x8x640xf32> to vector<8x640xf32>
      %log3A_4177 = math.log %sub3A_4171 : vector<8x640xf32>
      %log3A_4178 = arith.constant 2.000000e+00 : f32
      %log3A_4179 = math.log %log3A_4178 : f32
      %div3A_4180 = vector.broadcast %log3A_4179 : f32 to vector<8x640xf32>
      %div3A_4181 = arith.divf %log3A_4177, %div3A_4180 : vector<8x640xf32>
      %mul3A_4182 = arith.mulf %div3A_4181, %get3A_4176 : vector<8x640xf32>
      %lt3A_4183 = arith.cmpf olt, %mul3A_4182, %select_n3A_3938 : vector<8x640xf32>
      %select_n3A_4184 = arith.select %lt3A_4183, %mul3A_4182, %select_n3A_3938 : vector<8x640xi1>, vector<8x640xf32>
      %broadcast_in_dim3A_4185 = vector.broadcast %add3A_3944 : i32 to vector<8x640xi32>
      %select_n3A_4186 = arith.select %lt3A_4183, %broadcast_in_dim3A_4185, %select_n3A_3940 : vector<8x640xi1>, vector<8x640xi32>
      scf.yield %select_n3A_4184, %select_n3A_4186 : vector<8x640xf32>, vector<8x640xi32>
    }
    %scan3A_17 = arith.constant 10 : i32
    %add3A_18 = arith.constant 76800 : i32
    %add3A_19 = vector.broadcast %add3A_18 : i32 to vector<8x640xi32>
    %add3A_20 = arith.addi %add3A_9, %add3A_19 : vector<8x640xi32>
    %add3A_21 = arith.constant 1832780943 : i32
    %add3A_22 = vector.broadcast %add3A_21 : i32 to vector<8x640xi32>
    %add3A_23 = arith.addi %add3A_20, %add3A_22 : vector<8x640xi32>
    %shift_left3A = arith.constant 13 : i32
    %shift_left3A_24 = vector.broadcast %shift_left3A : i32 to vector<8x640xi32>
    %shift_left3A_25 = arith.shli %add3A_20, %shift_left3A_24 : vector<8x640xi32>
    %shift_right_logical3A = arith.constant 19 : i32
    %shift_right_logical3A_26 = vector.broadcast %shift_right_logical3A : i32 to vector<8x640xi32>
    %shift_right_logical3A_27 = arith.shrui %add3A_20, %shift_right_logical3A_26 : vector<8x640xi32>
    %or3A = arith.ori %shift_left3A_25, %shift_right_logical3A_27 : vector<8x640xi32>
    %xor3A = arith.xori %add3A_23, %or3A : vector<8x640xi32>
    %add3A_28 = arith.addi %add3A_23, %xor3A : vector<8x640xi32>
    %shift_left3A_29 = arith.constant 15 : i32
    %shift_left3A_30 = vector.broadcast %shift_left3A_29 : i32 to vector<8x640xi32>
    %shift_left3A_31 = arith.shli %xor3A, %shift_left3A_30 : vector<8x640xi32>
    %shift_right_logical3A_32 = arith.constant 17 : i32
    %shift_right_logical3A_33 = vector.broadcast %shift_right_logical3A_32 : i32 to vector<8x640xi32>
    %shift_right_logical3A_34 = arith.shrui %xor3A, %shift_right_logical3A_33 : vector<8x640xi32>
    %or3A_35 = arith.ori %shift_left3A_31, %shift_right_logical3A_34 : vector<8x640xi32>
    %xor3A_36 = arith.xori %add3A_28, %or3A_35 : vector<8x640xi32>
    %add3A_37 = arith.addi %add3A_28, %xor3A_36 : vector<8x640xi32>
    %shift_left3A_38 = arith.constant 26 : i32
    %shift_left3A_39 = vector.broadcast %shift_left3A_38 : i32 to vector<8x640xi32>
    %shift_left3A_40 = arith.shli %xor3A_36, %shift_left3A_39 : vector<8x640xi32>
    %shift_right_logical3A_41 = arith.constant 6 : i32
    %shift_right_logical3A_42 = vector.broadcast %shift_right_logical3A_41 : i32 to vector<8x640xi32>
    %shift_right_logical3A_43 = arith.shrui %xor3A_36, %shift_right_logical3A_42 : vector<8x640xi32>
    %or3A_44 = arith.ori %shift_left3A_40, %shift_right_logical3A_43 : vector<8x640xi32>
    %xor3A_45 = arith.xori %add3A_37, %or3A_44 : vector<8x640xi32>
    %add3A_46 = arith.addi %add3A_37, %xor3A_45 : vector<8x640xi32>
    %shift_left3A_47 = arith.constant 6 : i32
    %shift_left3A_48 = vector.broadcast %shift_left3A_47 : i32 to vector<8x640xi32>
    %shift_left3A_49 = arith.shli %xor3A_45, %shift_left3A_48 : vector<8x640xi32>
    %shift_right_logical3A_50 = arith.constant 26 : i32
    %shift_right_logical3A_51 = vector.broadcast %shift_right_logical3A_50 : i32 to vector<8x640xi32>
    %shift_right_logical3A_52 = arith.shrui %xor3A_45, %shift_right_logical3A_51 : vector<8x640xi32>
    %or3A_53 = arith.ori %shift_left3A_49, %shift_right_logical3A_52 : vector<8x640xi32>
    %xor3A_54 = arith.xori %add3A_46, %or3A_53 : vector<8x640xi32>
    %add3A_55 = arith.constant 270669613 : i32
    %add3A_56 = vector.broadcast %add3A_55 : i32 to vector<8x640xi32>
    %add3A_57 = arith.addi %add3A_46, %add3A_56 : vector<8x640xi32>
    %add3A_58 = arith.constant 1724713081 : i32
    %add3A_59 = vector.broadcast %add3A_58 : i32 to vector<8x640xi32>
    %add3A_60 = arith.addi %xor3A_54, %add3A_59 : vector<8x640xi32>
    %add3A_61 = arith.addi %add3A_57, %add3A_60 : vector<8x640xi32>
    %shift_left3A_62 = arith.constant 17 : i32
    %shift_left3A_63 = vector.broadcast %shift_left3A_62 : i32 to vector<8x640xi32>
    %shift_left3A_64 = arith.shli %add3A_60, %shift_left3A_63 : vector<8x640xi32>
    %shift_right_logical3A_65 = arith.constant 15 : i32
    %shift_right_logical3A_66 = vector.broadcast %shift_right_logical3A_65 : i32 to vector<8x640xi32>
    %shift_right_logical3A_67 = arith.shrui %add3A_60, %shift_right_logical3A_66 : vector<8x640xi32>
    %or3A_68 = arith.ori %shift_left3A_64, %shift_right_logical3A_67 : vector<8x640xi32>
    %xor3A_69 = arith.xori %add3A_61, %or3A_68 : vector<8x640xi32>
    %add3A_70 = arith.addi %add3A_61, %xor3A_69 : vector<8x640xi32>
    %shift_left3A_71 = arith.constant 29 : i32
    %shift_left3A_72 = vector.broadcast %shift_left3A_71 : i32 to vector<8x640xi32>
    %shift_left3A_73 = arith.shli %xor3A_69, %shift_left3A_72 : vector<8x640xi32>
    %shift_right_logical3A_74 = arith.constant 3 : i32
    %shift_right_logical3A_75 = vector.broadcast %shift_right_logical3A_74 : i32 to vector<8x640xi32>
    %shift_right_logical3A_76 = arith.shrui %xor3A_69, %shift_right_logical3A_75 : vector<8x640xi32>
    %or3A_77 = arith.ori %shift_left3A_73, %shift_right_logical3A_76 : vector<8x640xi32>
    %xor3A_78 = arith.xori %add3A_70, %or3A_77 : vector<8x640xi32>
    %add3A_79 = arith.addi %add3A_70, %xor3A_78 : vector<8x640xi32>
    %shift_left3A_80 = arith.constant 16 : i32
    %shift_left3A_81 = vector.broadcast %shift_left3A_80 : i32 to vector<8x640xi32>
    %shift_left3A_82 = arith.shli %xor3A_78, %shift_left3A_81 : vector<8x640xi32>
    %shift_right_logical3A_83 = arith.constant 16 : i32
    %shift_right_logical3A_84 = vector.broadcast %shift_right_logical3A_83 : i32 to vector<8x640xi32>
    %shift_right_logical3A_85 = arith.shrui %xor3A_78, %shift_right_logical3A_84 : vector<8x640xi32>
    %or3A_86 = arith.ori %shift_left3A_82, %shift_right_logical3A_85 : vector<8x640xi32>
    %xor3A_87 = arith.xori %add3A_79, %or3A_86 : vector<8x640xi32>
    %add3A_88 = arith.addi %add3A_79, %xor3A_87 : vector<8x640xi32>
    %shift_left3A_89 = arith.constant 24 : i32
    %shift_left3A_90 = vector.broadcast %shift_left3A_89 : i32 to vector<8x640xi32>
    %shift_left3A_91 = arith.shli %xor3A_87, %shift_left3A_90 : vector<8x640xi32>
    %shift_right_logical3A_92 = arith.constant 8 : i32
    %shift_right_logical3A_93 = vector.broadcast %shift_right_logical3A_92 : i32 to vector<8x640xi32>
    %shift_right_logical3A_94 = arith.shrui %xor3A_87, %shift_right_logical3A_93 : vector<8x640xi32>
    %or3A_95 = arith.ori %shift_left3A_91, %shift_right_logical3A_94 : vector<8x640xi32>
    %xor3A_96 = arith.xori %add3A_88, %or3A_95 : vector<8x640xi32>
    %add3A_97 = arith.constant 1724713080 : i32
    %add3A_98 = vector.broadcast %add3A_97 : i32 to vector<8x640xi32>
    %add3A_99 = arith.addi %add3A_88, %add3A_98 : vector<8x640xi32>
    %add3A_100 = arith.constant 1832780945 : i32
    %add3A_101 = vector.broadcast %add3A_100 : i32 to vector<8x640xi32>
    %add3A_102 = arith.addi %xor3A_96, %add3A_101 : vector<8x640xi32>
    %add3A_103 = arith.addi %add3A_99, %add3A_102 : vector<8x640xi32>
    %shift_left3A_104 = arith.constant 13 : i32
    %shift_left3A_105 = vector.broadcast %shift_left3A_104 : i32 to vector<8x640xi32>
    %shift_left3A_106 = arith.shli %add3A_102, %shift_left3A_105 : vector<8x640xi32>
    %shift_right_logical3A_107 = arith.constant 19 : i32
    %shift_right_logical3A_108 = vector.broadcast %shift_right_logical3A_107 : i32 to vector<8x640xi32>
    %shift_right_logical3A_109 = arith.shrui %add3A_102, %shift_right_logical3A_108 : vector<8x640xi32>
    %or3A_110 = arith.ori %shift_left3A_106, %shift_right_logical3A_109 : vector<8x640xi32>
    %xor3A_111 = arith.xori %add3A_103, %or3A_110 : vector<8x640xi32>
    %add3A_112 = arith.addi %add3A_103, %xor3A_111 : vector<8x640xi32>
    %shift_left3A_113 = arith.constant 15 : i32
    %shift_left3A_114 = vector.broadcast %shift_left3A_113 : i32 to vector<8x640xi32>
    %shift_left3A_115 = arith.shli %xor3A_111, %shift_left3A_114 : vector<8x640xi32>
    %shift_right_logical3A_116 = arith.constant 17 : i32
    %shift_right_logical3A_117 = vector.broadcast %shift_right_logical3A_116 : i32 to vector<8x640xi32>
    %shift_right_logical3A_118 = arith.shrui %xor3A_111, %shift_right_logical3A_117 : vector<8x640xi32>
    %or3A_119 = arith.ori %shift_left3A_115, %shift_right_logical3A_118 : vector<8x640xi32>
    %xor3A_120 = arith.xori %add3A_112, %or3A_119 : vector<8x640xi32>
    %add3A_121 = arith.addi %add3A_112, %xor3A_120 : vector<8x640xi32>
    %shift_left3A_122 = arith.constant 26 : i32
    %shift_left3A_123 = vector.broadcast %shift_left3A_122 : i32 to vector<8x640xi32>
    %shift_left3A_124 = arith.shli %xor3A_120, %shift_left3A_123 : vector<8x640xi32>
    %shift_right_logical3A_125 = arith.constant 6 : i32
    %shift_right_logical3A_126 = vector.broadcast %shift_right_logical3A_125 : i32 to vector<8x640xi32>
    %shift_right_logical3A_127 = arith.shrui %xor3A_120, %shift_right_logical3A_126 : vector<8x640xi32>
    %or3A_128 = arith.ori %shift_left3A_124, %shift_right_logical3A_127 : vector<8x640xi32>
    %xor3A_129 = arith.xori %add3A_121, %or3A_128 : vector<8x640xi32>
    %add3A_130 = arith.addi %add3A_121, %xor3A_129 : vector<8x640xi32>
    %shift_left3A_131 = arith.constant 6 : i32
    %shift_left3A_132 = vector.broadcast %shift_left3A_131 : i32 to vector<8x640xi32>
    %shift_left3A_133 = arith.shli %xor3A_129, %shift_left3A_132 : vector<8x640xi32>
    %shift_right_logical3A_134 = arith.constant 26 : i32
    %shift_right_logical3A_135 = vector.broadcast %shift_right_logical3A_134 : i32 to vector<8x640xi32>
    %shift_right_logical3A_136 = arith.shrui %xor3A_129, %shift_right_logical3A_135 : vector<8x640xi32>
    %or3A_137 = arith.ori %shift_left3A_133, %shift_right_logical3A_136 : vector<8x640xi32>
    %xor3A_138 = arith.xori %add3A_130, %or3A_137 : vector<8x640xi32>
    %add3A_139 = arith.constant 1832780943 : i32
    %add3A_140 = vector.broadcast %add3A_139 : i32 to vector<8x640xi32>
    %add3A_141 = arith.addi %add3A_130, %add3A_140 : vector<8x640xi32>
    %add3A_142 = arith.constant 270669616 : i32
    %add3A_143 = vector.broadcast %add3A_142 : i32 to vector<8x640xi32>
    %add3A_144 = arith.addi %xor3A_138, %add3A_143 : vector<8x640xi32>
    %add3A_145 = arith.addi %add3A_141, %add3A_144 : vector<8x640xi32>
    %shift_left3A_146 = arith.constant 17 : i32
    %shift_left3A_147 = vector.broadcast %shift_left3A_146 : i32 to vector<8x640xi32>
    %shift_left3A_148 = arith.shli %add3A_144, %shift_left3A_147 : vector<8x640xi32>
    %shift_right_logical3A_149 = arith.constant 15 : i32
    %shift_right_logical3A_150 = vector.broadcast %shift_right_logical3A_149 : i32 to vector<8x640xi32>
    %shift_right_logical3A_151 = arith.shrui %add3A_144, %shift_right_logical3A_150 : vector<8x640xi32>
    %or3A_152 = arith.ori %shift_left3A_148, %shift_right_logical3A_151 : vector<8x640xi32>
    %xor3A_153 = arith.xori %add3A_145, %or3A_152 : vector<8x640xi32>
    %add3A_154 = arith.addi %add3A_145, %xor3A_153 : vector<8x640xi32>
    %shift_left3A_155 = arith.constant 29 : i32
    %shift_left3A_156 = vector.broadcast %shift_left3A_155 : i32 to vector<8x640xi32>
    %shift_left3A_157 = arith.shli %xor3A_153, %shift_left3A_156 : vector<8x640xi32>
    %shift_right_logical3A_158 = arith.constant 3 : i32
    %shift_right_logical3A_159 = vector.broadcast %shift_right_logical3A_158 : i32 to vector<8x640xi32>
    %shift_right_logical3A_160 = arith.shrui %xor3A_153, %shift_right_logical3A_159 : vector<8x640xi32>
    %or3A_161 = arith.ori %shift_left3A_157, %shift_right_logical3A_160 : vector<8x640xi32>
    %xor3A_162 = arith.xori %add3A_154, %or3A_161 : vector<8x640xi32>
    %add3A_163 = arith.addi %add3A_154, %xor3A_162 : vector<8x640xi32>
    %shift_left3A_164 = arith.constant 16 : i32
    %shift_left3A_165 = vector.broadcast %shift_left3A_164 : i32 to vector<8x640xi32>
    %shift_left3A_166 = arith.shli %xor3A_162, %shift_left3A_165 : vector<8x640xi32>
    %shift_right_logical3A_167 = arith.constant 16 : i32
    %shift_right_logical3A_168 = vector.broadcast %shift_right_logical3A_167 : i32 to vector<8x640xi32>
    %shift_right_logical3A_169 = arith.shrui %xor3A_162, %shift_right_logical3A_168 : vector<8x640xi32>
    %or3A_170 = arith.ori %shift_left3A_166, %shift_right_logical3A_169 : vector<8x640xi32>
    %xor3A_171 = arith.xori %add3A_163, %or3A_170 : vector<8x640xi32>
    %add3A_172 = arith.addi %add3A_163, %xor3A_171 : vector<8x640xi32>
    %shift_left3A_173 = arith.constant 24 : i32
    %shift_left3A_174 = vector.broadcast %shift_left3A_173 : i32 to vector<8x640xi32>
    %shift_left3A_175 = arith.shli %xor3A_171, %shift_left3A_174 : vector<8x640xi32>
    %shift_right_logical3A_176 = arith.constant 8 : i32
    %shift_right_logical3A_177 = vector.broadcast %shift_right_logical3A_176 : i32 to vector<8x640xi32>
    %shift_right_logical3A_178 = arith.shrui %xor3A_171, %shift_right_logical3A_177 : vector<8x640xi32>
    %or3A_179 = arith.ori %shift_left3A_175, %shift_right_logical3A_178 : vector<8x640xi32>
    %xor3A_180 = arith.xori %add3A_172, %or3A_179 : vector<8x640xi32>
    %add3A_181 = arith.constant 270669613 : i32
    %add3A_182 = vector.broadcast %add3A_181 : i32 to vector<8x640xi32>
    %add3A_183 = arith.addi %add3A_172, %add3A_182 : vector<8x640xi32>
    %add3A_184 = arith.constant 1724713084 : i32
    %add3A_185 = vector.broadcast %add3A_184 : i32 to vector<8x640xi32>
    %add3A_186 = arith.addi %xor3A_180, %add3A_185 : vector<8x640xi32>
    %add3A_187 = arith.addi %add3A_183, %add3A_186 : vector<8x640xi32>
    %shift_left3A_188 = arith.constant 13 : i32
    %shift_left3A_189 = vector.broadcast %shift_left3A_188 : i32 to vector<8x640xi32>
    %shift_left3A_190 = arith.shli %add3A_186, %shift_left3A_189 : vector<8x640xi32>
    %shift_right_logical3A_191 = arith.constant 19 : i32
    %shift_right_logical3A_192 = vector.broadcast %shift_right_logical3A_191 : i32 to vector<8x640xi32>
    %shift_right_logical3A_193 = arith.shrui %add3A_186, %shift_right_logical3A_192 : vector<8x640xi32>
    %or3A_194 = arith.ori %shift_left3A_190, %shift_right_logical3A_193 : vector<8x640xi32>
    %xor3A_195 = arith.xori %add3A_187, %or3A_194 : vector<8x640xi32>
    %add3A_196 = arith.addi %add3A_187, %xor3A_195 : vector<8x640xi32>
    %shift_left3A_197 = arith.constant 15 : i32
    %shift_left3A_198 = vector.broadcast %shift_left3A_197 : i32 to vector<8x640xi32>
    %shift_left3A_199 = arith.shli %xor3A_195, %shift_left3A_198 : vector<8x640xi32>
    %shift_right_logical3A_200 = arith.constant 17 : i32
    %shift_right_logical3A_201 = vector.broadcast %shift_right_logical3A_200 : i32 to vector<8x640xi32>
    %shift_right_logical3A_202 = arith.shrui %xor3A_195, %shift_right_logical3A_201 : vector<8x640xi32>
    %or3A_203 = arith.ori %shift_left3A_199, %shift_right_logical3A_202 : vector<8x640xi32>
    %xor3A_204 = arith.xori %add3A_196, %or3A_203 : vector<8x640xi32>
    %add3A_205 = arith.addi %add3A_196, %xor3A_204 : vector<8x640xi32>
    %shift_left3A_206 = arith.constant 26 : i32
    %shift_left3A_207 = vector.broadcast %shift_left3A_206 : i32 to vector<8x640xi32>
    %shift_left3A_208 = arith.shli %xor3A_204, %shift_left3A_207 : vector<8x640xi32>
    %shift_right_logical3A_209 = arith.constant 6 : i32
    %shift_right_logical3A_210 = vector.broadcast %shift_right_logical3A_209 : i32 to vector<8x640xi32>
    %shift_right_logical3A_211 = arith.shrui %xor3A_204, %shift_right_logical3A_210 : vector<8x640xi32>
    %or3A_212 = arith.ori %shift_left3A_208, %shift_right_logical3A_211 : vector<8x640xi32>
    %xor3A_213 = arith.xori %add3A_205, %or3A_212 : vector<8x640xi32>
    %add3A_214 = arith.addi %add3A_205, %xor3A_213 : vector<8x640xi32>
    %shift_left3A_215 = arith.constant 6 : i32
    %shift_left3A_216 = vector.broadcast %shift_left3A_215 : i32 to vector<8x640xi32>
    %shift_left3A_217 = arith.shli %xor3A_213, %shift_left3A_216 : vector<8x640xi32>
    %shift_right_logical3A_218 = arith.constant 26 : i32
    %shift_right_logical3A_219 = vector.broadcast %shift_right_logical3A_218 : i32 to vector<8x640xi32>
    %shift_right_logical3A_220 = arith.shrui %xor3A_213, %shift_right_logical3A_219 : vector<8x640xi32>
    %or3A_221 = arith.ori %shift_left3A_217, %shift_right_logical3A_220 : vector<8x640xi32>
    %xor3A_222 = arith.xori %add3A_214, %or3A_221 : vector<8x640xi32>
    %add3A_223 = arith.constant 1724713080 : i32
    %add3A_224 = vector.broadcast %add3A_223 : i32 to vector<8x640xi32>
    %add3A_225 = arith.addi %add3A_214, %add3A_224 : vector<8x640xi32>
    %add3A_226 = arith.constant 1832780948 : i32
    %add3A_227 = vector.broadcast %add3A_226 : i32 to vector<8x640xi32>
    %add3A_228 = arith.addi %xor3A_222, %add3A_227 : vector<8x640xi32>
    %xor3A_229 = arith.xori %add3A_225, %add3A_228 : vector<8x640xi32>
    %shift_right_logical3A_230 = arith.constant 9 : i32
    %shift_right_logical3A_231 = vector.broadcast %shift_right_logical3A_230 : i32 to vector<8x640xi32>
    %shift_right_logical3A_232 = arith.shrui %xor3A_229, %shift_right_logical3A_231 : vector<8x640xi32>
    %or3A_233 = arith.constant 1065353216 : i32
    %or3A_234 = vector.broadcast %or3A_233 : i32 to vector<8x640xi32>
    %or3A_235 = arith.ori %shift_right_logical3A_232, %or3A_234 : vector<8x640xi32>
    %bitcast_convert_type3A = tpu.bitcast %or3A_235 : vector<8x640xi32> -> vector<8x640xf32>
    %sub3A = arith.constant 1.000000e+00 : f32
    %sub3A_236 = vector.broadcast %sub3A : f32 to vector<8x640xf32>
    %sub3A_237 = arith.subf %bitcast_convert_type3A, %sub3A_236 : vector<8x640xf32>
    %get3A = arith.constant 120 : index
    %get3A_238 = arith.constant 0 : index
    %get3A_239 = arith.constant 0 : index
    %get3A_240 = vector.load %arg1[%get3A, %get3A_238, %get3A_239] : memref<125x8x640xf32, #tpu.memory_space<vmem>>, vector<1x8x640xf32>
    %get3A_241 = vector.shape_cast %get3A_240 : vector<1x8x640xf32> to vector<8x640xf32>
    %log3A = math.log %sub3A_237 : vector<8x640xf32>
    %log3A_242 = arith.constant 2.000000e+00 : f32
    %log3A_243 = math.log %log3A_242 : f32
    %div3A = vector.broadcast %log3A_243 : f32 to vector<8x640xf32>
    %div3A_244 = arith.divf %log3A, %div3A : vector<8x640xf32>
    %mul3A_245 = arith.mulf %div3A_244, %get3A_241 : vector<8x640xf32>
    %lt3A = arith.cmpf olt, %mul3A_245, %scan3A_16#0 : vector<8x640xf32>
    %select_n3A = arith.select %lt3A, %mul3A_245, %scan3A_16#0 : vector<8x640xi1>, vector<8x640xf32>
    %jit3A = arith.constant 120 : i32
    %broadcast_in_dim3A_246 = vector.broadcast %jit3A : i32 to vector<8x640xi32>
    %select_n3A_247 = arith.select %lt3A, %broadcast_in_dim3A_246, %scan3A_16#1 : vector<8x640xi1>, vector<8x640xi32>
    %add3A_248 = arith.constant 77440 : i32
    %add3A_249 = vector.broadcast %add3A_248 : i32 to vector<8x640xi32>
    %add3A_250 = arith.addi %add3A_9, %add3A_249 : vector<8x640xi32>
    %add3A_251 = arith.constant 1832780943 : i32
    %add3A_252 = vector.broadcast %add3A_251 : i32 to vector<8x640xi32>
    %add3A_253 = arith.addi %add3A_250, %add3A_252 : vector<8x640xi32>
    %shift_left3A_254 = arith.constant 13 : i32
    %shift_left3A_255 = vector.broadcast %shift_left3A_254 : i32 to vector<8x640xi32>
    %shift_left3A_256 = arith.shli %add3A_250, %shift_left3A_255 : vector<8x640xi32>
    %shift_right_logical3A_257 = arith.constant 19 : i32
    %shift_right_logical3A_258 = vector.broadcast %shift_right_logical3A_257 : i32 to vector<8x640xi32>
    %shift_right_logical3A_259 = arith.shrui %add3A_250, %shift_right_logical3A_258 : vector<8x640xi32>
    %or3A_260 = arith.ori %shift_left3A_256, %shift_right_logical3A_259 : vector<8x640xi32>
    %xor3A_261 = arith.xori %add3A_253, %or3A_260 : vector<8x640xi32>
    %add3A_262 = arith.addi %add3A_253, %xor3A_261 : vector<8x640xi32>
    %shift_left3A_263 = arith.constant 15 : i32
    %shift_left3A_264 = vector.broadcast %shift_left3A_263 : i32 to vector<8x640xi32>
    %shift_left3A_265 = arith.shli %xor3A_261, %shift_left3A_264 : vector<8x640xi32>
    %shift_right_logical3A_266 = arith.constant 17 : i32
    %shift_right_logical3A_267 = vector.broadcast %shift_right_logical3A_266 : i32 to vector<8x640xi32>
    %shift_right_logical3A_268 = arith.shrui %xor3A_261, %shift_right_logical3A_267 : vector<8x640xi32>
    %or3A_269 = arith.ori %shift_left3A_265, %shift_right_logical3A_268 : vector<8x640xi32>
    %xor3A_270 = arith.xori %add3A_262, %or3A_269 : vector<8x640xi32>
    %add3A_271 = arith.addi %add3A_262, %xor3A_270 : vector<8x640xi32>
    %shift_left3A_272 = arith.constant 26 : i32
    %shift_left3A_273 = vector.broadcast %shift_left3A_272 : i32 to vector<8x640xi32>
    %shift_left3A_274 = arith.shli %xor3A_270, %shift_left3A_273 : vector<8x640xi32>
    %shift_right_logical3A_275 = arith.constant 6 : i32
    %shift_right_logical3A_276 = vector.broadcast %shift_right_logical3A_275 : i32 to vector<8x640xi32>
    %shift_right_logical3A_277 = arith.shrui %xor3A_270, %shift_right_logical3A_276 : vector<8x640xi32>
    %or3A_278 = arith.ori %shift_left3A_274, %shift_right_logical3A_277 : vector<8x640xi32>
    %xor3A_279 = arith.xori %add3A_271, %or3A_278 : vector<8x640xi32>
    %add3A_280 = arith.addi %add3A_271, %xor3A_279 : vector<8x640xi32>
    %shift_left3A_281 = arith.constant 6 : i32
    %shift_left3A_282 = vector.broadcast %shift_left3A_281 : i32 to vector<8x640xi32>
    %shift_left3A_283 = arith.shli %xor3A_279, %shift_left3A_282 : vector<8x640xi32>
    %shift_right_logical3A_284 = arith.constant 26 : i32
    %shift_right_logical3A_285 = vector.broadcast %shift_right_logical3A_284 : i32 to vector<8x640xi32>
    %shift_right_logical3A_286 = arith.shrui %xor3A_279, %shift_right_logical3A_285 : vector<8x640xi32>
    %or3A_287 = arith.ori %shift_left3A_283, %shift_right_logical3A_286 : vector<8x640xi32>
    %xor3A_288 = arith.xori %add3A_280, %or3A_287 : vector<8x640xi32>
    %add3A_289 = arith.constant 270669613 : i32
    %add3A_290 = vector.broadcast %add3A_289 : i32 to vector<8x640xi32>
    %add3A_291 = arith.addi %add3A_280, %add3A_290 : vector<8x640xi32>
    %add3A_292 = arith.constant 1724713081 : i32
    %add3A_293 = vector.broadcast %add3A_292 : i32 to vector<8x640xi32>
    %add3A_294 = arith.addi %xor3A_288, %add3A_293 : vector<8x640xi32>
    %add3A_295 = arith.addi %add3A_291, %add3A_294 : vector<8x640xi32>
    %shift_left3A_296 = arith.constant 17 : i32
    %shift_left3A_297 = vector.broadcast %shift_left3A_296 : i32 to vector<8x640xi32>
    %shift_left3A_298 = arith.shli %add3A_294, %shift_left3A_297 : vector<8x640xi32>
    %shift_right_logical3A_299 = arith.constant 15 : i32
    %shift_right_logical3A_300 = vector.broadcast %shift_right_logical3A_299 : i32 to vector<8x640xi32>
    %shift_right_logical3A_301 = arith.shrui %add3A_294, %shift_right_logical3A_300 : vector<8x640xi32>
    %or3A_302 = arith.ori %shift_left3A_298, %shift_right_logical3A_301 : vector<8x640xi32>
    %xor3A_303 = arith.xori %add3A_295, %or3A_302 : vector<8x640xi32>
    %add3A_304 = arith.addi %add3A_295, %xor3A_303 : vector<8x640xi32>
    %shift_left3A_305 = arith.constant 29 : i32
    %shift_left3A_306 = vector.broadcast %shift_left3A_305 : i32 to vector<8x640xi32>
    %shift_left3A_307 = arith.shli %xor3A_303, %shift_left3A_306 : vector<8x640xi32>
    %shift_right_logical3A_308 = arith.constant 3 : i32
    %shift_right_logical3A_309 = vector.broadcast %shift_right_logical3A_308 : i32 to vector<8x640xi32>
    %shift_right_logical3A_310 = arith.shrui %xor3A_303, %shift_right_logical3A_309 : vector<8x640xi32>
    %or3A_311 = arith.ori %shift_left3A_307, %shift_right_logical3A_310 : vector<8x640xi32>
    %xor3A_312 = arith.xori %add3A_304, %or3A_311 : vector<8x640xi32>
    %add3A_313 = arith.addi %add3A_304, %xor3A_312 : vector<8x640xi32>
    %shift_left3A_314 = arith.constant 16 : i32
    %shift_left3A_315 = vector.broadcast %shift_left3A_314 : i32 to vector<8x640xi32>
    %shift_left3A_316 = arith.shli %xor3A_312, %shift_left3A_315 : vector<8x640xi32>
    %shift_right_logical3A_317 = arith.constant 16 : i32
    %shift_right_logical3A_318 = vector.broadcast %shift_right_logical3A_317 : i32 to vector<8x640xi32>
    %shift_right_logical3A_319 = arith.shrui %xor3A_312, %shift_right_logical3A_318 : vector<8x640xi32>
    %or3A_320 = arith.ori %shift_left3A_316, %shift_right_logical3A_319 : vector<8x640xi32>
    %xor3A_321 = arith.xori %add3A_313, %or3A_320 : vector<8x640xi32>
    %add3A_322 = arith.addi %add3A_313, %xor3A_321 : vector<8x640xi32>
    %shift_left3A_323 = arith.constant 24 : i32
    %shift_left3A_324 = vector.broadcast %shift_left3A_323 : i32 to vector<8x640xi32>
    %shift_left3A_325 = arith.shli %xor3A_321, %shift_left3A_324 : vector<8x640xi32>
    %shift_right_logical3A_326 = arith.constant 8 : i32
    %shift_right_logical3A_327 = vector.broadcast %shift_right_logical3A_326 : i32 to vector<8x640xi32>
    %shift_right_logical3A_328 = arith.shrui %xor3A_321, %shift_right_logical3A_327 : vector<8x640xi32>
    %or3A_329 = arith.ori %shift_left3A_325, %shift_right_logical3A_328 : vector<8x640xi32>
    %xor3A_330 = arith.xori %add3A_322, %or3A_329 : vector<8x640xi32>
    %add3A_331 = arith.constant 1724713080 : i32
    %add3A_332 = vector.broadcast %add3A_331 : i32 to vector<8x640xi32>
    %add3A_333 = arith.addi %add3A_322, %add3A_332 : vector<8x640xi32>
    %add3A_334 = arith.constant 1832780945 : i32
    %add3A_335 = vector.broadcast %add3A_334 : i32 to vector<8x640xi32>
    %add3A_336 = arith.addi %xor3A_330, %add3A_335 : vector<8x640xi32>
    %add3A_337 = arith.addi %add3A_333, %add3A_336 : vector<8x640xi32>
    %shift_left3A_338 = arith.constant 13 : i32
    %shift_left3A_339 = vector.broadcast %shift_left3A_338 : i32 to vector<8x640xi32>
    %shift_left3A_340 = arith.shli %add3A_336, %shift_left3A_339 : vector<8x640xi32>
    %shift_right_logical3A_341 = arith.constant 19 : i32
    %shift_right_logical3A_342 = vector.broadcast %shift_right_logical3A_341 : i32 to vector<8x640xi32>
    %shift_right_logical3A_343 = arith.shrui %add3A_336, %shift_right_logical3A_342 : vector<8x640xi32>
    %or3A_344 = arith.ori %shift_left3A_340, %shift_right_logical3A_343 : vector<8x640xi32>
    %xor3A_345 = arith.xori %add3A_337, %or3A_344 : vector<8x640xi32>
    %add3A_346 = arith.addi %add3A_337, %xor3A_345 : vector<8x640xi32>
    %shift_left3A_347 = arith.constant 15 : i32
    %shift_left3A_348 = vector.broadcast %shift_left3A_347 : i32 to vector<8x640xi32>
    %shift_left3A_349 = arith.shli %xor3A_345, %shift_left3A_348 : vector<8x640xi32>
    %shift_right_logical3A_350 = arith.constant 17 : i32
    %shift_right_logical3A_351 = vector.broadcast %shift_right_logical3A_350 : i32 to vector<8x640xi32>
    %shift_right_logical3A_352 = arith.shrui %xor3A_345, %shift_right_logical3A_351 : vector<8x640xi32>
    %or3A_353 = arith.ori %shift_left3A_349, %shift_right_logical3A_352 : vector<8x640xi32>
    %xor3A_354 = arith.xori %add3A_346, %or3A_353 : vector<8x640xi32>
    %add3A_355 = arith.addi %add3A_346, %xor3A_354 : vector<8x640xi32>
    %shift_left3A_356 = arith.constant 26 : i32
    %shift_left3A_357 = vector.broadcast %shift_left3A_356 : i32 to vector<8x640xi32>
    %shift_left3A_358 = arith.shli %xor3A_354, %shift_left3A_357 : vector<8x640xi32>
    %shift_right_logical3A_359 = arith.constant 6 : i32
    %shift_right_logical3A_360 = vector.broadcast %shift_right_logical3A_359 : i32 to vector<8x640xi32>
    %shift_right_logical3A_361 = arith.shrui %xor3A_354, %shift_right_logical3A_360 : vector<8x640xi32>
    %or3A_362 = arith.ori %shift_left3A_358, %shift_right_logical3A_361 : vector<8x640xi32>
    %xor3A_363 = arith.xori %add3A_355, %or3A_362 : vector<8x640xi32>
    %add3A_364 = arith.addi %add3A_355, %xor3A_363 : vector<8x640xi32>
    %shift_left3A_365 = arith.constant 6 : i32
    %shift_left3A_366 = vector.broadcast %shift_left3A_365 : i32 to vector<8x640xi32>
    %shift_left3A_367 = arith.shli %xor3A_363, %shift_left3A_366 : vector<8x640xi32>
    %shift_right_logical3A_368 = arith.constant 26 : i32
    %shift_right_logical3A_369 = vector.broadcast %shift_right_logical3A_368 : i32 to vector<8x640xi32>
    %shift_right_logical3A_370 = arith.shrui %xor3A_363, %shift_right_logical3A_369 : vector<8x640xi32>
    %or3A_371 = arith.ori %shift_left3A_367, %shift_right_logical3A_370 : vector<8x640xi32>
    %xor3A_372 = arith.xori %add3A_364, %or3A_371 : vector<8x640xi32>
    %add3A_373 = arith.constant 1832780943 : i32
    %add3A_374 = vector.broadcast %add3A_373 : i32 to vector<8x640xi32>
    %add3A_375 = arith.addi %add3A_364, %add3A_374 : vector<8x640xi32>
    %add3A_376 = arith.constant 270669616 : i32
    %add3A_377 = vector.broadcast %add3A_376 : i32 to vector<8x640xi32>
    %add3A_378 = arith.addi %xor3A_372, %add3A_377 : vector<8x640xi32>
    %add3A_379 = arith.addi %add3A_375, %add3A_378 : vector<8x640xi32>
    %shift_left3A_380 = arith.constant 17 : i32
    %shift_left3A_381 = vector.broadcast %shift_left3A_380 : i32 to vector<8x640xi32>
    %shift_left3A_382 = arith.shli %add3A_378, %shift_left3A_381 : vector<8x640xi32>
    %shift_right_logical3A_383 = arith.constant 15 : i32
    %shift_right_logical3A_384 = vector.broadcast %shift_right_logical3A_383 : i32 to vector<8x640xi32>
    %shift_right_logical3A_385 = arith.shrui %add3A_378, %shift_right_logical3A_384 : vector<8x640xi32>
    %or3A_386 = arith.ori %shift_left3A_382, %shift_right_logical3A_385 : vector<8x640xi32>
    %xor3A_387 = arith.xori %add3A_379, %or3A_386 : vector<8x640xi32>
    %add3A_388 = arith.addi %add3A_379, %xor3A_387 : vector<8x640xi32>
    %shift_left3A_389 = arith.constant 29 : i32
    %shift_left3A_390 = vector.broadcast %shift_left3A_389 : i32 to vector<8x640xi32>
    %shift_left3A_391 = arith.shli %xor3A_387, %shift_left3A_390 : vector<8x640xi32>
    %shift_right_logical3A_392 = arith.constant 3 : i32
    %shift_right_logical3A_393 = vector.broadcast %shift_right_logical3A_392 : i32 to vector<8x640xi32>
    %shift_right_logical3A_394 = arith.shrui %xor3A_387, %shift_right_logical3A_393 : vector<8x640xi32>
    %or3A_395 = arith.ori %shift_left3A_391, %shift_right_logical3A_394 : vector<8x640xi32>
    %xor3A_396 = arith.xori %add3A_388, %or3A_395 : vector<8x640xi32>
    %add3A_397 = arith.addi %add3A_388, %xor3A_396 : vector<8x640xi32>
    %shift_left3A_398 = arith.constant 16 : i32
    %shift_left3A_399 = vector.broadcast %shift_left3A_398 : i32 to vector<8x640xi32>
    %shift_left3A_400 = arith.shli %xor3A_396, %shift_left3A_399 : vector<8x640xi32>
    %shift_right_logical3A_401 = arith.constant 16 : i32
    %shift_right_logical3A_402 = vector.broadcast %shift_right_logical3A_401 : i32 to vector<8x640xi32>
    %shift_right_logical3A_403 = arith.shrui %xor3A_396, %shift_right_logical3A_402 : vector<8x640xi32>
    %or3A_404 = arith.ori %shift_left3A_400, %shift_right_logical3A_403 : vector<8x640xi32>
    %xor3A_405 = arith.xori %add3A_397, %or3A_404 : vector<8x640xi32>
    %add3A_406 = arith.addi %add3A_397, %xor3A_405 : vector<8x640xi32>
    %shift_left3A_407 = arith.constant 24 : i32
    %shift_left3A_408 = vector.broadcast %shift_left3A_407 : i32 to vector<8x640xi32>
    %shift_left3A_409 = arith.shli %xor3A_405, %shift_left3A_408 : vector<8x640xi32>
    %shift_right_logical3A_410 = arith.constant 8 : i32
    %shift_right_logical3A_411 = vector.broadcast %shift_right_logical3A_410 : i32 to vector<8x640xi32>
    %shift_right_logical3A_412 = arith.shrui %xor3A_405, %shift_right_logical3A_411 : vector<8x640xi32>
    %or3A_413 = arith.ori %shift_left3A_409, %shift_right_logical3A_412 : vector<8x640xi32>
    %xor3A_414 = arith.xori %add3A_406, %or3A_413 : vector<8x640xi32>
    %add3A_415 = arith.constant 270669613 : i32
    %add3A_416 = vector.broadcast %add3A_415 : i32 to vector<8x640xi32>
    %add3A_417 = arith.addi %add3A_406, %add3A_416 : vector<8x640xi32>
    %add3A_418 = arith.constant 1724713084 : i32
    %add3A_419 = vector.broadcast %add3A_418 : i32 to vector<8x640xi32>
    %add3A_420 = arith.addi %xor3A_414, %add3A_419 : vector<8x640xi32>
    %add3A_421 = arith.addi %add3A_417, %add3A_420 : vector<8x640xi32>
    %shift_left3A_422 = arith.constant 13 : i32
    %shift_left3A_423 = vector.broadcast %shift_left3A_422 : i32 to vector<8x640xi32>
    %shift_left3A_424 = arith.shli %add3A_420, %shift_left3A_423 : vector<8x640xi32>
    %shift_right_logical3A_425 = arith.constant 19 : i32
    %shift_right_logical3A_426 = vector.broadcast %shift_right_logical3A_425 : i32 to vector<8x640xi32>
    %shift_right_logical3A_427 = arith.shrui %add3A_420, %shift_right_logical3A_426 : vector<8x640xi32>
    %or3A_428 = arith.ori %shift_left3A_424, %shift_right_logical3A_427 : vector<8x640xi32>
    %xor3A_429 = arith.xori %add3A_421, %or3A_428 : vector<8x640xi32>
    %add3A_430 = arith.addi %add3A_421, %xor3A_429 : vector<8x640xi32>
    %shift_left3A_431 = arith.constant 15 : i32
    %shift_left3A_432 = vector.broadcast %shift_left3A_431 : i32 to vector<8x640xi32>
    %shift_left3A_433 = arith.shli %xor3A_429, %shift_left3A_432 : vector<8x640xi32>
    %shift_right_logical3A_434 = arith.constant 17 : i32
    %shift_right_logical3A_435 = vector.broadcast %shift_right_logical3A_434 : i32 to vector<8x640xi32>
    %shift_right_logical3A_436 = arith.shrui %xor3A_429, %shift_right_logical3A_435 : vector<8x640xi32>
    %or3A_437 = arith.ori %shift_left3A_433, %shift_right_logical3A_436 : vector<8x640xi32>
    %xor3A_438 = arith.xori %add3A_430, %or3A_437 : vector<8x640xi32>
    %add3A_439 = arith.addi %add3A_430, %xor3A_438 : vector<8x640xi32>
    %shift_left3A_440 = arith.constant 26 : i32
    %shift_left3A_441 = vector.broadcast %shift_left3A_440 : i32 to vector<8x640xi32>
    %shift_left3A_442 = arith.shli %xor3A_438, %shift_left3A_441 : vector<8x640xi32>
    %shift_right_logical3A_443 = arith.constant 6 : i32
    %shift_right_logical3A_444 = vector.broadcast %shift_right_logical3A_443 : i32 to vector<8x640xi32>
    %shift_right_logical3A_445 = arith.shrui %xor3A_438, %shift_right_logical3A_444 : vector<8x640xi32>
    %or3A_446 = arith.ori %shift_left3A_442, %shift_right_logical3A_445 : vector<8x640xi32>
    %xor3A_447 = arith.xori %add3A_439, %or3A_446 : vector<8x640xi32>
    %add3A_448 = arith.addi %add3A_439, %xor3A_447 : vector<8x640xi32>
    %shift_left3A_449 = arith.constant 6 : i32
    %shift_left3A_450 = vector.broadcast %shift_left3A_449 : i32 to vector<8x640xi32>
    %shift_left3A_451 = arith.shli %xor3A_447, %shift_left3A_450 : vector<8x640xi32>
    %shift_right_logical3A_452 = arith.constant 26 : i32
    %shift_right_logical3A_453 = vector.broadcast %shift_right_logical3A_452 : i32 to vector<8x640xi32>
    %shift_right_logical3A_454 = arith.shrui %xor3A_447, %shift_right_logical3A_453 : vector<8x640xi32>
    %or3A_455 = arith.ori %shift_left3A_451, %shift_right_logical3A_454 : vector<8x640xi32>
    %xor3A_456 = arith.xori %add3A_448, %or3A_455 : vector<8x640xi32>
    %add3A_457 = arith.constant 1724713080 : i32
    %add3A_458 = vector.broadcast %add3A_457 : i32 to vector<8x640xi32>
    %add3A_459 = arith.addi %add3A_448, %add3A_458 : vector<8x640xi32>
    %add3A_460 = arith.constant 1832780948 : i32
    %add3A_461 = vector.broadcast %add3A_460 : i32 to vector<8x640xi32>
    %add3A_462 = arith.addi %xor3A_456, %add3A_461 : vector<8x640xi32>
    %xor3A_463 = arith.xori %add3A_459, %add3A_462 : vector<8x640xi32>
    %shift_right_logical3A_464 = arith.constant 9 : i32
    %shift_right_logical3A_465 = vector.broadcast %shift_right_logical3A_464 : i32 to vector<8x640xi32>
    %shift_right_logical3A_466 = arith.shrui %xor3A_463, %shift_right_logical3A_465 : vector<8x640xi32>
    %or3A_467 = arith.constant 1065353216 : i32
    %or3A_468 = vector.broadcast %or3A_467 : i32 to vector<8x640xi32>
    %or3A_469 = arith.ori %shift_right_logical3A_466, %or3A_468 : vector<8x640xi32>
    %bitcast_convert_type3A_470 = tpu.bitcast %or3A_469 : vector<8x640xi32> -> vector<8x640xf32>
    %sub3A_471 = arith.constant 1.000000e+00 : f32
    %sub3A_472 = vector.broadcast %sub3A_471 : f32 to vector<8x640xf32>
    %sub3A_473 = arith.subf %bitcast_convert_type3A_470, %sub3A_472 : vector<8x640xf32>
    %get3A_474 = arith.constant 121 : index
    %get3A_475 = arith.constant 0 : index
    %get3A_476 = arith.constant 0 : index
    %get3A_477 = vector.load %arg1[%get3A_474, %get3A_475, %get3A_476] : memref<125x8x640xf32, #tpu.memory_space<vmem>>, vector<1x8x640xf32>
    %get3A_478 = vector.shape_cast %get3A_477 : vector<1x8x640xf32> to vector<8x640xf32>
    %log3A_479 = math.log %sub3A_473 : vector<8x640xf32>
    %log3A_480 = arith.constant 2.000000e+00 : f32
    %log3A_481 = math.log %log3A_480 : f32
    %div3A_482 = vector.broadcast %log3A_481 : f32 to vector<8x640xf32>
    %div3A_483 = arith.divf %log3A_479, %div3A_482 : vector<8x640xf32>
    %mul3A_484 = arith.mulf %div3A_483, %get3A_478 : vector<8x640xf32>
    %lt3A_485 = arith.cmpf olt, %mul3A_484, %select_n3A : vector<8x640xf32>
    %select_n3A_486 = arith.select %lt3A_485, %mul3A_484, %select_n3A : vector<8x640xi1>, vector<8x640xf32>
    %jit3A_487 = arith.constant 121 : i32
    %broadcast_in_dim3A_488 = vector.broadcast %jit3A_487 : i32 to vector<8x640xi32>
    %select_n3A_489 = arith.select %lt3A_485, %broadcast_in_dim3A_488, %select_n3A_247 : vector<8x640xi1>, vector<8x640xi32>
    %add3A_490 = arith.constant 78080 : i32
    %add3A_491 = vector.broadcast %add3A_490 : i32 to vector<8x640xi32>
    %add3A_492 = arith.addi %add3A_9, %add3A_491 : vector<8x640xi32>
    %add3A_493 = arith.constant 1832780943 : i32
    %add3A_494 = vector.broadcast %add3A_493 : i32 to vector<8x640xi32>
    %add3A_495 = arith.addi %add3A_492, %add3A_494 : vector<8x640xi32>
    %shift_left3A_496 = arith.constant 13 : i32
    %shift_left3A_497 = vector.broadcast %shift_left3A_496 : i32 to vector<8x640xi32>
    %shift_left3A_498 = arith.shli %add3A_492, %shift_left3A_497 : vector<8x640xi32>
    %shift_right_logical3A_499 = arith.constant 19 : i32
    %shift_right_logical3A_500 = vector.broadcast %shift_right_logical3A_499 : i32 to vector<8x640xi32>
    %shift_right_logical3A_501 = arith.shrui %add3A_492, %shift_right_logical3A_500 : vector<8x640xi32>
    %or3A_502 = arith.ori %shift_left3A_498, %shift_right_logical3A_501 : vector<8x640xi32>
    %xor3A_503 = arith.xori %add3A_495, %or3A_502 : vector<8x640xi32>
    %add3A_504 = arith.addi %add3A_495, %xor3A_503 : vector<8x640xi32>
    %shift_left3A_505 = arith.constant 15 : i32
    %shift_left3A_506 = vector.broadcast %shift_left3A_505 : i32 to vector<8x640xi32>
    %shift_left3A_507 = arith.shli %xor3A_503, %shift_left3A_506 : vector<8x640xi32>
    %shift_right_logical3A_508 = arith.constant 17 : i32
    %shift_right_logical3A_509 = vector.broadcast %shift_right_logical3A_508 : i32 to vector<8x640xi32>
    %shift_right_logical3A_510 = arith.shrui %xor3A_503, %shift_right_logical3A_509 : vector<8x640xi32>
    %or3A_511 = arith.ori %shift_left3A_507, %shift_right_logical3A_510 : vector<8x640xi32>
    %xor3A_512 = arith.xori %add3A_504, %or3A_511 : vector<8x640xi32>
    %add3A_513 = arith.addi %add3A_504, %xor3A_512 : vector<8x640xi32>
    %shift_left3A_514 = arith.constant 26 : i32
    %shift_left3A_515 = vector.broadcast %shift_left3A_514 : i32 to vector<8x640xi32>
    %shift_left3A_516 = arith.shli %xor3A_512, %shift_left3A_515 : vector<8x640xi32>
    %shift_right_logical3A_517 = arith.constant 6 : i32
    %shift_right_logical3A_518 = vector.broadcast %shift_right_logical3A_517 : i32 to vector<8x640xi32>
    %shift_right_logical3A_519 = arith.shrui %xor3A_512, %shift_right_logical3A_518 : vector<8x640xi32>
    %or3A_520 = arith.ori %shift_left3A_516, %shift_right_logical3A_519 : vector<8x640xi32>
    %xor3A_521 = arith.xori %add3A_513, %or3A_520 : vector<8x640xi32>
    %add3A_522 = arith.addi %add3A_513, %xor3A_521 : vector<8x640xi32>
    %shift_left3A_523 = arith.constant 6 : i32
    %shift_left3A_524 = vector.broadcast %shift_left3A_523 : i32 to vector<8x640xi32>
    %shift_left3A_525 = arith.shli %xor3A_521, %shift_left3A_524 : vector<8x640xi32>
    %shift_right_logical3A_526 = arith.constant 26 : i32
    %shift_right_logical3A_527 = vector.broadcast %shift_right_logical3A_526 : i32 to vector<8x640xi32>
    %shift_right_logical3A_528 = arith.shrui %xor3A_521, %shift_right_logical3A_527 : vector<8x640xi32>
    %or3A_529 = arith.ori %shift_left3A_525, %shift_right_logical3A_528 : vector<8x640xi32>
    %xor3A_530 = arith.xori %add3A_522, %or3A_529 : vector<8x640xi32>
    %add3A_531 = arith.constant 270669613 : i32
    %add3A_532 = vector.broadcast %add3A_531 : i32 to vector<8x640xi32>
    %add3A_533 = arith.addi %add3A_522, %add3A_532 : vector<8x640xi32>
    %add3A_534 = arith.constant 1724713081 : i32
    %add3A_535 = vector.broadcast %add3A_534 : i32 to vector<8x640xi32>
    %add3A_536 = arith.addi %xor3A_530, %add3A_535 : vector<8x640xi32>
    %add3A_537 = arith.addi %add3A_533, %add3A_536 : vector<8x640xi32>
    %shift_left3A_538 = arith.constant 17 : i32
    %shift_left3A_539 = vector.broadcast %shift_left3A_538 : i32 to vector<8x640xi32>
    %shift_left3A_540 = arith.shli %add3A_536, %shift_left3A_539 : vector<8x640xi32>
    %shift_right_logical3A_541 = arith.constant 15 : i32
    %shift_right_logical3A_542 = vector.broadcast %shift_right_logical3A_541 : i32 to vector<8x640xi32>
    %shift_right_logical3A_543 = arith.shrui %add3A_536, %shift_right_logical3A_542 : vector<8x640xi32>
    %or3A_544 = arith.ori %shift_left3A_540, %shift_right_logical3A_543 : vector<8x640xi32>
    %xor3A_545 = arith.xori %add3A_537, %or3A_544 : vector<8x640xi32>
    %add3A_546 = arith.addi %add3A_537, %xor3A_545 : vector<8x640xi32>
    %shift_left3A_547 = arith.constant 29 : i32
    %shift_left3A_548 = vector.broadcast %shift_left3A_547 : i32 to vector<8x640xi32>
    %shift_left3A_549 = arith.shli %xor3A_545, %shift_left3A_548 : vector<8x640xi32>
    %shift_right_logical3A_550 = arith.constant 3 : i32
    %shift_right_logical3A_551 = vector.broadcast %shift_right_logical3A_550 : i32 to vector<8x640xi32>
    %shift_right_logical3A_552 = arith.shrui %xor3A_545, %shift_right_logical3A_551 : vector<8x640xi32>
    %or3A_553 = arith.ori %shift_left3A_549, %shift_right_logical3A_552 : vector<8x640xi32>
    %xor3A_554 = arith.xori %add3A_546, %or3A_553 : vector<8x640xi32>
    %add3A_555 = arith.addi %add3A_546, %xor3A_554 : vector<8x640xi32>
    %shift_left3A_556 = arith.constant 16 : i32
    %shift_left3A_557 = vector.broadcast %shift_left3A_556 : i32 to vector<8x640xi32>
    %shift_left3A_558 = arith.shli %xor3A_554, %shift_left3A_557 : vector<8x640xi32>
    %shift_right_logical3A_559 = arith.constant 16 : i32
    %shift_right_logical3A_560 = vector.broadcast %shift_right_logical3A_559 : i32 to vector<8x640xi32>
    %shift_right_logical3A_561 = arith.shrui %xor3A_554, %shift_right_logical3A_560 : vector<8x640xi32>
    %or3A_562 = arith.ori %shift_left3A_558, %shift_right_logical3A_561 : vector<8x640xi32>
    %xor3A_563 = arith.xori %add3A_555, %or3A_562 : vector<8x640xi32>
    %add3A_564 = arith.addi %add3A_555, %xor3A_563 : vector<8x640xi32>
    %shift_left3A_565 = arith.constant 24 : i32
    %shift_left3A_566 = vector.broadcast %shift_left3A_565 : i32 to vector<8x640xi32>
    %shift_left3A_567 = arith.shli %xor3A_563, %shift_left3A_566 : vector<8x640xi32>
    %shift_right_logical3A_568 = arith.constant 8 : i32
    %shift_right_logical3A_569 = vector.broadcast %shift_right_logical3A_568 : i32 to vector<8x640xi32>
    %shift_right_logical3A_570 = arith.shrui %xor3A_563, %shift_right_logical3A_569 : vector<8x640xi32>
    %or3A_571 = arith.ori %shift_left3A_567, %shift_right_logical3A_570 : vector<8x640xi32>
    %xor3A_572 = arith.xori %add3A_564, %or3A_571 : vector<8x640xi32>
    %add3A_573 = arith.constant 1724713080 : i32
    %add3A_574 = vector.broadcast %add3A_573 : i32 to vector<8x640xi32>
    %add3A_575 = arith.addi %add3A_564, %add3A_574 : vector<8x640xi32>
    %add3A_576 = arith.constant 1832780945 : i32
    %add3A_577 = vector.broadcast %add3A_576 : i32 to vector<8x640xi32>
    %add3A_578 = arith.addi %xor3A_572, %add3A_577 : vector<8x640xi32>
    %add3A_579 = arith.addi %add3A_575, %add3A_578 : vector<8x640xi32>
    %shift_left3A_580 = arith.constant 13 : i32
    %shift_left3A_581 = vector.broadcast %shift_left3A_580 : i32 to vector<8x640xi32>
    %shift_left3A_582 = arith.shli %add3A_578, %shift_left3A_581 : vector<8x640xi32>
    %shift_right_logical3A_583 = arith.constant 19 : i32
    %shift_right_logical3A_584 = vector.broadcast %shift_right_logical3A_583 : i32 to vector<8x640xi32>
    %shift_right_logical3A_585 = arith.shrui %add3A_578, %shift_right_logical3A_584 : vector<8x640xi32>
    %or3A_586 = arith.ori %shift_left3A_582, %shift_right_logical3A_585 : vector<8x640xi32>
    %xor3A_587 = arith.xori %add3A_579, %or3A_586 : vector<8x640xi32>
    %add3A_588 = arith.addi %add3A_579, %xor3A_587 : vector<8x640xi32>
    %shift_left3A_589 = arith.constant 15 : i32
    %shift_left3A_590 = vector.broadcast %shift_left3A_589 : i32 to vector<8x640xi32>
    %shift_left3A_591 = arith.shli %xor3A_587, %shift_left3A_590 : vector<8x640xi32>
    %shift_right_logical3A_592 = arith.constant 17 : i32
    %shift_right_logical3A_593 = vector.broadcast %shift_right_logical3A_592 : i32 to vector<8x640xi32>
    %shift_right_logical3A_594 = arith.shrui %xor3A_587, %shift_right_logical3A_593 : vector<8x640xi32>
    %or3A_595 = arith.ori %shift_left3A_591, %shift_right_logical3A_594 : vector<8x640xi32>
    %xor3A_596 = arith.xori %add3A_588, %or3A_595 : vector<8x640xi32>
    %add3A_597 = arith.addi %add3A_588, %xor3A_596 : vector<8x640xi32>
    %shift_left3A_598 = arith.constant 26 : i32
    %shift_left3A_599 = vector.broadcast %shift_left3A_598 : i32 to vector<8x640xi32>
    %shift_left3A_600 = arith.shli %xor3A_596, %shift_left3A_599 : vector<8x640xi32>
    %shift_right_logical3A_601 = arith.constant 6 : i32
    %shift_right_logical3A_602 = vector.broadcast %shift_right_logical3A_601 : i32 to vector<8x640xi32>
    %shift_right_logical3A_603 = arith.shrui %xor3A_596, %shift_right_logical3A_602 : vector<8x640xi32>
    %or3A_604 = arith.ori %shift_left3A_600, %shift_right_logical3A_603 : vector<8x640xi32>
    %xor3A_605 = arith.xori %add3A_597, %or3A_604 : vector<8x640xi32>
    %add3A_606 = arith.addi %add3A_597, %xor3A_605 : vector<8x640xi32>
    %shift_left3A_607 = arith.constant 6 : i32
    %shift_left3A_608 = vector.broadcast %shift_left3A_607 : i32 to vector<8x640xi32>
    %shift_left3A_609 = arith.shli %xor3A_605, %shift_left3A_608 : vector<8x640xi32>
    %shift_right_logical3A_610 = arith.constant 26 : i32
    %shift_right_logical3A_611 = vector.broadcast %shift_right_logical3A_610 : i32 to vector<8x640xi32>
    %shift_right_logical3A_612 = arith.shrui %xor3A_605, %shift_right_logical3A_611 : vector<8x640xi32>
    %or3A_613 = arith.ori %shift_left3A_609, %shift_right_logical3A_612 : vector<8x640xi32>
    %xor3A_614 = arith.xori %add3A_606, %or3A_613 : vector<8x640xi32>
    %add3A_615 = arith.constant 1832780943 : i32
    %add3A_616 = vector.broadcast %add3A_615 : i32 to vector<8x640xi32>
    %add3A_617 = arith.addi %add3A_606, %add3A_616 : vector<8x640xi32>
    %add3A_618 = arith.constant 270669616 : i32
    %add3A_619 = vector.broadcast %add3A_618 : i32 to vector<8x640xi32>
    %add3A_620 = arith.addi %xor3A_614, %add3A_619 : vector<8x640xi32>
    %add3A_621 = arith.addi %add3A_617, %add3A_620 : vector<8x640xi32>
    %shift_left3A_622 = arith.constant 17 : i32
    %shift_left3A_623 = vector.broadcast %shift_left3A_622 : i32 to vector<8x640xi32>
    %shift_left3A_624 = arith.shli %add3A_620, %shift_left3A_623 : vector<8x640xi32>
    %shift_right_logical3A_625 = arith.constant 15 : i32
    %shift_right_logical3A_626 = vector.broadcast %shift_right_logical3A_625 : i32 to vector<8x640xi32>
    %shift_right_logical3A_627 = arith.shrui %add3A_620, %shift_right_logical3A_626 : vector<8x640xi32>
    %or3A_628 = arith.ori %shift_left3A_624, %shift_right_logical3A_627 : vector<8x640xi32>
    %xor3A_629 = arith.xori %add3A_621, %or3A_628 : vector<8x640xi32>
    %add3A_630 = arith.addi %add3A_621, %xor3A_629 : vector<8x640xi32>
    %shift_left3A_631 = arith.constant 29 : i32
    %shift_left3A_632 = vector.broadcast %shift_left3A_631 : i32 to vector<8x640xi32>
    %shift_left3A_633 = arith.shli %xor3A_629, %shift_left3A_632 : vector<8x640xi32>
    %shift_right_logical3A_634 = arith.constant 3 : i32
    %shift_right_logical3A_635 = vector.broadcast %shift_right_logical3A_634 : i32 to vector<8x640xi32>
    %shift_right_logical3A_636 = arith.shrui %xor3A_629, %shift_right_logical3A_635 : vector<8x640xi32>
    %or3A_637 = arith.ori %shift_left3A_633, %shift_right_logical3A_636 : vector<8x640xi32>
    %xor3A_638 = arith.xori %add3A_630, %or3A_637 : vector<8x640xi32>
    %add3A_639 = arith.addi %add3A_630, %xor3A_638 : vector<8x640xi32>
    %shift_left3A_640 = arith.constant 16 : i32
    %shift_left3A_641 = vector.broadcast %shift_left3A_640 : i32 to vector<8x640xi32>
    %shift_left3A_642 = arith.shli %xor3A_638, %shift_left3A_641 : vector<8x640xi32>
    %shift_right_logical3A_643 = arith.constant 16 : i32
    %shift_right_logical3A_644 = vector.broadcast %shift_right_logical3A_643 : i32 to vector<8x640xi32>
    %shift_right_logical3A_645 = arith.shrui %xor3A_638, %shift_right_logical3A_644 : vector<8x640xi32>
    %or3A_646 = arith.ori %shift_left3A_642, %shift_right_logical3A_645 : vector<8x640xi32>
    %xor3A_647 = arith.xori %add3A_639, %or3A_646 : vector<8x640xi32>
    %add3A_648 = arith.addi %add3A_639, %xor3A_647 : vector<8x640xi32>
    %shift_left3A_649 = arith.constant 24 : i32
    %shift_left3A_650 = vector.broadcast %shift_left3A_649 : i32 to vector<8x640xi32>
    %shift_left3A_651 = arith.shli %xor3A_647, %shift_left3A_650 : vector<8x640xi32>
    %shift_right_logical3A_652 = arith.constant 8 : i32
    %shift_right_logical3A_653 = vector.broadcast %shift_right_logical3A_652 : i32 to vector<8x640xi32>
    %shift_right_logical3A_654 = arith.shrui %xor3A_647, %shift_right_logical3A_653 : vector<8x640xi32>
    %or3A_655 = arith.ori %shift_left3A_651, %shift_right_logical3A_654 : vector<8x640xi32>
    %xor3A_656 = arith.xori %add3A_648, %or3A_655 : vector<8x640xi32>
    %add3A_657 = arith.constant 270669613 : i32
    %add3A_658 = vector.broadcast %add3A_657 : i32 to vector<8x640xi32>
    %add3A_659 = arith.addi %add3A_648, %add3A_658 : vector<8x640xi32>
    %add3A_660 = arith.constant 1724713084 : i32
    %add3A_661 = vector.broadcast %add3A_660 : i32 to vector<8x640xi32>
    %add3A_662 = arith.addi %xor3A_656, %add3A_661 : vector<8x640xi32>
    %add3A_663 = arith.addi %add3A_659, %add3A_662 : vector<8x640xi32>
    %shift_left3A_664 = arith.constant 13 : i32
    %shift_left3A_665 = vector.broadcast %shift_left3A_664 : i32 to vector<8x640xi32>
    %shift_left3A_666 = arith.shli %add3A_662, %shift_left3A_665 : vector<8x640xi32>
    %shift_right_logical3A_667 = arith.constant 19 : i32
    %shift_right_logical3A_668 = vector.broadcast %shift_right_logical3A_667 : i32 to vector<8x640xi32>
    %shift_right_logical3A_669 = arith.shrui %add3A_662, %shift_right_logical3A_668 : vector<8x640xi32>
    %or3A_670 = arith.ori %shift_left3A_666, %shift_right_logical3A_669 : vector<8x640xi32>
    %xor3A_671 = arith.xori %add3A_663, %or3A_670 : vector<8x640xi32>
    %add3A_672 = arith.addi %add3A_663, %xor3A_671 : vector<8x640xi32>
    %shift_left3A_673 = arith.constant 15 : i32
    %shift_left3A_674 = vector.broadcast %shift_left3A_673 : i32 to vector<8x640xi32>
    %shift_left3A_675 = arith.shli %xor3A_671, %shift_left3A_674 : vector<8x640xi32>
    %shift_right_logical3A_676 = arith.constant 17 : i32
    %shift_right_logical3A_677 = vector.broadcast %shift_right_logical3A_676 : i32 to vector<8x640xi32>
    %shift_right_logical3A_678 = arith.shrui %xor3A_671, %shift_right_logical3A_677 : vector<8x640xi32>
    %or3A_679 = arith.ori %shift_left3A_675, %shift_right_logical3A_678 : vector<8x640xi32>
    %xor3A_680 = arith.xori %add3A_672, %or3A_679 : vector<8x640xi32>
    %add3A_681 = arith.addi %add3A_672, %xor3A_680 : vector<8x640xi32>
    %shift_left3A_682 = arith.constant 26 : i32
    %shift_left3A_683 = vector.broadcast %shift_left3A_682 : i32 to vector<8x640xi32>
    %shift_left3A_684 = arith.shli %xor3A_680, %shift_left3A_683 : vector<8x640xi32>
    %shift_right_logical3A_685 = arith.constant 6 : i32
    %shift_right_logical3A_686 = vector.broadcast %shift_right_logical3A_685 : i32 to vector<8x640xi32>
    %shift_right_logical3A_687 = arith.shrui %xor3A_680, %shift_right_logical3A_686 : vector<8x640xi32>
    %or3A_688 = arith.ori %shift_left3A_684, %shift_right_logical3A_687 : vector<8x640xi32>
    %xor3A_689 = arith.xori %add3A_681, %or3A_688 : vector<8x640xi32>
    %add3A_690 = arith.addi %add3A_681, %xor3A_689 : vector<8x640xi32>
    %shift_left3A_691 = arith.constant 6 : i32
    %shift_left3A_692 = vector.broadcast %shift_left3A_691 : i32 to vector<8x640xi32>
    %shift_left3A_693 = arith.shli %xor3A_689, %shift_left3A_692 : vector<8x640xi32>
    %shift_right_logical3A_694 = arith.constant 26 : i32
    %shift_right_logical3A_695 = vector.broadcast %shift_right_logical3A_694 : i32 to vector<8x640xi32>
    %shift_right_logical3A_696 = arith.shrui %xor3A_689, %shift_right_logical3A_695 : vector<8x640xi32>
    %or3A_697 = arith.ori %shift_left3A_693, %shift_right_logical3A_696 : vector<8x640xi32>
    %xor3A_698 = arith.xori %add3A_690, %or3A_697 : vector<8x640xi32>
    %add3A_699 = arith.constant 1724713080 : i32
    %add3A_700 = vector.broadcast %add3A_699 : i32 to vector<8x640xi32>
    %add3A_701 = arith.addi %add3A_690, %add3A_700 : vector<8x640xi32>
    %add3A_702 = arith.constant 1832780948 : i32
    %add3A_703 = vector.broadcast %add3A_702 : i32 to vector<8x640xi32>
    %add3A_704 = arith.addi %xor3A_698, %add3A_703 : vector<8x640xi32>
    %xor3A_705 = arith.xori %add3A_701, %add3A_704 : vector<8x640xi32>
    %shift_right_logical3A_706 = arith.constant 9 : i32
    %shift_right_logical3A_707 = vector.broadcast %shift_right_logical3A_706 : i32 to vector<8x640xi32>
    %shift_right_logical3A_708 = arith.shrui %xor3A_705, %shift_right_logical3A_707 : vector<8x640xi32>
    %or3A_709 = arith.constant 1065353216 : i32
    %or3A_710 = vector.broadcast %or3A_709 : i32 to vector<8x640xi32>
    %or3A_711 = arith.ori %shift_right_logical3A_708, %or3A_710 : vector<8x640xi32>
    %bitcast_convert_type3A_712 = tpu.bitcast %or3A_711 : vector<8x640xi32> -> vector<8x640xf32>
    %sub3A_713 = arith.constant 1.000000e+00 : f32
    %sub3A_714 = vector.broadcast %sub3A_713 : f32 to vector<8x640xf32>
    %sub3A_715 = arith.subf %bitcast_convert_type3A_712, %sub3A_714 : vector<8x640xf32>
    %get3A_716 = arith.constant 122 : index
    %get3A_717 = arith.constant 0 : index
    %get3A_718 = arith.constant 0 : index
    %get3A_719 = vector.load %arg1[%get3A_716, %get3A_717, %get3A_718] : memref<125x8x640xf32, #tpu.memory_space<vmem>>, vector<1x8x640xf32>
    %get3A_720 = vector.shape_cast %get3A_719 : vector<1x8x640xf32> to vector<8x640xf32>
    %log3A_721 = math.log %sub3A_715 : vector<8x640xf32>
    %log3A_722 = arith.constant 2.000000e+00 : f32
    %log3A_723 = math.log %log3A_722 : f32
    %div3A_724 = vector.broadcast %log3A_723 : f32 to vector<8x640xf32>
    %div3A_725 = arith.divf %log3A_721, %div3A_724 : vector<8x640xf32>
    %mul3A_726 = arith.mulf %div3A_725, %get3A_720 : vector<8x640xf32>
    %lt3A_727 = arith.cmpf olt, %mul3A_726, %select_n3A_486 : vector<8x640xf32>
    %select_n3A_728 = arith.select %lt3A_727, %mul3A_726, %select_n3A_486 : vector<8x640xi1>, vector<8x640xf32>
    %jit3A_729 = arith.constant 122 : i32
    %broadcast_in_dim3A_730 = vector.broadcast %jit3A_729 : i32 to vector<8x640xi32>
    %select_n3A_731 = arith.select %lt3A_727, %broadcast_in_dim3A_730, %select_n3A_489 : vector<8x640xi1>, vector<8x640xi32>
    %add3A_732 = arith.constant 78720 : i32
    %add3A_733 = vector.broadcast %add3A_732 : i32 to vector<8x640xi32>
    %add3A_734 = arith.addi %add3A_9, %add3A_733 : vector<8x640xi32>
    %add3A_735 = arith.constant 1832780943 : i32
    %add3A_736 = vector.broadcast %add3A_735 : i32 to vector<8x640xi32>
    %add3A_737 = arith.addi %add3A_734, %add3A_736 : vector<8x640xi32>
    %shift_left3A_738 = arith.constant 13 : i32
    %shift_left3A_739 = vector.broadcast %shift_left3A_738 : i32 to vector<8x640xi32>
    %shift_left3A_740 = arith.shli %add3A_734, %shift_left3A_739 : vector<8x640xi32>
    %shift_right_logical3A_741 = arith.constant 19 : i32
    %shift_right_logical3A_742 = vector.broadcast %shift_right_logical3A_741 : i32 to vector<8x640xi32>
    %shift_right_logical3A_743 = arith.shrui %add3A_734, %shift_right_logical3A_742 : vector<8x640xi32>
    %or3A_744 = arith.ori %shift_left3A_740, %shift_right_logical3A_743 : vector<8x640xi32>
    %xor3A_745 = arith.xori %add3A_737, %or3A_744 : vector<8x640xi32>
    %add3A_746 = arith.addi %add3A_737, %xor3A_745 : vector<8x640xi32>
    %shift_left3A_747 = arith.constant 15 : i32
    %shift_left3A_748 = vector.broadcast %shift_left3A_747 : i32 to vector<8x640xi32>
    %shift_left3A_749 = arith.shli %xor3A_745, %shift_left3A_748 : vector<8x640xi32>
    %shift_right_logical3A_750 = arith.constant 17 : i32
    %shift_right_logical3A_751 = vector.broadcast %shift_right_logical3A_750 : i32 to vector<8x640xi32>
    %shift_right_logical3A_752 = arith.shrui %xor3A_745, %shift_right_logical3A_751 : vector<8x640xi32>
    %or3A_753 = arith.ori %shift_left3A_749, %shift_right_logical3A_752 : vector<8x640xi32>
    %xor3A_754 = arith.xori %add3A_746, %or3A_753 : vector<8x640xi32>
    %add3A_755 = arith.addi %add3A_746, %xor3A_754 : vector<8x640xi32>
    %shift_left3A_756 = arith.constant 26 : i32
    %shift_left3A_757 = vector.broadcast %shift_left3A_756 : i32 to vector<8x640xi32>
    %shift_left3A_758 = arith.shli %xor3A_754, %shift_left3A_757 : vector<8x640xi32>
    %shift_right_logical3A_759 = arith.constant 6 : i32
    %shift_right_logical3A_760 = vector.broadcast %shift_right_logical3A_759 : i32 to vector<8x640xi32>
    %shift_right_logical3A_761 = arith.shrui %xor3A_754, %shift_right_logical3A_760 : vector<8x640xi32>
    %or3A_762 = arith.ori %shift_left3A_758, %shift_right_logical3A_761 : vector<8x640xi32>
    %xor3A_763 = arith.xori %add3A_755, %or3A_762 : vector<8x640xi32>
    %add3A_764 = arith.addi %add3A_755, %xor3A_763 : vector<8x640xi32>
    %shift_left3A_765 = arith.constant 6 : i32
    %shift_left3A_766 = vector.broadcast %shift_left3A_765 : i32 to vector<8x640xi32>
    %shift_left3A_767 = arith.shli %xor3A_763, %shift_left3A_766 : vector<8x640xi32>
    %shift_right_logical3A_768 = arith.constant 26 : i32
    %shift_right_logical3A_769 = vector.broadcast %shift_right_logical3A_768 : i32 to vector<8x640xi32>
    %shift_right_logical3A_770 = arith.shrui %xor3A_763, %shift_right_logical3A_769 : vector<8x640xi32>
    %or3A_771 = arith.ori %shift_left3A_767, %shift_right_logical3A_770 : vector<8x640xi32>
    %xor3A_772 = arith.xori %add3A_764, %or3A_771 : vector<8x640xi32>
    %add3A_773 = arith.constant 270669613 : i32
    %add3A_774 = vector.broadcast %add3A_773 : i32 to vector<8x640xi32>
    %add3A_775 = arith.addi %add3A_764, %add3A_774 : vector<8x640xi32>
    %add3A_776 = arith.constant 1724713081 : i32
    %add3A_777 = vector.broadcast %add3A_776 : i32 to vector<8x640xi32>
    %add3A_778 = arith.addi %xor3A_772, %add3A_777 : vector<8x640xi32>
    %add3A_779 = arith.addi %add3A_775, %add3A_778 : vector<8x640xi32>
    %shift_left3A_780 = arith.constant 17 : i32
    %shift_left3A_781 = vector.broadcast %shift_left3A_780 : i32 to vector<8x640xi32>
    %shift_left3A_782 = arith.shli %add3A_778, %shift_left3A_781 : vector<8x640xi32>
    %shift_right_logical3A_783 = arith.constant 15 : i32
    %shift_right_logical3A_784 = vector.broadcast %shift_right_logical3A_783 : i32 to vector<8x640xi32>
    %shift_right_logical3A_785 = arith.shrui %add3A_778, %shift_right_logical3A_784 : vector<8x640xi32>
    %or3A_786 = arith.ori %shift_left3A_782, %shift_right_logical3A_785 : vector<8x640xi32>
    %xor3A_787 = arith.xori %add3A_779, %or3A_786 : vector<8x640xi32>
    %add3A_788 = arith.addi %add3A_779, %xor3A_787 : vector<8x640xi32>
    %shift_left3A_789 = arith.constant 29 : i32
    %shift_left3A_790 = vector.broadcast %shift_left3A_789 : i32 to vector<8x640xi32>
    %shift_left3A_791 = arith.shli %xor3A_787, %shift_left3A_790 : vector<8x640xi32>
    %shift_right_logical3A_792 = arith.constant 3 : i32
    %shift_right_logical3A_793 = vector.broadcast %shift_right_logical3A_792 : i32 to vector<8x640xi32>
    %shift_right_logical3A_794 = arith.shrui %xor3A_787, %shift_right_logical3A_793 : vector<8x640xi32>
    %or3A_795 = arith.ori %shift_left3A_791, %shift_right_logical3A_794 : vector<8x640xi32>
    %xor3A_796 = arith.xori %add3A_788, %or3A_795 : vector<8x640xi32>
    %add3A_797 = arith.addi %add3A_788, %xor3A_796 : vector<8x640xi32>
    %shift_left3A_798 = arith.constant 16 : i32
    %shift_left3A_799 = vector.broadcast %shift_left3A_798 : i32 to vector<8x640xi32>
    %shift_left3A_800 = arith.shli %xor3A_796, %shift_left3A_799 : vector<8x640xi32>
    %shift_right_logical3A_801 = arith.constant 16 : i32
    %shift_right_logical3A_802 = vector.broadcast %shift_right_logical3A_801 : i32 to vector<8x640xi32>
    %shift_right_logical3A_803 = arith.shrui %xor3A_796, %shift_right_logical3A_802 : vector<8x640xi32>
    %or3A_804 = arith.ori %shift_left3A_800, %shift_right_logical3A_803 : vector<8x640xi32>
    %xor3A_805 = arith.xori %add3A_797, %or3A_804 : vector<8x640xi32>
    %add3A_806 = arith.addi %add3A_797, %xor3A_805 : vector<8x640xi32>
    %shift_left3A_807 = arith.constant 24 : i32
    %shift_left3A_808 = vector.broadcast %shift_left3A_807 : i32 to vector<8x640xi32>
    %shift_left3A_809 = arith.shli %xor3A_805, %shift_left3A_808 : vector<8x640xi32>
    %shift_right_logical3A_810 = arith.constant 8 : i32
    %shift_right_logical3A_811 = vector.broadcast %shift_right_logical3A_810 : i32 to vector<8x640xi32>
    %shift_right_logical3A_812 = arith.shrui %xor3A_805, %shift_right_logical3A_811 : vector<8x640xi32>
    %or3A_813 = arith.ori %shift_left3A_809, %shift_right_logical3A_812 : vector<8x640xi32>
    %xor3A_814 = arith.xori %add3A_806, %or3A_813 : vector<8x640xi32>
    %add3A_815 = arith.constant 1724713080 : i32
    %add3A_816 = vector.broadcast %add3A_815 : i32 to vector<8x640xi32>
    %add3A_817 = arith.addi %add3A_806, %add3A_816 : vector<8x640xi32>
    %add3A_818 = arith.constant 1832780945 : i32
    %add3A_819 = vector.broadcast %add3A_818 : i32 to vector<8x640xi32>
    %add3A_820 = arith.addi %xor3A_814, %add3A_819 : vector<8x640xi32>
    %add3A_821 = arith.addi %add3A_817, %add3A_820 : vector<8x640xi32>
    %shift_left3A_822 = arith.constant 13 : i32
    %shift_left3A_823 = vector.broadcast %shift_left3A_822 : i32 to vector<8x640xi32>
    %shift_left3A_824 = arith.shli %add3A_820, %shift_left3A_823 : vector<8x640xi32>
    %shift_right_logical3A_825 = arith.constant 19 : i32
    %shift_right_logical3A_826 = vector.broadcast %shift_right_logical3A_825 : i32 to vector<8x640xi32>
    %shift_right_logical3A_827 = arith.shrui %add3A_820, %shift_right_logical3A_826 : vector<8x640xi32>
    %or3A_828 = arith.ori %shift_left3A_824, %shift_right_logical3A_827 : vector<8x640xi32>
    %xor3A_829 = arith.xori %add3A_821, %or3A_828 : vector<8x640xi32>
    %add3A_830 = arith.addi %add3A_821, %xor3A_829 : vector<8x640xi32>
    %shift_left3A_831 = arith.constant 15 : i32
    %shift_left3A_832 = vector.broadcast %shift_left3A_831 : i32 to vector<8x640xi32>
    %shift_left3A_833 = arith.shli %xor3A_829, %shift_left3A_832 : vector<8x640xi32>
    %shift_right_logical3A_834 = arith.constant 17 : i32
    %shift_right_logical3A_835 = vector.broadcast %shift_right_logical3A_834 : i32 to vector<8x640xi32>
    %shift_right_logical3A_836 = arith.shrui %xor3A_829, %shift_right_logical3A_835 : vector<8x640xi32>
    %or3A_837 = arith.ori %shift_left3A_833, %shift_right_logical3A_836 : vector<8x640xi32>
    %xor3A_838 = arith.xori %add3A_830, %or3A_837 : vector<8x640xi32>
    %add3A_839 = arith.addi %add3A_830, %xor3A_838 : vector<8x640xi32>
    %shift_left3A_840 = arith.constant 26 : i32
    %shift_left3A_841 = vector.broadcast %shift_left3A_840 : i32 to vector<8x640xi32>
    %shift_left3A_842 = arith.shli %xor3A_838, %shift_left3A_841 : vector<8x640xi32>
    %shift_right_logical3A_843 = arith.constant 6 : i32
    %shift_right_logical3A_844 = vector.broadcast %shift_right_logical3A_843 : i32 to vector<8x640xi32>
    %shift_right_logical3A_845 = arith.shrui %xor3A_838, %shift_right_logical3A_844 : vector<8x640xi32>
    %or3A_846 = arith.ori %shift_left3A_842, %shift_right_logical3A_845 : vector<8x640xi32>
    %xor3A_847 = arith.xori %add3A_839, %or3A_846 : vector<8x640xi32>
    %add3A_848 = arith.addi %add3A_839, %xor3A_847 : vector<8x640xi32>
    %shift_left3A_849 = arith.constant 6 : i32
    %shift_left3A_850 = vector.broadcast %shift_left3A_849 : i32 to vector<8x640xi32>
    %shift_left3A_851 = arith.shli %xor3A_847, %shift_left3A_850 : vector<8x640xi32>
    %shift_right_logical3A_852 = arith.constant 26 : i32
    %shift_right_logical3A_853 = vector.broadcast %shift_right_logical3A_852 : i32 to vector<8x640xi32>
    %shift_right_logical3A_854 = arith.shrui %xor3A_847, %shift_right_logical3A_853 : vector<8x640xi32>
    %or3A_855 = arith.ori %shift_left3A_851, %shift_right_logical3A_854 : vector<8x640xi32>
    %xor3A_856 = arith.xori %add3A_848, %or3A_855 : vector<8x640xi32>
    %add3A_857 = arith.constant 1832780943 : i32
    %add3A_858 = vector.broadcast %add3A_857 : i32 to vector<8x640xi32>
    %add3A_859 = arith.addi %add3A_848, %add3A_858 : vector<8x640xi32>
    %add3A_860 = arith.constant 270669616 : i32
    %add3A_861 = vector.broadcast %add3A_860 : i32 to vector<8x640xi32>
    %add3A_862 = arith.addi %xor3A_856, %add3A_861 : vector<8x640xi32>
    %add3A_863 = arith.addi %add3A_859, %add3A_862 : vector<8x640xi32>
    %shift_left3A_864 = arith.constant 17 : i32
    %shift_left3A_865 = vector.broadcast %shift_left3A_864 : i32 to vector<8x640xi32>
    %shift_left3A_866 = arith.shli %add3A_862, %shift_left3A_865 : vector<8x640xi32>
    %shift_right_logical3A_867 = arith.constant 15 : i32
    %shift_right_logical3A_868 = vector.broadcast %shift_right_logical3A_867 : i32 to vector<8x640xi32>
    %shift_right_logical3A_869 = arith.shrui %add3A_862, %shift_right_logical3A_868 : vector<8x640xi32>
    %or3A_870 = arith.ori %shift_left3A_866, %shift_right_logical3A_869 : vector<8x640xi32>
    %xor3A_871 = arith.xori %add3A_863, %or3A_870 : vector<8x640xi32>
    %add3A_872 = arith.addi %add3A_863, %xor3A_871 : vector<8x640xi32>
    %shift_left3A_873 = arith.constant 29 : i32
    %shift_left3A_874 = vector.broadcast %shift_left3A_873 : i32 to vector<8x640xi32>
    %shift_left3A_875 = arith.shli %xor3A_871, %shift_left3A_874 : vector<8x640xi32>
    %shift_right_logical3A_876 = arith.constant 3 : i32
    %shift_right_logical3A_877 = vector.broadcast %shift_right_logical3A_876 : i32 to vector<8x640xi32>
    %shift_right_logical3A_878 = arith.shrui %xor3A_871, %shift_right_logical3A_877 : vector<8x640xi32>
    %or3A_879 = arith.ori %shift_left3A_875, %shift_right_logical3A_878 : vector<8x640xi32>
    %xor3A_880 = arith.xori %add3A_872, %or3A_879 : vector<8x640xi32>
    %add3A_881 = arith.addi %add3A_872, %xor3A_880 : vector<8x640xi32>
    %shift_left3A_882 = arith.constant 16 : i32
    %shift_left3A_883 = vector.broadcast %shift_left3A_882 : i32 to vector<8x640xi32>
    %shift_left3A_884 = arith.shli %xor3A_880, %shift_left3A_883 : vector<8x640xi32>
    %shift_right_logical3A_885 = arith.constant 16 : i32
    %shift_right_logical3A_886 = vector.broadcast %shift_right_logical3A_885 : i32 to vector<8x640xi32>
    %shift_right_logical3A_887 = arith.shrui %xor3A_880, %shift_right_logical3A_886 : vector<8x640xi32>
    %or3A_888 = arith.ori %shift_left3A_884, %shift_right_logical3A_887 : vector<8x640xi32>
    %xor3A_889 = arith.xori %add3A_881, %or3A_888 : vector<8x640xi32>
    %add3A_890 = arith.addi %add3A_881, %xor3A_889 : vector<8x640xi32>
    %shift_left3A_891 = arith.constant 24 : i32
    %shift_left3A_892 = vector.broadcast %shift_left3A_891 : i32 to vector<8x640xi32>
    %shift_left3A_893 = arith.shli %xor3A_889, %shift_left3A_892 : vector<8x640xi32>
    %shift_right_logical3A_894 = arith.constant 8 : i32
    %shift_right_logical3A_895 = vector.broadcast %shift_right_logical3A_894 : i32 to vector<8x640xi32>
    %shift_right_logical3A_896 = arith.shrui %xor3A_889, %shift_right_logical3A_895 : vector<8x640xi32>
    %or3A_897 = arith.ori %shift_left3A_893, %shift_right_logical3A_896 : vector<8x640xi32>
    %xor3A_898 = arith.xori %add3A_890, %or3A_897 : vector<8x640xi32>
    %add3A_899 = arith.constant 270669613 : i32
    %add3A_900 = vector.broadcast %add3A_899 : i32 to vector<8x640xi32>
    %add3A_901 = arith.addi %add3A_890, %add3A_900 : vector<8x640xi32>
    %add3A_902 = arith.constant 1724713084 : i32
    %add3A_903 = vector.broadcast %add3A_902 : i32 to vector<8x640xi32>
    %add3A_904 = arith.addi %xor3A_898, %add3A_903 : vector<8x640xi32>
    %add3A_905 = arith.addi %add3A_901, %add3A_904 : vector<8x640xi32>
    %shift_left3A_906 = arith.constant 13 : i32
    %shift_left3A_907 = vector.broadcast %shift_left3A_906 : i32 to vector<8x640xi32>
    %shift_left3A_908 = arith.shli %add3A_904, %shift_left3A_907 : vector<8x640xi32>
    %shift_right_logical3A_909 = arith.constant 19 : i32
    %shift_right_logical3A_910 = vector.broadcast %shift_right_logical3A_909 : i32 to vector<8x640xi32>
    %shift_right_logical3A_911 = arith.shrui %add3A_904, %shift_right_logical3A_910 : vector<8x640xi32>
    %or3A_912 = arith.ori %shift_left3A_908, %shift_right_logical3A_911 : vector<8x640xi32>
    %xor3A_913 = arith.xori %add3A_905, %or3A_912 : vector<8x640xi32>
    %add3A_914 = arith.addi %add3A_905, %xor3A_913 : vector<8x640xi32>
    %shift_left3A_915 = arith.constant 15 : i32
    %shift_left3A_916 = vector.broadcast %shift_left3A_915 : i32 to vector<8x640xi32>
    %shift_left3A_917 = arith.shli %xor3A_913, %shift_left3A_916 : vector<8x640xi32>
    %shift_right_logical3A_918 = arith.constant 17 : i32
    %shift_right_logical3A_919 = vector.broadcast %shift_right_logical3A_918 : i32 to vector<8x640xi32>
    %shift_right_logical3A_920 = arith.shrui %xor3A_913, %shift_right_logical3A_919 : vector<8x640xi32>
    %or3A_921 = arith.ori %shift_left3A_917, %shift_right_logical3A_920 : vector<8x640xi32>
    %xor3A_922 = arith.xori %add3A_914, %or3A_921 : vector<8x640xi32>
    %add3A_923 = arith.addi %add3A_914, %xor3A_922 : vector<8x640xi32>
    %shift_left3A_924 = arith.constant 26 : i32
    %shift_left3A_925 = vector.broadcast %shift_left3A_924 : i32 to vector<8x640xi32>
    %shift_left3A_926 = arith.shli %xor3A_922, %shift_left3A_925 : vector<8x640xi32>
    %shift_right_logical3A_927 = arith.constant 6 : i32
    %shift_right_logical3A_928 = vector.broadcast %shift_right_logical3A_927 : i32 to vector<8x640xi32>
    %shift_right_logical3A_929 = arith.shrui %xor3A_922, %shift_right_logical3A_928 : vector<8x640xi32>
    %or3A_930 = arith.ori %shift_left3A_926, %shift_right_logical3A_929 : vector<8x640xi32>
    %xor3A_931 = arith.xori %add3A_923, %or3A_930 : vector<8x640xi32>
    %add3A_932 = arith.addi %add3A_923, %xor3A_931 : vector<8x640xi32>
    %shift_left3A_933 = arith.constant 6 : i32
    %shift_left3A_934 = vector.broadcast %shift_left3A_933 : i32 to vector<8x640xi32>
    %shift_left3A_935 = arith.shli %xor3A_931, %shift_left3A_934 : vector<8x640xi32>
    %shift_right_logical3A_936 = arith.constant 26 : i32
    %shift_right_logical3A_937 = vector.broadcast %shift_right_logical3A_936 : i32 to vector<8x640xi32>
    %shift_right_logical3A_938 = arith.shrui %xor3A_931, %shift_right_logical3A_937 : vector<8x640xi32>
    %or3A_939 = arith.ori %shift_left3A_935, %shift_right_logical3A_938 : vector<8x640xi32>
    %xor3A_940 = arith.xori %add3A_932, %or3A_939 : vector<8x640xi32>
    %add3A_941 = arith.constant 1724713080 : i32
    %add3A_942 = vector.broadcast %add3A_941 : i32 to vector<8x640xi32>
    %add3A_943 = arith.addi %add3A_932, %add3A_942 : vector<8x640xi32>
    %add3A_944 = arith.constant 1832780948 : i32
    %add3A_945 = vector.broadcast %add3A_944 : i32 to vector<8x640xi32>
    %add3A_946 = arith.addi %xor3A_940, %add3A_945 : vector<8x640xi32>
    %xor3A_947 = arith.xori %add3A_943, %add3A_946 : vector<8x640xi32>
    %shift_right_logical3A_948 = arith.constant 9 : i32
    %shift_right_logical3A_949 = vector.broadcast %shift_right_logical3A_948 : i32 to vector<8x640xi32>
    %shift_right_logical3A_950 = arith.shrui %xor3A_947, %shift_right_logical3A_949 : vector<8x640xi32>
    %or3A_951 = arith.constant 1065353216 : i32
    %or3A_952 = vector.broadcast %or3A_951 : i32 to vector<8x640xi32>
    %or3A_953 = arith.ori %shift_right_logical3A_950, %or3A_952 : vector<8x640xi32>
    %bitcast_convert_type3A_954 = tpu.bitcast %or3A_953 : vector<8x640xi32> -> vector<8x640xf32>
    %sub3A_955 = arith.constant 1.000000e+00 : f32
    %sub3A_956 = vector.broadcast %sub3A_955 : f32 to vector<8x640xf32>
    %sub3A_957 = arith.subf %bitcast_convert_type3A_954, %sub3A_956 : vector<8x640xf32>
    %get3A_958 = arith.constant 123 : index
    %get3A_959 = arith.constant 0 : index
    %get3A_960 = arith.constant 0 : index
    %get3A_961 = vector.load %arg1[%get3A_958, %get3A_959, %get3A_960] : memref<125x8x640xf32, #tpu.memory_space<vmem>>, vector<1x8x640xf32>
    %get3A_962 = vector.shape_cast %get3A_961 : vector<1x8x640xf32> to vector<8x640xf32>
    %log3A_963 = math.log %sub3A_957 : vector<8x640xf32>
    %log3A_964 = arith.constant 2.000000e+00 : f32
    %log3A_965 = math.log %log3A_964 : f32
    %div3A_966 = vector.broadcast %log3A_965 : f32 to vector<8x640xf32>
    %div3A_967 = arith.divf %log3A_963, %div3A_966 : vector<8x640xf32>
    %mul3A_968 = arith.mulf %div3A_967, %get3A_962 : vector<8x640xf32>
    %lt3A_969 = arith.cmpf olt, %mul3A_968, %select_n3A_728 : vector<8x640xf32>
    %select_n3A_970 = arith.select %lt3A_969, %mul3A_968, %select_n3A_728 : vector<8x640xi1>, vector<8x640xf32>
    %jit3A_971 = arith.constant 123 : i32
    %broadcast_in_dim3A_972 = vector.broadcast %jit3A_971 : i32 to vector<8x640xi32>
    %select_n3A_973 = arith.select %lt3A_969, %broadcast_in_dim3A_972, %select_n3A_731 : vector<8x640xi1>, vector<8x640xi32>
    %add3A_974 = arith.constant 79360 : i32
    %add3A_975 = vector.broadcast %add3A_974 : i32 to vector<8x640xi32>
    %add3A_976 = arith.addi %add3A_9, %add3A_975 : vector<8x640xi32>
    %add3A_977 = arith.constant 1832780943 : i32
    %add3A_978 = vector.broadcast %add3A_977 : i32 to vector<8x640xi32>
    %add3A_979 = arith.addi %add3A_976, %add3A_978 : vector<8x640xi32>
    %shift_left3A_980 = arith.constant 13 : i32
    %shift_left3A_981 = vector.broadcast %shift_left3A_980 : i32 to vector<8x640xi32>
    %shift_left3A_982 = arith.shli %add3A_976, %shift_left3A_981 : vector<8x640xi32>
    %shift_right_logical3A_983 = arith.constant 19 : i32
    %shift_right_logical3A_984 = vector.broadcast %shift_right_logical3A_983 : i32 to vector<8x640xi32>
    %shift_right_logical3A_985 = arith.shrui %add3A_976, %shift_right_logical3A_984 : vector<8x640xi32>
    %or3A_986 = arith.ori %shift_left3A_982, %shift_right_logical3A_985 : vector<8x640xi32>
    %xor3A_987 = arith.xori %add3A_979, %or3A_986 : vector<8x640xi32>
    %add3A_988 = arith.addi %add3A_979, %xor3A_987 : vector<8x640xi32>
    %shift_left3A_989 = arith.constant 15 : i32
    %shift_left3A_990 = vector.broadcast %shift_left3A_989 : i32 to vector<8x640xi32>
    %shift_left3A_991 = arith.shli %xor3A_987, %shift_left3A_990 : vector<8x640xi32>
    %shift_right_logical3A_992 = arith.constant 17 : i32
    %shift_right_logical3A_993 = vector.broadcast %shift_right_logical3A_992 : i32 to vector<8x640xi32>
    %shift_right_logical3A_994 = arith.shrui %xor3A_987, %shift_right_logical3A_993 : vector<8x640xi32>
    %or3A_995 = arith.ori %shift_left3A_991, %shift_right_logical3A_994 : vector<8x640xi32>
    %xor3A_996 = arith.xori %add3A_988, %or3A_995 : vector<8x640xi32>
    %add3A_997 = arith.addi %add3A_988, %xor3A_996 : vector<8x640xi32>
    %shift_left3A_998 = arith.constant 26 : i32
    %shift_left3A_999 = vector.broadcast %shift_left3A_998 : i32 to vector<8x640xi32>
    %shift_left3A_1000 = arith.shli %xor3A_996, %shift_left3A_999 : vector<8x640xi32>
    %shift_right_logical3A_1001 = arith.constant 6 : i32
    %shift_right_logical3A_1002 = vector.broadcast %shift_right_logical3A_1001 : i32 to vector<8x640xi32>
    %shift_right_logical3A_1003 = arith.shrui %xor3A_996, %shift_right_logical3A_1002 : vector<8x640xi32>
    %or3A_1004 = arith.ori %shift_left3A_1000, %shift_right_logical3A_1003 : vector<8x640xi32>
    %xor3A_1005 = arith.xori %add3A_997, %or3A_1004 : vector<8x640xi32>
    %add3A_1006 = arith.addi %add3A_997, %xor3A_1005 : vector<8x640xi32>
    %shift_left3A_1007 = arith.constant 6 : i32
    %shift_left3A_1008 = vector.broadcast %shift_left3A_1007 : i32 to vector<8x640xi32>
    %shift_left3A_1009 = arith.shli %xor3A_1005, %shift_left3A_1008 : vector<8x640xi32>
    %shift_right_logical3A_1010 = arith.constant 26 : i32
    %shift_right_logical3A_1011 = vector.broadcast %shift_right_logical3A_1010 : i32 to vector<8x640xi32>
    %shift_right_logical3A_1012 = arith.shrui %xor3A_1005, %shift_right_logical3A_1011 : vector<8x640xi32>
    %or3A_1013 = arith.ori %shift_left3A_1009, %shift_right_logical3A_1012 : vector<8x640xi32>
    %xor3A_1014 = arith.xori %add3A_1006, %or3A_1013 : vector<8x640xi32>
    %add3A_1015 = arith.constant 270669613 : i32
    %add3A_1016 = vector.broadcast %add3A_1015 : i32 to vector<8x640xi32>
    %add3A_1017 = arith.addi %add3A_1006, %add3A_1016 : vector<8x640xi32>
    %add3A_1018 = arith.constant 1724713081 : i32
    %add3A_1019 = vector.broadcast %add3A_1018 : i32 to vector<8x640xi32>
    %add3A_1020 = arith.addi %xor3A_1014, %add3A_1019 : vector<8x640xi32>
    %add3A_1021 = arith.addi %add3A_1017, %add3A_1020 : vector<8x640xi32>
    %shift_left3A_1022 = arith.constant 17 : i32
    %shift_left3A_1023 = vector.broadcast %shift_left3A_1022 : i32 to vector<8x640xi32>
    %shift_left3A_1024 = arith.shli %add3A_1020, %shift_left3A_1023 : vector<8x640xi32>
    %shift_right_logical3A_1025 = arith.constant 15 : i32
    %shift_right_logical3A_1026 = vector.broadcast %shift_right_logical3A_1025 : i32 to vector<8x640xi32>
    %shift_right_logical3A_1027 = arith.shrui %add3A_1020, %shift_right_logical3A_1026 : vector<8x640xi32>
    %or3A_1028 = arith.ori %shift_left3A_1024, %shift_right_logical3A_1027 : vector<8x640xi32>
    %xor3A_1029 = arith.xori %add3A_1021, %or3A_1028 : vector<8x640xi32>
    %add3A_1030 = arith.addi %add3A_1021, %xor3A_1029 : vector<8x640xi32>
    %shift_left3A_1031 = arith.constant 29 : i32
    %shift_left3A_1032 = vector.broadcast %shift_left3A_1031 : i32 to vector<8x640xi32>
    %shift_left3A_1033 = arith.shli %xor3A_1029, %shift_left3A_1032 : vector<8x640xi32>
    %shift_right_logical3A_1034 = arith.constant 3 : i32
    %shift_right_logical3A_1035 = vector.broadcast %shift_right_logical3A_1034 : i32 to vector<8x640xi32>
    %shift_right_logical3A_1036 = arith.shrui %xor3A_1029, %shift_right_logical3A_1035 : vector<8x640xi32>
    %or3A_1037 = arith.ori %shift_left3A_1033, %shift_right_logical3A_1036 : vector<8x640xi32>
    %xor3A_1038 = arith.xori %add3A_1030, %or3A_1037 : vector<8x640xi32>
    %add3A_1039 = arith.addi %add3A_1030, %xor3A_1038 : vector<8x640xi32>
    %shift_left3A_1040 = arith.constant 16 : i32
    %shift_left3A_1041 = vector.broadcast %shift_left3A_1040 : i32 to vector<8x640xi32>
    %shift_left3A_1042 = arith.shli %xor3A_1038, %shift_left3A_1041 : vector<8x640xi32>
    %shift_right_logical3A_1043 = arith.constant 16 : i32
    %shift_right_logical3A_1044 = vector.broadcast %shift_right_logical3A_1043 : i32 to vector<8x640xi32>
    %shift_right_logical3A_1045 = arith.shrui %xor3A_1038, %shift_right_logical3A_1044 : vector<8x640xi32>
    %or3A_1046 = arith.ori %shift_left3A_1042, %shift_right_logical3A_1045 : vector<8x640xi32>
    %xor3A_1047 = arith.xori %add3A_1039, %or3A_1046 : vector<8x640xi32>
    %add3A_1048 = arith.addi %add3A_1039, %xor3A_1047 : vector<8x640xi32>
    %shift_left3A_1049 = arith.constant 24 : i32
    %shift_left3A_1050 = vector.broadcast %shift_left3A_1049 : i32 to vector<8x640xi32>
    %shift_left3A_1051 = arith.shli %xor3A_1047, %shift_left3A_1050 : vector<8x640xi32>
    %shift_right_logical3A_1052 = arith.constant 8 : i32
    %shift_right_logical3A_1053 = vector.broadcast %shift_right_logical3A_1052 : i32 to vector<8x640xi32>
    %shift_right_logical3A_1054 = arith.shrui %xor3A_1047, %shift_right_logical3A_1053 : vector<8x640xi32>
    %or3A_1055 = arith.ori %shift_left3A_1051, %shift_right_logical3A_1054 : vector<8x640xi32>
    %xor3A_1056 = arith.xori %add3A_1048, %or3A_1055 : vector<8x640xi32>
    %add3A_1057 = arith.constant 1724713080 : i32
    %add3A_1058 = vector.broadcast %add3A_1057 : i32 to vector<8x640xi32>
    %add3A_1059 = arith.addi %add3A_1048, %add3A_1058 : vector<8x640xi32>
    %add3A_1060 = arith.constant 1832780945 : i32
    %add3A_1061 = vector.broadcast %add3A_1060 : i32 to vector<8x640xi32>
    %add3A_1062 = arith.addi %xor3A_1056, %add3A_1061 : vector<8x640xi32>
    %add3A_1063 = arith.addi %add3A_1059, %add3A_1062 : vector<8x640xi32>
    %shift_left3A_1064 = arith.constant 13 : i32
    %shift_left3A_1065 = vector.broadcast %shift_left3A_1064 : i32 to vector<8x640xi32>
    %shift_left3A_1066 = arith.shli %add3A_1062, %shift_left3A_1065 : vector<8x640xi32>
    %shift_right_logical3A_1067 = arith.constant 19 : i32
    %shift_right_logical3A_1068 = vector.broadcast %shift_right_logical3A_1067 : i32 to vector<8x640xi32>
    %shift_right_logical3A_1069 = arith.shrui %add3A_1062, %shift_right_logical3A_1068 : vector<8x640xi32>
    %or3A_1070 = arith.ori %shift_left3A_1066, %shift_right_logical3A_1069 : vector<8x640xi32>
    %xor3A_1071 = arith.xori %add3A_1063, %or3A_1070 : vector<8x640xi32>
    %add3A_1072 = arith.addi %add3A_1063, %xor3A_1071 : vector<8x640xi32>
    %shift_left3A_1073 = arith.constant 15 : i32
    %shift_left3A_1074 = vector.broadcast %shift_left3A_1073 : i32 to vector<8x640xi32>
    %shift_left3A_1075 = arith.shli %xor3A_1071, %shift_left3A_1074 : vector<8x640xi32>
    %shift_right_logical3A_1076 = arith.constant 17 : i32
    %shift_right_logical3A_1077 = vector.broadcast %shift_right_logical3A_1076 : i32 to vector<8x640xi32>
    %shift_right_logical3A_1078 = arith.shrui %xor3A_1071, %shift_right_logical3A_1077 : vector<8x640xi32>
    %or3A_1079 = arith.ori %shift_left3A_1075, %shift_right_logical3A_1078 : vector<8x640xi32>
    %xor3A_1080 = arith.xori %add3A_1072, %or3A_1079 : vector<8x640xi32>
    %add3A_1081 = arith.addi %add3A_1072, %xor3A_1080 : vector<8x640xi32>
    %shift_left3A_1082 = arith.constant 26 : i32
    %shift_left3A_1083 = vector.broadcast %shift_left3A_1082 : i32 to vector<8x640xi32>
    %shift_left3A_1084 = arith.shli %xor3A_1080, %shift_left3A_1083 : vector<8x640xi32>
    %shift_right_logical3A_1085 = arith.constant 6 : i32
    %shift_right_logical3A_1086 = vector.broadcast %shift_right_logical3A_1085 : i32 to vector<8x640xi32>
    %shift_right_logical3A_1087 = arith.shrui %xor3A_1080, %shift_right_logical3A_1086 : vector<8x640xi32>
    %or3A_1088 = arith.ori %shift_left3A_1084, %shift_right_logical3A_1087 : vector<8x640xi32>
    %xor3A_1089 = arith.xori %add3A_1081, %or3A_1088 : vector<8x640xi32>
    %add3A_1090 = arith.addi %add3A_1081, %xor3A_1089 : vector<8x640xi32>
    %shift_left3A_1091 = arith.constant 6 : i32
    %shift_left3A_1092 = vector.broadcast %shift_left3A_1091 : i32 to vector<8x640xi32>
    %shift_left3A_1093 = arith.shli %xor3A_1089, %shift_left3A_1092 : vector<8x640xi32>
    %shift_right_logical3A_1094 = arith.constant 26 : i32
    %shift_right_logical3A_1095 = vector.broadcast %shift_right_logical3A_1094 : i32 to vector<8x640xi32>
    %shift_right_logical3A_1096 = arith.shrui %xor3A_1089, %shift_right_logical3A_1095 : vector<8x640xi32>
    %or3A_1097 = arith.ori %shift_left3A_1093, %shift_right_logical3A_1096 : vector<8x640xi32>
    %xor3A_1098 = arith.xori %add3A_1090, %or3A_1097 : vector<8x640xi32>
    %add3A_1099 = arith.constant 1832780943 : i32
    %add3A_1100 = vector.broadcast %add3A_1099 : i32 to vector<8x640xi32>
    %add3A_1101 = arith.addi %add3A_1090, %add3A_1100 : vector<8x640xi32>
    %add3A_1102 = arith.constant 270669616 : i32
    %add3A_1103 = vector.broadcast %add3A_1102 : i32 to vector<8x640xi32>
    %add3A_1104 = arith.addi %xor3A_1098, %add3A_1103 : vector<8x640xi32>
    %add3A_1105 = arith.addi %add3A_1101, %add3A_1104 : vector<8x640xi32>
    %shift_left3A_1106 = arith.constant 17 : i32
    %shift_left3A_1107 = vector.broadcast %shift_left3A_1106 : i32 to vector<8x640xi32>
    %shift_left3A_1108 = arith.shli %add3A_1104, %shift_left3A_1107 : vector<8x640xi32>
    %shift_right_logical3A_1109 = arith.constant 15 : i32
    %shift_right_logical3A_1110 = vector.broadcast %shift_right_logical3A_1109 : i32 to vector<8x640xi32>
    %shift_right_logical3A_1111 = arith.shrui %add3A_1104, %shift_right_logical3A_1110 : vector<8x640xi32>
    %or3A_1112 = arith.ori %shift_left3A_1108, %shift_right_logical3A_1111 : vector<8x640xi32>
    %xor3A_1113 = arith.xori %add3A_1105, %or3A_1112 : vector<8x640xi32>
    %add3A_1114 = arith.addi %add3A_1105, %xor3A_1113 : vector<8x640xi32>
    %shift_left3A_1115 = arith.constant 29 : i32
    %shift_left3A_1116 = vector.broadcast %shift_left3A_1115 : i32 to vector<8x640xi32>
    %shift_left3A_1117 = arith.shli %xor3A_1113, %shift_left3A_1116 : vector<8x640xi32>
    %shift_right_logical3A_1118 = arith.constant 3 : i32
    %shift_right_logical3A_1119 = vector.broadcast %shift_right_logical3A_1118 : i32 to vector<8x640xi32>
    %shift_right_logical3A_1120 = arith.shrui %xor3A_1113, %shift_right_logical3A_1119 : vector<8x640xi32>
    %or3A_1121 = arith.ori %shift_left3A_1117, %shift_right_logical3A_1120 : vector<8x640xi32>
    %xor3A_1122 = arith.xori %add3A_1114, %or3A_1121 : vector<8x640xi32>
    %add3A_1123 = arith.addi %add3A_1114, %xor3A_1122 : vector<8x640xi32>
    %shift_left3A_1124 = arith.constant 16 : i32
    %shift_left3A_1125 = vector.broadcast %shift_left3A_1124 : i32 to vector<8x640xi32>
    %shift_left3A_1126 = arith.shli %xor3A_1122, %shift_left3A_1125 : vector<8x640xi32>
    %shift_right_logical3A_1127 = arith.constant 16 : i32
    %shift_right_logical3A_1128 = vector.broadcast %shift_right_logical3A_1127 : i32 to vector<8x640xi32>
    %shift_right_logical3A_1129 = arith.shrui %xor3A_1122, %shift_right_logical3A_1128 : vector<8x640xi32>
    %or3A_1130 = arith.ori %shift_left3A_1126, %shift_right_logical3A_1129 : vector<8x640xi32>
    %xor3A_1131 = arith.xori %add3A_1123, %or3A_1130 : vector<8x640xi32>
    %add3A_1132 = arith.addi %add3A_1123, %xor3A_1131 : vector<8x640xi32>
    %shift_left3A_1133 = arith.constant 24 : i32
    %shift_left3A_1134 = vector.broadcast %shift_left3A_1133 : i32 to vector<8x640xi32>
    %shift_left3A_1135 = arith.shli %xor3A_1131, %shift_left3A_1134 : vector<8x640xi32>
    %shift_right_logical3A_1136 = arith.constant 8 : i32
    %shift_right_logical3A_1137 = vector.broadcast %shift_right_logical3A_1136 : i32 to vector<8x640xi32>
    %shift_right_logical3A_1138 = arith.shrui %xor3A_1131, %shift_right_logical3A_1137 : vector<8x640xi32>
    %or3A_1139 = arith.ori %shift_left3A_1135, %shift_right_logical3A_1138 : vector<8x640xi32>
    %xor3A_1140 = arith.xori %add3A_1132, %or3A_1139 : vector<8x640xi32>
    %add3A_1141 = arith.constant 270669613 : i32
    %add3A_1142 = vector.broadcast %add3A_1141 : i32 to vector<8x640xi32>
    %add3A_1143 = arith.addi %add3A_1132, %add3A_1142 : vector<8x640xi32>
    %add3A_1144 = arith.constant 1724713084 : i32
    %add3A_1145 = vector.broadcast %add3A_1144 : i32 to vector<8x640xi32>
    %add3A_1146 = arith.addi %xor3A_1140, %add3A_1145 : vector<8x640xi32>
    %add3A_1147 = arith.addi %add3A_1143, %add3A_1146 : vector<8x640xi32>
    %shift_left3A_1148 = arith.constant 13 : i32
    %shift_left3A_1149 = vector.broadcast %shift_left3A_1148 : i32 to vector<8x640xi32>
    %shift_left3A_1150 = arith.shli %add3A_1146, %shift_left3A_1149 : vector<8x640xi32>
    %shift_right_logical3A_1151 = arith.constant 19 : i32
    %shift_right_logical3A_1152 = vector.broadcast %shift_right_logical3A_1151 : i32 to vector<8x640xi32>
    %shift_right_logical3A_1153 = arith.shrui %add3A_1146, %shift_right_logical3A_1152 : vector<8x640xi32>
    %or3A_1154 = arith.ori %shift_left3A_1150, %shift_right_logical3A_1153 : vector<8x640xi32>
    %xor3A_1155 = arith.xori %add3A_1147, %or3A_1154 : vector<8x640xi32>
    %add3A_1156 = arith.addi %add3A_1147, %xor3A_1155 : vector<8x640xi32>
    %shift_left3A_1157 = arith.constant 15 : i32
    %shift_left3A_1158 = vector.broadcast %shift_left3A_1157 : i32 to vector<8x640xi32>
    %shift_left3A_1159 = arith.shli %xor3A_1155, %shift_left3A_1158 : vector<8x640xi32>
    %shift_right_logical3A_1160 = arith.constant 17 : i32
    %shift_right_logical3A_1161 = vector.broadcast %shift_right_logical3A_1160 : i32 to vector<8x640xi32>
    %shift_right_logical3A_1162 = arith.shrui %xor3A_1155, %shift_right_logical3A_1161 : vector<8x640xi32>
    %or3A_1163 = arith.ori %shift_left3A_1159, %shift_right_logical3A_1162 : vector<8x640xi32>
    %xor3A_1164 = arith.xori %add3A_1156, %or3A_1163 : vector<8x640xi32>
    %add3A_1165 = arith.addi %add3A_1156, %xor3A_1164 : vector<8x640xi32>
    %shift_left3A_1166 = arith.constant 26 : i32
    %shift_left3A_1167 = vector.broadcast %shift_left3A_1166 : i32 to vector<8x640xi32>
    %shift_left3A_1168 = arith.shli %xor3A_1164, %shift_left3A_1167 : vector<8x640xi32>
    %shift_right_logical3A_1169 = arith.constant 6 : i32
    %shift_right_logical3A_1170 = vector.broadcast %shift_right_logical3A_1169 : i32 to vector<8x640xi32>
    %shift_right_logical3A_1171 = arith.shrui %xor3A_1164, %shift_right_logical3A_1170 : vector<8x640xi32>
    %or3A_1172 = arith.ori %shift_left3A_1168, %shift_right_logical3A_1171 : vector<8x640xi32>
    %xor3A_1173 = arith.xori %add3A_1165, %or3A_1172 : vector<8x640xi32>
    %add3A_1174 = arith.addi %add3A_1165, %xor3A_1173 : vector<8x640xi32>
    %shift_left3A_1175 = arith.constant 6 : i32
    %shift_left3A_1176 = vector.broadcast %shift_left3A_1175 : i32 to vector<8x640xi32>
    %shift_left3A_1177 = arith.shli %xor3A_1173, %shift_left3A_1176 : vector<8x640xi32>
    %shift_right_logical3A_1178 = arith.constant 26 : i32
    %shift_right_logical3A_1179 = vector.broadcast %shift_right_logical3A_1178 : i32 to vector<8x640xi32>
    %shift_right_logical3A_1180 = arith.shrui %xor3A_1173, %shift_right_logical3A_1179 : vector<8x640xi32>
    %or3A_1181 = arith.ori %shift_left3A_1177, %shift_right_logical3A_1180 : vector<8x640xi32>
    %xor3A_1182 = arith.xori %add3A_1174, %or3A_1181 : vector<8x640xi32>
    %add3A_1183 = arith.constant 1724713080 : i32
    %add3A_1184 = vector.broadcast %add3A_1183 : i32 to vector<8x640xi32>
    %add3A_1185 = arith.addi %add3A_1174, %add3A_1184 : vector<8x640xi32>
    %add3A_1186 = arith.constant 1832780948 : i32
    %add3A_1187 = vector.broadcast %add3A_1186 : i32 to vector<8x640xi32>
    %add3A_1188 = arith.addi %xor3A_1182, %add3A_1187 : vector<8x640xi32>
    %xor3A_1189 = arith.xori %add3A_1185, %add3A_1188 : vector<8x640xi32>
    %shift_right_logical3A_1190 = arith.constant 9 : i32
    %shift_right_logical3A_1191 = vector.broadcast %shift_right_logical3A_1190 : i32 to vector<8x640xi32>
    %shift_right_logical3A_1192 = arith.shrui %xor3A_1189, %shift_right_logical3A_1191 : vector<8x640xi32>
    %or3A_1193 = arith.constant 1065353216 : i32
    %or3A_1194 = vector.broadcast %or3A_1193 : i32 to vector<8x640xi32>
    %or3A_1195 = arith.ori %shift_right_logical3A_1192, %or3A_1194 : vector<8x640xi32>
    %bitcast_convert_type3A_1196 = tpu.bitcast %or3A_1195 : vector<8x640xi32> -> vector<8x640xf32>
    %sub3A_1197 = arith.constant 1.000000e+00 : f32
    %sub3A_1198 = vector.broadcast %sub3A_1197 : f32 to vector<8x640xf32>
    %sub3A_1199 = arith.subf %bitcast_convert_type3A_1196, %sub3A_1198 : vector<8x640xf32>
    %get3A_1200 = arith.constant 124 : index
    %get3A_1201 = arith.constant 0 : index
    %get3A_1202 = arith.constant 0 : index
    %get3A_1203 = vector.load %arg1[%get3A_1200, %get3A_1201, %get3A_1202] : memref<125x8x640xf32, #tpu.memory_space<vmem>>, vector<1x8x640xf32>
    %get3A_1204 = vector.shape_cast %get3A_1203 : vector<1x8x640xf32> to vector<8x640xf32>
    %log3A_1205 = math.log %sub3A_1199 : vector<8x640xf32>
    %log3A_1206 = arith.constant 2.000000e+00 : f32
    %log3A_1207 = math.log %log3A_1206 : f32
    %div3A_1208 = vector.broadcast %log3A_1207 : f32 to vector<8x640xf32>
    %div3A_1209 = arith.divf %log3A_1205, %div3A_1208 : vector<8x640xf32>
    %mul3A_1210 = arith.mulf %div3A_1209, %get3A_1204 : vector<8x640xf32>
    %lt3A_1211 = arith.cmpf olt, %mul3A_1210, %select_n3A_970 : vector<8x640xf32>
    %select_n3A_1212 = arith.select %lt3A_1211, %mul3A_1210, %select_n3A_970 : vector<8x640xi1>, vector<8x640xf32>
    %jit3A_1213 = arith.constant 124 : i32
    %broadcast_in_dim3A_1214 = vector.broadcast %jit3A_1213 : i32 to vector<8x640xi32>
    %select_n3A_1215 = arith.select %lt3A_1211, %broadcast_in_dim3A_1214, %select_n3A_973 : vector<8x640xi1>, vector<8x640xi32>
    %mul3A_1216 = arith.constant 640 : i32
    %mul3A_1217 = vector.broadcast %mul3A_1216 : i32 to vector<8x640xi32>
    %mul3A_1218 = arith.muli %select_n3A_1215, %mul3A_1217 : vector<8x640xi32>
    %iota3A_1219 = tpu.iota {dimensions = array<i32: 1>} : vector<8x640xi32>
    %add3A_1220 = arith.addi %mul3A_1218, %iota3A_1219 : vector<8x640xi32>
    %reduce_min3A = arith.constant dense<0x7F800000> : vector<8xf32>
    %reduce_min3A_1221 = vector.multi_reduction <minimumf>, %select_n3A_1212, %reduce_min3A [1] : vector<8x640xf32> to vector<8xf32>
    %broadcast_in_dim3A_1222 = vector.shape_cast %reduce_min3A_1221 : vector<8xf32> to vector<8x1xf32>
    %eq3A = vector.broadcast %broadcast_in_dim3A_1222 : vector<8x1xf32> to vector<8x640xf32>
    %eq3A_1223 = arith.cmpf oeq, %select_n3A_1212, %eq3A : vector<8x640xf32>
    %jit3A_1224 = arith.constant 2147483647 : i32
    %broadcast_in_dim3A_1225 = vector.broadcast %jit3A_1224 : i32 to vector<8x640xi32>
    %select_n3A_1226 = arith.select %eq3A_1223, %add3A_1220, %broadcast_in_dim3A_1225 : vector<8x640xi1>, vector<8x640xi32>
    %reduce_min3A_1227 = arith.constant dense<2147483647> : vector<8xi32>
    %reduce_min3A_1228 = vector.multi_reduction <minsi>, %select_n3A_1226, %reduce_min3A_1227 [1] : vector<8x640xi32> to vector<8xi32>
    %broadcast_in_dim3A_1229 = vector.shape_cast %reduce_min3A_1228 : vector<8xi32> to vector<8x1xi32>
    %swap3A = arith.constant 0 : index
    %swap3A_1230 = arith.constant 0 : index
    %swap3A_1231 = vector.load %arg2[%swap3A, %swap3A_1230] : memref<8x1xi32, #tpu.memory_space<vmem>>, vector<8x1xi32>
    tpu.vector_store %arg2[%swap3A, %swap3A_1230], %broadcast_in_dim3A_1229 {strides = array<i32>} : memref<8x1xi32, #tpu.memory_space<vmem>>, vector<8x1xi32>,
    return
  }
  func.func @transform_0(%arg0: i32) -> (i32, i32, i32) {
    %c0_i32 = arith.constant 0 : i32
    %c0_i32_0 = arith.constant 0 : i32
    %c0_i32_1 = arith.constant 0 : i32
    %c0_i32_2 = arith.constant 0 : i32
    return %c0_i32, %c0_i32_0, %c0_i32_1 : i32, i32, i32
  }
  func.func @transform_1(%arg0: i32) -> (i32, i32) {
    %c0_i32 = arith.constant 0 : i32
    %c0_i32_0 = arith.constant 0 : i32
    return %arg0, %c0_i32 : i32, i32
  }
}

module attributes {stable_mosaic.version = 14 : i64} {
  func.func @_chamfer_body(%arg0: i32, %arg1: memref<1024x8xf32, #tpu.memory_space<vmem>>, %arg2: memref<8x5120xf32, #tpu.memory_space<vmem>>, %arg3: memref<8x128xf32, #tpu.memory_space<vmem>>, %arg4: memref<40x128xf32, #tpu.memory_space<vmem>>) attributes {dimension_semantics = [#tpu.dimension_semantics<arbitrary>], iteration_bounds = array<i64: 5>, scalar_prefetch = 0 : i64, scratch_operands = 0 : i64, tpu.core_type = #tpu.core_type<tc>, window_params = [{transform_indices = @transform_0, window_bounds = array<i64: 1024, 8>}, {pipeline_mode = #tpu.pipeline_mode<synchronous>, transform_indices = @transform_1, window_bounds = array<i64: 8, 5120>}, {transform_indices = @transform_2, window_bounds = array<i64: 8, 128>}, {pipeline_mode = #tpu.pipeline_mode<synchronous>, transform_indices = @transform_3, window_bounds = array<i64: 40, 128>}]} {
    %get3A = arith.constant 0 : index
    %get3A_0 = arith.constant 0 : index
    %get3A_1 = vector.load %arg1[%get3A, %get3A_0] : memref<1024x8xf32, #tpu.memory_space<vmem>>, vector<1024x8xf32>
    %get3A_2 = arith.constant 0 : index
    %get3A_3 = arith.constant 0 : index
    %get3A_4 = vector.load %arg2[%get3A_2, %get3A_3] : memref<8x5120xf32, #tpu.memory_space<vmem>>, vector<8x5120xf32>
    %broadcast_in_dim3A = arith.constant 0.000000e+00 : f32
    %broadcast_in_dim3A_5 = vector.broadcast %broadcast_in_dim3A : f32 to vector<1024x5120xf32>
    %slice3A = vector.extract_strided_slice %get3A_1 {offsets = [0, 0], sizes = [1024, 1], strides = [1, 1]} : vector<1024x8xf32> to vector<1024x1xf32>
    %slice3A_6 = vector.extract_strided_slice %get3A_4 {offsets = [0, 0], sizes = [1, 5120], strides = [1, 1]} : vector<8x5120xf32> to vector<1x5120xf32>
    %sub3A = vector.broadcast %slice3A : vector<1024x1xf32> to vector<1024x5120xf32>
    %sub3A_7 = vector.broadcast %slice3A_6 : vector<1x5120xf32> to vector<1024x5120xf32>
    %sub3A_8 = arith.subf %sub3A, %sub3A_7 : vector<1024x5120xf32>
    %mul3A = arith.mulf %sub3A_8, %sub3A_8 : vector<1024x5120xf32>
    %add3A = arith.addf %broadcast_in_dim3A_5, %mul3A : vector<1024x5120xf32>
    %slice3A_9 = vector.extract_strided_slice %get3A_1 {offsets = [0, 1], sizes = [1024, 1], strides = [1, 1]} : vector<1024x8xf32> to vector<1024x1xf32>
    %slice3A_10 = vector.extract_strided_slice %get3A_4 {offsets = [1, 0], sizes = [1, 5120], strides = [1, 1]} : vector<8x5120xf32> to vector<1x5120xf32>
    %sub3A_11 = vector.broadcast %slice3A_9 : vector<1024x1xf32> to vector<1024x5120xf32>
    %sub3A_12 = vector.broadcast %slice3A_10 : vector<1x5120xf32> to vector<1024x5120xf32>
    %sub3A_13 = arith.subf %sub3A_11, %sub3A_12 : vector<1024x5120xf32>
    %mul3A_14 = arith.mulf %sub3A_13, %sub3A_13 : vector<1024x5120xf32>
    %add3A_15 = arith.addf %add3A, %mul3A_14 : vector<1024x5120xf32>
    %slice3A_16 = vector.extract_strided_slice %get3A_1 {offsets = [0, 2], sizes = [1024, 1], strides = [1, 1]} : vector<1024x8xf32> to vector<1024x1xf32>
    %slice3A_17 = vector.extract_strided_slice %get3A_4 {offsets = [2, 0], sizes = [1, 5120], strides = [1, 1]} : vector<8x5120xf32> to vector<1x5120xf32>
    %sub3A_18 = vector.broadcast %slice3A_16 : vector<1024x1xf32> to vector<1024x5120xf32>
    %sub3A_19 = vector.broadcast %slice3A_17 : vector<1x5120xf32> to vector<1024x5120xf32>
    %sub3A_20 = arith.subf %sub3A_18, %sub3A_19 : vector<1024x5120xf32>
    %mul3A_21 = arith.mulf %sub3A_20, %sub3A_20 : vector<1024x5120xf32>
    %add3A_22 = arith.addf %add3A_15, %mul3A_21 : vector<1024x5120xf32>
    %reduce_min3A = arith.constant dense<0x7F800000> : vector<1024xf32>
    %reduce_min3A_23 = vector.multi_reduction <minimumf>, %add3A_22, %reduce_min3A [1] : vector<1024x5120xf32> to vector<1024xf32>
    %reshape3A = vector.shape_cast %reduce_min3A_23 : vector<1024xf32> to vector<8x128xf32>
    %swap3A = arith.constant 0 : index
    %swap3A_24 = arith.constant 0 : index
    %swap3A_25 = vector.load %arg3[%swap3A, %swap3A_24] : memref<8x128xf32, #tpu.memory_space<vmem>>, vector<8x128xf32>
    tpu.vector_store %arg3[%swap3A, %swap3A_24], %reshape3A {strides = array<i32>} : memref<8x128xf32, #tpu.memory_space<vmem>>, vector<8x128xf32>,
    %reduce_min3A_26 = arith.constant dense<0x7F800000> : vector<5120xf32>
    %reduce_min3A_27 = vector.multi_reduction <minimumf>, %add3A_22, %reduce_min3A_26 [0] : vector<1024x5120xf32> to vector<5120xf32>
    %reshape3A_28 = vector.shape_cast %reduce_min3A_27 : vector<5120xf32> to vector<40x128xf32>
    %eq3A = arith.constant 0 : i32
    %eq3A_29 = arith.cmpi eq, %arg0, %eq3A : i32
    %convert_element_type3A = arith.extui %eq3A_29 : i1 to i32
    %cond3A = arith.constant 0 : i32
    %cond3A_30 = arith.cmpi ne, %convert_element_type3A, %cond3A : i32
    scf.if %cond3A_30 {
      %swap3A_35 = arith.constant 0 : index
      %swap3A_36 = arith.constant 0 : index
      %swap3A_37 = vector.load %arg4[%swap3A_35, %swap3A_36] : memref<40x128xf32, #tpu.memory_space<vmem>>, vector<40x128xf32>
      tpu.vector_store %arg4[%swap3A_35, %swap3A_36], %reshape3A_28 {strides = array<i32>} : memref<40x128xf32, #tpu.memory_space<vmem>>, vector<40x128xf32>,
    } else {
    }
    %ne3A = arith.constant 0 : i32
    %ne3A_31 = arith.cmpi ne, %arg0, %ne3A : i32
    %convert_element_type3A_32 = arith.extui %ne3A_31 : i1 to i32
    %cond3A_33 = arith.constant 0 : i32
    %cond3A_34 = arith.cmpi ne, %convert_element_type3A_32, %cond3A_33 : i32
    scf.if %cond3A_34 {
      %get3A_35 = arith.constant 0 : index
      %get3A_36 = arith.constant 0 : index
      %get3A_37 = vector.load %arg4[%get3A_35, %get3A_36] : memref<40x128xf32, #tpu.memory_space<vmem>>, vector<40x128xf32>
      %min3A = arith.minimumf %get3A_37, %reshape3A_28 : vector<40x128xf32>
      %swap3A_38 = arith.constant 0 : index
      %swap3A_39 = arith.constant 0 : index
      %swap3A_40 = vector.load %arg4[%swap3A_38, %swap3A_39] : memref<40x128xf32, #tpu.memory_space<vmem>>, vector<40x128xf32>
      tpu.vector_store %arg4[%swap3A_38, %swap3A_39], %min3A {strides = array<i32>} : memref<40x128xf32, #tpu.memory_space<vmem>>, vector<40x128xf32>,
    } else {
    }
    return
  }
  func.func @transform_0(%arg0: i32) -> (i32, i32) {
    %c0_i32 = arith.constant 0 : i32
    %c0_i32_0 = arith.constant 0 : i32
    return %arg0, %c0_i32 : i32, i32
  }
  func.func @transform_1(%arg0: i32) -> (i32, i32) {
    %c0_i32 = arith.constant 0 : i32
    %c0_i32_0 = arith.constant 0 : i32
    %c0_i32_1 = arith.constant 0 : i32
    return %c0_i32, %c0_i32_0 : i32, i32
  }
  func.func @transform_2(%arg0: i32) -> (i32, i32) {
    %c0_i32 = arith.constant 0 : i32
    %c0_i32_0 = arith.constant 0 : i32
    return %arg0, %c0_i32 : i32, i32
  }
  func.func @transform_3(%arg0: i32) -> (i32, i32) {
    %c0_i32 = arith.constant 0 : i32
    %c0_i32_0 = arith.constant 0 : i32
    %c0_i32_1 = arith.constant 0 : i32
    return %c0_i32, %c0_i32_0 : i32, i32
  }
}

</mosaic_0001>

<sc_bundles>
// kernel: gather_offload_async_start.1
scs
__scs_entry_jumppad:
0x0: {  	(pc) =	sbr.rel $0x88, $3  }
0x1: {  	(tag) =	ssettag $0x0;
	lr =	simm.s32 $0x1  }
0x2: {  	[smem:$0x3F9D] =	sst lr;
	_ =	strace $0xD0000000  }
0x3: {  	_ = 	snop  }
0x4: {  	_ = 	snop  }
0x5: {  	_ = 	snop  }
0x6: {  	_ = 	snop  }
0x7: {  	_ = 	snop  }
__scs_overlays_trampoline_lowered:
0x8: {  	[smem:$0x3FAC] =	sst s0  }
0x9: {  	[smem:$0x3FAD] =	sst s1  }
0xa: {  	[smem:$0x3FAE] =	sst s2  }
0xb: {  	[smem:$0x3FAF] =	sst s3  }
0xc: {  	[smem:$0x3FB0] =	sst s4  }
0xd: {  	[smem:$0x3FB1] =	sst s5  }
0xe: {  	[smem:$0x3FB2] =	sst s6  }
0xf: {  	[smem:$0x3FB3] =	sst s7  }
0x10: {  	[smem:$0x3FB4] =	sst s8  }
0x11: {  	[smem:$0x3FB5] =	sst s9;
	s0 =	simm.s32 @!p0 $0x0  }
0x12: {  	s1 =	sld [smem:$0x3F9B];
	s0 =	simm.s32 @p0 $0x1  }
0x13: {  	[smem:$0x3FB6] =	sst s0;
	s0 =	simm.s32 @!p1 $0x0  }
0x14: {  	s2 =	sld [smem:$0x3F9A];
	s0 =	simm.s32 @p1 $0x1  }
0x15: {  	[smem:$0x3FB7] =	sst s0;
	s0 =	simm.s32 @!p2 $0x0  }
0x16: {  	s3 =	sld [smem:$0x3FDB];
	s0 =	simm.s32 @p2 $0x1  }
0x17: {  	s4 =	simm.s32 $0x1BF5;
	[smem:$0x3FB9] =	sst s0  }
0x18: {  	s0 =	sld [smem:$0x3F9C];
	_ =	swait.ge [sflag:s4], $0x0  }
0x19: {  	s7 =	sld [smem:$0x3F9D]  }
0x1a: {  	s8 =	sadd.s32 $0xFFFFE003, lr  }
0x1b: {  	s9 =	sadd.s32 $0xFFFFFEF7, lr;
	s5 =	simm.s32 $0xFFFFFFFF;
	p2 =	slt.u32 s8, $0xFFFFF086  }
0x1c: {  	p1 =	slt.u32 s9, $0xF7A;
	s5 =	simm.s32 @!p2 $0x0  }
0x1d: {  	s5 =	simm.s32 @p1 $0x1;
	p0 =	seq.s32 s7, s2  }
0x1e: {  	s7 =	smul.u32 @!p0 $0xF7A, s2;
	p2 =	seq.s32 @!p0 s5, $0x0  }
0x1f: {  	s9 =	smul.u32 $0xF7A, s1;
	s8 =	simm.s32 @!p0 $0x1BF5;
	p2 =	por !p2, p0  }
0x20: {  	[sflag:s8] =	ssyncset.s32 @!p0 $0xFFFFF086;
	s6 =	sadd.s32 @!p0 s3, s7;
	s7 =	simm.s32 @!p0 $0x108  }
0x21: {  	s3 =	sadd.s32 s3, s9;
	s6 =	sadd.s32 @!p0 $0x88, s6;
	s7 =	simm.s32 @p2 $0x1082  }
0x22: {  	[simem:s7], [sflag:s8] =	dma.local @!p0 [hbm:s6], $0xF7A  }
0x23: {  	s9 =	sor.u32 $0xD0000000, s2;
	s6 =	simm.s32 $0x108;
	_ =	swait.ge @!p0 [sflag:s8], $0x0  }
0x24: {  	s3 =	sadd.s32 $0x88, s3;
	s6 =	simm.s32 @!p1 $0x1082;
	[sflag:s4] =	ssyncset.s32 $0xFFFFF086  }
0x25: {  	[simem:s6], [sflag:s4] =	dma.local [hbm:s3], $0xF7A  }
0x26: {  	[smem:$0x3F9D] =	sst s1;
	(tag) =	ssettag s2;
	_ =	strace s9  }
0x27: {  	s1 =	sld [smem:$0x3FAD]  }
0x28: {  	s2 =	sld [smem:$0x3FAE]  }
0x29: {  	s4 =	sld [smem:$0x3FB0]  }
0x2a: {  	p0 =	seq.s32 s5, $0x0;
	s5 =	sld [smem:$0x3FB1]  }
0x2b: {  	s6 =	sld [smem:$0x3FB2]  }
0x2c: {  	s7 =	sld [smem:$0x3FB3]  }
0x2d: {  	s3 =	simm.s32 $0x108;
	s8 =	sld [smem:$0x3FB4]  }
0x2e: {  	s3 =	simm.s32 @!p0 $0x1082;
	s9 =	sld [smem:$0x3FB5]  }
0x2f: {  	lr =	sadd.s32 s0, s3;
	s0 =	sld [smem:$0x3FAC]  }
0x30: {  	s3 =	sld [smem:$0x3FAF]  }
0x31: {  	[smem:$0x3FB8] =	sst s10  }
0x32: {  	s10 =	sld [smem:$0x3FB6];
	_ =	sdelay $0x3  }
0x33: {  	p0 =	seq.s32 s10, $0x1;
	s10 =	sld [smem:$0x3FB8];
	_ =	sdelay $0x3  }
0x34: {  	[smem:$0x3FB8] =	sst s10  }
0x35: {  	s10 =	sld [smem:$0x3FB7];
	_ =	sdelay $0x3  }
0x36: {  	p1 =	seq.s32 s10, $0x1;
	s10 =	sld [smem:$0x3FB8];
	_ =	sdelay $0x3  }
0x37: {  	[smem:$0x3FB8] =	sst s10  }
0x38: {  	s10 =	sld [smem:$0x3FB9]  }
0x39: {  	_ = 	snop;
	(pc) =	sbr.ind lr, $3  }
0x3a: {  	_ = 	snop  }
0x3b: {  	_ = 	snop  }
0x3c: {  	p2 =	seq.s32 s10, $0x1;
	s10 =	sld [smem:$0x3FB8]  }
0x3d: {  	_ =	shalt  }
0x3e: {  	_ =	shalt  }
0x3f: {  	_ =	shalt  }
0x40: {  	_ =	shalt  }
0x41: {  	_ =	shalt  }
0x42: {  	_ =	shalt  }
0x43: {  	_ =	shalt  }
0x44: {  	_ =	shalt  }
0x45: {  	_ =	shalt  }
0x46: {  	_ =	shalt  }
0x47: {  	_ =	shalt  }
0x48: {  	_ =	shalt  }
0x49: {  	_ =	shalt  }
0x4a: {  	_ =	shalt  }
0x4b: {  	_ =	shalt  }
0x4c: {  	_ =	shalt  }
0x4d: {  	_ =	shalt  }
0x4e: {  	_ =	shalt  }
0x4f: {  	_ =	shalt  }
0x50: {  	_ =	shalt  }
0x51: {  	_ =	shalt  }
0x52: {  	_ =	shalt  }
0x53: {  	_ =	shalt  }
0x54: {  	_ =	shalt  }
0x55: {  	_ =	shalt  }
0x56: {  	_ =	shalt  }
0x57: {  	_ =	shalt  }
0x58: {  	_ =	shalt  }
0x59: {  	_ =	shalt  }
0x5a: {  	_ =	shalt  }
0x5b: {  	_ =	shalt  }
0x5c: {  	_ =	shalt  }
0x5d: {  	_ =	shalt  }
0x5e: {  	_ =	shalt  }
0x5f: {  	_ =	shalt  }
0x60: {  	_ =	shalt  }
0x61: {  	_ =	shalt  }
0x62: {  	_ =	shalt  }
0x63: {  	_ =	shalt  }
0x64: {  	_ =	shalt  }
0x65: {  	_ =	shalt  }
0x66: {  	_ =	shalt  }
0x67: {  	_ =	shalt  }
0x68: {  	_ =	shalt  }
0x69: {  	_ =	shalt  }
0x6a: {  	_ =	shalt  }
0x6b: {  	_ =	shalt  }
0x6c: {  	_ =	shalt  }
0x6d: {  	_ =	shalt  }
0x6e: {  	_ =	shalt  }
0x6f: {  	_ =	shalt  }
0x70: {  	_ =	shalt  }
0x71: {  	_ =	shalt  }
0x72: {  	_ =	shalt  }
0x73: {  	_ =	shalt  }
0x74: {  	_ =	shalt  }
0x75: {  	_ =	shalt  }
0x76: {  	_ =	shalt  }
0x77: {  	_ =	shalt  }
0x78: {  	_ =	shalt  }
0x79: {  	_ =	shalt  }
0x7a: {  	_ =	shalt  }
0x7b: {  	_ =	shalt  }
0x7c: {  	_ =	shalt  }
0x7d: {  	_ =	shalt  }
0x7e: {  	_ =	shalt  }
0x7f: {  	_ =	shalt  }
0x80: {  	_ =	shalt  }
0x81: {  	_ =	shalt  }
0x82: {  	_ =	shalt  }
0x83: {  	_ =	shalt  }
0x84: {  	_ =	shalt  }
0x85: {  	_ =	shalt  }
0x86: {  	_ =	shalt  }
0x87: {  	_ =	shalt  }
.Lfunc_end0:
.L_simem_size_0:
called_computation.1_lowered:
.L_overlay_start_0:
0x88: {  	s0 =	sld [smem:$0x3FD9]  }
0x89: {  	s1 =	sld [smem:$0x3FFE];
	_ =	sdelay $0x3  }
0x8a: {  	s0 =	sadd.s32 s1, s0  }
0x8b: {  	[smem:$0x3FC4] =	sst s0  }
0x8c: {  	_ = 	snop  }
0x8d: {  	(tm) =	ssettm $0x1  }
0x8e: {  	s15 =	sld [smem:$0x3FFB];
	_ =	sdelay $0x3  }
0x8f: {  	_ =	strace s15  }
0x90: {  	s0 =	sld [smem:$0x3FFC];
	_ =	sdelay $0x3  }
0x91: {  	_ =	strace s0  }
0x92: {  	s0 =	sld [smem:$0x3FFD];
	_ =	sdelay $0x3  }
0x93: {  	_ =	strace s0  }
0x94: {  	_ =	strace $0x8FFFFFFF  }
0x95: {  	s16 =	sld [smem:$0x3FDB];
	_ =	sdelay $0x1  }
0x96: {  	s17 =	simm.s32 $_scs_section_size  }
0x97: {  	s2 =	simm.s32 $_size__tile_overlayer_lowered;
	s3 =	simm.s32 $_tile_overlayer_lowered  }
0x98: {  	s20 =	simm.s32 $0x1BFF;
	s19 =	sshll.u32 s3, $0x1;
	s0 =	sadd.s32 s17, s16  }
0x99: {  	s4 =	simm.s32 $0x0;
	s18 =	sshll.u32 s2, $0x1;
	s2 =	sadd.s32 s19, s0  }
0x9a: {  	[timem:s4], [sflag:s20] =	dma.local [hbm:s2], s18  }
0x9b: {  	_ =	swait.ge [sflag:s20], s18  }
0x9c: {  	s1 =	ssub.s32 $0x0, s18;
	[sflag:s20] =	ssyncset.done $0x0  }
0x9d: {  	[sflag:s20] =	ssyncadd.s32 s1;
	_ =	sdelay $0x1  }
0x9e: {  	s21 =	simm.s32 $0x1B8B  }
0x9f: {  	_ =	swait.ge [sflag:s21], $0x1  }
0xa0: {  	[sflag:s21] =	ssyncset.done $0x0  }
0xa1: {  	s23 =	simm.s32 $0x1B8E;
	s22 =	sld [smem:$0x3FFE];
	[sflag:s21] =	ssyncadd.s32 $0xFFFFFFFF  }
0xa2: {  	s24 =	simm.s32 $execute0_lowered;
	[smem:$0x3FD2] =	sst s23  }
0xa3: {  	s2 =	sshll.u32 s24, $0x1;
	_ =	strace $0x80000049;
	[dreg:$0x1] =	wrdreg $0xFFFFFFFF  }
0xa4: {  	s25 =	simm.s32 $_size_execute0_lowered;
	s0 =	sadd.s32 s0, s2;
	[dreg:$0x0] =	wrdreg $0x0  }
0xa5: {  	s2 =	sshll.u32 s25, $0x1;
	[dreg:$0x2] =	wrdreg s0  }
0xa6: {  	[dreg:$0x3] =	wrdreg s2  }
0xa7: {  	[dreg:$0x4] =	wrdreg $0xC0  }
0xa8: {  	_ =	task [dreg:s4], $0x5FFFF  }
0xa9: {  	[dreg:$0x1] =	wrdreg $0xFFFFFFFF  }
0xaa: {  	[dreg:$0x0] =	wrdreg $0x60  }
0xab: {  	[dreg:$0x2] =	wrdreg s22  }
0xac: {  	[dreg:$0x3] =	wrdreg $0xA  }
0xad: {  	_ =	task.clear_ibuf [dreg:s4], $0x4FFFF;
	_ =	strace $0x90000049  }
0xae: {  	s26 =	simm.s32 $0xA;
	_ =	strace $0x8000004B  }
0xaf: {  	_ =	swait.ge [sflag:s26], $0x1  }
0xb0: {  	[sflag:s26] =	ssyncadd.s32 $0xFFFFFFFF  }
0xb1: {  	_ =	strace $0x9000004B  }
0xb2: {  	_ =	sfence  }
0xb3: {  	s28 =	sld [smem:$0x0];
	_ =	sdelay $0x1  }
0xb4: {  	s29 =	srdreg.scid  }
0xb5: {  	s30 =	sshll.u32 s29, $0xD;
	s31 =	sshrl.u32 s29, $0x2  }
0xb6: {  	s1 =	sand.u32 $0x1, s29;
	s2 =	sand.u32 $0x4000, s30;
	s0 =	sadd.s32 s31, s28  }
0xb7: {  	s1 =	sor.u32 s2, s1;
	s0 =	sshll.u32 s0, $0x11  }
0xb8: {  	s0 =	sor.u32 s0, s1  }
0xb9: {  	s0 =	sadd.s32 $0x8F2B, s0  }
0xba: {  	[sflag:s0] =	ssyncadd.remote.s32 $0x1  }
0xbb: {  	_ =	sfence.sel $0xFFFF  }
0xbc: {  	[dreg:$0x0] =	wrdreg $0xFFFFFFFF;
	(pc) =	sbr.abs _section_cstart, $3  }
0xbd: {  	[dreg:$0x1] =	wrdreg $0xFFFFFFFF  }
0xbe: {  	_ =	task.clear_ibuf [dreg:s4], $0x2FFFF;
	_ =	strace $0x9FFFFFFF  }
0xbf: {  	(tm) =	ssettm $0x7FFFFFFF  }
tec
execute0_lowered:
.L_overlay_start_1:
0x0: {  	(tag) =	ssettag $0x1  }
0x1: {  	s0 =	stileid.u32  }
0x2: {  	s1 =	smin.u32 s0, $0x9  }
0x3: {  	s1 =	sadd.s32 s0, s1  }
0x4: {  	s2 =	simm.s32 $0x190;
	p0 =	slt.u32 s0, $0x9;
	s1 =	smul.u32 $0xC8, s1  }
0x5: {  	s2 =	simm.s32 @!p0 $0xC8  }
0x6: {  	s2 =	sadd.s32 s2, s1  }
0x7: {  	s3 =	smin.u32 s2, $0x1388  }
0x8: {  	s7 =	ssub.s32 s3, s1  }
0x9: {  	p0 =	sgt.s32 s7, $0x0  }
0xa: {  	s7 =	simm.s32 @!p0 $0x0  }
0xb: {  	s31 =	sand.u32 $0xFFF8, s7  }
0xc: {  	s2 =	sshrl.u32 s31, $0x3  }
0xd: {  	s4 =	smul.u32 $0x147B, s2  }
0xe: {  	s9 =	rddreg [dreg:$0x0];
	s6 =	simm.s32 $0x1;
	s11 =	simm.s32 $0x3  }
0xf: {  	s13 =	simm.s32 $0x0;
	s12 =	simm.s32 $0x0;
	s8 =	sshrl.u32 s4, $0x11  }
0x10: {  	s2 =	rddreg [dreg:$0x1];
	_ =	strace $0x8000004A;
	s10 =	smul.u32 $0xC8, s8  }
.Ltmp0:
0x11: {  	s5 =	sadd.s32 $0x200, s9;
	[sflag:s6] =	ssyncpa.u1 $0x0;
	(pc) =	sbr.rel .LBB2_1-.Ltmp0, $4  }
0x12: {  	s4 =	sadd.s32 $0x14C600, s9;
	p0 =	sne.s32 s7, s10;
	s10 =	simm.s32 $0x1  }
0x13: {  	s9 =	sadd.s32 $0x3D1000, s9;
	s7 =	simm.s32 $0x2;
	s10 =	simm.s32 @!p0 $0x0  }
0x14: {  	[sflag:s7] =	ssyncpa.u1 $0x0;
	p0 =	por $0x0, $0x0;
	s8 =	sadd.s32 s8, s10  }
0x15: {  	vm0 =	vmmov $0xff;
	vm1 =	vcmask $0x3F20;
	[sflag:s11] =	ssyncpa.u1 $0x0;
	s11 =	smov.u32 s1;
	s10 =	sadd.s32 $0x1, s8  }
.LBB2_6:
0x16: {  	[hbm:s17] =	stream.linear.scatter [tilespmem:s14], [sflag:$0x3], $0x400, $0x38;
	[tilespmem:$0xC990] =	vst v63  }
.LBB2_7:
0x17: {  	s13 =	sadd.s32 $0xC8, s11  }
0x18: {  	s15 =	smov.u32 s1;
	p2 =	slt.s32 s13, s3  }
0x19: {  	s15 =	smov.u32 @p2 s13;
	p2 =	sne.s32 s12, s10  }
.Ltmp1:
0x1a: {  	p1 =	slt.u32 s12, $0x2;
	(pc) =	sbr.rel @!p2 .LBB2_8-.Ltmp1, $4  }
0x1b: {  	s14 =	simm.s32 @!p1 $0x3  }
0x1c: {  	s16 =	sadd.s32 $0x1, s12;
	_ =	swait.ge @!p1 [sflag:s14], $0x6400  }
0x1d: {  	p0 =	por !p0, !p0;
	s13 =	smov.u32 s11;
	[sflag:s14] =	ssyncset.done @!p1 $0x0  }
0x1e: {  	s12 =	smov.u32 s16;
	s11 =	smov.u32 s15;
	[sflag:s14] =	ssyncadd.s32 @!p1 $0xFFFF9C00  }
.LBB2_1:
0x1f: {  	p1 =	sge.u32 s12, s8  }
0x20: {  	s14 =	sxor.u32 @!p1 $0xFFFFFFFF, s12  }
0x21: {  	s14 =	sand.u32 @!p1 $0x1, s14  }
0x22: {  	s14 =	smul.u32 @!p1 $0x320, s14  }
0x23: {  	s31 =	sadd.s32 $0xFFFFFFFF, s12;
	s15 =	sshrl.u32 @!p1 s11, $0x3  }
0x24: {  	s16 =	sand.u32 @!p1 $0x7, s11;
	s15 =	sadd.s32 @!p1 s5, s15;
	s14 =	sshrl.u32 @!p1 s14, $0x2  }
0x25: {  	[tilespmem:s14], [sflag:$0x2] =	stream.linear.gather @!p1 [hbm4b:s15+s16], $0xC8, $0x38;
	[tilespmem:$0xC990] =	vst v63  }
0x26: {  	p1 =	sge.u32 s31, s8  }
.Ltmp2:
0x27: {  	_ = 	snop;
	(pc) =	sbr.rel @p1 .LBB2_7-.Ltmp2, $1  }
0x28: {  	_ =	sdelay $0x3  }
0x29: {  	s14 =	simm.s32 $0x1  }
0x2a: {  	s14 =	simm.s32 @!p0 $0x0  }
0x2b: {  	s15 =	smul.u32 $0x320, s14  }
0x2c: {  	_ =	swait.ge [sflag:s7], $0xC8  }
0x2d: {  	[sflag:s7] =	ssyncset.done $0x0;
	s16 =	sshrl.u32 s15, $0x2  }
0x2e: {  	[sflag:s7] =	ssyncadd.s32 $0xFFFFFF38;
	s15 =	sadd.s32 $0x0, s16  }
0x2f: {  	v0 =	vld.msk [tilespmem:s15+$0x0 ss:$0x1], $0xffff;
	_ =	sdelay $0x4  }
0x30: {  	vm2 =	vgt.s32 v0, $0x0  }
0x31: {  	v0 =	vnsel vm2, $0x0, v0  }
0x32: {  	v0 =	vmin.u32 v0, $0x1387F  }
0x33: {  	v0 =	vshll.u32 v0, $0x4  }
0x34: {  	s14 =	smul.u32 $0x19000, s14  }
0x35: {  	s31 =	sand.u32 $0x1, s12  }
0x36: {  	s17 =	smul.u32 $0x320, s31;
	s14 =	sshrl.u32 s14, $0x2  }
0x37: {  	s19 =	smul.u32 $0x19000, s31;
	s14 =	sor.u32 $0x190, s14  }
0x38: {  	[tilespmem:s14], [sflag:$0x1] =	stream.indirect_vreg.gather [hbm:s4], $0x80, v0, vm0, $0x38;
	[tilespmem:$0xC990] =	vst v63  }
0x39: {  	s18 =	sshrl.u32 s17, $0x2;
	s20 =	sadd.s32 $0x10, s16;
	s15 =	sadd.s32 $0x400, s14  }
0x3a: {  	[tilespmem:s15], [sflag:$0x1] =	stream.indirect_vreg.gather [hbm:s4], $0x80, v0, vm1, $0x38;
	[tilespmem:$0xC990] =	vst v63  }
0x3b: {  	s17 =	sshrl.u32 s19, $0x2;
	s19 =	smov.u32 s14;
	v0 =	vld.msk [tilespmem:s20+$0x0 ss:$0x1], $0xffff;
	s20 =	simm.s32 $0x80  }
.LBB2_3:
0x3c: {  	p1 =	sne.s32 s20, $0x2C0;
	_ =	sdelay $0x4  }
0x3d: {  	vm2 =	vgt.s32 v0, $0x0  }
0x3e: {  	v0 =	vnsel vm2, $0x0, v0  }
0x3f: {  	v0 =	vmin.u32 v0, $0x1387F  }
0x40: {  	v0 =	vshll.u32 v0, $0x4;
	_ =	sdelay $0x3  }
.Ltmp3:
0x41: {  	s21 =	sshra.s32 s20, $0x2;
	s19 =	sadd.s32 $0x800, s19;
	(pc) =	sbr.rel @p1 .LBB2_3-.Ltmp3, $4  }
0x42: {  	[tilespmem:s19], [sflag:$0x1] =	stream.indirect_vreg.gather [hbm:s4], $0x80, v0, vm0, $0x38;
	[tilespmem:$0xC990] =	vst v63  }
0x43: {  	s21 =	sadd.s32 s21, s16;
	s22 =	sadd.s32 $0x400, s19  }
0x44: {  	[tilespmem:s22], [sflag:$0x1] =	stream.indirect_vreg.gather [hbm:s4], $0x80, v0, vm1, $0x38;
	[tilespmem:$0xC990] =	vst v63  }
0x45: {  	s20 =	sadd.s32 $0x40, s20;
	v0 =	vld.msk [tilespmem:s21+$0x0 ss:$0x1], $0xffff  }
0x46: {  	_ =	sdelay $0x3  }
0x47: {  	vm2 =	vgt.s32 v0, $0x0  }
0x48: {  	v0 =	vnsel vm2, $0x0, v0  }
0x49: {  	v0 =	vmin.u32 v0, $0x1387F  }
0x4a: {  	v0 =	vshll.u32 v0, $0x4;
	_ =	sdelay $0x3  }
0x4b: {  	s16 =	sadd.s32 $0x800, s19  }
0x4c: {  	[tilespmem:s16], [sflag:$0x1] =	stream.indirect_vreg.gather [hbm:s4], $0x80, v0, vm0, $0x38;
	[tilespmem:$0xC990] =	vst v63  }
0x4d: {  	s16 =	sadd.s32 $0x400, s16  }
0x4e: {  	[tilespmem:s16], [sflag:$0x1] =	stream.indirect_vreg.gather [hbm:s4], $0x80, v0, vm1, $0x38;
	[tilespmem:$0xC990] =	vst v63  }
0x4f: {  	v0 =	vld.msk [tilespmem:s18+$0xC0 ss:$0x1], $0xff;
	_ =	sdelay $0x4  }
0x50: {  	vm2 =	vgt.s32 v0, $0x0  }
0x51: {  	v0 =	vnsel vm2, $0x0, v0  }
0x52: {  	v0 =	vmin.u32 v0, $0x1387F  }
0x53: {  	v0 =	vshll.u32 v0, $0x4;
	_ =	sdelay $0x3  }
0x54: {  	s31 =	sadd.s32 $0x6190, s17  }
0x55: {  	[tilespmem:s31], [sflag:$0x1] =	stream.indirect_vreg.gather [hbm:s4], $0x80, v0, vm0, $0x38;
	[tilespmem:$0xC990] =	vst v63  }
0x56: {  	s13 =	sshll.u32 s13, $0x4;
	_ =	swait.ge [sflag:s6], $0x6400  }
0x57: {  	s13 =	sadd.s32 s13, s9;
	[sflag:s6] =	ssyncset.done $0x0  }
0x58: {  	s17 =	sadd.s32 $0x0, s13;
	s16 =	simm.s32 $0x80;
	[sflag:s6] =	ssyncadd.s32 $0xFFFF9C00  }
.LBB2_5:
0x59: {  	[hbm:s17] =	stream.linear.scatter [tilespmem:s14], [sflag:$0x3], $0x400, $0x38;
	[tilespmem:$0xC990] =	vst v63  }
0x5a: {  	s17 =	smov.u32 s16;
	s14 =	smov.u32 s15;
	p1 =	sne.s32 s16, $0xC00  }
.Ltmp4:
0x5b: {  	s16 =	sadd.s32 $0x80, s16;
	(pc) =	sbr.rel @p1 .LBB2_5-.Ltmp4, $2  }
0x5c: {  	_ =	sdelay $0x2  }
0x5d: {  	s15 =	sadd.s32 $0x400, s15;
	s17 =	sadd.s32 s17, s13  }
.Ltmp5:
0x5e: {  	_ = 	snop;
	(pc) =	sbr.rel .LBB2_6-.Ltmp5, $1  }
0x5f: {  	_ =	sdelay $0x3  }
.LBB2_8:
0x60: {  	_ =	sfence.sel $0x180000  }
0x61: {  	s1 =	simm.s32 $0x2;
	[bflag:$0x0] =	sbarrier.arrive $0xFFFF  }
0x62: {  	s30 =	simm.s32 $0x3;
	[sflag:s1] =	ssyncpa.u1 $0x1  }
0x63: {  	s31 =	simm.s32 $0x1;
	[sflag:s30] =	ssyncpa.u1 $0x1  }
0x64: {  	[sflag:s31] =	ssyncpa.u1 $0x1  }
0x65: {  	p0 =	sne.s32 s0, $0x0;
	_ =	strace $0x9000004A  }
0x66: {  	s0 =	sadd.s32 @!p0 $0x100000, s2;
	[bflag:$0x2] =	sbarrier.arrive $0xFFFF  }
0x67: {  	[sflag:s0] =	ssyncadd.tile.s32 @!p0 $0x1;
	_ =	shalt  }
.Lfunc_end2:
_tile_overlayer_lowered:
.L_overlay_start_2:
0x68: {  	(tag) =	ssettag $0x2  }
0x69: {  	s0 =	rddreg [dreg:$0x0];
	s2 =	stileid.u32  }
0x6a: {  	s1 =	rddreg [dreg:$0x1];
	p0 =	sne.s32 s2, $0x0  }
0x6b: {  	s3 =	rddreg [dreg:$0x2];
	[bflag:$0x3] =	sbarrier.arrive $0xFFFF;
	s2 =	simm.s32 @!p0 $0x1C01  }
0x6c: {  	[timem:s3], [sflag:s2] =	dma.local @!p0 [hbm:s0], s1  }
0x6d: {  	s0 =	simm.s32 @!p0 $0x1  }
0x6e: {  	_ =	swait.ge @!p0 [sflag:s0], s1  }
0x6f: {  	s1 =	ssub.s32 @!p0 $0x0, s1;
	[sflag:s0] =	ssyncset.done @!p0 $0x0  }
0x70: {  	[sflag:s0] =	ssyncadd.s32 @!p0 s1  }
0x71: {  	[bflag:$0x3] =	sbarrier.arrive $0xFFFF  }
0x72: {  	_ =	shalt  }

// kernel: gather_offload_async_start.2
scs
__scs_entry_jumppad:
0x0: {  	(pc) =	sbr.rel $0x88, $3  }
0x1: {  	(tag) =	ssettag $0x0;
	lr =	simm.s32 $0x1  }
0x2: {  	[smem:$0x3F9D] =	sst lr;
	_ =	strace $0xD0000000  }
0x3: {  	_ = 	snop  }
0x4: {  	_ = 	snop  }
0x5: {  	_ = 	snop  }
0x6: {  	_ = 	snop  }
0x7: {  	_ = 	snop  }
__scs_overlays_trampoline_lowered:
0x8: {  	[smem:$0x3FAC] =	sst s0  }
0x9: {  	[smem:$0x3FAD] =	sst s1  }
0xa: {  	[smem:$0x3FAE] =	sst s2  }
0xb: {  	[smem:$0x3FAF] =	sst s3  }
0xc: {  	[smem:$0x3FB0] =	sst s4  }
0xd: {  	[smem:$0x3FB1] =	sst s5  }
0xe: {  	[smem:$0x3FB2] =	sst s6  }
0xf: {  	[smem:$0x3FB3] =	sst s7  }
0x10: {  	[smem:$0x3FB4] =	sst s8  }
0x11: {  	[smem:$0x3FB5] =	sst s9;
	s0 =	simm.s32 @!p0 $0x0  }
0x12: {  	s1 =	sld [smem:$0x3F9B];
	s0 =	simm.s32 @p0 $0x1  }
0x13: {  	[smem:$0x3FB6] =	sst s0;
	s0 =	simm.s32 @!p1 $0x0  }
0x14: {  	s2 =	sld [smem:$0x3F9A];
	s0 =	simm.s32 @p1 $0x1  }
0x15: {  	[smem:$0x3FB7] =	sst s0;
	s0 =	simm.s32 @!p2 $0x0  }
0x16: {  	s3 =	sld [smem:$0x3FDB];
	s0 =	simm.s32 @p2 $0x1  }
0x17: {  	s4 =	simm.s32 $0x1BF5;
	[smem:$0x3FB9] =	sst s0  }
0x18: {  	s0 =	sld [smem:$0x3F9C];
	_ =	swait.ge [sflag:s4], $0x0  }
0x19: {  	s7 =	sld [smem:$0x3F9D]  }
0x1a: {  	s8 =	sadd.s32 $0xFFFFE003, lr  }
0x1b: {  	s9 =	sadd.s32 $0xFFFFFEF7, lr;
	s5 =	simm.s32 $0xFFFFFFFF;
	p2 =	slt.u32 s8, $0xFFFFF086  }
0x1c: {  	p1 =	slt.u32 s9, $0xF7A;
	s5 =	simm.s32 @!p2 $0x0  }
0x1d: {  	s5 =	simm.s32 @p1 $0x1;
	p0 =	seq.s32 s7, s2  }
0x1e: {  	s7 =	smul.u32 @!p0 $0xF7A, s2;
	p2 =	seq.s32 @!p0 s5, $0x0  }
0x1f: {  	s9 =	smul.u32 $0xF7A, s1;
	s8 =	simm.s32 @!p0 $0x1BF5;
	p2 =	por !p2, p0  }
0x20: {  	[sflag:s8] =	ssyncset.s32 @!p0 $0xFFFFF086;
	s6 =	sadd.s32 @!p0 s3, s7;
	s7 =	simm.s32 @!p0 $0x108  }
0x21: {  	s3 =	sadd.s32 s3, s9;
	s6 =	sadd.s32 @!p0 $0x88, s6;
	s7 =	simm.s32 @p2 $0x1082  }
0x22: {  	[simem:s7], [sflag:s8] =	dma.local @!p0 [hbm:s6], $0xF7A  }
0x23: {  	s9 =	sor.u32 $0xD0000000, s2;
	s6 =	simm.s32 $0x108;
	_ =	swait.ge @!p0 [sflag:s8], $0x0  }
0x24: {  	s3 =	sadd.s32 $0x88, s3;
	s6 =	simm.s32 @!p1 $0x1082;
	[sflag:s4] =	ssyncset.s32 $0xFFFFF086  }
0x25: {  	[simem:s6], [sflag:s4] =	dma.local [hbm:s3], $0xF7A  }
0x26: {  	[smem:$0x3F9D] =	sst s1;
	(tag) =	ssettag s2;
	_ =	strace s9  }
0x27: {  	s1 =	sld [smem:$0x3FAD]  }
0x28: {  	s2 =	sld [smem:$0x3FAE]  }
0x29: {  	s4 =	sld [smem:$0x3FB0]  }
0x2a: {  	p0 =	seq.s32 s5, $0x0;
	s5 =	sld [smem:$0x3FB1]  }
0x2b: {  	s6 =	sld [smem:$0x3FB2]  }
0x2c: {  	s7 =	sld [smem:$0x3FB3]  }
0x2d: {  	s3 =	simm.s32 $0x108;
	s8 =	sld [smem:$0x3FB4]  }
0x2e: {  	s3 =	simm.s32 @!p0 $0x1082;
	s9 =	sld [smem:$0x3FB5]  }
0x2f: {  	lr =	sadd.s32 s0, s3;
	s0 =	sld [smem:$0x3FAC]  }
0x30: {  	s3 =	sld [smem:$0x3FAF]  }
0x31: {  	[smem:$0x3FB8] =	sst s10  }
0x32: {  	s10 =	sld [smem:$0x3FB6];
	_ =	sdelay $0x3  }
0x33: {  	p0 =	seq.s32 s10, $0x1;
	s10 =	sld [smem:$0x3FB8];
	_ =	sdelay $0x3  }
0x34: {  	[smem:$0x3FB8] =	sst s10  }
0x35: {  	s10 =	sld [smem:$0x3FB7];
	_ =	sdelay $0x3  }
0x36: {  	p1 =	seq.s32 s10, $0x1;
	s10 =	sld [smem:$0x3FB8];
	_ =	sdelay $0x3  }
0x37: {  	[smem:$0x3FB8] =	sst s10  }
0x38: {  	s10 =	sld [smem:$0x3FB9]  }
0x39: {  	_ = 	snop;
	(pc) =	sbr.ind lr, $3  }
0x3a: {  	_ = 	snop  }
0x3b: {  	_ = 	snop  }
0x3c: {  	p2 =	seq.s32 s10, $0x1;
	s10 =	sld [smem:$0x3FB8]  }
0x3d: {  	_ =	shalt  }
0x3e: {  	_ =	shalt  }
0x3f: {  	_ =	shalt  }
0x40: {  	_ =	shalt  }
0x41: {  	_ =	shalt  }
0x42: {  	_ =	shalt  }
0x43: {  	_ =	shalt  }
0x44: {  	_ =	shalt  }
0x45: {  	_ =	shalt  }
0x46: {  	_ =	shalt  }
0x47: {  	_ =	shalt  }
0x48: {  	_ =	shalt  }
0x49: {  	_ =	shalt  }
0x4a: {  	_ =	shalt  }
0x4b: {  	_ =	shalt  }
0x4c: {  	_ =	shalt  }
0x4d: {  	_ =	shalt  }
0x4e: {  	_ =	shalt  }
0x4f: {  	_ =	shalt  }
0x50: {  	_ =	shalt  }
0x51: {  	_ =	shalt  }
0x52: {  	_ =	shalt  }
0x53: {  	_ =	shalt  }
0x54: {  	_ =	shalt  }
0x55: {  	_ =	shalt  }
0x56: {  	_ =	shalt  }
0x57: {  	_ =	shalt  }
0x58: {  	_ =	shalt  }
0x59: {  	_ =	shalt  }
0x5a: {  	_ =	shalt  }
0x5b: {  	_ =	shalt  }
0x5c: {  	_ =	shalt  }
0x5d: {  	_ =	shalt  }
0x5e: {  	_ =	shalt  }
0x5f: {  	_ =	shalt  }
0x60: {  	_ =	shalt  }
0x61: {  	_ =	shalt  }
0x62: {  	_ =	shalt  }
0x63: {  	_ =	shalt  }
0x64: {  	_ =	shalt  }
0x65: {  	_ =	shalt  }
0x66: {  	_ =	shalt  }
0x67: {  	_ =	shalt  }
0x68: {  	_ =	shalt  }
0x69: {  	_ =	shalt  }
0x6a: {  	_ =	shalt  }
0x6b: {  	_ =	shalt  }
0x6c: {  	_ =	shalt  }
0x6d: {  	_ =	shalt  }
0x6e: {  	_ =	shalt  }
0x6f: {  	_ =	shalt  }
0x70: {  	_ =	shalt  }
0x71: {  	_ =	shalt  }
0x72: {  	_ =	shalt  }
0x73: {  	_ =	shalt  }
0x74: {  	_ =	shalt  }
0x75: {  	_ =	shalt  }
0x76: {  	_ =	shalt  }
0x77: {  	_ =	shalt  }
0x78: {  	_ =	shalt  }
0x79: {  	_ =	shalt  }
0x7a: {  	_ =	shalt  }
0x7b: {  	_ =	shalt  }
0x7c: {  	_ =	shalt  }
0x7d: {  	_ =	shalt  }
0x7e: {  	_ =	shalt  }
0x7f: {  	_ =	shalt  }
0x80: {  	_ =	shalt  }
0x81: {  	_ =	shalt  }
0x82: {  	_ =	shalt  }
0x83: {  	_ =	shalt  }
0x84: {  	_ =	shalt  }
0x85: {  	_ =	shalt  }
0x86: {  	_ =	shalt  }
0x87: {  	_ =	shalt  }
.Lfunc_end0:
.L_simem_size_0:
called_computation.2_lowered:
.L_overlay_start_0:
0x88: {  	s0 =	sld [smem:$0x3FD9]  }
0x89: {  	s1 =	sld [smem:$0x3FFE];
	_ =	sdelay $0x3  }
0x8a: {  	s0 =	sadd.s32 s1, s0  }
0x8b: {  	[smem:$0x3FC4] =	sst s0  }
0x8c: {  	_ = 	snop  }
0x8d: {  	(tm) =	ssettm $0x1  }
0x8e: {  	s15 =	sld [smem:$0x3FFB];
	_ =	sdelay $0x3  }
0x8f: {  	_ =	strace s15  }
0x90: {  	s0 =	sld [smem:$0x3FFC];
	_ =	sdelay $0x3  }
0x91: {  	_ =	strace s0  }
0x92: {  	s0 =	sld [smem:$0x3FFD];
	_ =	sdelay $0x3  }
0x93: {  	_ =	strace s0  }
0x94: {  	_ =	strace $0x8FFFFFFF  }
0x95: {  	s16 =	sld [smem:$0x3FDB];
	_ =	sdelay $0x1  }
0x96: {  	s17 =	simm.s32 $_scs_section_size  }
0x97: {  	s2 =	simm.s32 $_size__tile_overlayer_lowered;
	s3 =	simm.s32 $_tile_overlayer_lowered  }
0x98: {  	s20 =	simm.s32 $0x1BFF;
	s19 =	sshll.u32 s3, $0x1;
	s0 =	sadd.s32 s17, s16  }
0x99: {  	s4 =	simm.s32 $0x0;
	s18 =	sshll.u32 s2, $0x1;
	s2 =	sadd.s32 s19, s0  }
0x9a: {  	[timem:s4], [sflag:s20] =	dma.local [hbm:s2], s18  }
0x9b: {  	_ =	swait.ge [sflag:s20], s18  }
0x9c: {  	s1 =	ssub.s32 $0x0, s18;
	[sflag:s20] =	ssyncset.done $0x0  }
0x9d: {  	[sflag:s20] =	ssyncadd.s32 s1;
	_ =	sdelay $0x1  }
0x9e: {  	s21 =	simm.s32 $0x1B8B  }
0x9f: {  	_ =	swait.ge [sflag:s21], $0x1  }
0xa0: {  	[sflag:s21] =	ssyncset.done $0x0  }
0xa1: {  	s23 =	simm.s32 $0x1B8E;
	s22 =	sld [smem:$0x3FFE];
	[sflag:s21] =	ssyncadd.s32 $0xFFFFFFFF  }
0xa2: {  	s24 =	simm.s32 $execute0_lowered;
	[smem:$0x3FD2] =	sst s23  }
0xa3: {  	s2 =	sshll.u32 s24, $0x1;
	_ =	strace $0x80000046;
	[dreg:$0x1] =	wrdreg $0xFFFFFFFF  }
0xa4: {  	s25 =	simm.s32 $_size_execute0_lowered;
	s0 =	sadd.s32 s0, s2;
	[dreg:$0x0] =	wrdreg $0x0  }
0xa5: {  	s2 =	sshll.u32 s25, $0x1;
	[dreg:$0x2] =	wrdreg s0  }
0xa6: {  	[dreg:$0x3] =	wrdreg s2  }
0xa7: {  	[dreg:$0x4] =	wrdreg $0xC0  }
0xa8: {  	_ =	task [dreg:s4], $0x5FFFF  }
0xa9: {  	[dreg:$0x1] =	wrdreg $0xFFFFFFFF  }
0xaa: {  	[dreg:$0x0] =	wrdreg $0x60  }
0xab: {  	[dreg:$0x2] =	wrdreg s22  }
0xac: {  	[dreg:$0x3] =	wrdreg $0xB  }
0xad: {  	_ =	task.clear_ibuf [dreg:s4], $0x4FFFF;
	_ =	strace $0x90000046  }
0xae: {  	s26 =	simm.s32 $0xB;
	_ =	strace $0x80000048  }
0xaf: {  	_ =	swait.ge [sflag:s26], $0x1  }
0xb0: {  	[sflag:s26] =	ssyncadd.s32 $0xFFFFFFFF  }
0xb1: {  	_ =	strace $0x90000048  }
0xb2: {  	_ =	sfence  }
0xb3: {  	s28 =	sld [smem:$0x0];
	_ =	sdelay $0x1  }
0xb4: {  	s29 =	srdreg.scid  }
0xb5: {  	s30 =	sshll.u32 s29, $0xD;
	s31 =	sshrl.u32 s29, $0x2  }
0xb6: {  	s1 =	sand.u32 $0x1, s29;
	s2 =	sand.u32 $0x4000, s30;
	s0 =	sadd.s32 s31, s28  }
0xb7: {  	s1 =	sor.u32 s2, s1;
	s0 =	sshll.u32 s0, $0x11  }
0xb8: {  	s0 =	sor.u32 s0, s1  }
0xb9: {  	s0 =	sadd.s32 $0x8F2B, s0  }
0xba: {  	[sflag:s0] =	ssyncadd.remote.s32 $0x1  }
0xbb: {  	_ =	sfence.sel $0xFFFF  }
0xbc: {  	[dreg:$0x0] =	wrdreg $0xFFFFFFFF;
	(pc) =	sbr.abs _section_cstart, $3  }
0xbd: {  	[dreg:$0x1] =	wrdreg $0xFFFFFFFF  }
0xbe: {  	_ =	task.clear_ibuf [dreg:s4], $0x2FFFF;
	_ =	strace $0x9FFFFFFF  }
0xbf: {  	(tm) =	ssettm $0x7FFFFFFF  }
tec
execute0_lowered:
.L_overlay_start_1:
0x0: {  	(tag) =	ssettag $0x1  }
0x1: {  	s0 =	stileid.u32  }
0x2: {  	s1 =	smin.u32 s0, $0x9  }
0x3: {  	s1 =	sadd.s32 s0, s1  }
0x4: {  	s2 =	simm.s32 $0x190;
	p0 =	slt.u32 s0, $0x9;
	s1 =	smul.u32 $0xC8, s1  }
0x5: {  	s2 =	simm.s32 @!p0 $0xC8  }
0x6: {  	s2 =	sadd.s32 s2, s1  }
0x7: {  	s3 =	smin.u32 s2, $0x1388  }
0x8: {  	s7 =	ssub.s32 s3, s1  }
0x9: {  	p0 =	sgt.s32 s7, $0x0  }
0xa: {  	s7 =	simm.s32 @!p0 $0x0  }
0xb: {  	s31 =	sand.u32 $0xFFF8, s7  }
0xc: {  	s2 =	sshrl.u32 s31, $0x3  }
0xd: {  	s2 =	smul.u32 $0x147B, s2  }
0xe: {  	s9 =	rddreg [dreg:$0x0];
	s6 =	simm.s32 $0x1;
	s11 =	simm.s32 $0x3  }
0xf: {  	s13 =	simm.s32 $0x0;
	s12 =	simm.s32 $0x0;
	s8 =	sshrl.u32 s2, $0x11  }
0x10: {  	s4 =	sadd.s32 $0xA000, s9;
	s5 =	sadd.s32 $0x200, s9;
	s10 =	smul.u32 $0xC8, s8  }
.Ltmp0:
0x11: {  	s9 =	sadd.s32 $0x3BD600, s9;
	s2 =	rddreg [dreg:$0x1];
	(pc) =	sbr.rel .LBB2_1-.Ltmp0, $4  }
0x12: {  	_ =	strace $0x80000047;
	p0 =	sne.s32 s7, s10;
	s10 =	simm.s32 $0x1  }
0x13: {  	[sflag:s6] =	ssyncpa.u1 $0x0;
	s7 =	simm.s32 $0x2;
	s10 =	simm.s32 @!p0 $0x0  }
0x14: {  	[sflag:s7] =	ssyncpa.u1 $0x0;
	p0 =	por $0x0, $0x0;
	s8 =	sadd.s32 s8, s10  }
0x15: {  	vm0 =	vmmov $0xff;
	vm1 =	vcmask $0x3F20;
	[sflag:s11] =	ssyncpa.u1 $0x0;
	s11 =	smov.u32 s1;
	s10 =	sadd.s32 $0x1, s8  }
.LBB2_6:
0x16: {  	[hbm:s17] =	stream.linear.scatter [tilespmem:s14], [sflag:$0x3], $0x400, $0x38;
	[tilespmem:$0xC990] =	vst v63  }
.LBB2_7:
0x17: {  	s13 =	sadd.s32 $0xC8, s11  }
0x18: {  	s15 =	smov.u32 s1;
	p2 =	slt.s32 s13, s3  }
0x19: {  	s15 =	smov.u32 @p2 s13;
	p2 =	sne.s32 s12, s10  }
.Ltmp1:
0x1a: {  	p1 =	slt.u32 s12, $0x2;
	(pc) =	sbr.rel @!p2 .LBB2_8-.Ltmp1, $4  }
0x1b: {  	s14 =	simm.s32 @!p1 $0x3  }
0x1c: {  	s16 =	sadd.s32 $0x1, s12;
	_ =	swait.ge @!p1 [sflag:s14], $0x6400  }
0x1d: {  	p0 =	por !p0, !p0;
	s13 =	smov.u32 s11;
	[sflag:s14] =	ssyncset.done @!p1 $0x0  }
0x1e: {  	s12 =	smov.u32 s16;
	s11 =	smov.u32 s15;
	[sflag:s14] =	ssyncadd.s32 @!p1 $0xFFFF9C00  }
.LBB2_1:
0x1f: {  	p1 =	sge.u32 s12, s8  }
0x20: {  	s14 =	sxor.u32 @!p1 $0xFFFFFFFF, s12  }
0x21: {  	s14 =	sand.u32 @!p1 $0x1, s14  }
0x22: {  	s14 =	smul.u32 @!p1 $0x320, s14  }
0x23: {  	s31 =	sadd.s32 $0xFFFFFFFF, s12;
	s15 =	sshrl.u32 @!p1 s11, $0x3  }
0x24: {  	s16 =	sand.u32 @!p1 $0x7, s11;
	s15 =	sadd.s32 @!p1 s5, s15;
	s14 =	sshrl.u32 @!p1 s14, $0x2  }
0x25: {  	[tilespmem:s14], [sflag:$0x2] =	stream.linear.gather @!p1 [hbm4b:s15+s16], $0xC8, $0x38;
	[tilespmem:$0xC990] =	vst v63  }
0x26: {  	p1 =	sge.u32 s31, s8  }
.Ltmp2:
0x27: {  	_ = 	snop;
	(pc) =	sbr.rel @p1 .LBB2_7-.Ltmp2, $1  }
0x28: {  	_ =	sdelay $0x3  }
0x29: {  	s14 =	simm.s32 $0x1  }
0x2a: {  	s14 =	simm.s32 @!p0 $0x0  }
0x2b: {  	s15 =	smul.u32 $0x320, s14  }
0x2c: {  	_ =	swait.ge [sflag:s7], $0xC8  }
0x2d: {  	[sflag:s7] =	ssyncset.done $0x0;
	s16 =	sshrl.u32 s15, $0x2  }
0x2e: {  	[sflag:s7] =	ssyncadd.s32 $0xFFFFFF38;
	s15 =	sadd.s32 $0x0, s16  }
0x2f: {  	v0 =	vld.msk [tilespmem:s15+$0x0 ss:$0x1], $0xffff;
	_ =	sdelay $0x4  }
0x30: {  	vm2 =	vgt.s32 v0, $0x0  }
0x31: {  	v0 =	vnsel vm2, $0x0, v0  }
0x32: {  	v0 =	vmin.u32 v0, $0x1387F  }
0x33: {  	v0 =	vshll.u32 v0, $0x4  }
0x34: {  	s14 =	smul.u32 $0x19000, s14  }
0x35: {  	s31 =	sand.u32 $0x1, s12  }
0x36: {  	s17 =	smul.u32 $0x320, s31;
	s14 =	sshrl.u32 s14, $0x2  }
0x37: {  	s19 =	smul.u32 $0x19000, s31;
	s14 =	sor.u32 $0x190, s14  }
0x38: {  	[tilespmem:s14], [sflag:$0x1] =	stream.indirect_vreg.gather [hbm:s4], $0x80, v0, vm0, $0x38;
	[tilespmem:$0xC990] =	vst v63  }
0x39: {  	s18 =	sshrl.u32 s17, $0x2;
	s20 =	sadd.s32 $0x10, s16;
	s15 =	sadd.s32 $0x400, s14  }
0x3a: {  	[tilespmem:s15], [sflag:$0x1] =	stream.indirect_vreg.gather [hbm:s4], $0x80, v0, vm1, $0x38;
	[tilespmem:$0xC990] =	vst v63  }
0x3b: {  	s17 =	sshrl.u32 s19, $0x2;
	s19 =	smov.u32 s14;
	v0 =	vld.msk [tilespmem:s20+$0x0 ss:$0x1], $0xffff;
	s20 =	simm.s32 $0x80  }
.LBB2_3:
0x3c: {  	p1 =	sne.s32 s20, $0x2C0;
	_ =	sdelay $0x4  }
0x3d: {  	vm2 =	vgt.s32 v0, $0x0  }
0x3e: {  	v0 =	vnsel vm2, $0x0, v0  }
0x3f: {  	v0 =	vmin.u32 v0, $0x1387F  }
0x40: {  	v0 =	vshll.u32 v0, $0x4;
	_ =	sdelay $0x3  }
.Ltmp3:
0x41: {  	s21 =	sshra.s32 s20, $0x2;
	s19 =	sadd.s32 $0x800, s19;
	(pc) =	sbr.rel @p1 .LBB2_3-.Ltmp3, $4  }
0x42: {  	[tilespmem:s19], [sflag:$0x1] =	stream.indirect_vreg.gather [hbm:s4], $0x80, v0, vm0, $0x38;
	[tilespmem:$0xC990] =	vst v63  }
0x43: {  	s21 =	sadd.s32 s21, s16;
	s22 =	sadd.s32 $0x400, s19  }
0x44: {  	[tilespmem:s22], [sflag:$0x1] =	stream.indirect_vreg.gather [hbm:s4], $0x80, v0, vm1, $0x38;
	[tilespmem:$0xC990] =	vst v63  }
0x45: {  	s20 =	sadd.s32 $0x40, s20;
	v0 =	vld.msk [tilespmem:s21+$0x0 ss:$0x1], $0xffff  }
0x46: {  	_ =	sdelay $0x3  }
0x47: {  	vm2 =	vgt.s32 v0, $0x0  }
0x48: {  	v0 =	vnsel vm2, $0x0, v0  }
0x49: {  	v0 =	vmin.u32 v0, $0x1387F  }
0x4a: {  	v0 =	vshll.u32 v0, $0x4;
	_ =	sdelay $0x3  }
0x4b: {  	s16 =	sadd.s32 $0x800, s19  }
0x4c: {  	[tilespmem:s16], [sflag:$0x1] =	stream.indirect_vreg.gather [hbm:s4], $0x80, v0, vm0, $0x38;
	[tilespmem:$0xC990] =	vst v63  }
0x4d: {  	s16 =	sadd.s32 $0x400, s16  }
0x4e: {  	[tilespmem:s16], [sflag:$0x1] =	stream.indirect_vreg.gather [hbm:s4], $0x80, v0, vm1, $0x38;
	[tilespmem:$0xC990] =	vst v63  }
0x4f: {  	v0 =	vld.msk [tilespmem:s18+$0xC0 ss:$0x1], $0xff;
	_ =	sdelay $0x4  }
0x50: {  	vm2 =	vgt.s32 v0, $0x0  }
0x51: {  	v0 =	vnsel vm2, $0x0, v0  }
0x52: {  	v0 =	vmin.u32 v0, $0x1387F  }
0x53: {  	v0 =	vshll.u32 v0, $0x4;
	_ =	sdelay $0x3  }
0x54: {  	s31 =	sadd.s32 $0x6190, s17  }
0x55: {  	[tilespmem:s31], [sflag:$0x1] =	stream.indirect_vreg.gather [hbm:s4], $0x80, v0, vm0, $0x38;
	[tilespmem:$0xC990] =	vst v63  }
0x56: {  	s13 =	sshll.u32 s13, $0x4;
	_ =	swait.ge [sflag:s6], $0x6400  }
0x57: {  	s13 =	sadd.s32 s13, s9;
	[sflag:s6] =	ssyncset.done $0x0  }
0x58: {  	s17 =	sadd.s32 $0x0, s13;
	s16 =	simm.s32 $0x80;
	[sflag:s6] =	ssyncadd.s32 $0xFFFF9C00  }
.LBB2_5:
0x59: {  	[hbm:s17] =	stream.linear.scatter [tilespmem:s14], [sflag:$0x3], $0x400, $0x38;
	[tilespmem:$0xC990] =	vst v63  }
0x5a: {  	s17 =	smov.u32 s16;
	s14 =	smov.u32 s15;
	p1 =	sne.s32 s16, $0xC00  }
.Ltmp4:
0x5b: {  	s16 =	sadd.s32 $0x80, s16;
	(pc) =	sbr.rel @p1 .LBB2_5-.Ltmp4, $2  }
0x5c: {  	_ =	sdelay $0x2  }
0x5d: {  	s15 =	sadd.s32 $0x400, s15;
	s17 =	sadd.s32 s17, s13  }
.Ltmp5:
0x5e: {  	_ = 	snop;
	(pc) =	sbr.rel .LBB2_6-.Ltmp5, $1  }
0x5f: {  	_ =	sdelay $0x3  }
.LBB2_8:
0x60: {  	_ =	sfence.sel $0x180000  }
0x61: {  	s1 =	simm.s32 $0x2;
	[bflag:$0x0] =	sbarrier.arrive $0xFFFF  }
0x62: {  	s30 =	simm.s32 $0x3;
	[sflag:s1] =	ssyncpa.u1 $0x1  }
0x63: {  	s31 =	simm.s32 $0x1;
	[sflag:s30] =	ssyncpa.u1 $0x1  }
0x64: {  	[sflag:s31] =	ssyncpa.u1 $0x1  }
0x65: {  	p0 =	sne.s32 s0, $0x0;
	_ =	strace $0x90000047  }
0x66: {  	s0 =	sadd.s32 @!p0 $0x100000, s2;
	[bflag:$0x2] =	sbarrier.arrive $0xFFFF  }
0x67: {  	[sflag:s0] =	ssyncadd.tile.s32 @!p0 $0x1;
	_ =	shalt  }
.Lfunc_end2:
_tile_overlayer_lowered:
.L_overlay_start_2:
0x68: {  	(tag) =	ssettag $0x2  }
0x69: {  	s0 =	rddreg [dreg:$0x0];
	s2 =	stileid.u32  }
0x6a: {  	s1 =	rddreg [dreg:$0x1];
	p0 =	sne.s32 s2, $0x0  }
0x6b: {  	s3 =	rddreg [dreg:$0x2];
	[bflag:$0x3] =	sbarrier.arrive $0xFFFF;
	s2 =	simm.s32 @!p0 $0x1C01  }
0x6c: {  	[timem:s3], [sflag:s2] =	dma.local @!p0 [hbm:s0], s1  }
0x6d: {  	s0 =	simm.s32 @!p0 $0x1  }
0x6e: {  	_ =	swait.ge @!p0 [sflag:s0], s1  }
0x6f: {  	s1 =	ssub.s32 @!p0 $0x0, s1;
	[sflag:s0] =	ssyncset.done @!p0 $0x0  }
0x70: {  	[sflag:s0] =	ssyncadd.s32 @!p0 s1  }
0x71: {  	[bflag:$0x3] =	sbarrier.arrive $0xFFFF  }
0x72: {  	_ =	shalt  }

// kernel: gather_offload_async_start
scs
__scs_entry_jumppad:
0x0: {  	(pc) =	sbr.rel $0x88, $3  }
0x1: {  	(tag) =	ssettag $0x0;
	lr =	simm.s32 $0x1  }
0x2: {  	[smem:$0x3F9D] =	sst lr;
	_ =	strace $0xD0000000  }
0x3: {  	_ = 	snop  }
0x4: {  	_ = 	snop  }
0x5: {  	_ = 	snop  }
0x6: {  	_ = 	snop  }
0x7: {  	_ = 	snop  }
__scs_overlays_trampoline_lowered:
0x8: {  	[smem:$0x3FAC] =	sst s0  }
0x9: {  	[smem:$0x3FAD] =	sst s1  }
0xa: {  	[smem:$0x3FAE] =	sst s2  }
0xb: {  	[smem:$0x3FAF] =	sst s3  }
0xc: {  	[smem:$0x3FB0] =	sst s4  }
0xd: {  	[smem:$0x3FB1] =	sst s5  }
0xe: {  	[smem:$0x3FB2] =	sst s6  }
0xf: {  	[smem:$0x3FB3] =	sst s7  }
0x10: {  	[smem:$0x3FB4] =	sst s8  }
0x11: {  	[smem:$0x3FB5] =	sst s9;
	s0 =	simm.s32 @!p0 $0x0  }
0x12: {  	s1 =	sld [smem:$0x3F9B];
	s0 =	simm.s32 @p0 $0x1  }
0x13: {  	[smem:$0x3FB6] =	sst s0;
	s0 =	simm.s32 @!p1 $0x0  }
0x14: {  	s2 =	sld [smem:$0x3F9A];
	s0 =	simm.s32 @p1 $0x1  }
0x15: {  	[smem:$0x3FB7] =	sst s0;
	s0 =	simm.s32 @!p2 $0x0  }
0x16: {  	s3 =	sld [smem:$0x3FDB];
	s0 =	simm.s32 @p2 $0x1  }
0x17: {  	s4 =	simm.s32 $0x1BF5;
	[smem:$0x3FB9] =	sst s0  }
0x18: {  	s0 =	sld [smem:$0x3F9C];
	_ =	swait.ge [sflag:s4], $0x0  }
0x19: {  	s7 =	sld [smem:$0x3F9D]  }
0x1a: {  	s8 =	sadd.s32 $0xFFFFE003, lr  }
0x1b: {  	s9 =	sadd.s32 $0xFFFFFEF7, lr;
	s5 =	simm.s32 $0xFFFFFFFF;
	p2 =	slt.u32 s8, $0xFFFFF086  }
0x1c: {  	p1 =	slt.u32 s9, $0xF7A;
	s5 =	simm.s32 @!p2 $0x0  }
0x1d: {  	s5 =	simm.s32 @p1 $0x1;
	p0 =	seq.s32 s7, s2  }
0x1e: {  	s7 =	smul.u32 @!p0 $0xF7A, s2;
	p2 =	seq.s32 @!p0 s5, $0x0  }
0x1f: {  	s9 =	smul.u32 $0xF7A, s1;
	s8 =	simm.s32 @!p0 $0x1BF5;
	p2 =	por !p2, p0  }
0x20: {  	[sflag:s8] =	ssyncset.s32 @!p0 $0xFFFFF086;
	s6 =	sadd.s32 @!p0 s3, s7;
	s7 =	simm.s32 @!p0 $0x108  }
0x21: {  	s3 =	sadd.s32 s3, s9;
	s6 =	sadd.s32 @!p0 $0x88, s6;
	s7 =	simm.s32 @p2 $0x1082  }
0x22: {  	[simem:s7], [sflag:s8] =	dma.local @!p0 [hbm:s6], $0xF7A  }
0x23: {  	s9 =	sor.u32 $0xD0000000, s2;
	s6 =	simm.s32 $0x108;
	_ =	swait.ge @!p0 [sflag:s8], $0x0  }
0x24: {  	s3 =	sadd.s32 $0x88, s3;
	s6 =	simm.s32 @!p1 $0x1082;
	[sflag:s4] =	ssyncset.s32 $0xFFFFF086  }
0x25: {  	[simem:s6], [sflag:s4] =	dma.local [hbm:s3], $0xF7A  }
0x26: {  	[smem:$0x3F9D] =	sst s1;
	(tag) =	ssettag s2;
	_ =	strace s9  }
0x27: {  	s1 =	sld [smem:$0x3FAD]  }
0x28: {  	s2 =	sld [smem:$0x3FAE]  }
0x29: {  	s4 =	sld [smem:$0x3FB0]  }
0x2a: {  	p0 =	seq.s32 s5, $0x0;
	s5 =	sld [smem:$0x3FB1]  }
0x2b: {  	s6 =	sld [smem:$0x3FB2]  }
0x2c: {  	s7 =	sld [smem:$0x3FB3]  }
0x2d: {  	s3 =	simm.s32 $0x108;
	s8 =	sld [smem:$0x3FB4]  }
0x2e: {  	s3 =	simm.s32 @!p0 $0x1082;
	s9 =	sld [smem:$0x3FB5]  }
0x2f: {  	lr =	sadd.s32 s0, s3;
	s0 =	sld [smem:$0x3FAC]  }
0x30: {  	s3 =	sld [smem:$0x3FAF]  }
0x31: {  	[smem:$0x3FB8] =	sst s10  }
0x32: {  	s10 =	sld [smem:$0x3FB6];
	_ =	sdelay $0x3  }
0x33: {  	p0 =	seq.s32 s10, $0x1;
	s10 =	sld [smem:$0x3FB8];
	_ =	sdelay $0x3  }
0x34: {  	[smem:$0x3FB8] =	sst s10  }
0x35: {  	s10 =	sld [smem:$0x3FB7];
	_ =	sdelay $0x3  }
0x36: {  	p1 =	seq.s32 s10, $0x1;
	s10 =	sld [smem:$0x3FB8];
	_ =	sdelay $0x3  }
0x37: {  	[smem:$0x3FB8] =	sst s10  }
0x38: {  	s10 =	sld [smem:$0x3FB9]  }
0x39: {  	_ = 	snop;
	(pc) =	sbr.ind lr, $3  }
0x3a: {  	_ = 	snop  }
0x3b: {  	_ = 	snop  }
0x3c: {  	p2 =	seq.s32 s10, $0x1;
	s10 =	sld [smem:$0x3FB8]  }
0x3d: {  	_ =	shalt  }
0x3e: {  	_ =	shalt  }
0x3f: {  	_ =	shalt  }
0x40: {  	_ =	shalt  }
0x41: {  	_ =	shalt  }
0x42: {  	_ =	shalt  }
0x43: {  	_ =	shalt  }
0x44: {  	_ =	shalt  }
0x45: {  	_ =	shalt  }
0x46: {  	_ =	shalt  }
0x47: {  	_ =	shalt  }
0x48: {  	_ =	shalt  }
0x49: {  	_ =	shalt  }
0x4a: {  	_ =	shalt  }
0x4b: {  	_ =	shalt  }
0x4c: {  	_ =	shalt  }
0x4d: {  	_ =	shalt  }
0x4e: {  	_ =	shalt  }
0x4f: {  	_ =	shalt  }
0x50: {  	_ =	shalt  }
0x51: {  	_ =	shalt  }
0x52: {  	_ =	shalt  }
0x53: {  	_ =	shalt  }
0x54: {  	_ =	shalt  }
0x55: {  	_ =	shalt  }
0x56: {  	_ =	shalt  }
0x57: {  	_ =	shalt  }
0x58: {  	_ =	shalt  }
0x59: {  	_ =	shalt  }
0x5a: {  	_ =	shalt  }
0x5b: {  	_ =	shalt  }
0x5c: {  	_ =	shalt  }
0x5d: {  	_ =	shalt  }
0x5e: {  	_ =	shalt  }
0x5f: {  	_ =	shalt  }
0x60: {  	_ =	shalt  }
0x61: {  	_ =	shalt  }
0x62: {  	_ =	shalt  }
0x63: {  	_ =	shalt  }
0x64: {  	_ =	shalt  }
0x65: {  	_ =	shalt  }
0x66: {  	_ =	shalt  }
0x67: {  	_ =	shalt  }
0x68: {  	_ =	shalt  }
0x69: {  	_ =	shalt  }
0x6a: {  	_ =	shalt  }
0x6b: {  	_ =	shalt  }
0x6c: {  	_ =	shalt  }
0x6d: {  	_ =	shalt  }
0x6e: {  	_ =	shalt  }
0x6f: {  	_ =	shalt  }
0x70: {  	_ =	shalt  }
0x71: {  	_ =	shalt  }
0x72: {  	_ =	shalt  }
0x73: {  	_ =	shalt  }
0x74: {  	_ =	shalt  }
0x75: {  	_ =	shalt  }
0x76: {  	_ =	shalt  }
0x77: {  	_ =	shalt  }
0x78: {  	_ =	shalt  }
0x79: {  	_ =	shalt  }
0x7a: {  	_ =	shalt  }
0x7b: {  	_ =	shalt  }
0x7c: {  	_ =	shalt  }
0x7d: {  	_ =	shalt  }
0x7e: {  	_ =	shalt  }
0x7f: {  	_ =	shalt  }
0x80: {  	_ =	shalt  }
0x81: {  	_ =	shalt  }
0x82: {  	_ =	shalt  }
0x83: {  	_ =	shalt  }
0x84: {  	_ =	shalt  }
0x85: {  	_ =	shalt  }
0x86: {  	_ =	shalt  }
0x87: {  	_ =	shalt  }
.Lfunc_end0:
.L_simem_size_0:
called_computation_lowered:
.L_overlay_start_0:
0x88: {  	s0 =	sld [smem:$0x3FD9]  }
0x89: {  	s1 =	sld [smem:$0x3FFE];
	_ =	sdelay $0x3  }
0x8a: {  	s0 =	sadd.s32 s1, s0  }
0x8b: {  	[smem:$0x3FC4] =	sst s0  }
0x8c: {  	_ = 	snop  }
0x8d: {  	(tm) =	ssettm $0x1  }
0x8e: {  	s15 =	sld [smem:$0x3FFB];
	_ =	sdelay $0x3  }
0x8f: {  	_ =	strace s15  }
0x90: {  	s0 =	sld [smem:$0x3FFC];
	_ =	sdelay $0x3  }
0x91: {  	_ =	strace s0  }
0x92: {  	s0 =	sld [smem:$0x3FFD];
	_ =	sdelay $0x3  }
0x93: {  	_ =	strace s0  }
0x94: {  	_ =	strace $0x8FFFFFFF  }
0x95: {  	s16 =	sld [smem:$0x3FDB];
	_ =	sdelay $0x1  }
0x96: {  	s17 =	simm.s32 $_scs_section_size  }
0x97: {  	s2 =	simm.s32 $_size__tile_overlayer_lowered;
	s3 =	simm.s32 $_tile_overlayer_lowered  }
0x98: {  	s20 =	simm.s32 $0x1BFF;
	s19 =	sshll.u32 s3, $0x1;
	s0 =	sadd.s32 s17, s16  }
0x99: {  	s4 =	simm.s32 $0x0;
	s18 =	sshll.u32 s2, $0x1;
	s2 =	sadd.s32 s19, s0  }
0x9a: {  	[timem:s4], [sflag:s20] =	dma.local [hbm:s2], s18  }
0x9b: {  	_ =	swait.ge [sflag:s20], s18  }
0x9c: {  	s1 =	ssub.s32 $0x0, s18;
	[sflag:s20] =	ssyncset.done $0x0  }
0x9d: {  	[sflag:s20] =	ssyncadd.s32 s1;
	_ =	sdelay $0x1  }
0x9e: {  	s21 =	simm.s32 $0x1B8B  }
0x9f: {  	_ =	swait.ge [sflag:s21], $0x1  }
0xa0: {  	[sflag:s21] =	ssyncset.done $0x0  }
0xa1: {  	s23 =	simm.s32 $0x1B8E;
	s22 =	sld [smem:$0x3FFE];
	[sflag:s21] =	ssyncadd.s32 $0xFFFFFFFF  }
0xa2: {  	s24 =	simm.s32 $execute0_lowered;
	[smem:$0x3FD2] =	sst s23  }
0xa3: {  	s2 =	sshll.u32 s24, $0x1;
	_ =	strace $0x8000004C;
	[dreg:$0x1] =	wrdreg $0xFFFFFFFF  }
0xa4: {  	s25 =	simm.s32 $_size_execute0_lowered;
	s0 =	sadd.s32 s0, s2;
	[dreg:$0x0] =	wrdreg $0x0  }
0xa5: {  	s2 =	sshll.u32 s25, $0x1;
	[dreg:$0x2] =	wrdreg s0  }
0xa6: {  	[dreg:$0x3] =	wrdreg s2  }
0xa7: {  	[dreg:$0x4] =	wrdreg $0xC0  }
0xa8: {  	_ =	task [dreg:s4], $0x5FFFF  }
0xa9: {  	[dreg:$0x1] =	wrdreg $0xFFFFFFFF  }
0xaa: {  	[dreg:$0x0] =	wrdreg $0x60  }
0xab: {  	[dreg:$0x2] =	wrdreg s22  }
0xac: {  	[dreg:$0x3] =	wrdreg $0x9  }
0xad: {  	_ =	task.clear_ibuf [dreg:s4], $0x4FFFF;
	_ =	strace $0x9000004C  }
0xae: {  	s26 =	simm.s32 $0x9;
	_ =	strace $0x8000004E  }
0xaf: {  	_ =	swait.ge [sflag:s26], $0x1  }
0xb0: {  	[sflag:s26] =	ssyncadd.s32 $0xFFFFFFFF  }
0xb1: {  	_ =	strace $0x9000004E  }
0xb2: {  	_ =	sfence  }
0xb3: {  	s28 =	sld [smem:$0x0];
	_ =	sdelay $0x1  }
0xb4: {  	s29 =	srdreg.scid  }
0xb5: {  	s30 =	sshll.u32 s29, $0xD;
	s31 =	sshrl.u32 s29, $0x2  }
0xb6: {  	s1 =	sand.u32 $0x1, s29;
	s2 =	sand.u32 $0x4000, s30;
	s0 =	sadd.s32 s31, s28  }
0xb7: {  	s1 =	sor.u32 s2, s1;
	s0 =	sshll.u32 s0, $0x11  }
0xb8: {  	s0 =	sor.u32 s0, s1  }
0xb9: {  	s0 =	sadd.s32 $0x8F2B, s0  }
0xba: {  	[sflag:s0] =	ssyncadd.remote.s32 $0x1  }
0xbb: {  	_ =	sfence.sel $0xFFFF  }
0xbc: {  	[dreg:$0x0] =	wrdreg $0xFFFFFFFF;
	(pc) =	sbr.abs _section_cstart, $3  }
0xbd: {  	[dreg:$0x1] =	wrdreg $0xFFFFFFFF  }
0xbe: {  	_ =	task.clear_ibuf [dreg:s4], $0x2FFFF;
	_ =	strace $0x9FFFFFFF  }
0xbf: {  	(tm) =	ssettm $0x7FFFFFFF  }
tec
execute0_lowered:
.L_overlay_start_1:
0x0: {  	(tag) =	ssettag $0x1  }
0x1: {  	s0 =	stileid.u32  }
0x2: {  	s1 =	smin.u32 s0, $0x9  }
0x3: {  	s1 =	sadd.s32 s0, s1  }
0x4: {  	s2 =	simm.s32 $0x190;
	p0 =	slt.u32 s0, $0x9;
	s1 =	smul.u32 $0xC8, s1  }
0x5: {  	s2 =	simm.s32 @!p0 $0xC8  }
0x6: {  	s2 =	sadd.s32 s2, s1  }
0x7: {  	s3 =	smin.u32 s2, $0x1388  }
0x8: {  	s7 =	ssub.s32 s3, s1  }
0x9: {  	p0 =	sgt.s32 s7, $0x0  }
0xa: {  	s7 =	simm.s32 @!p0 $0x0  }
0xb: {  	s31 =	sand.u32 $0xFFF8, s7  }
0xc: {  	s2 =	sshrl.u32 s31, $0x3  }
0xd: {  	s4 =	smul.u32 $0x147B, s2  }
0xe: {  	s9 =	rddreg [dreg:$0x0];
	s6 =	simm.s32 $0x1;
	s11 =	simm.s32 $0x3  }
0xf: {  	s13 =	simm.s32 $0x0;
	s12 =	simm.s32 $0x0;
	s8 =	sshrl.u32 s4, $0x11  }
0x10: {  	s2 =	rddreg [dreg:$0x1];
	_ =	strace $0x8000004D;
	s10 =	smul.u32 $0xC8, s8  }
.Ltmp0:
0x11: {  	s5 =	sadd.s32 $0x200, s9;
	[sflag:s6] =	ssyncpa.u1 $0x0;
	(pc) =	sbr.rel .LBB2_1-.Ltmp0, $4  }
0x12: {  	s4 =	sadd.s32 $0x284E00, s9;
	p0 =	sne.s32 s7, s10;
	s10 =	simm.s32 $0x1  }
0x13: {  	s9 =	sadd.s32 $0x402A00, s9;
	s7 =	simm.s32 $0x2;
	s10 =	simm.s32 @!p0 $0x0  }
0x14: {  	[sflag:s7] =	ssyncpa.u1 $0x0;
	p0 =	por $0x0, $0x0;
	s8 =	sadd.s32 s8, s10  }
0x15: {  	vm0 =	vmmov $0xff;
	vm1 =	vcmask $0x3F20;
	[sflag:s11] =	ssyncpa.u1 $0x0;
	s11 =	smov.u32 s1;
	s10 =	sadd.s32 $0x1, s8  }
.LBB2_6:
0x16: {  	[hbm:s17] =	stream.linear.scatter [tilespmem:s14], [sflag:$0x3], $0x400, $0x38;
	[tilespmem:$0xC990] =	vst v63  }
.LBB2_7:
0x17: {  	s13 =	sadd.s32 $0xC8, s11  }
0x18: {  	s15 =	smov.u32 s1;
	p2 =	slt.s32 s13, s3  }
0x19: {  	s15 =	smov.u32 @p2 s13;
	p2 =	sne.s32 s12, s10  }
.Ltmp1:
0x1a: {  	p1 =	slt.u32 s12, $0x2;
	(pc) =	sbr.rel @!p2 .LBB2_8-.Ltmp1, $4  }
0x1b: {  	s14 =	simm.s32 @!p1 $0x3  }
0x1c: {  	s16 =	sadd.s32 $0x1, s12;
	_ =	swait.ge @!p1 [sflag:s14], $0x6400  }
0x1d: {  	p0 =	por !p0, !p0;
	s13 =	smov.u32 s11;
	[sflag:s14] =	ssyncset.done @!p1 $0x0  }
0x1e: {  	s12 =	smov.u32 s16;
	s11 =	smov.u32 s15;
	[sflag:s14] =	ssyncadd.s32 @!p1 $0xFFFF9C00  }
.LBB2_1:
0x1f: {  	p1 =	sge.u32 s12, s8  }
0x20: {  	s14 =	sxor.u32 @!p1 $0xFFFFFFFF, s12  }
0x21: {  	s14 =	sand.u32 @!p1 $0x1, s14  }
0x22: {  	s14 =	smul.u32 @!p1 $0x320, s14  }
0x23: {  	s31 =	sadd.s32 $0xFFFFFFFF, s12;
	s15 =	sshrl.u32 @!p1 s11, $0x3  }
0x24: {  	s16 =	sand.u32 @!p1 $0x7, s11;
	s15 =	sadd.s32 @!p1 s5, s15;
	s14 =	sshrl.u32 @!p1 s14, $0x2  }
0x25: {  	[tilespmem:s14], [sflag:$0x2] =	stream.linear.gather @!p1 [hbm4b:s15+s16], $0xC8, $0x38;
	[tilespmem:$0xC990] =	vst v63  }
0x26: {  	p1 =	sge.u32 s31, s8  }
.Ltmp2:
0x27: {  	_ = 	snop;
	(pc) =	sbr.rel @p1 .LBB2_7-.Ltmp2, $1  }
0x28: {  	_ =	sdelay $0x3  }
0x29: {  	s14 =	simm.s32 $0x1  }
0x2a: {  	s14 =	simm.s32 @!p0 $0x0  }
0x2b: {  	s15 =	smul.u32 $0x320, s14  }
0x2c: {  	_ =	swait.ge [sflag:s7], $0xC8  }
0x2d: {  	[sflag:s7] =	ssyncset.done $0x0;
	s16 =	sshrl.u32 s15, $0x2  }
0x2e: {  	[sflag:s7] =	ssyncadd.s32 $0xFFFFFF38;
	s15 =	sadd.s32 $0x0, s16  }
0x2f: {  	v0 =	vld.msk [tilespmem:s15+$0x0 ss:$0x1], $0xffff;
	_ =	sdelay $0x4  }
0x30: {  	vm2 =	vgt.s32 v0, $0x0  }
0x31: {  	v0 =	vnsel vm2, $0x0, v0  }
0x32: {  	v0 =	vmin.u32 v0, $0x1387F  }
0x33: {  	v0 =	vshll.u32 v0, $0x4  }
0x34: {  	s14 =	smul.u32 $0x19000, s14  }
0x35: {  	s31 =	sand.u32 $0x1, s12  }
0x36: {  	s17 =	smul.u32 $0x320, s31;
	s14 =	sshrl.u32 s14, $0x2  }
0x37: {  	s19 =	smul.u32 $0x19000, s31;
	s14 =	sor.u32 $0x190, s14  }
0x38: {  	[tilespmem:s14], [sflag:$0x1] =	stream.indirect_vreg.gather [hbm:s4], $0x80, v0, vm0, $0x38;
	[tilespmem:$0xC990] =	vst v63  }
0x39: {  	s18 =	sshrl.u32 s17, $0x2;
	s20 =	sadd.s32 $0x10, s16;
	s15 =	sadd.s32 $0x400, s14  }
0x3a: {  	[tilespmem:s15], [sflag:$0x1] =	stream.indirect_vreg.gather [hbm:s4], $0x80, v0, vm1, $0x38;
	[tilespmem:$0xC990] =	vst v63  }
0x3b: {  	s17 =	sshrl.u32 s19, $0x2;
	s19 =	smov.u32 s14;
	v0 =	vld.msk [tilespmem:s20+$0x0 ss:$0x1], $0xffff;
	s20 =	simm.s32 $0x80  }
.LBB2_3:
0x3c: {  	p1 =	sne.s32 s20, $0x2C0;
	_ =	sdelay $0x4  }
0x3d: {  	vm2 =	vgt.s32 v0, $0x0  }
0x3e: {  	v0 =	vnsel vm2, $0x0, v0  }
0x3f: {  	v0 =	vmin.u32 v0, $0x1387F  }
0x40: {  	v0 =	vshll.u32 v0, $0x4;
	_ =	sdelay $0x3  }
.Ltmp3:
0x41: {  	s21 =	sshra.s32 s20, $0x2;
	s19 =	sadd.s32 $0x800, s19;
	(pc) =	sbr.rel @p1 .LBB2_3-.Ltmp3, $4  }
0x42: {  	[tilespmem:s19], [sflag:$0x1] =	stream.indirect_vreg.gather [hbm:s4], $0x80, v0, vm0, $0x38;
	[tilespmem:$0xC990] =	vst v63  }
0x43: {  	s21 =	sadd.s32 s21, s16;
	s22 =	sadd.s32 $0x400, s19  }
0x44: {  	[tilespmem:s22], [sflag:$0x1] =	stream.indirect_vreg.gather [hbm:s4], $0x80, v0, vm1, $0x38;
	[tilespmem:$0xC990] =	vst v63  }
0x45: {  	s20 =	sadd.s32 $0x40, s20;
	v0 =	vld.msk [tilespmem:s21+$0x0 ss:$0x1], $0xffff  }
0x46: {  	_ =	sdelay $0x3  }
0x47: {  	vm2 =	vgt.s32 v0, $0x0  }
0x48: {  	v0 =	vnsel vm2, $0x0, v0  }
0x49: {  	v0 =	vmin.u32 v0, $0x1387F  }
0x4a: {  	v0 =	vshll.u32 v0, $0x4;
	_ =	sdelay $0x3  }
0x4b: {  	s16 =	sadd.s32 $0x800, s19  }
0x4c: {  	[tilespmem:s16], [sflag:$0x1] =	stream.indirect_vreg.gather [hbm:s4], $0x80, v0, vm0, $0x38;
	[tilespmem:$0xC990] =	vst v63  }
0x4d: {  	s16 =	sadd.s32 $0x400, s16  }
0x4e: {  	[tilespmem:s16], [sflag:$0x1] =	stream.indirect_vreg.gather [hbm:s4], $0x80, v0, vm1, $0x38;
	[tilespmem:$0xC990] =	vst v63  }
0x4f: {  	v0 =	vld.msk [tilespmem:s18+$0xC0 ss:$0x1], $0xff;
	_ =	sdelay $0x4  }
0x50: {  	vm2 =	vgt.s32 v0, $0x0  }
0x51: {  	v0 =	vnsel vm2, $0x0, v0  }
0x52: {  	v0 =	vmin.u32 v0, $0x1387F  }
0x53: {  	v0 =	vshll.u32 v0, $0x4;
	_ =	sdelay $0x3  }
0x54: {  	s31 =	sadd.s32 $0x6190, s17  }
0x55: {  	[tilespmem:s31], [sflag:$0x1] =	stream.indirect_vreg.gather [hbm:s4], $0x80, v0, vm0, $0x38;
	[tilespmem:$0xC990] =	vst v63  }
0x56: {  	s13 =	sshll.u32 s13, $0x4;
	_ =	swait.ge [sflag:s6], $0x6400  }
0x57: {  	s13 =	sadd.s32 s13, s9;
	[sflag:s6] =	ssyncset.done $0x0  }
0x58: {  	s17 =	sadd.s32 $0x0, s13;
	s16 =	simm.s32 $0x80;
	[sflag:s6] =	ssyncadd.s32 $0xFFFF9C00  }
.LBB2_5:
0x59: {  	[hbm:s17] =	stream.linear.scatter [tilespmem:s14], [sflag:$0x3], $0x400, $0x38;
	[tilespmem:$0xC990] =	vst v63  }
0x5a: {  	s17 =	smov.u32 s16;
	s14 =	smov.u32 s15;
	p1 =	sne.s32 s16, $0xC00  }
.Ltmp4:
0x5b: {  	s16 =	sadd.s32 $0x80, s16;
	(pc) =	sbr.rel @p1 .LBB2_5-.Ltmp4, $2  }
0x5c: {  	_ =	sdelay $0x2  }
0x5d: {  	s15 =	sadd.s32 $0x400, s15;
	s17 =	sadd.s32 s17, s13  }
.Ltmp5:
0x5e: {  	_ = 	snop;
	(pc) =	sbr.rel .LBB2_6-.Ltmp5, $1  }
0x5f: {  	_ =	sdelay $0x3  }
.LBB2_8:
0x60: {  	_ =	sfence.sel $0x180000  }
0x61: {  	s1 =	simm.s32 $0x2;
	[bflag:$0x0] =	sbarrier.arrive $0xFFFF  }
0x62: {  	s30 =	simm.s32 $0x3;
	[sflag:s1] =	ssyncpa.u1 $0x1  }
0x63: {  	s31 =	simm.s32 $0x1;
	[sflag:s30] =	ssyncpa.u1 $0x1  }
0x64: {  	[sflag:s31] =	ssyncpa.u1 $0x1  }
0x65: {  	p0 =	sne.s32 s0, $0x0;
	_ =	strace $0x9000004D  }
0x66: {  	s0 =	sadd.s32 @!p0 $0x100000, s2;
	[bflag:$0x2] =	sbarrier.arrive $0xFFFF  }
0x67: {  	[sflag:s0] =	ssyncadd.tile.s32 @!p0 $0x1;
	_ =	shalt  }
.Lfunc_end2:
_tile_overlayer_lowered:
.L_overlay_start_2:
0x68: {  	(tag) =	ssettag $0x2  }
0x69: {  	s0 =	rddreg [dreg:$0x0];
	s2 =	stileid.u32  }
0x6a: {  	s1 =	rddreg [dreg:$0x1];
	p0 =	sne.s32 s2, $0x0  }
0x6b: {  	s3 =	rddreg [dreg:$0x2];
	[bflag:$0x3] =	sbarrier.arrive $0xFFFF;
	s2 =	simm.s32 @!p0 $0x1C01  }
0x6c: {  	[timem:s3], [sflag:s2] =	dma.local @!p0 [hbm:s0], s1  }
0x6d: {  	s0 =	simm.s32 @!p0 $0x1  }
0x6e: {  	_ =	swait.ge @!p0 [sflag:s0], s1  }
0x6f: {  	s1 =	ssub.s32 @!p0 $0x0, s1;
	[sflag:s0] =	ssyncset.done @!p0 $0x0  }
0x70: {  	[sflag:s0] =	ssyncadd.s32 @!p0 s1  }
0x71: {  	[bflag:$0x3] =	sbarrier.arrive $0xFFFF  }
0x72: {  	_ =	shalt  }

// kernel: kernel.8.cloned.1.call-start
scs
__scs_entry_jumppad:
0x0: {  	(pc) =	sbr.rel $0x88, $3  }
0x1: {  	(tag) =	ssettag $0x0;
	lr =	simm.s32 $0x1  }
0x2: {  	[smem:$0x3F9D] =	sst lr;
	_ =	strace $0xD0000000  }
0x3: {  	_ = 	snop  }
0x4: {  	_ = 	snop  }
0x5: {  	_ = 	snop  }
0x6: {  	_ = 	snop  }
0x7: {  	_ = 	snop  }
__scs_overlays_trampoline_lowered:
0x8: {  	[smem:$0x3FAC] =	sst s0  }
0x9: {  	[smem:$0x3FAD] =	sst s1  }
0xa: {  	[smem:$0x3FAE] =	sst s2  }
0xb: {  	[smem:$0x3FAF] =	sst s3  }
0xc: {  	[smem:$0x3FB0] =	sst s4  }
0xd: {  	[smem:$0x3FB1] =	sst s5  }
0xe: {  	[smem:$0x3FB2] =	sst s6  }
0xf: {  	[smem:$0x3FB3] =	sst s7  }
0x10: {  	[smem:$0x3FB4] =	sst s8  }
0x11: {  	[smem:$0x3FB5] =	sst s9;
	s0 =	simm.s32 @!p0 $0x0  }
0x12: {  	s1 =	sld [smem:$0x3F9B];
	s0 =	simm.s32 @p0 $0x1  }
0x13: {  	[smem:$0x3FB6] =	sst s0;
	s0 =	simm.s32 @!p1 $0x0  }
0x14: {  	s2 =	sld [smem:$0x3F9A];
	s0 =	simm.s32 @p1 $0x1  }
0x15: {  	[smem:$0x3FB7] =	sst s0;
	s0 =	simm.s32 @!p2 $0x0  }
0x16: {  	s3 =	sld [smem:$0x3FDB];
	s0 =	simm.s32 @p2 $0x1  }
0x17: {  	s4 =	simm.s32 $0x1BF5;
	[smem:$0x3FB9] =	sst s0  }
0x18: {  	s0 =	sld [smem:$0x3F9C];
	_ =	swait.ge [sflag:s4], $0x0  }
0x19: {  	s7 =	sld [smem:$0x3F9D]  }
0x1a: {  	s8 =	sadd.s32 $0xFFFFE003, lr  }
0x1b: {  	s9 =	sadd.s32 $0xFFFFFEF7, lr;
	s5 =	simm.s32 $0xFFFFFFFF;
	p2 =	slt.u32 s8, $0xFFFFF086  }
0x1c: {  	p1 =	slt.u32 s9, $0xF7A;
	s5 =	simm.s32 @!p2 $0x0  }
0x1d: {  	s5 =	simm.s32 @p1 $0x1;
	p0 =	seq.s32 s7, s2  }
0x1e: {  	s7 =	smul.u32 @!p0 $0xF7A, s2;
	p2 =	seq.s32 @!p0 s5, $0x0  }
0x1f: {  	s9 =	smul.u32 $0xF7A, s1;
	s8 =	simm.s32 @!p0 $0x1BF5;
	p2 =	por !p2, p0  }
0x20: {  	[sflag:s8] =	ssyncset.s32 @!p0 $0xFFFFF086;
	s6 =	sadd.s32 @!p0 s3, s7;
	s7 =	simm.s32 @!p0 $0x108  }
0x21: {  	s3 =	sadd.s32 s3, s9;
	s6 =	sadd.s32 @!p0 $0x88, s6;
	s7 =	simm.s32 @p2 $0x1082  }
0x22: {  	[simem:s7], [sflag:s8] =	dma.local @!p0 [hbm:s6], $0xF7A  }
0x23: {  	s9 =	sor.u32 $0xD0000000, s2;
	s6 =	simm.s32 $0x108;
	_ =	swait.ge @!p0 [sflag:s8], $0x0  }
0x24: {  	s3 =	sadd.s32 $0x88, s3;
	s6 =	simm.s32 @!p1 $0x1082;
	[sflag:s4] =	ssyncset.s32 $0xFFFFF086  }
0x25: {  	[simem:s6], [sflag:s4] =	dma.local [hbm:s3], $0xF7A  }
0x26: {  	[smem:$0x3F9D] =	sst s1;
	(tag) =	ssettag s2;
	_ =	strace s9  }
0x27: {  	s1 =	sld [smem:$0x3FAD]  }
0x28: {  	s2 =	sld [smem:$0x3FAE]  }
0x29: {  	s4 =	sld [smem:$0x3FB0]  }
0x2a: {  	p0 =	seq.s32 s5, $0x0;
	s5 =	sld [smem:$0x3FB1]  }
0x2b: {  	s6 =	sld [smem:$0x3FB2]  }
0x2c: {  	s7 =	sld [smem:$0x3FB3]  }
0x2d: {  	s3 =	simm.s32 $0x108;
	s8 =	sld [smem:$0x3FB4]  }
0x2e: {  	s3 =	simm.s32 @!p0 $0x1082;
	s9 =	sld [smem:$0x3FB5]  }
0x2f: {  	lr =	sadd.s32 s0, s3;
	s0 =	sld [smem:$0x3FAC]  }
0x30: {  	s3 =	sld [smem:$0x3FAF]  }
0x31: {  	[smem:$0x3FB8] =	sst s10  }
0x32: {  	s10 =	sld [smem:$0x3FB6];
	_ =	sdelay $0x3  }
0x33: {  	p0 =	seq.s32 s10, $0x1;
	s10 =	sld [smem:$0x3FB8];
	_ =	sdelay $0x3  }
0x34: {  	[smem:$0x3FB8] =	sst s10  }
0x35: {  	s10 =	sld [smem:$0x3FB7];
	_ =	sdelay $0x3  }
0x36: {  	p1 =	seq.s32 s10, $0x1;
	s10 =	sld [smem:$0x3FB8];
	_ =	sdelay $0x3  }
0x37: {  	[smem:$0x3FB8] =	sst s10  }
0x38: {  	s10 =	sld [smem:$0x3FB9]  }
0x39: {  	_ = 	snop;
	(pc) =	sbr.ind lr, $3  }
0x3a: {  	_ = 	snop  }
0x3b: {  	_ = 	snop  }
0x3c: {  	p2 =	seq.s32 s10, $0x1;
	s10 =	sld [smem:$0x3FB8]  }
0x3d: {  	_ =	shalt  }
0x3e: {  	_ =	shalt  }
0x3f: {  	_ =	shalt  }
0x40: {  	_ =	shalt  }
0x41: {  	_ =	shalt  }
0x42: {  	_ =	shalt  }
0x43: {  	_ =	shalt  }
0x44: {  	_ =	shalt  }
0x45: {  	_ =	shalt  }
0x46: {  	_ =	shalt  }
0x47: {  	_ =	shalt  }
0x48: {  	_ =	shalt  }
0x49: {  	_ =	shalt  }
0x4a: {  	_ =	shalt  }
0x4b: {  	_ =	shalt  }
0x4c: {  	_ =	shalt  }
0x4d: {  	_ =	shalt  }
0x4e: {  	_ =	shalt  }
0x4f: {  	_ =	shalt  }
0x50: {  	_ =	shalt  }
0x51: {  	_ =	shalt  }
0x52: {  	_ =	shalt  }
0x53: {  	_ =	shalt  }
0x54: {  	_ =	shalt  }
0x55: {  	_ =	shalt  }
0x56: {  	_ =	shalt  }
0x57: {  	_ =	shalt  }
0x58: {  	_ =	shalt  }
0x59: {  	_ =	shalt  }
0x5a: {  	_ =	shalt  }
0x5b: {  	_ =	shalt  }
0x5c: {  	_ =	shalt  }
0x5d: {  	_ =	shalt  }
0x5e: {  	_ =	shalt  }
0x5f: {  	_ =	shalt  }
0x60: {  	_ =	shalt  }
0x61: {  	_ =	shalt  }
0x62: {  	_ =	shalt  }
0x63: {  	_ =	shalt  }
0x64: {  	_ =	shalt  }
0x65: {  	_ =	shalt  }
0x66: {  	_ =	shalt  }
0x67: {  	_ =	shalt  }
0x68: {  	_ =	shalt  }
0x69: {  	_ =	shalt  }
0x6a: {  	_ =	shalt  }
0x6b: {  	_ =	shalt  }
0x6c: {  	_ =	shalt  }
0x6d: {  	_ =	shalt  }
0x6e: {  	_ =	shalt  }
0x6f: {  	_ =	shalt  }
0x70: {  	_ =	shalt  }
0x71: {  	_ =	shalt  }
0x72: {  	_ =	shalt  }
0x73: {  	_ =	shalt  }
0x74: {  	_ =	shalt  }
0x75: {  	_ =	shalt  }
0x76: {  	_ =	shalt  }
0x77: {  	_ =	shalt  }
0x78: {  	_ =	shalt  }
0x79: {  	_ =	shalt  }
0x7a: {  	_ =	shalt  }
0x7b: {  	_ =	shalt  }
0x7c: {  	_ =	shalt  }
0x7d: {  	_ =	shalt  }
0x7e: {  	_ =	shalt  }
0x7f: {  	_ =	shalt  }
0x80: {  	_ =	shalt  }
0x81: {  	_ =	shalt  }
0x82: {  	_ =	shalt  }
0x83: {  	_ =	shalt  }
0x84: {  	_ =	shalt  }
0x85: {  	_ =	shalt  }
0x86: {  	_ =	shalt  }
0x87: {  	_ =	shalt  }
.Lfunc_end0:
.L_simem_size_0:
called_computation.3_lowered:
.L_overlay_start_0:
0x88: {  	s2 =	sld [smem:$0x3FD9]  }
0x89: {  	s3 =	sld [smem:$0x3FFE];
	_ =	sdelay $0x1  }
0x8a: {  	s1 =	srdreg.scid  }
0x8b: {  	s0 =	sand.u32 $0x1, s1  }
0x8c: {  	s17 =	sshll.u32 s0, $0xA;
	s2 =	sadd.s32 s3, s2  }
0x8d: {  	s2 =	sadd.s32 s2, s17  }
0x8e: {  	[smem:$0x3FC4] =	sst s2  }
0x8f: {  	_ = 	snop  }
0x90: {  	(tm) =	ssettm $0x1  }
0x91: {  	s18 =	sld [smem:$0x3FFB];
	_ =	sdelay $0x3  }
0x92: {  	_ =	strace s18  }
0x93: {  	s2 =	sld [smem:$0x3FFC];
	_ =	sdelay $0x3  }
0x94: {  	_ =	strace s2  }
0x95: {  	s2 =	sld [smem:$0x3FFD];
	_ =	sdelay $0x3  }
0x96: {  	_ =	strace s2  }
0x97: {  	_ =	strace $0x8FFFFFFF  }
0x98: {  	s19 =	sld [smem:$0x3FDB];
	_ =	sdelay $0x1  }
0x99: {  	s20 =	simm.s32 $_scs_section_size  }
0x9a: {  	s4 =	simm.s32 $_size__tile_overlayer_lowered;
	s5 =	simm.s32 $_tile_overlayer_lowered  }
0x9b: {  	s6 =	simm.s32 $0x1BFF;
	s21 =	sshll.u32 s5, $0x1;
	s3 =	sadd.s32 s20, s19  }
0x9c: {  	s22 =	simm.s32 $0x0;
	s4 =	sshll.u32 s4, $0x1;
	s5 =	sadd.s32 s21, s3  }
0x9d: {  	[timem:s22], [sflag:s6] =	dma.local [hbm:s5], s4  }
0x9e: {  	_ =	swait.ge [sflag:s6], s4  }
0x9f: {  	s4 =	ssub.s32 $0x0, s4;
	[sflag:s6] =	ssyncset.done $0x0  }
0xa0: {  	[sflag:s6] =	ssyncadd.s32 s4;
	_ =	sdelay $0x1  }
0xa1: {  	s23 =	simm.s32 $0x1B8B  }
0xa2: {  	_ =	swait.ge [sflag:s23], $0x1  }
0xa3: {  	[sflag:s23] =	ssyncset.done $0x0  }
0xa4: {  	[sflag:s23] =	ssyncadd.s32 $0xFFFFFFFF  }
0xa5: {  	s4 =	sld [smem:$0x0]  }
0xa6: {  	s5 =	sand.u32 $0xFFFFFFFE, s1  }
0xa7: {  	p0 =	sne.s32 s1, s5  }
0xa8: {  	s5 =	sshll.u32 @p0 s5, $0xE  }
0xa9: {  	s5 =	sadd.s32 @p0 $0x11B8D, s5;
	s6 =	sshll.u32 @p0 s4, $0x11  }
0xaa: {  	s5 =	sor.u32 @p0 s6, s5  }
0xab: {  	[sflag:s5] =	ssyncadd.remote.s32 @p0 $0x1;
	_ =	sdelay $0x1  }
0xac: {  	s5 =	simm.s32 @p0 $0x1B8D  }
0xad: {  	_ =	swait.eq @p0 [sflag:s5], $0x1  }
0xae: {  	[sflag:s5] =	ssyncadd.s32 @p0 $0xFFFFFFFF  }
0xaf: {  	s6 =	sshll.u32 @!p0 s1, $0xE  }
0xb0: {  	s6 =	sor.u32 @!p0 $0x4000, s6;
	s5 =	simm.s32 @!p0 $0x1B8D  }
0xb1: {  	s4 =	sshll.u32 @!p0 s4, $0x11;
	s6 =	sadd.s32 @!p0 $0x11B8D, s6;
	_ =	swait.eq @!p0 [sflag:s5], $0x1  }
0xb2: {  	s4 =	sor.u32 @!p0 s4, s6;
	[sflag:s5] =	ssyncadd.s32 @!p0 $0xFFFFFFFF  }
0xb3: {  	s25 =	simm.s32 $0x1B8E;
	s24 =	sld [smem:$0x3FFE];
	[sflag:s4] =	ssyncadd.remote.s32 @!p0 $0x1  }
0xb4: {  	s26 =	simm.s32 $execute0_lowered;
	[smem:$0x3FD2] =	sst s25  }
0xb5: {  	s5 =	sshll.u32 s26, $0x1;
	_ =	strace $0x8000004F;
	[dreg:$0x1] =	wrdreg $0xFFFFFFFF  }
0xb6: {  	s28 =	simm.s32 $_size_execute0_lowered;
	s3 =	sadd.s32 s3, s5;
	[dreg:$0x0] =	wrdreg $0x0  }
0xb7: {  	s5 =	sshll.u32 s28, $0x1;
	[dreg:$0x2] =	wrdreg s3  }
0xb8: {  	[dreg:$0x3] =	wrdreg s5  }
0xb9: {  	[dreg:$0x4] =	wrdreg $0xC0  }
0xba: {  	_ =	task [dreg:s22], $0x5FFFF  }
0xbb: {  	[dreg:$0x1] =	wrdreg $0xFFFFFFFF  }
0xbc: {  	[dreg:$0x0] =	wrdreg $0x60  }
0xbd: {  	[dreg:$0x2] =	wrdreg s24  }
0xbe: {  	[dreg:$0x3] =	wrdreg $0xF0000  }
0xbf: {  	[dreg:$0x4] =	wrdreg $0xC  }
0xc0: {  	_ =	task.clear_ibuf [dreg:s22], $0x5FFFF;
	_ =	strace $0x9000004F  }
0xc1: {  	s29 =	simm.s32 $0xC;
	_ =	strace $0x80000051  }
0xc2: {  	_ =	swait.ge [sflag:s29], $0x1  }
0xc3: {  	[sflag:s29] =	ssyncadd.s32 $0xFFFFFFFF  }
0xc4: {  	_ =	strace $0x90000051  }
0xc5: {  	_ =	sfence  }
0xc6: {  	s30 =	sld [smem:$0x0];
	_ =	sdelay $0x2  }
0xc7: {  	s31 =	sshll.u32 s1, $0xD;
	s1 =	sshrl.u32 s1, $0x2  }
0xc8: {  	s4 =	sand.u32 $0x4000, s31;
	s1 =	sadd.s32 s1, s30  }
0xc9: {  	s0 =	sor.u32 s4, s0;
	s1 =	sshll.u32 s1, $0x11  }
0xca: {  	s0 =	sor.u32 s1, s0  }
0xcb: {  	s0 =	sadd.s32 $0x8F2B, s0  }
0xcc: {  	[sflag:s0] =	ssyncadd.remote.s32 $0x1  }
0xcd: {  	_ =	sfence.sel $0xFFFF  }
0xce: {  	[dreg:$0x0] =	wrdreg $0xFFFFFFFF;
	(pc) =	sbr.abs _section_cstart, $3  }
0xcf: {  	[dreg:$0x1] =	wrdreg $0xFFFFFFFF  }
0xd0: {  	_ =	task.clear_ibuf [dreg:s22], $0x2FFFF;
	_ =	strace $0x9FFFFFFF  }
0xd1: {  	(tm) =	ssettm $0x7FFFFFFF  }
tec
execute0_lowered:
.L_overlay_start_1:
0x0: {  	(tag) =	ssettag $0x1  }
0x1: {  	s1 =	srdreg.scid;
	s4 =	rddreg [dreg:$0x0]  }
0x2: {  	s0 =	stileid.u32;
	s2 =	rddreg [dreg:$0x1];
	s3 =	simm.s32 $0x0  }
0x3: {  	s12 =	simm.s32 $0x80;
	s15 =	simm.s32 $0x10;
	s16 =	simm.s32 $0x0  }
0x4: {  	s5 =	sand.u32 $0x1, s1;
	s29 =	sshll.u32 s0, $0x1;
	s1 =	rddreg [dreg:$0x2]  }
0x5: {  	[smem:$0x7FF] =	sst s3;
	s7 =	smul.u32 $0x2800, s0;
	s31 =	sshll.u32 s0, $0x6  }
0x6: {  	s14 =	smul.u32 $0xA00, s0;
	s6 =	sor.u32 s5, s29;
	_ =	strace $0x80000050  }
0x7: {  	s9 =	sshll.u32 s5, $0x4;
	s5 =	ssub.s32 $0x2, s5;
	s6 =	smul.u32 $0xF00, s6  }
0x8: {  	s8 =	sshrl.u32 s7, $0x3;
	s9 =	sadd.s32 s9, s4;
	s30 =	sshrl.u32 s5, $0x1  }
0x9: {  	s11 =	sadd.s32 s7, s2;
	s7 =	sor.u32 $0x1C01, s31;
	s8 =	sadd.s32 s8, s4  }
0xa: {  	s10 =	ssub.s32 s5, s30;
	s13 =	sadd.s32 $0x434400, s9;
	s9 =	sshrl.u32 s11, $0x3  }
0xb: {  	s11 =	simm.s32 $0x7800;
	s6 =	sadd.s32 s6, s4;
	s4 =	sadd.s32 $0x600, s8  }
0xc: {  	s8 =	smax.u32 s10, $0x1;
	s10 =	simm.s32 $0x1;
	s13 =	sadd.s32 s14, s13  }
0xd: {  	s14 =	simm.s32 $0x20;
	s5 =	sadd.s32 $0x416400, s6;
	s6 =	sadd.s32 $0x3E4A00, s6  }
.LBB2_1:
0xe: {  	[spmem:s9], [sflag:s7] =	dma.local [hbm:s4], $0x500  }
0xf: {  	_ =	swait.ge [sflag:s10], $0x500  }
0x10: {  	[sflag:s10] =	ssyncset.done $0x0  }
0x11: {  	[sflag:s10] =	ssyncadd.s32 $0xFFFFFB00  }
0x12: {  	[bflag:$0x0] =	sbarrier.arrive $0xFFFF  }
0x13: {  	[tilespmem:s3], [sflag:$0x1] =	stream.linear.gather [hbm4b:s5+s3], $0x7800, $0x38;
	[tilespmem:$0x11800] =	vst v63  }
0x14: {  	_ =	swait.ge [sflag:s10], $0x7800  }
0x15: {  	[sflag:s10] =	ssyncset.done $0x0  }
0x16: {  	[sflag:s10] =	ssyncadd.s32 $0xFFFF8800  }
0x17: {  	[tilespmem:s11], [sflag:$0x1] =	stream.linear.gather [hbm4b:s6+s3], $0x7800, $0x38;
	[tilespmem:$0x11800] =	vst v63  }
0x18: {  	_ =	swait.ge [sflag:s10], $0x7800  }
0x19: {  	[sflag:s10] =	ssyncset.done $0x0  }
0x1a: {  	s17 =	simm.s32 $0x0;
	s18 =	simm.s32 $0x7800;
	[sflag:s10] =	ssyncadd.s32 $0xFFFF8800  }
0x1b: {  	[spmem:s2] =	stream.indirect.scatter.add.f32 [tilespmem:s17], [sflag:$0x1], $0x1, s18, s12, $0xb8;
	[tilespmem:$0x11800] =	vst v63  }
0x1c: {  	s17 =	simm.s32 $0x200;
	_ =	swait.ge [sflag:s10], $0x80  }
.LBB2_2:
0x1d: {  	s18 =	sshra.s32 s17, $0x2;
	[sflag:s10] =	ssyncset.done $0x0;
	p0 =	sne.s32 s17, $0x1DE00  }
.Ltmp0:
0x1e: {  	s19 =	sadd.s32 $0x7800, s18;
	[sflag:s10] =	ssyncadd.s32 $0xFFFFFF80;
	(pc) =	sbr.rel @p0 .LBB2_2-.Ltmp0, $3  }
0x1f: {  	[spmem:s2] =	stream.indirect.scatter.add.f32 [tilespmem:s18], [sflag:$0x1], $0x1, s19, s12, $0xb8;
	[tilespmem:$0x11800] =	vst v63  }
0x20: {  	s17 =	sadd.s32 $0x200, s17;
	_ =	sdelay $0x1  }
0x21: {  	_ =	swait.ge [sflag:s10], $0x80  }
0x22: {  	[sflag:s10] =	ssyncset.done $0x0;
	s16 =	sadd.s32 $0x1, s16  }
0x23: {  	[sflag:s10] =	ssyncadd.s32 $0xFFFFFF80;
	p0 =	sne.s32 s16, s8  }
.Ltmp1:
0x24: {  	[bflag:$0x0] =	sbarrier.arrive $0xFFFF;
	(pc) =	sbr.rel @p0 .LBB2_1-.Ltmp1, $4  }
0x25: {  	[hbm:s13@s14], [sflag:s7] =	dma.strided [spmem:s9@s15], $0x500, s10, $0x10   }
0x26: {  	_ =	swait.ge [sflag:s10], $0x500  }
0x27: {  	[sflag:s10] =	ssyncset.done $0x0  }
0x28: {  	[sflag:s10] =	ssyncadd.s32 $0xFFFFFB00  }
0x29: {  	_ =	sfence.sel $0x180000  }
0x2a: {  	[bflag:$0x0] =	sbarrier.arrive $0xFFFF  }
0x2b: {  	p0 =	sne.s32 s0, $0x0;
	_ =	strace $0x90000050  }
0x2c: {  	s0 =	sadd.s32 @!p0 $0x100000, s1;
	[bflag:$0x2] =	sbarrier.arrive $0xFFFF  }
0x2d: {  	[sflag:s0] =	ssyncadd.tile.s32 @!p0 $0x1;
	_ =	shalt  }
.Lfunc_end2:
_tile_overlayer_lowered:
.L_overlay_start_2:
0x2e: {  	(tag) =	ssettag $0x2  }
0x2f: {  	s0 =	rddreg [dreg:$0x0];
	s2 =	stileid.u32  }
0x30: {  	s1 =	rddreg [dreg:$0x1];
	p0 =	sne.s32 s2, $0x0  }
0x31: {  	s3 =	rddreg [dreg:$0x2];
	[bflag:$0x3] =	sbarrier.arrive $0xFFFF;
	s2 =	simm.s32 @!p0 $0x1C01  }
0x32: {  	[timem:s3], [sflag:s2] =	dma.local @!p0 [hbm:s0], s1  }
0x33: {  	s0 =	simm.s32 @!p0 $0x1  }
0x34: {  	_ =	swait.ge @!p0 [sflag:s0], s1  }
0x35: {  	s1 =	ssub.s32 @!p0 $0x0, s1;
	[sflag:s0] =	ssyncset.done @!p0 $0x0  }
0x36: {  	[sflag:s0] =	ssyncadd.s32 @!p0 s1  }
0x37: {  	[bflag:$0x3] =	sbarrier.arrive $0xFFFF  }
0x38: {  	_ =	shalt  }

</sc_bundles>
